<compile_context>
chip_gen: v7x
topology: tpu7x:2x2x1
jax: 0.10.2.dev20260603
libtpu: 0.0.44.dev20260713+nightly
codegen_flags: <defaults>
</compile_context>

<pallas_src>
import functools

import jax
import jax.numpy as jnp
from jax import lax
from jax.experimental import pallas as pl
from jax.experimental.pallas import tpu as pltpu
from jax.experimental.pallas import tpu_sc as plsc

N = 10000
D = 128
E = 320000

NC = 2
NS = 16
NW = NC * NS
EPW = E // NW
C = 40
NCHUNK = EPW // C
NP = 10240
RPT = NP // NS
DEGW = 8

_MESH = plsc.VectorSubcoreMesh(core_axis_name="c", subcore_axis_name="s",
                               num_cores=NC, num_subcores=NS)


@functools.partial(
    pl.kernel,
    out_type=[
        jax.ShapeDtypeStruct((NC, NP, D), jnp.float32),
        jax.ShapeDtypeStruct((NC, NP, DEGW), jnp.float32),
    ],
    mesh=_MESH,
    scratch_types=[
        pltpu.VMEM((NCHUNK, C), jnp.int32),
        pltpu.VMEM((NCHUNK, C), jnp.int32),
        pltpu.VMEM((C, D), jnp.float32),
        pltpu.VMEM((C, D), jnp.float32),
        pltpu.VMEM((C, D), jnp.float32),
        pltpu.VMEM((C, DEGW), jnp.float32),
        pltpu.VMEM((C, DEGW), jnp.float32),
        pltpu.SemaphoreType.DMA,
        pltpu.SemaphoreType.DMA,
        pltpu.SemaphoreType.DMA,
        pltpu.SemaphoreType.DMA,
        pltpu.SemaphoreType.DMA,
        pltpu.SemaphoreType.DMA,
        pltpu.SemaphoreType.DMA,
        pltpu.VMEM_SHARED((NP, D), jnp.float32),
        pltpu.VMEM_SHARED((NP, DEGW), jnp.float32),
    ],
    compiler_params=pltpu.CompilerParams(use_tc_tiling_on_sc=False),
)
def _sc_aggregate(ei_hbm, x_hbm,
                  pacc_hbm, pdeg_hbm,
                  srcb, dstb, rows0, rows1, rows2,
                  onesv, zdbuf, sg0, sg1, sg2, ss0, ss1, ss2, semd,
                  acc_sh, deg_sh):
    cid = lax.axis_index("c")
    sid = lax.axis_index("s")
    wid = cid * NS + sid
    band = pl.ds(sid * RPT, RPT)
    rows = (rows0, rows1, rows2)
    sg = (sg0, sg1, sg2)
    ss = (ss0, ss1, ss2)

    cbase = wid * NCHUNK
    dei = pltpu.async_copy(ei_hbm.at[0, pl.ds(cbase, NCHUNK)], srcb, sg0)
    dei2 = pltpu.async_copy(ei_hbm.at[1, pl.ds(cbase, NCHUNK)], dstb, sg1)

    @pl.loop(0, C)
    def _(r):
        for i in range(D // 16):
            rows0[r, pl.ds(i * 16, 16)] = jnp.zeros((16,), jnp.float32)

    @pl.loop(0, C)
    def _(r):
        onesv[r, pl.ds(0, DEGW)] = jnp.ones((DEGW,), jnp.float32)
        zdbuf[r, pl.ds(0, DEGW)] = jnp.zeros((DEGW,), jnp.float32)

    for q in range(RPT // C):
        pltpu.sync_copy(rows0, acc_sh.at[pl.ds(sid * RPT + q * C, C)])
        pltpu.sync_copy(zdbuf, deg_sh.at[pl.ds(sid * RPT + q * C, C)])
    dei.wait()
    dei2.wait()
    plsc.subcore_barrier()

    def drain(k, b):
        pltpu.make_async_copy(rows[b], acc_sh.at[dstb.at[k]], ss[b]).wait()
        pltpu.make_async_copy(onesv, deg_sh.at[dstb.at[k]], semd).wait()

    def gather(k, b):
        pltpu.async_copy(x_hbm.at[srcb.at[k]], rows[b], sg[b])

    def gwait(k, b):
        pltpu.make_async_copy(x_hbm.at[srcb.at[k]], rows[b], sg[b]).wait()

    def scatter(k, b):
        pltpu.async_copy(rows[b], acc_sh.at[dstb.at[k]], ss[b], add=True)
        pltpu.async_copy(onesv, deg_sh.at[dstb.at[k]], semd, add=True)

    @pl.loop(0, NCHUNK // 3)
    def _(j):
        k0 = 3 * j
        for b in range(3):
            @pl.when(j > 0)
            def _(b=b):
                drain(k0 + b - 3, b)
            gather(k0 + b, b)
        for b in range(3):
            gwait(k0 + b, b)
            scatter(k0 + b, b)

    t0 = 3 * (NCHUNK // 3)
    for b in range(3):
        drain(t0 - 3 + b, b)
    for i, k in enumerate(range(t0, NCHUNK)):
        gather(k, i)
    for i, k in enumerate(range(t0, NCHUNK)):
        gwait(k, i)
        scatter(k, i)
    for i, k in enumerate(range(t0, NCHUNK)):
        drain(k, i)

    plsc.subcore_barrier()

    dw0 = pltpu.async_copy(acc_sh.at[band], pacc_hbm.at[cid, band], ss0)
    dw1 = pltpu.async_copy(deg_sh.at[band], pdeg_hbm.at[cid, band], ss1)
    dw0.wait()
    dw1.wait()


RB = 2000


def _tc_layer1_body(p_ref, d_ref, x_ref, w_ref, b_ref, o_ref):
    p = p_ref[0] + p_ref[1]
    deg = (jnp.sum(d_ref[0], axis=1, keepdims=True)
           + jnp.sum(d_ref[1], axis=1, keepdims=True)) * (1.0 / DEGW)
    h = (p + x_ref[...]) / (deg + 1.0)
    g = jnp.dot(h, w_ref[...], preferred_element_type=jnp.float32) + b_ref[...]
    g = jnp.maximum(g, 0.0)
    norm = jnp.maximum(jnp.sqrt(jnp.sum(g * g, axis=1, keepdims=True)), 1e-12)
    o_ref[...] = g / norm


def _tc_layer2_body(p_ref, d_ref, g_ref, w2_ref, b2_ref, wf_ref, bf_ref,
                    a_ref, o_ref):
    p = p_ref[0] + p_ref[1]
    deg = (jnp.sum(d_ref[0], axis=1, keepdims=True)
           + jnp.sum(d_ref[1], axis=1, keepdims=True)) * (1.0 / DEGW)
    h = (p + g_ref[...]) / (deg + 1.0)
    t = jnp.dot(h, w2_ref[...], preferred_element_type=jnp.float32) + b2_ref[...]
    t = jnp.maximum(t, 0.0)
    f = jnp.dot(t, wf_ref[...], preferred_element_type=jnp.float32) + bf_ref[...]
    f = jnp.where(f > 0, f, a_ref[...] * f)
    norm = jnp.maximum(jnp.sqrt(jnp.sum(f * f, axis=1, keepdims=True)), 1e-12)
    o_ref[...] = f / norm


def _tc_layer1(p, d, x, W, b):
    return pl.pallas_call(
        _tc_layer1_body,
        grid=(N // RB,),
        in_specs=[
            pl.BlockSpec((NC, RB, D), lambda i: (0, i, 0)),
            pl.BlockSpec((NC, RB, DEGW), lambda i: (0, i, 0)),
            pl.BlockSpec((RB, D), lambda i: (i, 0)),
            pl.BlockSpec((D, D), lambda i: (0, 0)),
            pl.BlockSpec((1, D), lambda i: (0, 0)),
        ],
        out_specs=pl.BlockSpec((RB, D), lambda i: (i, 0)),
        out_shape=jax.ShapeDtypeStruct((N, D), jnp.float32),
    )(p, d, x, W, b)


def _tc_layer2(p, d, g, W2, b2, Wf, bf, a):
    return pl.pallas_call(
        _tc_layer2_body,
        grid=(N // RB,),
        in_specs=[
            pl.BlockSpec((NC, RB, D), lambda i: (0, i, 0)),
            pl.BlockSpec((NC, RB, DEGW), lambda i: (0, i, 0)),
            pl.BlockSpec((RB, D), lambda i: (i, 0)),
            pl.BlockSpec((D, D), lambda i: (0, 0)),
            pl.BlockSpec((1, D), lambda i: (0, 0)),
            pl.BlockSpec((D, D), lambda i: (0, 0)),
            pl.BlockSpec((1, D), lambda i: (0, 0)),
            pl.BlockSpec((1, D), lambda i: (0, 0)),
        ],
        out_specs=pl.BlockSpec((RB, D), lambda i: (i, 0)),
        out_shape=jax.ShapeDtypeStruct((N, D), jnp.float32),
    )(p, d, g, W2, b2, Wf, bf, a)


def kernel(x, edge_index1, edge_index2, label, idlabel,
           W1, b1, W2, b2, Wfc, bfc, prelu_a):
    del label, idlabel
    ei1 = edge_index1.reshape(2, E // C, C)
    ei2 = edge_index2.reshape(2, E // C, C)
    p1, d1 = _sc_aggregate(ei1, x)
    g1 = _tc_layer1(p1, d1, x, W1, b1.reshape(1, D))
    p2, d2 = _sc_aggregate(ei2, g1)
    out = _tc_layer2(p2, d2, g1, W2, b2.reshape(1, D), Wfc, bfc.reshape(1, D),
                     prelu_a.reshape(1, D))
    return out

# --- scband reference (transcript-rebuilt; emitter-appended) ---
"""Pipeline reference for scband-gcn-v-47004122087842 (READ-ONLY COPY).

The authoritative reference and input builder live on the scoring server;
editing this copy changes nothing except your own understanding.
"""

import jax, jax.numpy as jnp
import numpy as np

N = 10000
E = 320000
D = 128
H = 128


def setup_inputs(seed: int = 0) -> dict:
    key = jax.random.key(seed)
    ks = jax.random.split(key, 12)
    x = jax.random.normal(ks[0], (N, D), dtype=jnp.float32)
    edge_index1 = jax.random.randint(ks[1], (2, E), 0, N, dtype=jnp.int32)
    edge_index2 = jax.random.randint(ks[2], (2, E), 0, N, dtype=jnp.int32)
    label = jax.random.randint(ks[3], (N,), 0, 128, dtype=jnp.int32)
    idlabel = jax.random.randint(ks[4], (N,), 0, 128, dtype=jnp.int32)
    W1 = jax.random.normal(ks[5], (D, H), dtype=jnp.float32) * (1.0 / np.sqrt(D))
    b1 = jnp.zeros((H,), dtype=jnp.float32)
    W2 = jax.random.normal(ks[6], (H, H), dtype=jnp.float32) * (1.0 / np.sqrt(H))
    b2 = jnp.zeros((H,), dtype=jnp.float32)
    Wfc = jax.random.normal(ks[7], (H, H), dtype=jnp.float32) * (1.0 / np.sqrt(H))
    bfc = jnp.zeros((H,), dtype=jnp.float32)
    prelu_a = jnp.full((H,), 0.25, dtype=jnp.float32)
    return {"x": x, "edge_index1": edge_index1, "edge_index2": edge_index2,
            "label": label, "idlabel": idlabel,
            "W1": W1, "b1": b1, "W2": W2, "b2": b2,
            "Wfc": Wfc, "bfc": bfc, "prelu_a": prelu_a}


def _sage_gcn(x, edge_index, W, b):
    # DGL SAGEConv with aggregator_type='gcn':
    #   neigh = sum_{j in N(i)} x_j ; h = (neigh + x_i) / (deg_i + 1) ; out = relu(h @ W + b)
    src = edge_index[0]
    dst = edge_index[1]
    msgs = jnp.take(x, src, axis=0)
    agg = jax.ops.segment_sum(msgs, dst, num_segments=x.shape[0])
    deg = jax.ops.segment_sum(jnp.ones(src.shape[0], dtype=x.dtype), dst,
                              num_segments=x.shape[0])
    h = (agg + x) / (deg + 1.0)[:, None]
    return jax.nn.relu(h @ W + b)


def _l2norm(x):
    return x / jnp.maximum(jnp.linalg.norm(x, axis=1, keepdims=True), 1e-12)


def reference(x, edge_index1, edge_index2, label, idlabel,
              W1, b1, W2, b2, Wfc, bfc, prelu_a):
    gcnfeat = _sage_gcn(x, edge_index1, W1, b1)
    gcnfeat = _l2norm(gcnfeat)
    gcnfeat = _sage_gcn(gcnfeat, edge_index2, W2, b2)
    fcfeat = gcnfeat @ Wfc + bfc
    fcfeat = jnp.where(fcfeat > 0, fcfeat, prelu_a[None, :] * fcfeat)  # PReLU
    fcfeat = _l2norm(fcfeat)
    return fcfeat

if __name__ == "__main__":
    import jax
    _d = setup_inputs()
    print(jax.jit(kernel)(*tuple(_d.values())))

</pallas_src>

<mosaic_0001>
#map = affine_map<(d0, d1) -> (0, 0, 0)>
#map1 = affine_map<(d0, d1) -> (0, 0)>
module attributes {stable_mosaic.version = 14 : i64} {
  func.func @_sc_aggregate(%arg0: i32, %arg1: i32, %arg2: memref<2x8000x40xi32, #tpu.memory_space<hbm>>, %arg3: memref<10000x128xf32, #tpu.memory_space<hbm>>, %arg4: memref<2x10240x128xf32, #tpu.memory_space<hbm>>, %arg5: memref<2x10240x8xf32, #tpu.memory_space<hbm>>, %arg6: memref<250x40xi32, #tpu.memory_space<vmem>>, %arg7: memref<250x40xi32, #tpu.memory_space<vmem>>, %arg8: memref<40x128xf32, #tpu.memory_space<vmem>>, %arg9: memref<40x128xf32, #tpu.memory_space<vmem>>, %arg10: memref<40x128xf32, #tpu.memory_space<vmem>>, %arg11: memref<40x8xf32, #tpu.memory_space<vmem>>, %arg12: memref<40x8xf32, #tpu.memory_space<vmem>>, %arg13: memref<!tpu.dma_semaphore, #tpu.memory_space<semaphore_mem>>, %arg14: memref<!tpu.dma_semaphore, #tpu.memory_space<semaphore_mem>>, %arg15: memref<!tpu.dma_semaphore, #tpu.memory_space<semaphore_mem>>, %arg16: memref<!tpu.dma_semaphore, #tpu.memory_space<semaphore_mem>>, %arg17: memref<!tpu.dma_semaphore, #tpu.memory_space<semaphore_mem>>, %arg18: memref<!tpu.dma_semaphore, #tpu.memory_space<semaphore_mem>>, %arg19: memref<!tpu.dma_semaphore, #tpu.memory_space<semaphore_mem>>, %arg20: memref<10240x128xf32, #tpu.memory_space<vmem_shared>>, %arg21: memref<10240x8xf32, #tpu.memory_space<vmem_shared>>) attributes {dimension_semantics = [#tpu.dimension_semantics<core_parallel>, #tpu.dimension_semantics<subcore_parallel>], iteration_bounds = array<i64: 2, 16>, scalar_prefetch = 0 : i64, scratch_operands = 16 : i64, tpu.core_type = #tpu.core_type<sc_vector_subcore>, window_params = [{transform_indices = #map}, {transform_indices = #map1}, {transform_indices = #map}, {transform_indices = #map}]} {
    %mul3A = arith.constant 16 : i32
    %mul3A_0 = arith.muli %arg0, %mul3A : i32
    %add3A = arith.addi %mul3A_0, %arg1 : i32
    %mul3A_1 = arith.constant 640 : i32
    %mul3A_2 = arith.muli %arg1, %mul3A_1 : i32
    %mul3A_3 = arith.constant 250 : i32
    %mul3A_4 = arith.muli %add3A, %mul3A_3 : i32
    %dma_start3A = arith.constant 0 : i32
    %dma_start3A_5 = arith.constant 0 : i32
    %dma_start3A_6 = tpu.memref_slice %arg2[%dma_start3A, %mul3A_4, %dma_start3A_5] : memref<2x8000x40xi32, #tpu.memory_space<hbm>> -> memref<1x250x40xi32, #tpu.memory_space<hbm>>
    %dma_start3A_7 = tpu.memref_squeeze %dma_start3A_6 : memref<1x250x40xi32, #tpu.memory_space<hbm>> -> memref<250x40xi32, #tpu.memory_space<hbm>>
    %dma_start3A_8 = arith.constant 0 : i32
    %dma_start3A_9 = tpu.memref_slice %arg2[%dma_start3A, %mul3A_4, %dma_start3A_8] : memref<2x8000x40xi32, #tpu.memory_space<hbm>> -> memref<1x250x40xi32, #tpu.memory_space<hbm>>
    %dma_start3A_10 = tpu.memref_squeeze %dma_start3A_9 : memref<1x250x40xi32, #tpu.memory_space<hbm>> -> memref<250x40xi32, #tpu.memory_space<hbm>>
    tpu.enqueue_dma source(%dma_start3A_10 : memref<250x40xi32, #tpu.memory_space<hbm>>) target(%arg6 : memref<250x40xi32, #tpu.memory_space<vmem>>) target_semaphore(%arg13 : memref<!tpu.dma_semaphore, #tpu.memory_space<semaphore_mem>>)
    %dma_start3A_11 = arith.constant 1 : i32
    %dma_start3A_12 = arith.constant 0 : i32
    %dma_start3A_13 = tpu.memref_slice %arg2[%dma_start3A_11, %mul3A_4, %dma_start3A_12] : memref<2x8000x40xi32, #tpu.memory_space<hbm>> -> memref<1x250x40xi32, #tpu.memory_space<hbm>>
    %dma_start3A_14 = tpu.memref_squeeze %dma_start3A_13 : memref<1x250x40xi32, #tpu.memory_space<hbm>> -> memref<250x40xi32, #tpu.memory_space<hbm>>
    %dma_start3A_15 = arith.constant 0 : i32
    %dma_start3A_16 = tpu.memref_slice %arg2[%dma_start3A_11, %mul3A_4, %dma_start3A_15] : memref<2x8000x40xi32, #tpu.memory_space<hbm>> -> memref<1x250x40xi32, #tpu.memory_space<hbm>>
    %dma_start3A_17 = tpu.memref_squeeze %dma_start3A_16 : memref<1x250x40xi32, #tpu.memory_space<hbm>> -> memref<250x40xi32, #tpu.memory_space<hbm>>
    tpu.enqueue_dma source(%dma_start3A_17 : memref<250x40xi32, #tpu.memory_space<hbm>>) target(%arg7 : memref<250x40xi32, #tpu.memory_space<vmem>>) target_semaphore(%arg14 : memref<!tpu.dma_semaphore, #tpu.memory_space<semaphore_mem>>)
    %scan3A = arith.constant 0 : i32
    %scan3A_18 = arith.constant 40 : i32
    %scan3A_19 = arith.addi %scan3A, %scan3A_18 : i32
    %scan3A_20 = arith.constant 1 : i32
    scf.for %scan3A_278 = %scan3A to %scan3A_19 step %scan3A_20  : i32 {
      %mul3A_279 = arith.constant 1 : i32
      %mul3A_280 = arith.muli %scan3A_278, %mul3A_279 : i32
      %add3A_281 = arith.constant 0 : i32
      %add3A_282 = arith.addi %add3A_281, %mul3A_280 : i32
      %broadcast_in_dim3A = arith.constant 0.000000e+00 : f32
      %broadcast_in_dim3A_283 = vector.broadcast %broadcast_in_dim3A : f32 to vector<16xf32>
      %swap3A = arith.index_cast %add3A_282 : i32 to index
      %swap3A_284 = arith.constant 0 : index
      %swap3A_285 = tpu.vector_load %arg8[%swap3A, %swap3A_284] {strides = array<i32>} : memref<40x128xf32, #tpu.memory_space<vmem>>, vector<1x16xf32>,
      %swap3A_286 = vector.shape_cast %swap3A_285 : vector<1x16xf32> to vector<16xf32>
      %swap3A_287 = vector.shape_cast %broadcast_in_dim3A_283 : vector<16xf32> to vector<1x16xf32>
      tpu.vector_store %arg8[%swap3A, %swap3A_284], %swap3A_287 {strides = array<i32>} : memref<40x128xf32, #tpu.memory_space<vmem>>, vector<1x16xf32>,
      %broadcast_in_dim3A_288 = arith.constant 0.000000e+00 : f32
      %broadcast_in_dim3A_289 = vector.broadcast %broadcast_in_dim3A_288 : f32 to vector<16xf32>
      %swap3A_290 = arith.index_cast %add3A_282 : i32 to index
      %swap3A_291 = arith.constant 16 : index
      %swap3A_292 = tpu.vector_load %arg8[%swap3A_290, %swap3A_291] {strides = array<i32>} : memref<40x128xf32, #tpu.memory_space<vmem>>, vector<1x16xf32>,
      %swap3A_293 = vector.shape_cast %swap3A_292 : vector<1x16xf32> to vector<16xf32>
      %swap3A_294 = vector.shape_cast %broadcast_in_dim3A_289 : vector<16xf32> to vector<1x16xf32>
      tpu.vector_store %arg8[%swap3A_290, %swap3A_291], %swap3A_294 {strides = array<i32>} : memref<40x128xf32, #tpu.memory_space<vmem>>, vector<1x16xf32>,
      %broadcast_in_dim3A_295 = arith.constant 0.000000e+00 : f32
      %broadcast_in_dim3A_296 = vector.broadcast %broadcast_in_dim3A_295 : f32 to vector<16xf32>
      %swap3A_297 = arith.index_cast %add3A_282 : i32 to index
      %swap3A_298 = arith.constant 32 : index
      %swap3A_299 = tpu.vector_load %arg8[%swap3A_297, %swap3A_298] {strides = array<i32>} : memref<40x128xf32, #tpu.memory_space<vmem>>, vector<1x16xf32>,
      %swap3A_300 = vector.shape_cast %swap3A_299 : vector<1x16xf32> to vector<16xf32>
      %swap3A_301 = vector.shape_cast %broadcast_in_dim3A_296 : vector<16xf32> to vector<1x16xf32>
      tpu.vector_store %arg8[%swap3A_297, %swap3A_298], %swap3A_301 {strides = array<i32>} : memref<40x128xf32, #tpu.memory_space<vmem>>, vector<1x16xf32>,
      %broadcast_in_dim3A_302 = arith.constant 0.000000e+00 : f32
      %broadcast_in_dim3A_303 = vector.broadcast %broadcast_in_dim3A_302 : f32 to vector<16xf32>
      %swap3A_304 = arith.index_cast %add3A_282 : i32 to index
      %swap3A_305 = arith.constant 48 : index
      %swap3A_306 = tpu.vector_load %arg8[%swap3A_304, %swap3A_305] {strides = array<i32>} : memref<40x128xf32, #tpu.memory_space<vmem>>, vector<1x16xf32>,
      %swap3A_307 = vector.shape_cast %swap3A_306 : vector<1x16xf32> to vector<16xf32>
      %swap3A_308 = vector.shape_cast %broadcast_in_dim3A_303 : vector<16xf32> to vector<1x16xf32>
      tpu.vector_store %arg8[%swap3A_304, %swap3A_305], %swap3A_308 {strides = array<i32>} : memref<40x128xf32, #tpu.memory_space<vmem>>, vector<1x16xf32>,
      %broadcast_in_dim3A_309 = arith.constant 0.000000e+00 : f32
      %broadcast_in_dim3A_310 = vector.broadcast %broadcast_in_dim3A_309 : f32 to vector<16xf32>
      %swap3A_311 = arith.index_cast %add3A_282 : i32 to index
      %swap3A_312 = arith.constant 64 : index
      %swap3A_313 = tpu.vector_load %arg8[%swap3A_311, %swap3A_312] {strides = array<i32>} : memref<40x128xf32, #tpu.memory_space<vmem>>, vector<1x16xf32>,
      %swap3A_314 = vector.shape_cast %swap3A_313 : vector<1x16xf32> to vector<16xf32>
      %swap3A_315 = vector.shape_cast %broadcast_in_dim3A_310 : vector<16xf32> to vector<1x16xf32>
      tpu.vector_store %arg8[%swap3A_311, %swap3A_312], %swap3A_315 {strides = array<i32>} : memref<40x128xf32, #tpu.memory_space<vmem>>, vector<1x16xf32>,
      %broadcast_in_dim3A_316 = arith.constant 0.000000e+00 : f32
      %broadcast_in_dim3A_317 = vector.broadcast %broadcast_in_dim3A_316 : f32 to vector<16xf32>
      %swap3A_318 = arith.index_cast %add3A_282 : i32 to index
      %swap3A_319 = arith.constant 80 : index
      %swap3A_320 = tpu.vector_load %arg8[%swap3A_318, %swap3A_319] {strides = array<i32>} : memref<40x128xf32, #tpu.memory_space<vmem>>, vector<1x16xf32>,
      %swap3A_321 = vector.shape_cast %swap3A_320 : vector<1x16xf32> to vector<16xf32>
      %swap3A_322 = vector.shape_cast %broadcast_in_dim3A_317 : vector<16xf32> to vector<1x16xf32>
      tpu.vector_store %arg8[%swap3A_318, %swap3A_319], %swap3A_322 {strides = array<i32>} : memref<40x128xf32, #tpu.memory_space<vmem>>, vector<1x16xf32>,
      %broadcast_in_dim3A_323 = arith.constant 0.000000e+00 : f32
      %broadcast_in_dim3A_324 = vector.broadcast %broadcast_in_dim3A_323 : f32 to vector<16xf32>
      %swap3A_325 = arith.index_cast %add3A_282 : i32 to index
      %swap3A_326 = arith.constant 96 : index
      %swap3A_327 = tpu.vector_load %arg8[%swap3A_325, %swap3A_326] {strides = array<i32>} : memref<40x128xf32, #tpu.memory_space<vmem>>, vector<1x16xf32>,
      %swap3A_328 = vector.shape_cast %swap3A_327 : vector<1x16xf32> to vector<16xf32>
      %swap3A_329 = vector.shape_cast %broadcast_in_dim3A_324 : vector<16xf32> to vector<1x16xf32>
      tpu.vector_store %arg8[%swap3A_325, %swap3A_326], %swap3A_329 {strides = array<i32>} : memref<40x128xf32, #tpu.memory_space<vmem>>, vector<1x16xf32>,
      %broadcast_in_dim3A_330 = arith.constant 0.000000e+00 : f32
      %broadcast_in_dim3A_331 = vector.broadcast %broadcast_in_dim3A_330 : f32 to vector<16xf32>
      %swap3A_332 = arith.index_cast %add3A_282 : i32 to index
      %swap3A_333 = arith.constant 112 : index
      %swap3A_334 = tpu.vector_load %arg8[%swap3A_332, %swap3A_333] {strides = array<i32>} : memref<40x128xf32, #tpu.memory_space<vmem>>, vector<1x16xf32>,
      %swap3A_335 = vector.shape_cast %swap3A_334 : vector<1x16xf32> to vector<16xf32>
      %swap3A_336 = vector.shape_cast %broadcast_in_dim3A_331 : vector<16xf32> to vector<1x16xf32>
      tpu.vector_store %arg8[%swap3A_332, %swap3A_333], %swap3A_336 {strides = array<i32>} : memref<40x128xf32, #tpu.memory_space<vmem>>, vector<1x16xf32>,
    }
    %scan3A_21 = arith.constant 40 : i32
    %scan3A_22 = arith.constant 0 : i32
    %scan3A_23 = arith.constant 40 : i32
    %scan3A_24 = arith.addi %scan3A_22, %scan3A_23 : i32
    %scan3A_25 = arith.constant 1 : i32
    scf.for %scan3A_278 = %scan3A_22 to %scan3A_24 step %scan3A_25  : i32 {
      %mul3A_279 = arith.constant 1 : i32
      %mul3A_280 = arith.muli %scan3A_278, %mul3A_279 : i32
      %add3A_281 = arith.constant 0 : i32
      %add3A_282 = arith.addi %add3A_281, %mul3A_280 : i32
      %broadcast_in_dim3A = arith.constant 1.000000e+00 : f32
      %broadcast_in_dim3A_283 = vector.broadcast %broadcast_in_dim3A : f32 to vector<8xf32>
      %swap3A = arith.index_cast %add3A_282 : i32 to index
      %swap3A_284 = arith.constant 0 : index
      %swap3A_285 = tpu.vector_load %arg11[%swap3A, %swap3A_284] {strides = array<i32>} : memref<40x8xf32, #tpu.memory_space<vmem>>, vector<1x8xf32>,
      %swap3A_286 = vector.shape_cast %swap3A_285 : vector<1x8xf32> to vector<8xf32>
      %swap3A_287 = vector.shape_cast %broadcast_in_dim3A_283 : vector<8xf32> to vector<1x8xf32>
      tpu.vector_store %arg11[%swap3A, %swap3A_284], %swap3A_287 {strides = array<i32>} : memref<40x8xf32, #tpu.memory_space<vmem>>, vector<1x8xf32>,
      %broadcast_in_dim3A_288 = arith.constant 0.000000e+00 : f32
      %broadcast_in_dim3A_289 = vector.broadcast %broadcast_in_dim3A_288 : f32 to vector<8xf32>
      %swap3A_290 = arith.index_cast %add3A_282 : i32 to index
      %swap3A_291 = arith.constant 0 : index
      %swap3A_292 = tpu.vector_load %arg12[%swap3A_290, %swap3A_291] {strides = array<i32>} : memref<40x8xf32, #tpu.memory_space<vmem>>, vector<1x8xf32>,
      %swap3A_293 = vector.shape_cast %swap3A_292 : vector<1x8xf32> to vector<8xf32>
      %swap3A_294 = vector.shape_cast %broadcast_in_dim3A_289 : vector<8xf32> to vector<1x8xf32>
      tpu.vector_store %arg12[%swap3A_290, %swap3A_291], %swap3A_294 {strides = array<i32>} : memref<40x8xf32, #tpu.memory_space<vmem>>, vector<1x8xf32>,
    }
    %scan3A_26 = arith.constant 40 : i32
    %mul3A_27 = arith.constant 640 : i32
    %mul3A_28 = arith.muli %arg1, %mul3A_27 : i32
    %add3A_29 = arith.constant 0 : i32
    %add3A_30 = arith.addi %mul3A_28, %add3A_29 : i32
    "tpu.region"() ({
      %run_scoped3A = tpu.sem_alloc : memref<!tpu.dma_semaphore, #tpu.memory_space<semaphore_mem>>
      %dma_start3A_278 = arith.constant 0 : i32
      %dma_start3A_279 = tpu.memref_slice %arg20[%add3A_30, %dma_start3A_278] : memref<10240x128xf32, #tpu.memory_space<vmem_shared>> -> memref<40x128xf32, #tpu.memory_space<vmem_shared>>
      %dma_start3A_280 = arith.constant 0 : i32
      %dma_start3A_281 = tpu.memref_slice %arg20[%add3A_30, %dma_start3A_280] : memref<10240x128xf32, #tpu.memory_space<vmem_shared>> -> memref<40x128xf32, #tpu.memory_space<vmem_shared>>
      tpu.enqueue_dma source(%arg8 : memref<40x128xf32, #tpu.memory_space<vmem>>) target(%dma_start3A_281 : memref<40x128xf32, #tpu.memory_space<vmem_shared>>) target_semaphore(%run_scoped3A : memref<!tpu.dma_semaphore, #tpu.memory_space<semaphore_mem>>)
      %dma_wait3A_282 = arith.constant 0 : i32
      %dma_wait3A_283 = tpu.memref_slice %arg20[%add3A_30, %dma_wait3A_282] : memref<10240x128xf32, #tpu.memory_space<vmem_shared>> -> memref<40x128xf32, #tpu.memory_space<vmem_shared>>
      %dma_wait3A_284 = arith.constant 0 : i32
      %dma_wait3A_285 = tpu.memref_slice %arg20[%add3A_30, %dma_wait3A_284] : memref<10240x128xf32, #tpu.memory_space<vmem_shared>> -> memref<40x128xf32, #tpu.memory_space<vmem_shared>>
      tpu.wait_dma2 semaphore(%run_scoped3A : memref<!tpu.dma_semaphore, #tpu.memory_space<semaphore_mem>>) src(%arg8 : memref<40x128xf32, #tpu.memory_space<vmem>>) dst(%dma_wait3A_285 : memref<40x128xf32, #tpu.memory_space<vmem_shared>>)
      tpu.yield
    }) : () -> ()
    %mul3A_31 = arith.constant 640 : i32
    %mul3A_32 = arith.muli %arg1, %mul3A_31 : i32
    %add3A_33 = arith.constant 0 : i32
    %add3A_34 = arith.addi %mul3A_32, %add3A_33 : i32
    "tpu.region"() ({
      %run_scoped3A = tpu.sem_alloc : memref<!tpu.dma_semaphore, #tpu.memory_space<semaphore_mem>>
      %dma_start3A_278 = arith.constant 0 : i32
      %dma_start3A_279 = tpu.memref_slice %arg21[%add3A_34, %dma_start3A_278] : memref<10240x8xf32, #tpu.memory_space<vmem_shared>> -> memref<40x8xf32, #tpu.memory_space<vmem_shared>>
      %dma_start3A_280 = arith.constant 0 : i32
      %dma_start3A_281 = tpu.memref_slice %arg21[%add3A_34, %dma_start3A_280] : memref<10240x8xf32, #tpu.memory_space<vmem_shared>> -> memref<40x8xf32, #tpu.memory_space<vmem_shared>>
      tpu.enqueue_dma source(%arg12 : memref<40x8xf32, #tpu.memory_space<vmem>>) target(%dma_start3A_281 : memref<40x8xf32, #tpu.memory_space<vmem_shared>>) target_semaphore(%run_scoped3A : memref<!tpu.dma_semaphore, #tpu.memory_space<semaphore_mem>>)
      %dma_wait3A_282 = arith.constant 0 : i32
      %dma_wait3A_283 = tpu.memref_slice %arg21[%add3A_34, %dma_wait3A_282] : memref<10240x8xf32, #tpu.memory_space<vmem_shared>> -> memref<40x8xf32, #tpu.memory_space<vmem_shared>>
      %dma_wait3A_284 = arith.constant 0 : i32
      %dma_wait3A_285 = tpu.memref_slice %arg21[%add3A_34, %dma_wait3A_284] : memref<10240x8xf32, #tpu.memory_space<vmem_shared>> -> memref<40x8xf32, #tpu.memory_space<vmem_shared>>
      tpu.wait_dma2 semaphore(%run_scoped3A : memref<!tpu.dma_semaphore, #tpu.memory_space<semaphore_mem>>) src(%arg12 : memref<40x8xf32, #tpu.memory_space<vmem>>) dst(%dma_wait3A_285 : memref<40x8xf32, #tpu.memory_space<vmem_shared>>)
      tpu.yield
    }) : () -> ()
    %mul3A_35 = arith.constant 640 : i32
    %mul3A_36 = arith.muli %arg1, %mul3A_35 : i32
    %add3A_37 = arith.constant 40 : i32
    %add3A_38 = arith.addi %mul3A_36, %add3A_37 : i32
    "tpu.region"() ({
      %run_scoped3A = tpu.sem_alloc : memref<!tpu.dma_semaphore, #tpu.memory_space<semaphore_mem>>
      %dma_start3A_278 = arith.constant 0 : i32
      %dma_start3A_279 = tpu.memref_slice %arg20[%add3A_38, %dma_start3A_278] : memref<10240x128xf32, #tpu.memory_space<vmem_shared>> -> memref<40x128xf32, #tpu.memory_space<vmem_shared>>
      %dma_start3A_280 = arith.constant 0 : i32
      %dma_start3A_281 = tpu.memref_slice %arg20[%add3A_38, %dma_start3A_280] : memref<10240x128xf32, #tpu.memory_space<vmem_shared>> -> memref<40x128xf32, #tpu.memory_space<vmem_shared>>
      tpu.enqueue_dma source(%arg8 : memref<40x128xf32, #tpu.memory_space<vmem>>) target(%dma_start3A_281 : memref<40x128xf32, #tpu.memory_space<vmem_shared>>) target_semaphore(%run_scoped3A : memref<!tpu.dma_semaphore, #tpu.memory_space<semaphore_mem>>)
      %dma_wait3A_282 = arith.constant 0 : i32
      %dma_wait3A_283 = tpu.memref_slice %arg20[%add3A_38, %dma_wait3A_282] : memref<10240x128xf32, #tpu.memory_space<vmem_shared>> -> memref<40x128xf32, #tpu.memory_space<vmem_shared>>
      %dma_wait3A_284 = arith.constant 0 : i32
      %dma_wait3A_285 = tpu.memref_slice %arg20[%add3A_38, %dma_wait3A_284] : memref<10240x128xf32, #tpu.memory_space<vmem_shared>> -> memref<40x128xf32, #tpu.memory_space<vmem_shared>>
      tpu.wait_dma2 semaphore(%run_scoped3A : memref<!tpu.dma_semaphore, #tpu.memory_space<semaphore_mem>>) src(%arg8 : memref<40x128xf32, #tpu.memory_space<vmem>>) dst(%dma_wait3A_285 : memref<40x128xf32, #tpu.memory_space<vmem_shared>>)
      tpu.yield
    }) : () -> ()
    %mul3A_39 = arith.constant 640 : i32
    %mul3A_40 = arith.muli %arg1, %mul3A_39 : i32
    %add3A_41 = arith.constant 40 : i32
    %add3A_42 = arith.addi %mul3A_40, %add3A_41 : i32
    "tpu.region"() ({
      %run_scoped3A = tpu.sem_alloc : memref<!tpu.dma_semaphore, #tpu.memory_space<semaphore_mem>>
      %dma_start3A_278 = arith.constant 0 : i32
      %dma_start3A_279 = tpu.memref_slice %arg21[%add3A_42, %dma_start3A_278] : memref<10240x8xf32, #tpu.memory_space<vmem_shared>> -> memref<40x8xf32, #tpu.memory_space<vmem_shared>>
      %dma_start3A_280 = arith.constant 0 : i32
      %dma_start3A_281 = tpu.memref_slice %arg21[%add3A_42, %dma_start3A_280] : memref<10240x8xf32, #tpu.memory_space<vmem_shared>> -> memref<40x8xf32, #tpu.memory_space<vmem_shared>>
      tpu.enqueue_dma source(%arg12 : memref<40x8xf32, #tpu.memory_space<vmem>>) target(%dma_start3A_281 : memref<40x8xf32, #tpu.memory_space<vmem_shared>>) target_semaphore(%run_scoped3A : memref<!tpu.dma_semaphore, #tpu.memory_space<semaphore_mem>>)
      %dma_wait3A_282 = arith.constant 0 : i32
      %dma_wait3A_283 = tpu.memref_slice %arg21[%add3A_42, %dma_wait3A_282] : memref<10240x8xf32, #tpu.memory_space<vmem_shared>> -> memref<40x8xf32, #tpu.memory_space<vmem_shared>>
      %dma_wait3A_284 = arith.constant 0 : i32
      %dma_wait3A_285 = tpu.memref_slice %arg21[%add3A_42, %dma_wait3A_284] : memref<10240x8xf32, #tpu.memory_space<vmem_shared>> -> memref<40x8xf32, #tpu.memory_space<vmem_shared>>
      tpu.wait_dma2 semaphore(%run_scoped3A : memref<!tpu.dma_semaphore, #tpu.memory_space<semaphore_mem>>) src(%arg12 : memref<40x8xf32, #tpu.memory_space<vmem>>) dst(%dma_wait3A_285 : memref<40x8xf32, #tpu.memory_space<vmem_shared>>)
      tpu.yield
    }) : () -> ()
    %mul3A_43 = arith.constant 640 : i32
    %mul3A_44 = arith.muli %arg1, %mul3A_43 : i32
    %add3A_45 = arith.constant 80 : i32
    %add3A_46 = arith.addi %mul3A_44, %add3A_45 : i32
    "tpu.region"() ({
      %run_scoped3A = tpu.sem_alloc : memref<!tpu.dma_semaphore, #tpu.memory_space<semaphore_mem>>
      %dma_start3A_278 = arith.constant 0 : i32
      %dma_start3A_279 = tpu.memref_slice %arg20[%add3A_46, %dma_start3A_278] : memref<10240x128xf32, #tpu.memory_space<vmem_shared>> -> memref<40x128xf32, #tpu.memory_space<vmem_shared>>
      %dma_start3A_280 = arith.constant 0 : i32
      %dma_start3A_281 = tpu.memref_slice %arg20[%add3A_46, %dma_start3A_280] : memref<10240x128xf32, #tpu.memory_space<vmem_shared>> -> memref<40x128xf32, #tpu.memory_space<vmem_shared>>
      tpu.enqueue_dma source(%arg8 : memref<40x128xf32, #tpu.memory_space<vmem>>) target(%dma_start3A_281 : memref<40x128xf32, #tpu.memory_space<vmem_shared>>) target_semaphore(%run_scoped3A : memref<!tpu.dma_semaphore, #tpu.memory_space<semaphore_mem>>)
      %dma_wait3A_282 = arith.constant 0 : i32
      %dma_wait3A_283 = tpu.memref_slice %arg20[%add3A_46, %dma_wait3A_282] : memref<10240x128xf32, #tpu.memory_space<vmem_shared>> -> memref<40x128xf32, #tpu.memory_space<vmem_shared>>
      %dma_wait3A_284 = arith.constant 0 : i32
      %dma_wait3A_285 = tpu.memref_slice %arg20[%add3A_46, %dma_wait3A_284] : memref<10240x128xf32, #tpu.memory_space<vmem_shared>> -> memref<40x128xf32, #tpu.memory_space<vmem_shared>>
      tpu.wait_dma2 semaphore(%run_scoped3A : memref<!tpu.dma_semaphore, #tpu.memory_space<semaphore_mem>>) src(%arg8 : memref<40x128xf32, #tpu.memory_space<vmem>>) dst(%dma_wait3A_285 : memref<40x128xf32, #tpu.memory_space<vmem_shared>>)
      tpu.yield
    }) : () -> ()
    %mul3A_47 = arith.constant 640 : i32
    %mul3A_48 = arith.muli %arg1, %mul3A_47 : i32
    %add3A_49 = arith.constant 80 : i32
    %add3A_50 = arith.addi %mul3A_48, %add3A_49 : i32
    "tpu.region"() ({
      %run_scoped3A = tpu.sem_alloc : memref<!tpu.dma_semaphore, #tpu.memory_space<semaphore_mem>>
      %dma_start3A_278 = arith.constant 0 : i32
      %dma_start3A_279 = tpu.memref_slice %arg21[%add3A_50, %dma_start3A_278] : memref<10240x8xf32, #tpu.memory_space<vmem_shared>> -> memref<40x8xf32, #tpu.memory_space<vmem_shared>>
      %dma_start3A_280 = arith.constant 0 : i32
      %dma_start3A_281 = tpu.memref_slice %arg21[%add3A_50, %dma_start3A_280] : memref<10240x8xf32, #tpu.memory_space<vmem_shared>> -> memref<40x8xf32, #tpu.memory_space<vmem_shared>>
      tpu.enqueue_dma source(%arg12 : memref<40x8xf32, #tpu.memory_space<vmem>>) target(%dma_start3A_281 : memref<40x8xf32, #tpu.memory_space<vmem_shared>>) target_semaphore(%run_scoped3A : memref<!tpu.dma_semaphore, #tpu.memory_space<semaphore_mem>>)
      %dma_wait3A_282 = arith.constant 0 : i32
      %dma_wait3A_283 = tpu.memref_slice %arg21[%add3A_50, %dma_wait3A_282] : memref<10240x8xf32, #tpu.memory_space<vmem_shared>> -> memref<40x8xf32, #tpu.memory_space<vmem_shared>>
      %dma_wait3A_284 = arith.constant 0 : i32
      %dma_wait3A_285 = tpu.memref_slice %arg21[%add3A_50, %dma_wait3A_284] : memref<10240x8xf32, #tpu.memory_space<vmem_shared>> -> memref<40x8xf32, #tpu.memory_space<vmem_shared>>
      tpu.wait_dma2 semaphore(%run_scoped3A : memref<!tpu.dma_semaphore, #tpu.memory_space<semaphore_mem>>) src(%arg12 : memref<40x8xf32, #tpu.memory_space<vmem>>) dst(%dma_wait3A_285 : memref<40x8xf32, #tpu.memory_space<vmem_shared>>)
      tpu.yield
    }) : () -> ()
    %mul3A_51 = arith.constant 640 : i32
    %mul3A_52 = arith.muli %arg1, %mul3A_51 : i32
    %add3A_53 = arith.constant 120 : i32
    %add3A_54 = arith.addi %mul3A_52, %add3A_53 : i32
    "tpu.region"() ({
      %run_scoped3A = tpu.sem_alloc : memref<!tpu.dma_semaphore, #tpu.memory_space<semaphore_mem>>
      %dma_start3A_278 = arith.constant 0 : i32
      %dma_start3A_279 = tpu.memref_slice %arg20[%add3A_54, %dma_start3A_278] : memref<10240x128xf32, #tpu.memory_space<vmem_shared>> -> memref<40x128xf32, #tpu.memory_space<vmem_shared>>
      %dma_start3A_280 = arith.constant 0 : i32
      %dma_start3A_281 = tpu.memref_slice %arg20[%add3A_54, %dma_start3A_280] : memref<10240x128xf32, #tpu.memory_space<vmem_shared>> -> memref<40x128xf32, #tpu.memory_space<vmem_shared>>
      tpu.enqueue_dma source(%arg8 : memref<40x128xf32, #tpu.memory_space<vmem>>) target(%dma_start3A_281 : memref<40x128xf32, #tpu.memory_space<vmem_shared>>) target_semaphore(%run_scoped3A : memref<!tpu.dma_semaphore, #tpu.memory_space<semaphore_mem>>)
      %dma_wait3A_282 = arith.constant 0 : i32
      %dma_wait3A_283 = tpu.memref_slice %arg20[%add3A_54, %dma_wait3A_282] : memref<10240x128xf32, #tpu.memory_space<vmem_shared>> -> memref<40x128xf32, #tpu.memory_space<vmem_shared>>
      %dma_wait3A_284 = arith.constant 0 : i32
      %dma_wait3A_285 = tpu.memref_slice %arg20[%add3A_54, %dma_wait3A_284] : memref<10240x128xf32, #tpu.memory_space<vmem_shared>> -> memref<40x128xf32, #tpu.memory_space<vmem_shared>>
      tpu.wait_dma2 semaphore(%run_scoped3A : memref<!tpu.dma_semaphore, #tpu.memory_space<semaphore_mem>>) src(%arg8 : memref<40x128xf32, #tpu.memory_space<vmem>>) dst(%dma_wait3A_285 : memref<40x128xf32, #tpu.memory_space<vmem_shared>>)
      tpu.yield
    }) : () -> ()
    %mul3A_55 = arith.constant 640 : i32
    %mul3A_56 = arith.muli %arg1, %mul3A_55 : i32
    %add3A_57 = arith.constant 120 : i32
    %add3A_58 = arith.addi %mul3A_56, %add3A_57 : i32
    "tpu.region"() ({
      %run_scoped3A = tpu.sem_alloc : memref<!tpu.dma_semaphore, #tpu.memory_space<semaphore_mem>>
      %dma_start3A_278 = arith.constant 0 : i32
      %dma_start3A_279 = tpu.memref_slice %arg21[%add3A_58, %dma_start3A_278] : memref<10240x8xf32, #tpu.memory_space<vmem_shared>> -> memref<40x8xf32, #tpu.memory_space<vmem_shared>>
      %dma_start3A_280 = arith.constant 0 : i32
      %dma_start3A_281 = tpu.memref_slice %arg21[%add3A_58, %dma_start3A_280] : memref<10240x8xf32, #tpu.memory_space<vmem_shared>> -> memref<40x8xf32, #tpu.memory_space<vmem_shared>>
      tpu.enqueue_dma source(%arg12 : memref<40x8xf32, #tpu.memory_space<vmem>>) target(%dma_start3A_281 : memref<40x8xf32, #tpu.memory_space<vmem_shared>>) target_semaphore(%run_scoped3A : memref<!tpu.dma_semaphore, #tpu.memory_space<semaphore_mem>>)
      %dma_wait3A_282 = arith.constant 0 : i32
      %dma_wait3A_283 = tpu.memref_slice %arg21[%add3A_58, %dma_wait3A_282] : memref<10240x8xf32, #tpu.memory_space<vmem_shared>> -> memref<40x8xf32, #tpu.memory_space<vmem_shared>>
      %dma_wait3A_284 = arith.constant 0 : i32
      %dma_wait3A_285 = tpu.memref_slice %arg21[%add3A_58, %dma_wait3A_284] : memref<10240x8xf32, #tpu.memory_space<vmem_shared>> -> memref<40x8xf32, #tpu.memory_space<vmem_shared>>
      tpu.wait_dma2 semaphore(%run_scoped3A : memref<!tpu.dma_semaphore, #tpu.memory_space<semaphore_mem>>) src(%arg12 : memref<40x8xf32, #tpu.memory_space<vmem>>) dst(%dma_wait3A_285 : memref<40x8xf32, #tpu.memory_space<vmem_shared>>)
      tpu.yield
    }) : () -> ()
    %mul3A_59 = arith.constant 640 : i32
    %mul3A_60 = arith.muli %arg1, %mul3A_59 : i32
    %add3A_61 = arith.constant 160 : i32
    %add3A_62 = arith.addi %mul3A_60, %add3A_61 : i32
    "tpu.region"() ({
      %run_scoped3A = tpu.sem_alloc : memref<!tpu.dma_semaphore, #tpu.memory_space<semaphore_mem>>
      %dma_start3A_278 = arith.constant 0 : i32
      %dma_start3A_279 = tpu.memref_slice %arg20[%add3A_62, %dma_start3A_278] : memref<10240x128xf32, #tpu.memory_space<vmem_shared>> -> memref<40x128xf32, #tpu.memory_space<vmem_shared>>
      %dma_start3A_280 = arith.constant 0 : i32
      %dma_start3A_281 = tpu.memref_slice %arg20[%add3A_62, %dma_start3A_280] : memref<10240x128xf32, #tpu.memory_space<vmem_shared>> -> memref<40x128xf32, #tpu.memory_space<vmem_shared>>
      tpu.enqueue_dma source(%arg8 : memref<40x128xf32, #tpu.memory_space<vmem>>) target(%dma_start3A_281 : memref<40x128xf32, #tpu.memory_space<vmem_shared>>) target_semaphore(%run_scoped3A : memref<!tpu.dma_semaphore, #tpu.memory_space<semaphore_mem>>)
      %dma_wait3A_282 = arith.constant 0 : i32
      %dma_wait3A_283 = tpu.memref_slice %arg20[%add3A_62, %dma_wait3A_282] : memref<10240x128xf32, #tpu.memory_space<vmem_shared>> -> memref<40x128xf32, #tpu.memory_space<vmem_shared>>
      %dma_wait3A_284 = arith.constant 0 : i32
      %dma_wait3A_285 = tpu.memref_slice %arg20[%add3A_62, %dma_wait3A_284] : memref<10240x128xf32, #tpu.memory_space<vmem_shared>> -> memref<40x128xf32, #tpu.memory_space<vmem_shared>>
      tpu.wait_dma2 semaphore(%run_scoped3A : memref<!tpu.dma_semaphore, #tpu.memory_space<semaphore_mem>>) src(%arg8 : memref<40x128xf32, #tpu.memory_space<vmem>>) dst(%dma_wait3A_285 : memref<40x128xf32, #tpu.memory_space<vmem_shared>>)
      tpu.yield
    }) : () -> ()
    %mul3A_63 = arith.constant 640 : i32
    %mul3A_64 = arith.muli %arg1, %mul3A_63 : i32
    %add3A_65 = arith.constant 160 : i32
    %add3A_66 = arith.addi %mul3A_64, %add3A_65 : i32
    "tpu.region"() ({
      %run_scoped3A = tpu.sem_alloc : memref<!tpu.dma_semaphore, #tpu.memory_space<semaphore_mem>>
      %dma_start3A_278 = arith.constant 0 : i32
      %dma_start3A_279 = tpu.memref_slice %arg21[%add3A_66, %dma_start3A_278] : memref<10240x8xf32, #tpu.memory_space<vmem_shared>> -> memref<40x8xf32, #tpu.memory_space<vmem_shared>>
      %dma_start3A_280 = arith.constant 0 : i32
      %dma_start3A_281 = tpu.memref_slice %arg21[%add3A_66, %dma_start3A_280] : memref<10240x8xf32, #tpu.memory_space<vmem_shared>> -> memref<40x8xf32, #tpu.memory_space<vmem_shared>>
      tpu.enqueue_dma source(%arg12 : memref<40x8xf32, #tpu.memory_space<vmem>>) target(%dma_start3A_281 : memref<40x8xf32, #tpu.memory_space<vmem_shared>>) target_semaphore(%run_scoped3A : memref<!tpu.dma_semaphore, #tpu.memory_space<semaphore_mem>>)
      %dma_wait3A_282 = arith.constant 0 : i32
      %dma_wait3A_283 = tpu.memref_slice %arg21[%add3A_66, %dma_wait3A_282] : memref<10240x8xf32, #tpu.memory_space<vmem_shared>> -> memref<40x8xf32, #tpu.memory_space<vmem_shared>>
      %dma_wait3A_284 = arith.constant 0 : i32
      %dma_wait3A_285 = tpu.memref_slice %arg21[%add3A_66, %dma_wait3A_284] : memref<10240x8xf32, #tpu.memory_space<vmem_shared>> -> memref<40x8xf32, #tpu.memory_space<vmem_shared>>
      tpu.wait_dma2 semaphore(%run_scoped3A : memref<!tpu.dma_semaphore, #tpu.memory_space<semaphore_mem>>) src(%arg12 : memref<40x8xf32, #tpu.memory_space<vmem>>) dst(%dma_wait3A_285 : memref<40x8xf32, #tpu.memory_space<vmem_shared>>)
      tpu.yield
    }) : () -> ()
    %mul3A_67 = arith.constant 640 : i32
    %mul3A_68 = arith.muli %arg1, %mul3A_67 : i32
    %add3A_69 = arith.constant 200 : i32
    %add3A_70 = arith.addi %mul3A_68, %add3A_69 : i32
    "tpu.region"() ({
      %run_scoped3A = tpu.sem_alloc : memref<!tpu.dma_semaphore, #tpu.memory_space<semaphore_mem>>
      %dma_start3A_278 = arith.constant 0 : i32
      %dma_start3A_279 = tpu.memref_slice %arg20[%add3A_70, %dma_start3A_278] : memref<10240x128xf32, #tpu.memory_space<vmem_shared>> -> memref<40x128xf32, #tpu.memory_space<vmem_shared>>
      %dma_start3A_280 = arith.constant 0 : i32
      %dma_start3A_281 = tpu.memref_slice %arg20[%add3A_70, %dma_start3A_280] : memref<10240x128xf32, #tpu.memory_space<vmem_shared>> -> memref<40x128xf32, #tpu.memory_space<vmem_shared>>
      tpu.enqueue_dma source(%arg8 : memref<40x128xf32, #tpu.memory_space<vmem>>) target(%dma_start3A_281 : memref<40x128xf32, #tpu.memory_space<vmem_shared>>) target_semaphore(%run_scoped3A : memref<!tpu.dma_semaphore, #tpu.memory_space<semaphore_mem>>)
      %dma_wait3A_282 = arith.constant 0 : i32
      %dma_wait3A_283 = tpu.memref_slice %arg20[%add3A_70, %dma_wait3A_282] : memref<10240x128xf32, #tpu.memory_space<vmem_shared>> -> memref<40x128xf32, #tpu.memory_space<vmem_shared>>
      %dma_wait3A_284 = arith.constant 0 : i32
      %dma_wait3A_285 = tpu.memref_slice %arg20[%add3A_70, %dma_wait3A_284] : memref<10240x128xf32, #tpu.memory_space<vmem_shared>> -> memref<40x128xf32, #tpu.memory_space<vmem_shared>>
      tpu.wait_dma2 semaphore(%run_scoped3A : memref<!tpu.dma_semaphore, #tpu.memory_space<semaphore_mem>>) src(%arg8 : memref<40x128xf32, #tpu.memory_space<vmem>>) dst(%dma_wait3A_285 : memref<40x128xf32, #tpu.memory_space<vmem_shared>>)
      tpu.yield
    }) : () -> ()
    %mul3A_71 = arith.constant 640 : i32
    %mul3A_72 = arith.muli %arg1, %mul3A_71 : i32
    %add3A_73 = arith.constant 200 : i32
    %add3A_74 = arith.addi %mul3A_72, %add3A_73 : i32
    "tpu.region"() ({
      %run_scoped3A = tpu.sem_alloc : memref<!tpu.dma_semaphore, #tpu.memory_space<semaphore_mem>>
      %dma_start3A_278 = arith.constant 0 : i32
      %dma_start3A_279 = tpu.memref_slice %arg21[%add3A_74, %dma_start3A_278] : memref<10240x8xf32, #tpu.memory_space<vmem_shared>> -> memref<40x8xf32, #tpu.memory_space<vmem_shared>>
      %dma_start3A_280 = arith.constant 0 : i32
      %dma_start3A_281 = tpu.memref_slice %arg21[%add3A_74, %dma_start3A_280] : memref<10240x8xf32, #tpu.memory_space<vmem_shared>> -> memref<40x8xf32, #tpu.memory_space<vmem_shared>>
      tpu.enqueue_dma source(%arg12 : memref<40x8xf32, #tpu.memory_space<vmem>>) target(%dma_start3A_281 : memref<40x8xf32, #tpu.memory_space<vmem_shared>>) target_semaphore(%run_scoped3A : memref<!tpu.dma_semaphore, #tpu.memory_space<semaphore_mem>>)
      %dma_wait3A_282 = arith.constant 0 : i32
      %dma_wait3A_283 = tpu.memref_slice %arg21[%add3A_74, %dma_wait3A_282] : memref<10240x8xf32, #tpu.memory_space<vmem_shared>> -> memref<40x8xf32, #tpu.memory_space<vmem_shared>>
      %dma_wait3A_284 = arith.constant 0 : i32
      %dma_wait3A_285 = tpu.memref_slice %arg21[%add3A_74, %dma_wait3A_284] : memref<10240x8xf32, #tpu.memory_space<vmem_shared>> -> memref<40x8xf32, #tpu.memory_space<vmem_shared>>
      tpu.wait_dma2 semaphore(%run_scoped3A : memref<!tpu.dma_semaphore, #tpu.memory_space<semaphore_mem>>) src(%arg12 : memref<40x8xf32, #tpu.memory_space<vmem>>) dst(%dma_wait3A_285 : memref<40x8xf32, #tpu.memory_space<vmem_shared>>)
      tpu.yield
    }) : () -> ()
    %mul3A_75 = arith.constant 640 : i32
    %mul3A_76 = arith.muli %arg1, %mul3A_75 : i32
    %add3A_77 = arith.constant 240 : i32
    %add3A_78 = arith.addi %mul3A_76, %add3A_77 : i32
    "tpu.region"() ({
      %run_scoped3A = tpu.sem_alloc : memref<!tpu.dma_semaphore, #tpu.memory_space<semaphore_mem>>
      %dma_start3A_278 = arith.constant 0 : i32
      %dma_start3A_279 = tpu.memref_slice %arg20[%add3A_78, %dma_start3A_278] : memref<10240x128xf32, #tpu.memory_space<vmem_shared>> -> memref<40x128xf32, #tpu.memory_space<vmem_shared>>
      %dma_start3A_280 = arith.constant 0 : i32
      %dma_start3A_281 = tpu.memref_slice %arg20[%add3A_78, %dma_start3A_280] : memref<10240x128xf32, #tpu.memory_space<vmem_shared>> -> memref<40x128xf32, #tpu.memory_space<vmem_shared>>
      tpu.enqueue_dma source(%arg8 : memref<40x128xf32, #tpu.memory_space<vmem>>) target(%dma_start3A_281 : memref<40x128xf32, #tpu.memory_space<vmem_shared>>) target_semaphore(%run_scoped3A : memref<!tpu.dma_semaphore, #tpu.memory_space<semaphore_mem>>)
      %dma_wait3A_282 = arith.constant 0 : i32
      %dma_wait3A_283 = tpu.memref_slice %arg20[%add3A_78, %dma_wait3A_282] : memref<10240x128xf32, #tpu.memory_space<vmem_shared>> -> memref<40x128xf32, #tpu.memory_space<vmem_shared>>
      %dma_wait3A_284 = arith.constant 0 : i32
      %dma_wait3A_285 = tpu.memref_slice %arg20[%add3A_78, %dma_wait3A_284] : memref<10240x128xf32, #tpu.memory_space<vmem_shared>> -> memref<40x128xf32, #tpu.memory_space<vmem_shared>>
      tpu.wait_dma2 semaphore(%run_scoped3A : memref<!tpu.dma_semaphore, #tpu.memory_space<semaphore_mem>>) src(%arg8 : memref<40x128xf32, #tpu.memory_space<vmem>>) dst(%dma_wait3A_285 : memref<40x128xf32, #tpu.memory_space<vmem_shared>>)
      tpu.yield
    }) : () -> ()
    %mul3A_79 = arith.constant 640 : i32
    %mul3A_80 = arith.muli %arg1, %mul3A_79 : i32
    %add3A_81 = arith.constant 240 : i32
    %add3A_82 = arith.addi %mul3A_80, %add3A_81 : i32
    "tpu.region"() ({
      %run_scoped3A = tpu.sem_alloc : memref<!tpu.dma_semaphore, #tpu.memory_space<semaphore_mem>>
      %dma_start3A_278 = arith.constant 0 : i32
      %dma_start3A_279 = tpu.memref_slice %arg21[%add3A_82, %dma_start3A_278] : memref<10240x8xf32, #tpu.memory_space<vmem_shared>> -> memref<40x8xf32, #tpu.memory_space<vmem_shared>>
      %dma_start3A_280 = arith.constant 0 : i32
      %dma_start3A_281 = tpu.memref_slice %arg21[%add3A_82, %dma_start3A_280] : memref<10240x8xf32, #tpu.memory_space<vmem_shared>> -> memref<40x8xf32, #tpu.memory_space<vmem_shared>>
      tpu.enqueue_dma source(%arg12 : memref<40x8xf32, #tpu.memory_space<vmem>>) target(%dma_start3A_281 : memref<40x8xf32, #tpu.memory_space<vmem_shared>>) target_semaphore(%run_scoped3A : memref<!tpu.dma_semaphore, #tpu.memory_space<semaphore_mem>>)
      %dma_wait3A_282 = arith.constant 0 : i32
      %dma_wait3A_283 = tpu.memref_slice %arg21[%add3A_82, %dma_wait3A_282] : memref<10240x8xf32, #tpu.memory_space<vmem_shared>> -> memref<40x8xf32, #tpu.memory_space<vmem_shared>>
      %dma_wait3A_284 = arith.constant 0 : i32
      %dma_wait3A_285 = tpu.memref_slice %arg21[%add3A_82, %dma_wait3A_284] : memref<10240x8xf32, #tpu.memory_space<vmem_shared>> -> memref<40x8xf32, #tpu.memory_space<vmem_shared>>
      tpu.wait_dma2 semaphore(%run_scoped3A : memref<!tpu.dma_semaphore, #tpu.memory_space<semaphore_mem>>) src(%arg12 : memref<40x8xf32, #tpu.memory_space<vmem>>) dst(%dma_wait3A_285 : memref<40x8xf32, #tpu.memory_space<vmem_shared>>)
      tpu.yield
    }) : () -> ()
    %mul3A_83 = arith.constant 640 : i32
    %mul3A_84 = arith.muli %arg1, %mul3A_83 : i32
    %add3A_85 = arith.constant 280 : i32
    %add3A_86 = arith.addi %mul3A_84, %add3A_85 : i32
    "tpu.region"() ({
      %run_scoped3A = tpu.sem_alloc : memref<!tpu.dma_semaphore, #tpu.memory_space<semaphore_mem>>
      %dma_start3A_278 = arith.constant 0 : i32
      %dma_start3A_279 = tpu.memref_slice %arg20[%add3A_86, %dma_start3A_278] : memref<10240x128xf32, #tpu.memory_space<vmem_shared>> -> memref<40x128xf32, #tpu.memory_space<vmem_shared>>
      %dma_start3A_280 = arith.constant 0 : i32
      %dma_start3A_281 = tpu.memref_slice %arg20[%add3A_86, %dma_start3A_280] : memref<10240x128xf32, #tpu.memory_space<vmem_shared>> -> memref<40x128xf32, #tpu.memory_space<vmem_shared>>
      tpu.enqueue_dma source(%arg8 : memref<40x128xf32, #tpu.memory_space<vmem>>) target(%dma_start3A_281 : memref<40x128xf32, #tpu.memory_space<vmem_shared>>) target_semaphore(%run_scoped3A : memref<!tpu.dma_semaphore, #tpu.memory_space<semaphore_mem>>)
      %dma_wait3A_282 = arith.constant 0 : i32
      %dma_wait3A_283 = tpu.memref_slice %arg20[%add3A_86, %dma_wait3A_282] : memref<10240x128xf32, #tpu.memory_space<vmem_shared>> -> memref<40x128xf32, #tpu.memory_space<vmem_shared>>
      %dma_wait3A_284 = arith.constant 0 : i32
      %dma_wait3A_285 = tpu.memref_slice %arg20[%add3A_86, %dma_wait3A_284] : memref<10240x128xf32, #tpu.memory_space<vmem_shared>> -> memref<40x128xf32, #tpu.memory_space<vmem_shared>>
      tpu.wait_dma2 semaphore(%run_scoped3A : memref<!tpu.dma_semaphore, #tpu.memory_space<semaphore_mem>>) src(%arg8 : memref<40x128xf32, #tpu.memory_space<vmem>>) dst(%dma_wait3A_285 : memref<40x128xf32, #tpu.memory_space<vmem_shared>>)
      tpu.yield
    }) : () -> ()
    %mul3A_87 = arith.constant 640 : i32
    %mul3A_88 = arith.muli %arg1, %mul3A_87 : i32
    %add3A_89 = arith.constant 280 : i32
    %add3A_90 = arith.addi %mul3A_88, %add3A_89 : i32
    "tpu.region"() ({
      %run_scoped3A = tpu.sem_alloc : memref<!tpu.dma_semaphore, #tpu.memory_space<semaphore_mem>>
      %dma_start3A_278 = arith.constant 0 : i32
      %dma_start3A_279 = tpu.memref_slice %arg21[%add3A_90, %dma_start3A_278] : memref<10240x8xf32, #tpu.memory_space<vmem_shared>> -> memref<40x8xf32, #tpu.memory_space<vmem_shared>>
      %dma_start3A_280 = arith.constant 0 : i32
      %dma_start3A_281 = tpu.memref_slice %arg21[%add3A_90, %dma_start3A_280] : memref<10240x8xf32, #tpu.memory_space<vmem_shared>> -> memref<40x8xf32, #tpu.memory_space<vmem_shared>>
      tpu.enqueue_dma source(%arg12 : memref<40x8xf32, #tpu.memory_space<vmem>>) target(%dma_start3A_281 : memref<40x8xf32, #tpu.memory_space<vmem_shared>>) target_semaphore(%run_scoped3A : memref<!tpu.dma_semaphore, #tpu.memory_space<semaphore_mem>>)
      %dma_wait3A_282 = arith.constant 0 : i32
      %dma_wait3A_283 = tpu.memref_slice %arg21[%add3A_90, %dma_wait3A_282] : memref<10240x8xf32, #tpu.memory_space<vmem_shared>> -> memref<40x8xf32, #tpu.memory_space<vmem_shared>>
      %dma_wait3A_284 = arith.constant 0 : i32
      %dma_wait3A_285 = tpu.memref_slice %arg21[%add3A_90, %dma_wait3A_284] : memref<10240x8xf32, #tpu.memory_space<vmem_shared>> -> memref<40x8xf32, #tpu.memory_space<vmem_shared>>
      tpu.wait_dma2 semaphore(%run_scoped3A : memref<!tpu.dma_semaphore, #tpu.memory_space<semaphore_mem>>) src(%arg12 : memref<40x8xf32, #tpu.memory_space<vmem>>) dst(%dma_wait3A_285 : memref<40x8xf32, #tpu.memory_space<vmem_shared>>)
      tpu.yield
    }) : () -> ()
    %mul3A_91 = arith.constant 640 : i32
    %mul3A_92 = arith.muli %arg1, %mul3A_91 : i32
    %add3A_93 = arith.constant 320 : i32
    %add3A_94 = arith.addi %mul3A_92, %add3A_93 : i32
    "tpu.region"() ({
      %run_scoped3A = tpu.sem_alloc : memref<!tpu.dma_semaphore, #tpu.memory_space<semaphore_mem>>
      %dma_start3A_278 = arith.constant 0 : i32
      %dma_start3A_279 = tpu.memref_slice %arg20[%add3A_94, %dma_start3A_278] : memref<10240x128xf32, #tpu.memory_space<vmem_shared>> -> memref<40x128xf32, #tpu.memory_space<vmem_shared>>
      %dma_start3A_280 = arith.constant 0 : i32
      %dma_start3A_281 = tpu.memref_slice %arg20[%add3A_94, %dma_start3A_280] : memref<10240x128xf32, #tpu.memory_space<vmem_shared>> -> memref<40x128xf32, #tpu.memory_space<vmem_shared>>
      tpu.enqueue_dma source(%arg8 : memref<40x128xf32, #tpu.memory_space<vmem>>) target(%dma_start3A_281 : memref<40x128xf32, #tpu.memory_space<vmem_shared>>) target_semaphore(%run_scoped3A : memref<!tpu.dma_semaphore, #tpu.memory_space<semaphore_mem>>)
      %dma_wait3A_282 = arith.constant 0 : i32
      %dma_wait3A_283 = tpu.memref_slice %arg20[%add3A_94, %dma_wait3A_282] : memref<10240x128xf32, #tpu.memory_space<vmem_shared>> -> memref<40x128xf32, #tpu.memory_space<vmem_shared>>
      %dma_wait3A_284 = arith.constant 0 : i32
      %dma_wait3A_285 = tpu.memref_slice %arg20[%add3A_94, %dma_wait3A_284] : memref<10240x128xf32, #tpu.memory_space<vmem_shared>> -> memref<40x128xf32, #tpu.memory_space<vmem_shared>>
      tpu.wait_dma2 semaphore(%run_scoped3A : memref<!tpu.dma_semaphore, #tpu.memory_space<semaphore_mem>>) src(%arg8 : memref<40x128xf32, #tpu.memory_space<vmem>>) dst(%dma_wait3A_285 : memref<40x128xf32, #tpu.memory_space<vmem_shared>>)
      tpu.yield
    }) : () -> ()
    %mul3A_95 = arith.constant 640 : i32
    %mul3A_96 = arith.muli %arg1, %mul3A_95 : i32
    %add3A_97 = arith.constant 320 : i32
    %add3A_98 = arith.addi %mul3A_96, %add3A_97 : i32
    "tpu.region"() ({
      %run_scoped3A = tpu.sem_alloc : memref<!tpu.dma_semaphore, #tpu.memory_space<semaphore_mem>>
      %dma_start3A_278 = arith.constant 0 : i32
      %dma_start3A_279 = tpu.memref_slice %arg21[%add3A_98, %dma_start3A_278] : memref<10240x8xf32, #tpu.memory_space<vmem_shared>> -> memref<40x8xf32, #tpu.memory_space<vmem_shared>>
      %dma_start3A_280 = arith.constant 0 : i32
      %dma_start3A_281 = tpu.memref_slice %arg21[%add3A_98, %dma_start3A_280] : memref<10240x8xf32, #tpu.memory_space<vmem_shared>> -> memref<40x8xf32, #tpu.memory_space<vmem_shared>>
      tpu.enqueue_dma source(%arg12 : memref<40x8xf32, #tpu.memory_space<vmem>>) target(%dma_start3A_281 : memref<40x8xf32, #tpu.memory_space<vmem_shared>>) target_semaphore(%run_scoped3A : memref<!tpu.dma_semaphore, #tpu.memory_space<semaphore_mem>>)
      %dma_wait3A_282 = arith.constant 0 : i32
      %dma_wait3A_283 = tpu.memref_slice %arg21[%add3A_98, %dma_wait3A_282] : memref<10240x8xf32, #tpu.memory_space<vmem_shared>> -> memref<40x8xf32, #tpu.memory_space<vmem_shared>>
      %dma_wait3A_284 = arith.constant 0 : i32
      %dma_wait3A_285 = tpu.memref_slice %arg21[%add3A_98, %dma_wait3A_284] : memref<10240x8xf32, #tpu.memory_space<vmem_shared>> -> memref<40x8xf32, #tpu.memory_space<vmem_shared>>
      tpu.wait_dma2 semaphore(%run_scoped3A : memref<!tpu.dma_semaphore, #tpu.memory_space<semaphore_mem>>) src(%arg12 : memref<40x8xf32, #tpu.memory_space<vmem>>) dst(%dma_wait3A_285 : memref<40x8xf32, #tpu.memory_space<vmem_shared>>)
      tpu.yield
    }) : () -> ()
    %mul3A_99 = arith.constant 640 : i32
    %mul3A_100 = arith.muli %arg1, %mul3A_99 : i32
    %add3A_101 = arith.constant 360 : i32
    %add3A_102 = arith.addi %mul3A_100, %add3A_101 : i32
    "tpu.region"() ({
      %run_scoped3A = tpu.sem_alloc : memref<!tpu.dma_semaphore, #tpu.memory_space<semaphore_mem>>
      %dma_start3A_278 = arith.constant 0 : i32
      %dma_start3A_279 = tpu.memref_slice %arg20[%add3A_102, %dma_start3A_278] : memref<10240x128xf32, #tpu.memory_space<vmem_shared>> -> memref<40x128xf32, #tpu.memory_space<vmem_shared>>
      %dma_start3A_280 = arith.constant 0 : i32
      %dma_start3A_281 = tpu.memref_slice %arg20[%add3A_102, %dma_start3A_280] : memref<10240x128xf32, #tpu.memory_space<vmem_shared>> -> memref<40x128xf32, #tpu.memory_space<vmem_shared>>
      tpu.enqueue_dma source(%arg8 : memref<40x128xf32, #tpu.memory_space<vmem>>) target(%dma_start3A_281 : memref<40x128xf32, #tpu.memory_space<vmem_shared>>) target_semaphore(%run_scoped3A : memref<!tpu.dma_semaphore, #tpu.memory_space<semaphore_mem>>)
      %dma_wait3A_282 = arith.constant 0 : i32
      %dma_wait3A_283 = tpu.memref_slice %arg20[%add3A_102, %dma_wait3A_282] : memref<10240x128xf32, #tpu.memory_space<vmem_shared>> -> memref<40x128xf32, #tpu.memory_space<vmem_shared>>
      %dma_wait3A_284 = arith.constant 0 : i32
      %dma_wait3A_285 = tpu.memref_slice %arg20[%add3A_102, %dma_wait3A_284] : memref<10240x128xf32, #tpu.memory_space<vmem_shared>> -> memref<40x128xf32, #tpu.memory_space<vmem_shared>>
      tpu.wait_dma2 semaphore(%run_scoped3A : memref<!tpu.dma_semaphore, #tpu.memory_space<semaphore_mem>>) src(%arg8 : memref<40x128xf32, #tpu.memory_space<vmem>>) dst(%dma_wait3A_285 : memref<40x128xf32, #tpu.memory_space<vmem_shared>>)
      tpu.yield
    }) : () -> ()
    %mul3A_103 = arith.constant 640 : i32
    %mul3A_104 = arith.muli %arg1, %mul3A_103 : i32
    %add3A_105 = arith.constant 360 : i32
    %add3A_106 = arith.addi %mul3A_104, %add3A_105 : i32
    "tpu.region"() ({
      %run_scoped3A = tpu.sem_alloc : memref<!tpu.dma_semaphore, #tpu.memory_space<semaphore_mem>>
      %dma_start3A_278 = arith.constant 0 : i32
      %dma_start3A_279 = tpu.memref_slice %arg21[%add3A_106, %dma_start3A_278] : memref<10240x8xf32, #tpu.memory_space<vmem_shared>> -> memref<40x8xf32, #tpu.memory_space<vmem_shared>>
      %dma_start3A_280 = arith.constant 0 : i32
      %dma_start3A_281 = tpu.memref_slice %arg21[%add3A_106, %dma_start3A_280] : memref<10240x8xf32, #tpu.memory_space<vmem_shared>> -> memref<40x8xf32, #tpu.memory_space<vmem_shared>>
      tpu.enqueue_dma source(%arg12 : memref<40x8xf32, #tpu.memory_space<vmem>>) target(%dma_start3A_281 : memref<40x8xf32, #tpu.memory_space<vmem_shared>>) target_semaphore(%run_scoped3A : memref<!tpu.dma_semaphore, #tpu.memory_space<semaphore_mem>>)
      %dma_wait3A_282 = arith.constant 0 : i32
      %dma_wait3A_283 = tpu.memref_slice %arg21[%add3A_106, %dma_wait3A_282] : memref<10240x8xf32, #tpu.memory_space<vmem_shared>> -> memref<40x8xf32, #tpu.memory_space<vmem_shared>>
      %dma_wait3A_284 = arith.constant 0 : i32
      %dma_wait3A_285 = tpu.memref_slice %arg21[%add3A_106, %dma_wait3A_284] : memref<10240x8xf32, #tpu.memory_space<vmem_shared>> -> memref<40x8xf32, #tpu.memory_space<vmem_shared>>
      tpu.wait_dma2 semaphore(%run_scoped3A : memref<!tpu.dma_semaphore, #tpu.memory_space<semaphore_mem>>) src(%arg12 : memref<40x8xf32, #tpu.memory_space<vmem>>) dst(%dma_wait3A_285 : memref<40x8xf32, #tpu.memory_space<vmem_shared>>)
      tpu.yield
    }) : () -> ()
    %mul3A_107 = arith.constant 640 : i32
    %mul3A_108 = arith.muli %arg1, %mul3A_107 : i32
    %add3A_109 = arith.constant 400 : i32
    %add3A_110 = arith.addi %mul3A_108, %add3A_109 : i32
    "tpu.region"() ({
      %run_scoped3A = tpu.sem_alloc : memref<!tpu.dma_semaphore, #tpu.memory_space<semaphore_mem>>
      %dma_start3A_278 = arith.constant 0 : i32
      %dma_start3A_279 = tpu.memref_slice %arg20[%add3A_110, %dma_start3A_278] : memref<10240x128xf32, #tpu.memory_space<vmem_shared>> -> memref<40x128xf32, #tpu.memory_space<vmem_shared>>
      %dma_start3A_280 = arith.constant 0 : i32
      %dma_start3A_281 = tpu.memref_slice %arg20[%add3A_110, %dma_start3A_280] : memref<10240x128xf32, #tpu.memory_space<vmem_shared>> -> memref<40x128xf32, #tpu.memory_space<vmem_shared>>
      tpu.enqueue_dma source(%arg8 : memref<40x128xf32, #tpu.memory_space<vmem>>) target(%dma_start3A_281 : memref<40x128xf32, #tpu.memory_space<vmem_shared>>) target_semaphore(%run_scoped3A : memref<!tpu.dma_semaphore, #tpu.memory_space<semaphore_mem>>)
      %dma_wait3A_282 = arith.constant 0 : i32
      %dma_wait3A_283 = tpu.memref_slice %arg20[%add3A_110, %dma_wait3A_282] : memref<10240x128xf32, #tpu.memory_space<vmem_shared>> -> memref<40x128xf32, #tpu.memory_space<vmem_shared>>
      %dma_wait3A_284 = arith.constant 0 : i32
      %dma_wait3A_285 = tpu.memref_slice %arg20[%add3A_110, %dma_wait3A_284] : memref<10240x128xf32, #tpu.memory_space<vmem_shared>> -> memref<40x128xf32, #tpu.memory_space<vmem_shared>>
      tpu.wait_dma2 semaphore(%run_scoped3A : memref<!tpu.dma_semaphore, #tpu.memory_space<semaphore_mem>>) src(%arg8 : memref<40x128xf32, #tpu.memory_space<vmem>>) dst(%dma_wait3A_285 : memref<40x128xf32, #tpu.memory_space<vmem_shared>>)
      tpu.yield
    }) : () -> ()
    %mul3A_111 = arith.constant 640 : i32
    %mul3A_112 = arith.muli %arg1, %mul3A_111 : i32
    %add3A_113 = arith.constant 400 : i32
    %add3A_114 = arith.addi %mul3A_112, %add3A_113 : i32
    "tpu.region"() ({
      %run_scoped3A = tpu.sem_alloc : memref<!tpu.dma_semaphore, #tpu.memory_space<semaphore_mem>>
      %dma_start3A_278 = arith.constant 0 : i32
      %dma_start3A_279 = tpu.memref_slice %arg21[%add3A_114, %dma_start3A_278] : memref<10240x8xf32, #tpu.memory_space<vmem_shared>> -> memref<40x8xf32, #tpu.memory_space<vmem_shared>>
      %dma_start3A_280 = arith.constant 0 : i32
      %dma_start3A_281 = tpu.memref_slice %arg21[%add3A_114, %dma_start3A_280] : memref<10240x8xf32, #tpu.memory_space<vmem_shared>> -> memref<40x8xf32, #tpu.memory_space<vmem_shared>>
      tpu.enqueue_dma source(%arg12 : memref<40x8xf32, #tpu.memory_space<vmem>>) target(%dma_start3A_281 : memref<40x8xf32, #tpu.memory_space<vmem_shared>>) target_semaphore(%run_scoped3A : memref<!tpu.dma_semaphore, #tpu.memory_space<semaphore_mem>>)
      %dma_wait3A_282 = arith.constant 0 : i32
      %dma_wait3A_283 = tpu.memref_slice %arg21[%add3A_114, %dma_wait3A_282] : memref<10240x8xf32, #tpu.memory_space<vmem_shared>> -> memref<40x8xf32, #tpu.memory_space<vmem_shared>>
      %dma_wait3A_284 = arith.constant 0 : i32
      %dma_wait3A_285 = tpu.memref_slice %arg21[%add3A_114, %dma_wait3A_284] : memref<10240x8xf32, #tpu.memory_space<vmem_shared>> -> memref<40x8xf32, #tpu.memory_space<vmem_shared>>
      tpu.wait_dma2 semaphore(%run_scoped3A : memref<!tpu.dma_semaphore, #tpu.memory_space<semaphore_mem>>) src(%arg12 : memref<40x8xf32, #tpu.memory_space<vmem>>) dst(%dma_wait3A_285 : memref<40x8xf32, #tpu.memory_space<vmem_shared>>)
      tpu.yield
    }) : () -> ()
    %mul3A_115 = arith.constant 640 : i32
    %mul3A_116 = arith.muli %arg1, %mul3A_115 : i32
    %add3A_117 = arith.constant 440 : i32
    %add3A_118 = arith.addi %mul3A_116, %add3A_117 : i32
    "tpu.region"() ({
      %run_scoped3A = tpu.sem_alloc : memref<!tpu.dma_semaphore, #tpu.memory_space<semaphore_mem>>
      %dma_start3A_278 = arith.constant 0 : i32
      %dma_start3A_279 = tpu.memref_slice %arg20[%add3A_118, %dma_start3A_278] : memref<10240x128xf32, #tpu.memory_space<vmem_shared>> -> memref<40x128xf32, #tpu.memory_space<vmem_shared>>
      %dma_start3A_280 = arith.constant 0 : i32
      %dma_start3A_281 = tpu.memref_slice %arg20[%add3A_118, %dma_start3A_280] : memref<10240x128xf32, #tpu.memory_space<vmem_shared>> -> memref<40x128xf32, #tpu.memory_space<vmem_shared>>
      tpu.enqueue_dma source(%arg8 : memref<40x128xf32, #tpu.memory_space<vmem>>) target(%dma_start3A_281 : memref<40x128xf32, #tpu.memory_space<vmem_shared>>) target_semaphore(%run_scoped3A : memref<!tpu.dma_semaphore, #tpu.memory_space<semaphore_mem>>)
      %dma_wait3A_282 = arith.constant 0 : i32
      %dma_wait3A_283 = tpu.memref_slice %arg20[%add3A_118, %dma_wait3A_282] : memref<10240x128xf32, #tpu.memory_space<vmem_shared>> -> memref<40x128xf32, #tpu.memory_space<vmem_shared>>
      %dma_wait3A_284 = arith.constant 0 : i32
      %dma_wait3A_285 = tpu.memref_slice %arg20[%add3A_118, %dma_wait3A_284] : memref<10240x128xf32, #tpu.memory_space<vmem_shared>> -> memref<40x128xf32, #tpu.memory_space<vmem_shared>>
      tpu.wait_dma2 semaphore(%run_scoped3A : memref<!tpu.dma_semaphore, #tpu.memory_space<semaphore_mem>>) src(%arg8 : memref<40x128xf32, #tpu.memory_space<vmem>>) dst(%dma_wait3A_285 : memref<40x128xf32, #tpu.memory_space<vmem_shared>>)
      tpu.yield
    }) : () -> ()
    %mul3A_119 = arith.constant 640 : i32
    %mul3A_120 = arith.muli %arg1, %mul3A_119 : i32
    %add3A_121 = arith.constant 440 : i32
    %add3A_122 = arith.addi %mul3A_120, %add3A_121 : i32
    "tpu.region"() ({
      %run_scoped3A = tpu.sem_alloc : memref<!tpu.dma_semaphore, #tpu.memory_space<semaphore_mem>>
      %dma_start3A_278 = arith.constant 0 : i32
      %dma_start3A_279 = tpu.memref_slice %arg21[%add3A_122, %dma_start3A_278] : memref<10240x8xf32, #tpu.memory_space<vmem_shared>> -> memref<40x8xf32, #tpu.memory_space<vmem_shared>>
      %dma_start3A_280 = arith.constant 0 : i32
      %dma_start3A_281 = tpu.memref_slice %arg21[%add3A_122, %dma_start3A_280] : memref<10240x8xf32, #tpu.memory_space<vmem_shared>> -> memref<40x8xf32, #tpu.memory_space<vmem_shared>>
      tpu.enqueue_dma source(%arg12 : memref<40x8xf32, #tpu.memory_space<vmem>>) target(%dma_start3A_281 : memref<40x8xf32, #tpu.memory_space<vmem_shared>>) target_semaphore(%run_scoped3A : memref<!tpu.dma_semaphore, #tpu.memory_space<semaphore_mem>>)
      %dma_wait3A_282 = arith.constant 0 : i32
      %dma_wait3A_283 = tpu.memref_slice %arg21[%add3A_122, %dma_wait3A_282] : memref<10240x8xf32, #tpu.memory_space<vmem_shared>> -> memref<40x8xf32, #tpu.memory_space<vmem_shared>>
      %dma_wait3A_284 = arith.constant 0 : i32
      %dma_wait3A_285 = tpu.memref_slice %arg21[%add3A_122, %dma_wait3A_284] : memref<10240x8xf32, #tpu.memory_space<vmem_shared>> -> memref<40x8xf32, #tpu.memory_space<vmem_shared>>
      tpu.wait_dma2 semaphore(%run_scoped3A : memref<!tpu.dma_semaphore, #tpu.memory_space<semaphore_mem>>) src(%arg12 : memref<40x8xf32, #tpu.memory_space<vmem>>) dst(%dma_wait3A_285 : memref<40x8xf32, #tpu.memory_space<vmem_shared>>)
      tpu.yield
    }) : () -> ()
    %mul3A_123 = arith.constant 640 : i32
    %mul3A_124 = arith.muli %arg1, %mul3A_123 : i32
    %add3A_125 = arith.constant 480 : i32
    %add3A_126 = arith.addi %mul3A_124, %add3A_125 : i32
    "tpu.region"() ({
      %run_scoped3A = tpu.sem_alloc : memref<!tpu.dma_semaphore, #tpu.memory_space<semaphore_mem>>
      %dma_start3A_278 = arith.constant 0 : i32
      %dma_start3A_279 = tpu.memref_slice %arg20[%add3A_126, %dma_start3A_278] : memref<10240x128xf32, #tpu.memory_space<vmem_shared>> -> memref<40x128xf32, #tpu.memory_space<vmem_shared>>
      %dma_start3A_280 = arith.constant 0 : i32
      %dma_start3A_281 = tpu.memref_slice %arg20[%add3A_126, %dma_start3A_280] : memref<10240x128xf32, #tpu.memory_space<vmem_shared>> -> memref<40x128xf32, #tpu.memory_space<vmem_shared>>
      tpu.enqueue_dma source(%arg8 : memref<40x128xf32, #tpu.memory_space<vmem>>) target(%dma_start3A_281 : memref<40x128xf32, #tpu.memory_space<vmem_shared>>) target_semaphore(%run_scoped3A : memref<!tpu.dma_semaphore, #tpu.memory_space<semaphore_mem>>)
      %dma_wait3A_282 = arith.constant 0 : i32
      %dma_wait3A_283 = tpu.memref_slice %arg20[%add3A_126, %dma_wait3A_282] : memref<10240x128xf32, #tpu.memory_space<vmem_shared>> -> memref<40x128xf32, #tpu.memory_space<vmem_shared>>
      %dma_wait3A_284 = arith.constant 0 : i32
      %dma_wait3A_285 = tpu.memref_slice %arg20[%add3A_126, %dma_wait3A_284] : memref<10240x128xf32, #tpu.memory_space<vmem_shared>> -> memref<40x128xf32, #tpu.memory_space<vmem_shared>>
      tpu.wait_dma2 semaphore(%run_scoped3A : memref<!tpu.dma_semaphore, #tpu.memory_space<semaphore_mem>>) src(%arg8 : memref<40x128xf32, #tpu.memory_space<vmem>>) dst(%dma_wait3A_285 : memref<40x128xf32, #tpu.memory_space<vmem_shared>>)
      tpu.yield
    }) : () -> ()
    %mul3A_127 = arith.constant 640 : i32
    %mul3A_128 = arith.muli %arg1, %mul3A_127 : i32
    %add3A_129 = arith.constant 480 : i32
    %add3A_130 = arith.addi %mul3A_128, %add3A_129 : i32
    "tpu.region"() ({
      %run_scoped3A = tpu.sem_alloc : memref<!tpu.dma_semaphore, #tpu.memory_space<semaphore_mem>>
      %dma_start3A_278 = arith.constant 0 : i32
      %dma_start3A_279 = tpu.memref_slice %arg21[%add3A_130, %dma_start3A_278] : memref<10240x8xf32, #tpu.memory_space<vmem_shared>> -> memref<40x8xf32, #tpu.memory_space<vmem_shared>>
      %dma_start3A_280 = arith.constant 0 : i32
      %dma_start3A_281 = tpu.memref_slice %arg21[%add3A_130, %dma_start3A_280] : memref<10240x8xf32, #tpu.memory_space<vmem_shared>> -> memref<40x8xf32, #tpu.memory_space<vmem_shared>>
      tpu.enqueue_dma source(%arg12 : memref<40x8xf32, #tpu.memory_space<vmem>>) target(%dma_start3A_281 : memref<40x8xf32, #tpu.memory_space<vmem_shared>>) target_semaphore(%run_scoped3A : memref<!tpu.dma_semaphore, #tpu.memory_space<semaphore_mem>>)
      %dma_wait3A_282 = arith.constant 0 : i32
      %dma_wait3A_283 = tpu.memref_slice %arg21[%add3A_130, %dma_wait3A_282] : memref<10240x8xf32, #tpu.memory_space<vmem_shared>> -> memref<40x8xf32, #tpu.memory_space<vmem_shared>>
      %dma_wait3A_284 = arith.constant 0 : i32
      %dma_wait3A_285 = tpu.memref_slice %arg21[%add3A_130, %dma_wait3A_284] : memref<10240x8xf32, #tpu.memory_space<vmem_shared>> -> memref<40x8xf32, #tpu.memory_space<vmem_shared>>
      tpu.wait_dma2 semaphore(%run_scoped3A : memref<!tpu.dma_semaphore, #tpu.memory_space<semaphore_mem>>) src(%arg12 : memref<40x8xf32, #tpu.memory_space<vmem>>) dst(%dma_wait3A_285 : memref<40x8xf32, #tpu.memory_space<vmem_shared>>)
      tpu.yield
    }) : () -> ()
    %mul3A_131 = arith.constant 640 : i32
    %mul3A_132 = arith.muli %arg1, %mul3A_131 : i32
    %add3A_133 = arith.constant 520 : i32
    %add3A_134 = arith.addi %mul3A_132, %add3A_133 : i32
    "tpu.region"() ({
      %run_scoped3A = tpu.sem_alloc : memref<!tpu.dma_semaphore, #tpu.memory_space<semaphore_mem>>
      %dma_start3A_278 = arith.constant 0 : i32
      %dma_start3A_279 = tpu.memref_slice %arg20[%add3A_134, %dma_start3A_278] : memref<10240x128xf32, #tpu.memory_space<vmem_shared>> -> memref<40x128xf32, #tpu.memory_space<vmem_shared>>
      %dma_start3A_280 = arith.constant 0 : i32
      %dma_start3A_281 = tpu.memref_slice %arg20[%add3A_134, %dma_start3A_280] : memref<10240x128xf32, #tpu.memory_space<vmem_shared>> -> memref<40x128xf32, #tpu.memory_space<vmem_shared>>
      tpu.enqueue_dma source(%arg8 : memref<40x128xf32, #tpu.memory_space<vmem>>) target(%dma_start3A_281 : memref<40x128xf32, #tpu.memory_space<vmem_shared>>) target_semaphore(%run_scoped3A : memref<!tpu.dma_semaphore, #tpu.memory_space<semaphore_mem>>)
      %dma_wait3A_282 = arith.constant 0 : i32
      %dma_wait3A_283 = tpu.memref_slice %arg20[%add3A_134, %dma_wait3A_282] : memref<10240x128xf32, #tpu.memory_space<vmem_shared>> -> memref<40x128xf32, #tpu.memory_space<vmem_shared>>
      %dma_wait3A_284 = arith.constant 0 : i32
      %dma_wait3A_285 = tpu.memref_slice %arg20[%add3A_134, %dma_wait3A_284] : memref<10240x128xf32, #tpu.memory_space<vmem_shared>> -> memref<40x128xf32, #tpu.memory_space<vmem_shared>>
      tpu.wait_dma2 semaphore(%run_scoped3A : memref<!tpu.dma_semaphore, #tpu.memory_space<semaphore_mem>>) src(%arg8 : memref<40x128xf32, #tpu.memory_space<vmem>>) dst(%dma_wait3A_285 : memref<40x128xf32, #tpu.memory_space<vmem_shared>>)
      tpu.yield
    }) : () -> ()
    %mul3A_135 = arith.constant 640 : i32
    %mul3A_136 = arith.muli %arg1, %mul3A_135 : i32
    %add3A_137 = arith.constant 520 : i32
    %add3A_138 = arith.addi %mul3A_136, %add3A_137 : i32
    "tpu.region"() ({
      %run_scoped3A = tpu.sem_alloc : memref<!tpu.dma_semaphore, #tpu.memory_space<semaphore_mem>>
      %dma_start3A_278 = arith.constant 0 : i32
      %dma_start3A_279 = tpu.memref_slice %arg21[%add3A_138, %dma_start3A_278] : memref<10240x8xf32, #tpu.memory_space<vmem_shared>> -> memref<40x8xf32, #tpu.memory_space<vmem_shared>>
      %dma_start3A_280 = arith.constant 0 : i32
      %dma_start3A_281 = tpu.memref_slice %arg21[%add3A_138, %dma_start3A_280] : memref<10240x8xf32, #tpu.memory_space<vmem_shared>> -> memref<40x8xf32, #tpu.memory_space<vmem_shared>>
      tpu.enqueue_dma source(%arg12 : memref<40x8xf32, #tpu.memory_space<vmem>>) target(%dma_start3A_281 : memref<40x8xf32, #tpu.memory_space<vmem_shared>>) target_semaphore(%run_scoped3A : memref<!tpu.dma_semaphore, #tpu.memory_space<semaphore_mem>>)
      %dma_wait3A_282 = arith.constant 0 : i32
      %dma_wait3A_283 = tpu.memref_slice %arg21[%add3A_138, %dma_wait3A_282] : memref<10240x8xf32, #tpu.memory_space<vmem_shared>> -> memref<40x8xf32, #tpu.memory_space<vmem_shared>>
      %dma_wait3A_284 = arith.constant 0 : i32
      %dma_wait3A_285 = tpu.memref_slice %arg21[%add3A_138, %dma_wait3A_284] : memref<10240x8xf32, #tpu.memory_space<vmem_shared>> -> memref<40x8xf32, #tpu.memory_space<vmem_shared>>
      tpu.wait_dma2 semaphore(%run_scoped3A : memref<!tpu.dma_semaphore, #tpu.memory_space<semaphore_mem>>) src(%arg12 : memref<40x8xf32, #tpu.memory_space<vmem>>) dst(%dma_wait3A_285 : memref<40x8xf32, #tpu.memory_space<vmem_shared>>)
      tpu.yield
    }) : () -> ()
    %mul3A_139 = arith.constant 640 : i32
    %mul3A_140 = arith.muli %arg1, %mul3A_139 : i32
    %add3A_141 = arith.constant 560 : i32
    %add3A_142 = arith.addi %mul3A_140, %add3A_141 : i32
    "tpu.region"() ({
      %run_scoped3A = tpu.sem_alloc : memref<!tpu.dma_semaphore, #tpu.memory_space<semaphore_mem>>
      %dma_start3A_278 = arith.constant 0 : i32
      %dma_start3A_279 = tpu.memref_slice %arg20[%add3A_142, %dma_start3A_278] : memref<10240x128xf32, #tpu.memory_space<vmem_shared>> -> memref<40x128xf32, #tpu.memory_space<vmem_shared>>
      %dma_start3A_280 = arith.constant 0 : i32
      %dma_start3A_281 = tpu.memref_slice %arg20[%add3A_142, %dma_start3A_280] : memref<10240x128xf32, #tpu.memory_space<vmem_shared>> -> memref<40x128xf32, #tpu.memory_space<vmem_shared>>
      tpu.enqueue_dma source(%arg8 : memref<40x128xf32, #tpu.memory_space<vmem>>) target(%dma_start3A_281 : memref<40x128xf32, #tpu.memory_space<vmem_shared>>) target_semaphore(%run_scoped3A : memref<!tpu.dma_semaphore, #tpu.memory_space<semaphore_mem>>)
      %dma_wait3A_282 = arith.constant 0 : i32
      %dma_wait3A_283 = tpu.memref_slice %arg20[%add3A_142, %dma_wait3A_282] : memref<10240x128xf32, #tpu.memory_space<vmem_shared>> -> memref<40x128xf32, #tpu.memory_space<vmem_shared>>
      %dma_wait3A_284 = arith.constant 0 : i32
      %dma_wait3A_285 = tpu.memref_slice %arg20[%add3A_142, %dma_wait3A_284] : memref<10240x128xf32, #tpu.memory_space<vmem_shared>> -> memref<40x128xf32, #tpu.memory_space<vmem_shared>>
      tpu.wait_dma2 semaphore(%run_scoped3A : memref<!tpu.dma_semaphore, #tpu.memory_space<semaphore_mem>>) src(%arg8 : memref<40x128xf32, #tpu.memory_space<vmem>>) dst(%dma_wait3A_285 : memref<40x128xf32, #tpu.memory_space<vmem_shared>>)
      tpu.yield
    }) : () -> ()
    %mul3A_143 = arith.constant 640 : i32
    %mul3A_144 = arith.muli %arg1, %mul3A_143 : i32
    %add3A_145 = arith.constant 560 : i32
    %add3A_146 = arith.addi %mul3A_144, %add3A_145 : i32
    "tpu.region"() ({
      %run_scoped3A = tpu.sem_alloc : memref<!tpu.dma_semaphore, #tpu.memory_space<semaphore_mem>>
      %dma_start3A_278 = arith.constant 0 : i32
      %dma_start3A_279 = tpu.memref_slice %arg21[%add3A_146, %dma_start3A_278] : memref<10240x8xf32, #tpu.memory_space<vmem_shared>> -> memref<40x8xf32, #tpu.memory_space<vmem_shared>>
      %dma_start3A_280 = arith.constant 0 : i32
      %dma_start3A_281 = tpu.memref_slice %arg21[%add3A_146, %dma_start3A_280] : memref<10240x8xf32, #tpu.memory_space<vmem_shared>> -> memref<40x8xf32, #tpu.memory_space<vmem_shared>>
      tpu.enqueue_dma source(%arg12 : memref<40x8xf32, #tpu.memory_space<vmem>>) target(%dma_start3A_281 : memref<40x8xf32, #tpu.memory_space<vmem_shared>>) target_semaphore(%run_scoped3A : memref<!tpu.dma_semaphore, #tpu.memory_space<semaphore_mem>>)
      %dma_wait3A_282 = arith.constant 0 : i32
      %dma_wait3A_283 = tpu.memref_slice %arg21[%add3A_146, %dma_wait3A_282] : memref<10240x8xf32, #tpu.memory_space<vmem_shared>> -> memref<40x8xf32, #tpu.memory_space<vmem_shared>>
      %dma_wait3A_284 = arith.constant 0 : i32
      %dma_wait3A_285 = tpu.memref_slice %arg21[%add3A_146, %dma_wait3A_284] : memref<10240x8xf32, #tpu.memory_space<vmem_shared>> -> memref<40x8xf32, #tpu.memory_space<vmem_shared>>
      tpu.wait_dma2 semaphore(%run_scoped3A : memref<!tpu.dma_semaphore, #tpu.memory_space<semaphore_mem>>) src(%arg12 : memref<40x8xf32, #tpu.memory_space<vmem>>) dst(%dma_wait3A_285 : memref<40x8xf32, #tpu.memory_space<vmem_shared>>)
      tpu.yield
    }) : () -> ()
    %mul3A_147 = arith.constant 640 : i32
    %mul3A_148 = arith.muli %arg1, %mul3A_147 : i32
    %add3A_149 = arith.constant 600 : i32
    %add3A_150 = arith.addi %mul3A_148, %add3A_149 : i32
    "tpu.region"() ({
      %run_scoped3A = tpu.sem_alloc : memref<!tpu.dma_semaphore, #tpu.memory_space<semaphore_mem>>
      %dma_start3A_278 = arith.constant 0 : i32
      %dma_start3A_279 = tpu.memref_slice %arg20[%add3A_150, %dma_start3A_278] : memref<10240x128xf32, #tpu.memory_space<vmem_shared>> -> memref<40x128xf32, #tpu.memory_space<vmem_shared>>
      %dma_start3A_280 = arith.constant 0 : i32
      %dma_start3A_281 = tpu.memref_slice %arg20[%add3A_150, %dma_start3A_280] : memref<10240x128xf32, #tpu.memory_space<vmem_shared>> -> memref<40x128xf32, #tpu.memory_space<vmem_shared>>
      tpu.enqueue_dma source(%arg8 : memref<40x128xf32, #tpu.memory_space<vmem>>) target(%dma_start3A_281 : memref<40x128xf32, #tpu.memory_space<vmem_shared>>) target_semaphore(%run_scoped3A : memref<!tpu.dma_semaphore, #tpu.memory_space<semaphore_mem>>)
      %dma_wait3A_282 = arith.constant 0 : i32
      %dma_wait3A_283 = tpu.memref_slice %arg20[%add3A_150, %dma_wait3A_282] : memref<10240x128xf32, #tpu.memory_space<vmem_shared>> -> memref<40x128xf32, #tpu.memory_space<vmem_shared>>
      %dma_wait3A_284 = arith.constant 0 : i32
      %dma_wait3A_285 = tpu.memref_slice %arg20[%add3A_150, %dma_wait3A_284] : memref<10240x128xf32, #tpu.memory_space<vmem_shared>> -> memref<40x128xf32, #tpu.memory_space<vmem_shared>>
      tpu.wait_dma2 semaphore(%run_scoped3A : memref<!tpu.dma_semaphore, #tpu.memory_space<semaphore_mem>>) src(%arg8 : memref<40x128xf32, #tpu.memory_space<vmem>>) dst(%dma_wait3A_285 : memref<40x128xf32, #tpu.memory_space<vmem_shared>>)
      tpu.yield
    }) : () -> ()
    %mul3A_151 = arith.constant 640 : i32
    %mul3A_152 = arith.muli %arg1, %mul3A_151 : i32
    %add3A_153 = arith.constant 600 : i32
    %add3A_154 = arith.addi %mul3A_152, %add3A_153 : i32
    "tpu.region"() ({
      %run_scoped3A = tpu.sem_alloc : memref<!tpu.dma_semaphore, #tpu.memory_space<semaphore_mem>>
      %dma_start3A_278 = arith.constant 0 : i32
      %dma_start3A_279 = tpu.memref_slice %arg21[%add3A_154, %dma_start3A_278] : memref<10240x8xf32, #tpu.memory_space<vmem_shared>> -> memref<40x8xf32, #tpu.memory_space<vmem_shared>>
      %dma_start3A_280 = arith.constant 0 : i32
      %dma_start3A_281 = tpu.memref_slice %arg21[%add3A_154, %dma_start3A_280] : memref<10240x8xf32, #tpu.memory_space<vmem_shared>> -> memref<40x8xf32, #tpu.memory_space<vmem_shared>>
      tpu.enqueue_dma source(%arg12 : memref<40x8xf32, #tpu.memory_space<vmem>>) target(%dma_start3A_281 : memref<40x8xf32, #tpu.memory_space<vmem_shared>>) target_semaphore(%run_scoped3A : memref<!tpu.dma_semaphore, #tpu.memory_space<semaphore_mem>>)
      %dma_wait3A_282 = arith.constant 0 : i32
      %dma_wait3A_283 = tpu.memref_slice %arg21[%add3A_154, %dma_wait3A_282] : memref<10240x8xf32, #tpu.memory_space<vmem_shared>> -> memref<40x8xf32, #tpu.memory_space<vmem_shared>>
      %dma_wait3A_284 = arith.constant 0 : i32
      %dma_wait3A_285 = tpu.memref_slice %arg21[%add3A_154, %dma_wait3A_284] : memref<10240x8xf32, #tpu.memory_space<vmem_shared>> -> memref<40x8xf32, #tpu.memory_space<vmem_shared>>
      tpu.wait_dma2 semaphore(%run_scoped3A : memref<!tpu.dma_semaphore, #tpu.memory_space<semaphore_mem>>) src(%arg12 : memref<40x8xf32, #tpu.memory_space<vmem>>) dst(%dma_wait3A_285 : memref<40x8xf32, #tpu.memory_space<vmem_shared>>)
      tpu.yield
    }) : () -> ()
    %dma_wait3A = arith.constant 0 : i32
    %dma_wait3A_155 = arith.constant 0 : i32
    %dma_wait3A_156 = tpu.memref_slice %arg2[%dma_wait3A, %mul3A_4, %dma_wait3A_155] : memref<2x8000x40xi32, #tpu.memory_space<hbm>> -> memref<1x250x40xi32, #tpu.memory_space<hbm>>
    %dma_wait3A_157 = tpu.memref_squeeze %dma_wait3A_156 : memref<1x250x40xi32, #tpu.memory_space<hbm>> -> memref<250x40xi32, #tpu.memory_space<hbm>>
    %dma_wait3A_158 = arith.constant 0 : i32
    %dma_wait3A_159 = tpu.memref_slice %arg2[%dma_wait3A, %mul3A_4, %dma_wait3A_158] : memref<2x8000x40xi32, #tpu.memory_space<hbm>> -> memref<1x250x40xi32, #tpu.memory_space<hbm>>
    %dma_wait3A_160 = tpu.memref_squeeze %dma_wait3A_159 : memref<1x250x40xi32, #tpu.memory_space<hbm>> -> memref<250x40xi32, #tpu.memory_space<hbm>>
    tpu.wait_dma2 semaphore(%arg13 : memref<!tpu.dma_semaphore, #tpu.memory_space<semaphore_mem>>) src(%dma_wait3A_160 : memref<250x40xi32, #tpu.memory_space<hbm>>) dst(%arg6 : memref<250x40xi32, #tpu.memory_space<vmem>>)
    %dma_wait3A_161 = arith.constant 1 : i32
    %dma_wait3A_162 = arith.constant 0 : i32
    %dma_wait3A_163 = tpu.memref_slice %arg2[%dma_wait3A_161, %mul3A_4, %dma_wait3A_162] : memref<2x8000x40xi32, #tpu.memory_space<hbm>> -> memref<1x250x40xi32, #tpu.memory_space<hbm>>
    %dma_wait3A_164 = tpu.memref_squeeze %dma_wait3A_163 : memref<1x250x40xi32, #tpu.memory_space<hbm>> -> memref<250x40xi32, #tpu.memory_space<hbm>>
    %dma_wait3A_165 = arith.constant 0 : i32
    %dma_wait3A_166 = tpu.memref_slice %arg2[%dma_wait3A_161, %mul3A_4, %dma_wait3A_165] : memref<2x8000x40xi32, #tpu.memory_space<hbm>> -> memref<1x250x40xi32, #tpu.memory_space<hbm>>
    %dma_wait3A_167 = tpu.memref_squeeze %dma_wait3A_166 : memref<1x250x40xi32, #tpu.memory_space<hbm>> -> memref<250x40xi32, #tpu.memory_space<hbm>>
    tpu.wait_dma2 semaphore(%arg14 : memref<!tpu.dma_semaphore, #tpu.memory_space<semaphore_mem>>) src(%dma_wait3A_167 : memref<250x40xi32, #tpu.memory_space<hbm>>) dst(%arg7 : memref<250x40xi32, #tpu.memory_space<vmem>>)
    %barrier3A = arith.constant 0 : index
    tpu.barrier barrier_id(%barrier3A)
    %scan3A_168 = arith.constant 0 : i32
    %scan3A_169 = arith.constant 83 : i32
    %scan3A_170 = arith.addi %scan3A_168, %scan3A_169 : i32
    %scan3A_171 = arith.constant 1 : i32
    scf.for %scan3A_278 = %scan3A_168 to %scan3A_170 step %scan3A_171  : i32 {
      %mul3A_279 = arith.constant 1 : i32
      %mul3A_280 = arith.muli %scan3A_278, %mul3A_279 : i32
      %add3A_281 = arith.constant 0 : i32
      %add3A_282 = arith.addi %add3A_281, %mul3A_280 : i32
      %mul3A_283 = arith.constant 3 : i32
      %mul3A_284 = arith.muli %mul3A_283, %add3A_282 : i32
      %gt3A = arith.constant 0 : i32
      %gt3A_285 = arith.cmpi sgt, %add3A_282, %gt3A : i32
      %convert_element_type3A = arith.extui %gt3A_285 : i1 to i32
      %cond3A = arith.constant 0 : i32
      %cond3A_286 = arith.cmpi ne, %convert_element_type3A, %cond3A : i32
      scf.if %cond3A_286 {
        %add3A_387 = arith.constant 0 : i32
        %add3A_388 = arith.addi %mul3A_284, %add3A_387 : i32
        %sub3A = arith.constant 3 : i32
        %sub3A_389 = arith.subi %add3A_388, %sub3A : i32
        %dma_wait3A_390 = arith.constant 0 : i32
        %dma_wait3A_391 = tpu.memref_slice %arg7[%sub3A_389, %dma_wait3A_390] : memref<250x40xi32, #tpu.memory_space<vmem>> -> memref<1x40xi32, #tpu.memory_space<vmem>>
        %dma_wait3A_392 = tpu.memref_squeeze %dma_wait3A_391 : memref<1x40xi32, #tpu.memory_space<vmem>> -> memref<40xi32, #tpu.memory_space<vmem>>
        %dma_wait3A_393 = arith.constant 0 : i32
        %dma_wait3A_394 = arith.constant 0 : i32
        %dma_wait3A_395 = tpu.memref_slice %arg20[%dma_wait3A_393, %dma_wait3A_394] : memref<10240x128xf32, #tpu.memory_space<vmem_shared>> -> memref<10240x128xf32, #tpu.memory_space<vmem_shared>>
        tpu.wait_indirect_dma semaphore(%arg16 : memref<!tpu.dma_semaphore, #tpu.memory_space<semaphore_mem>>) src(%arg8 : memref<40x128xf32, #tpu.memory_space<vmem>>) dst(%dma_wait3A_395 : memref<10240x128xf32, #tpu.memory_space<vmem_shared>>)
        %dma_wait3A_396 = arith.constant 0 : i32
        %dma_wait3A_397 = tpu.memref_slice %arg7[%sub3A_389, %dma_wait3A_396] : memref<250x40xi32, #tpu.memory_space<vmem>> -> memref<1x40xi32, #tpu.memory_space<vmem>>
        %dma_wait3A_398 = tpu.memref_squeeze %dma_wait3A_397 : memref<1x40xi32, #tpu.memory_space<vmem>> -> memref<40xi32, #tpu.memory_space<vmem>>
        %dma_wait3A_399 = arith.constant 0 : i32
        %dma_wait3A_400 = arith.constant 0 : i32
        %dma_wait3A_401 = tpu.memref_slice %arg21[%dma_wait3A_399, %dma_wait3A_400] : memref<10240x8xf32, #tpu.memory_space<vmem_shared>> -> memref<10240x8xf32, #tpu.memory_space<vmem_shared>>
        tpu.wait_indirect_dma semaphore(%arg19 : memref<!tpu.dma_semaphore, #tpu.memory_space<semaphore_mem>>) src(%arg11 : memref<40x8xf32, #tpu.memory_space<vmem>>) dst(%dma_wait3A_401 : memref<10240x8xf32, #tpu.memory_space<vmem_shared>>)
      } else {
      }
      %add3A_287 = arith.constant 0 : i32
      %add3A_288 = arith.addi %mul3A_284, %add3A_287 : i32
      %dma_start3A_289 = arith.constant 0 : i32
      %dma_start3A_290 = tpu.memref_slice %arg6[%add3A_288, %dma_start3A_289] : memref<250x40xi32, #tpu.memory_space<vmem>> -> memref<1x40xi32, #tpu.memory_space<vmem>>
      %dma_start3A_291 = tpu.memref_squeeze %dma_start3A_290 : memref<1x40xi32, #tpu.memory_space<vmem>> -> memref<40xi32, #tpu.memory_space<vmem>>
      %dma_start3A_292 = arith.constant 0 : i32
      %dma_start3A_293 = arith.constant 0 : i32
      %dma_start3A_294 = tpu.memref_slice %arg3[%dma_start3A_292, %dma_start3A_293] : memref<10000x128xf32, #tpu.memory_space<hbm>> -> memref<10000x128xf32, #tpu.memory_space<hbm>>
      tpu.enqueue_indirect_dma source(%dma_start3A_294 : memref<10000x128xf32, #tpu.memory_space<hbm>>) target(%arg8 : memref<40x128xf32, #tpu.memory_space<vmem>>) offsets(%dma_start3A_291 : memref<40xi32, #tpu.memory_space<vmem>>) semaphore(%arg13 : memref<!tpu.dma_semaphore, #tpu.memory_space<semaphore_mem>>)
      %gt3A_295 = arith.constant 0 : i32
      %gt3A_296 = arith.cmpi sgt, %add3A_282, %gt3A_295 : i32
      %convert_element_type3A_297 = arith.extui %gt3A_296 : i1 to i32
      %cond3A_298 = arith.constant 0 : i32
      %cond3A_299 = arith.cmpi ne, %convert_element_type3A_297, %cond3A_298 : i32
      scf.if %cond3A_299 {
        %add3A_387 = arith.constant 1 : i32
        %add3A_388 = arith.addi %mul3A_284, %add3A_387 : i32
        %sub3A = arith.constant 3 : i32
        %sub3A_389 = arith.subi %add3A_388, %sub3A : i32
        %dma_wait3A_390 = arith.constant 0 : i32
        %dma_wait3A_391 = tpu.memref_slice %arg7[%sub3A_389, %dma_wait3A_390] : memref<250x40xi32, #tpu.memory_space<vmem>> -> memref<1x40xi32, #tpu.memory_space<vmem>>
        %dma_wait3A_392 = tpu.memref_squeeze %dma_wait3A_391 : memref<1x40xi32, #tpu.memory_space<vmem>> -> memref<40xi32, #tpu.memory_space<vmem>>
        %dma_wait3A_393 = arith.constant 0 : i32
        %dma_wait3A_394 = arith.constant 0 : i32
        %dma_wait3A_395 = tpu.memref_slice %arg20[%dma_wait3A_393, %dma_wait3A_394] : memref<10240x128xf32, #tpu.memory_space<vmem_shared>> -> memref<10240x128xf32, #tpu.memory_space<vmem_shared>>
        tpu.wait_indirect_dma semaphore(%arg17 : memref<!tpu.dma_semaphore, #tpu.memory_space<semaphore_mem>>) src(%arg9 : memref<40x128xf32, #tpu.memory_space<vmem>>) dst(%dma_wait3A_395 : memref<10240x128xf32, #tpu.memory_space<vmem_shared>>)
        %dma_wait3A_396 = arith.constant 0 : i32
        %dma_wait3A_397 = tpu.memref_slice %arg7[%sub3A_389, %dma_wait3A_396] : memref<250x40xi32, #tpu.memory_space<vmem>> -> memref<1x40xi32, #tpu.memory_space<vmem>>
        %dma_wait3A_398 = tpu.memref_squeeze %dma_wait3A_397 : memref<1x40xi32, #tpu.memory_space<vmem>> -> memref<40xi32, #tpu.memory_space<vmem>>
        %dma_wait3A_399 = arith.constant 0 : i32
        %dma_wait3A_400 = arith.constant 0 : i32
        %dma_wait3A_401 = tpu.memref_slice %arg21[%dma_wait3A_399, %dma_wait3A_400] : memref<10240x8xf32, #tpu.memory_space<vmem_shared>> -> memref<10240x8xf32, #tpu.memory_space<vmem_shared>>
        tpu.wait_indirect_dma semaphore(%arg19 : memref<!tpu.dma_semaphore, #tpu.memory_space<semaphore_mem>>) src(%arg11 : memref<40x8xf32, #tpu.memory_space<vmem>>) dst(%dma_wait3A_401 : memref<10240x8xf32, #tpu.memory_space<vmem_shared>>)
      } else {
      }
      %add3A_300 = arith.constant 1 : i32
      %add3A_301 = arith.addi %mul3A_284, %add3A_300 : i32
      %dma_start3A_302 = arith.constant 0 : i32
      %dma_start3A_303 = tpu.memref_slice %arg6[%add3A_301, %dma_start3A_302] : memref<250x40xi32, #tpu.memory_space<vmem>> -> memref<1x40xi32, #tpu.memory_space<vmem>>
      %dma_start3A_304 = tpu.memref_squeeze %dma_start3A_303 : memref<1x40xi32, #tpu.memory_space<vmem>> -> memref<40xi32, #tpu.memory_space<vmem>>
      %dma_start3A_305 = arith.constant 0 : i32
      %dma_start3A_306 = arith.constant 0 : i32
      %dma_start3A_307 = tpu.memref_slice %arg3[%dma_start3A_305, %dma_start3A_306] : memref<10000x128xf32, #tpu.memory_space<hbm>> -> memref<10000x128xf32, #tpu.memory_space<hbm>>
      tpu.enqueue_indirect_dma source(%dma_start3A_307 : memref<10000x128xf32, #tpu.memory_space<hbm>>) target(%arg9 : memref<40x128xf32, #tpu.memory_space<vmem>>) offsets(%dma_start3A_304 : memref<40xi32, #tpu.memory_space<vmem>>) semaphore(%arg14 : memref<!tpu.dma_semaphore, #tpu.memory_space<semaphore_mem>>)
      %gt3A_308 = arith.constant 0 : i32
      %gt3A_309 = arith.cmpi sgt, %add3A_282, %gt3A_308 : i32
      %convert_element_type3A_310 = arith.extui %gt3A_309 : i1 to i32
      %cond3A_311 = arith.constant 0 : i32
      %cond3A_312 = arith.cmpi ne, %convert_element_type3A_310, %cond3A_311 : i32
      scf.if %cond3A_312 {
        %add3A_387 = arith.constant 2 : i32
        %add3A_388 = arith.addi %mul3A_284, %add3A_387 : i32
        %sub3A = arith.constant 3 : i32
        %sub3A_389 = arith.subi %add3A_388, %sub3A : i32
        %dma_wait3A_390 = arith.constant 0 : i32
        %dma_wait3A_391 = tpu.memref_slice %arg7[%sub3A_389, %dma_wait3A_390] : memref<250x40xi32, #tpu.memory_space<vmem>> -> memref<1x40xi32, #tpu.memory_space<vmem>>
        %dma_wait3A_392 = tpu.memref_squeeze %dma_wait3A_391 : memref<1x40xi32, #tpu.memory_space<vmem>> -> memref<40xi32, #tpu.memory_space<vmem>>
        %dma_wait3A_393 = arith.constant 0 : i32
        %dma_wait3A_394 = arith.constant 0 : i32
        %dma_wait3A_395 = tpu.memref_slice %arg20[%dma_wait3A_393, %dma_wait3A_394] : memref<10240x128xf32, #tpu.memory_space<vmem_shared>> -> memref<10240x128xf32, #tpu.memory_space<vmem_shared>>
        tpu.wait_indirect_dma semaphore(%arg18 : memref<!tpu.dma_semaphore, #tpu.memory_space<semaphore_mem>>) src(%arg10 : memref<40x128xf32, #tpu.memory_space<vmem>>) dst(%dma_wait3A_395 : memref<10240x128xf32, #tpu.memory_space<vmem_shared>>)
        %dma_wait3A_396 = arith.constant 0 : i32
        %dma_wait3A_397 = tpu.memref_slice %arg7[%sub3A_389, %dma_wait3A_396] : memref<250x40xi32, #tpu.memory_space<vmem>> -> memref<1x40xi32, #tpu.memory_space<vmem>>
        %dma_wait3A_398 = tpu.memref_squeeze %dma_wait3A_397 : memref<1x40xi32, #tpu.memory_space<vmem>> -> memref<40xi32, #tpu.memory_space<vmem>>
        %dma_wait3A_399 = arith.constant 0 : i32
        %dma_wait3A_400 = arith.constant 0 : i32
        %dma_wait3A_401 = tpu.memref_slice %arg21[%dma_wait3A_399, %dma_wait3A_400] : memref<10240x8xf32, #tpu.memory_space<vmem_shared>> -> memref<10240x8xf32, #tpu.memory_space<vmem_shared>>
        tpu.wait_indirect_dma semaphore(%arg19 : memref<!tpu.dma_semaphore, #tpu.memory_space<semaphore_mem>>) src(%arg11 : memref<40x8xf32, #tpu.memory_space<vmem>>) dst(%dma_wait3A_401 : memref<10240x8xf32, #tpu.memory_space<vmem_shared>>)
      } else {
      }
      %add3A_313 = arith.constant 2 : i32
      %add3A_314 = arith.addi %mul3A_284, %add3A_313 : i32
      %dma_start3A_315 = arith.constant 0 : i32
      %dma_start3A_316 = tpu.memref_slice %arg6[%add3A_314, %dma_start3A_315] : memref<250x40xi32, #tpu.memory_space<vmem>> -> memref<1x40xi32, #tpu.memory_space<vmem>>
      %dma_start3A_317 = tpu.memref_squeeze %dma_start3A_316 : memref<1x40xi32, #tpu.memory_space<vmem>> -> memref<40xi32, #tpu.memory_space<vmem>>
      %dma_start3A_318 = arith.constant 0 : i32
      %dma_start3A_319 = arith.constant 0 : i32
      %dma_start3A_320 = tpu.memref_slice %arg3[%dma_start3A_318, %dma_start3A_319] : memref<10000x128xf32, #tpu.memory_space<hbm>> -> memref<10000x128xf32, #tpu.memory_space<hbm>>
      tpu.enqueue_indirect_dma source(%dma_start3A_320 : memref<10000x128xf32, #tpu.memory_space<hbm>>) target(%arg10 : memref<40x128xf32, #tpu.memory_space<vmem>>) offsets(%dma_start3A_317 : memref<40xi32, #tpu.memory_space<vmem>>) semaphore(%arg15 : memref<!tpu.dma_semaphore, #tpu.memory_space<semaphore_mem>>)
      %add3A_321 = arith.constant 0 : i32
      %add3A_322 = arith.addi %mul3A_284, %add3A_321 : i32
      %dma_wait3A_323 = arith.constant 0 : i32
      %dma_wait3A_324 = tpu.memref_slice %arg6[%add3A_322, %dma_wait3A_323] : memref<250x40xi32, #tpu.memory_space<vmem>> -> memref<1x40xi32, #tpu.memory_space<vmem>>
      %dma_wait3A_325 = tpu.memref_squeeze %dma_wait3A_324 : memref<1x40xi32, #tpu.memory_space<vmem>> -> memref<40xi32, #tpu.memory_space<vmem>>
      %dma_wait3A_326 = arith.constant 0 : i32
      %dma_wait3A_327 = arith.constant 0 : i32
      %dma_wait3A_328 = tpu.memref_slice %arg3[%dma_wait3A_326, %dma_wait3A_327] : memref<10000x128xf32, #tpu.memory_space<hbm>> -> memref<10000x128xf32, #tpu.memory_space<hbm>>
      tpu.wait_indirect_dma semaphore(%arg13 : memref<!tpu.dma_semaphore, #tpu.memory_space<semaphore_mem>>) src(%dma_wait3A_328 : memref<10000x128xf32, #tpu.memory_space<hbm>>) dst(%arg8 : memref<40x128xf32, #tpu.memory_space<vmem>>)
      %add3A_329 = arith.constant 0 : i32
      %add3A_330 = arith.addi %mul3A_284, %add3A_329 : i32
      %dma_start3A_331 = arith.constant 0 : i32
      %dma_start3A_332 = tpu.memref_slice %arg7[%add3A_330, %dma_start3A_331] : memref<250x40xi32, #tpu.memory_space<vmem>> -> memref<1x40xi32, #tpu.memory_space<vmem>>
      %dma_start3A_333 = tpu.memref_squeeze %dma_start3A_332 : memref<1x40xi32, #tpu.memory_space<vmem>> -> memref<40xi32, #tpu.memory_space<vmem>>
      %dma_start3A_334 = arith.constant 0 : i32
      %dma_start3A_335 = arith.constant 0 : i32
      %dma_start3A_336 = tpu.memref_slice %arg20[%dma_start3A_334, %dma_start3A_335] : memref<10240x128xf32, #tpu.memory_space<vmem_shared>> -> memref<10240x128xf32, #tpu.memory_space<vmem_shared>>
      tpu.enqueue_indirect_dma source(%arg8 : memref<40x128xf32, #tpu.memory_space<vmem>>) target(%dma_start3A_336 : memref<10240x128xf32, #tpu.memory_space<vmem_shared>>) offsets(%dma_start3A_333 : memref<40xi32, #tpu.memory_space<vmem>>) semaphore(%arg16 : memref<!tpu.dma_semaphore, #tpu.memory_space<semaphore_mem>>) {add = true}
      %dma_start3A_337 = arith.constant 0 : i32
      %dma_start3A_338 = tpu.memref_slice %arg7[%add3A_330, %dma_start3A_337] : memref<250x40xi32, #tpu.memory_space<vmem>> -> memref<1x40xi32, #tpu.memory_space<vmem>>
      %dma_start3A_339 = tpu.memref_squeeze %dma_start3A_338 : memref<1x40xi32, #tpu.memory_space<vmem>> -> memref<40xi32, #tpu.memory_space<vmem>>
      %dma_start3A_340 = arith.constant 0 : i32
      %dma_start3A_341 = arith.constant 0 : i32
      %dma_start3A_342 = tpu.memref_slice %arg21[%dma_start3A_340, %dma_start3A_341] : memref<10240x8xf32, #tpu.memory_space<vmem_shared>> -> memref<10240x8xf32, #tpu.memory_space<vmem_shared>>
      tpu.enqueue_indirect_dma source(%arg11 : memref<40x8xf32, #tpu.memory_space<vmem>>) target(%dma_start3A_342 : memref<10240x8xf32, #tpu.memory_space<vmem_shared>>) offsets(%dma_start3A_339 : memref<40xi32, #tpu.memory_space<vmem>>) semaphore(%arg19 : memref<!tpu.dma_semaphore, #tpu.memory_space<semaphore_mem>>) {add = true}
      %add3A_343 = arith.constant 1 : i32
      %add3A_344 = arith.addi %mul3A_284, %add3A_343 : i32
      %dma_wait3A_345 = arith.constant 0 : i32
      %dma_wait3A_346 = tpu.memref_slice %arg6[%add3A_344, %dma_wait3A_345] : memref<250x40xi32, #tpu.memory_space<vmem>> -> memref<1x40xi32, #tpu.memory_space<vmem>>
      %dma_wait3A_347 = tpu.memref_squeeze %dma_wait3A_346 : memref<1x40xi32, #tpu.memory_space<vmem>> -> memref<40xi32, #tpu.memory_space<vmem>>
      %dma_wait3A_348 = arith.constant 0 : i32
      %dma_wait3A_349 = arith.constant 0 : i32
      %dma_wait3A_350 = tpu.memref_slice %arg3[%dma_wait3A_348, %dma_wait3A_349] : memref<10000x128xf32, #tpu.memory_space<hbm>> -> memref<10000x128xf32, #tpu.memory_space<hbm>>
      tpu.wait_indirect_dma semaphore(%arg14 : memref<!tpu.dma_semaphore, #tpu.memory_space<semaphore_mem>>) src(%dma_wait3A_350 : memref<10000x128xf32, #tpu.memory_space<hbm>>) dst(%arg9 : memref<40x128xf32, #tpu.memory_space<vmem>>)
      %add3A_351 = arith.constant 1 : i32
      %add3A_352 = arith.addi %mul3A_284, %add3A_351 : i32
      %dma_start3A_353 = arith.constant 0 : i32
      %dma_start3A_354 = tpu.memref_slice %arg7[%add3A_352, %dma_start3A_353] : memref<250x40xi32, #tpu.memory_space<vmem>> -> memref<1x40xi32, #tpu.memory_space<vmem>>
      %dma_start3A_355 = tpu.memref_squeeze %dma_start3A_354 : memref<1x40xi32, #tpu.memory_space<vmem>> -> memref<40xi32, #tpu.memory_space<vmem>>
      %dma_start3A_356 = arith.constant 0 : i32
      %dma_start3A_357 = arith.constant 0 : i32
      %dma_start3A_358 = tpu.memref_slice %arg20[%dma_start3A_356, %dma_start3A_357] : memref<10240x128xf32, #tpu.memory_space<vmem_shared>> -> memref<10240x128xf32, #tpu.memory_space<vmem_shared>>
      tpu.enqueue_indirect_dma source(%arg9 : memref<40x128xf32, #tpu.memory_space<vmem>>) target(%dma_start3A_358 : memref<10240x128xf32, #tpu.memory_space<vmem_shared>>) offsets(%dma_start3A_355 : memref<40xi32, #tpu.memory_space<vmem>>) semaphore(%arg17 : memref<!tpu.dma_semaphore, #tpu.memory_space<semaphore_mem>>) {add = true}
      %dma_start3A_359 = arith.constant 0 : i32
      %dma_start3A_360 = tpu.memref_slice %arg7[%add3A_352, %dma_start3A_359] : memref<250x40xi32, #tpu.memory_space<vmem>> -> memref<1x40xi32, #tpu.memory_space<vmem>>
      %dma_start3A_361 = tpu.memref_squeeze %dma_start3A_360 : memref<1x40xi32, #tpu.memory_space<vmem>> -> memref<40xi32, #tpu.memory_space<vmem>>
      %dma_start3A_362 = arith.constant 0 : i32
      %dma_start3A_363 = arith.constant 0 : i32
      %dma_start3A_364 = tpu.memref_slice %arg21[%dma_start3A_362, %dma_start3A_363] : memref<10240x8xf32, #tpu.memory_space<vmem_shared>> -> memref<10240x8xf32, #tpu.memory_space<vmem_shared>>
      tpu.enqueue_indirect_dma source(%arg11 : memref<40x8xf32, #tpu.memory_space<vmem>>) target(%dma_start3A_364 : memref<10240x8xf32, #tpu.memory_space<vmem_shared>>) offsets(%dma_start3A_361 : memref<40xi32, #tpu.memory_space<vmem>>) semaphore(%arg19 : memref<!tpu.dma_semaphore, #tpu.memory_space<semaphore_mem>>) {add = true}
      %add3A_365 = arith.constant 2 : i32
      %add3A_366 = arith.addi %mul3A_284, %add3A_365 : i32
      %dma_wait3A_367 = arith.constant 0 : i32
      %dma_wait3A_368 = tpu.memref_slice %arg6[%add3A_366, %dma_wait3A_367] : memref<250x40xi32, #tpu.memory_space<vmem>> -> memref<1x40xi32, #tpu.memory_space<vmem>>
      %dma_wait3A_369 = tpu.memref_squeeze %dma_wait3A_368 : memref<1x40xi32, #tpu.memory_space<vmem>> -> memref<40xi32, #tpu.memory_space<vmem>>
      %dma_wait3A_370 = arith.constant 0 : i32
      %dma_wait3A_371 = arith.constant 0 : i32
      %dma_wait3A_372 = tpu.memref_slice %arg3[%dma_wait3A_370, %dma_wait3A_371] : memref<10000x128xf32, #tpu.memory_space<hbm>> -> memref<10000x128xf32, #tpu.memory_space<hbm>>
      tpu.wait_indirect_dma semaphore(%arg15 : memref<!tpu.dma_semaphore, #tpu.memory_space<semaphore_mem>>) src(%dma_wait3A_372 : memref<10000x128xf32, #tpu.memory_space<hbm>>) dst(%arg10 : memref<40x128xf32, #tpu.memory_space<vmem>>)
      %add3A_373 = arith.constant 2 : i32
      %add3A_374 = arith.addi %mul3A_284, %add3A_373 : i32
      %dma_start3A_375 = arith.constant 0 : i32
      %dma_start3A_376 = tpu.memref_slice %arg7[%add3A_374, %dma_start3A_375] : memref<250x40xi32, #tpu.memory_space<vmem>> -> memref<1x40xi32, #tpu.memory_space<vmem>>
      %dma_start3A_377 = tpu.memref_squeeze %dma_start3A_376 : memref<1x40xi32, #tpu.memory_space<vmem>> -> memref<40xi32, #tpu.memory_space<vmem>>
      %dma_start3A_378 = arith.constant 0 : i32
      %dma_start3A_379 = arith.constant 0 : i32
      %dma_start3A_380 = tpu.memref_slice %arg20[%dma_start3A_378, %dma_start3A_379] : memref<10240x128xf32, #tpu.memory_space<vmem_shared>> -> memref<10240x128xf32, #tpu.memory_space<vmem_shared>>
      tpu.enqueue_indirect_dma source(%arg10 : memref<40x128xf32, #tpu.memory_space<vmem>>) target(%dma_start3A_380 : memref<10240x128xf32, #tpu.memory_space<vmem_shared>>) offsets(%dma_start3A_377 : memref<40xi32, #tpu.memory_space<vmem>>) semaphore(%arg18 : memref<!tpu.dma_semaphore, #tpu.memory_space<semaphore_mem>>) {add = true}
      %dma_start3A_381 = arith.constant 0 : i32
      %dma_start3A_382 = tpu.memref_slice %arg7[%add3A_374, %dma_start3A_381] : memref<250x40xi32, #tpu.memory_space<vmem>> -> memref<1x40xi32, #tpu.memory_space<vmem>>
      %dma_start3A_383 = tpu.memref_squeeze %dma_start3A_382 : memref<1x40xi32, #tpu.memory_space<vmem>> -> memref<40xi32, #tpu.memory_space<vmem>>
      %dma_start3A_384 = arith.constant 0 : i32
      %dma_start3A_385 = arith.constant 0 : i32
      %dma_start3A_386 = tpu.memref_slice %arg21[%dma_start3A_384, %dma_start3A_385] : memref<10240x8xf32, #tpu.memory_space<vmem_shared>> -> memref<10240x8xf32, #tpu.memory_space<vmem_shared>>
      tpu.enqueue_indirect_dma source(%arg11 : memref<40x8xf32, #tpu.memory_space<vmem>>) target(%dma_start3A_386 : memref<10240x8xf32, #tpu.memory_space<vmem_shared>>) offsets(%dma_start3A_383 : memref<40xi32, #tpu.memory_space<vmem>>) semaphore(%arg19 : memref<!tpu.dma_semaphore, #tpu.memory_space<semaphore_mem>>) {add = true}
    }
    %scan3A_172 = arith.constant 83 : i32
    %dma_wait3A_173 = arith.constant 246 : i32
    %dma_wait3A_174 = arith.constant 0 : i32
    %dma_wait3A_175 = tpu.memref_slice %arg7[%dma_wait3A_173, %dma_wait3A_174] : memref<250x40xi32, #tpu.memory_space<vmem>> -> memref<1x40xi32, #tpu.memory_space<vmem>>
    %dma_wait3A_176 = tpu.memref_squeeze %dma_wait3A_175 : memref<1x40xi32, #tpu.memory_space<vmem>> -> memref<40xi32, #tpu.memory_space<vmem>>
    %dma_wait3A_177 = arith.constant 0 : i32
    %dma_wait3A_178 = arith.constant 0 : i32
    %dma_wait3A_179 = tpu.memref_slice %arg20[%dma_wait3A_177, %dma_wait3A_178] : memref<10240x128xf32, #tpu.memory_space<vmem_shared>> -> memref<10240x128xf32, #tpu.memory_space<vmem_shared>>
    tpu.wait_indirect_dma semaphore(%arg16 : memref<!tpu.dma_semaphore, #tpu.memory_space<semaphore_mem>>) src(%arg8 : memref<40x128xf32, #tpu.memory_space<vmem>>) dst(%dma_wait3A_179 : memref<10240x128xf32, #tpu.memory_space<vmem_shared>>)
    %dma_wait3A_180 = arith.constant 246 : i32
    %dma_wait3A_181 = arith.constant 0 : i32
    %dma_wait3A_182 = tpu.memref_slice %arg7[%dma_wait3A_180, %dma_wait3A_181] : memref<250x40xi32, #tpu.memory_space<vmem>> -> memref<1x40xi32, #tpu.memory_space<vmem>>
    %dma_wait3A_183 = tpu.memref_squeeze %dma_wait3A_182 : memref<1x40xi32, #tpu.memory_space<vmem>> -> memref<40xi32, #tpu.memory_space<vmem>>
    %dma_wait3A_184 = arith.constant 0 : i32
    %dma_wait3A_185 = arith.constant 0 : i32
    %dma_wait3A_186 = tpu.memref_slice %arg21[%dma_wait3A_184, %dma_wait3A_185] : memref<10240x8xf32, #tpu.memory_space<vmem_shared>> -> memref<10240x8xf32, #tpu.memory_space<vmem_shared>>
    tpu.wait_indirect_dma semaphore(%arg19 : memref<!tpu.dma_semaphore, #tpu.memory_space<semaphore_mem>>) src(%arg11 : memref<40x8xf32, #tpu.memory_space<vmem>>) dst(%dma_wait3A_186 : memref<10240x8xf32, #tpu.memory_space<vmem_shared>>)
    %dma_wait3A_187 = arith.constant 247 : i32
    %dma_wait3A_188 = arith.constant 0 : i32
    %dma_wait3A_189 = tpu.memref_slice %arg7[%dma_wait3A_187, %dma_wait3A_188] : memref<250x40xi32, #tpu.memory_space<vmem>> -> memref<1x40xi32, #tpu.memory_space<vmem>>
    %dma_wait3A_190 = tpu.memref_squeeze %dma_wait3A_189 : memref<1x40xi32, #tpu.memory_space<vmem>> -> memref<40xi32, #tpu.memory_space<vmem>>
    %dma_wait3A_191 = arith.constant 0 : i32
    %dma_wait3A_192 = arith.constant 0 : i32
    %dma_wait3A_193 = tpu.memref_slice %arg20[%dma_wait3A_191, %dma_wait3A_192] : memref<10240x128xf32, #tpu.memory_space<vmem_shared>> -> memref<10240x128xf32, #tpu.memory_space<vmem_shared>>
    tpu.wait_indirect_dma semaphore(%arg17 : memref<!tpu.dma_semaphore, #tpu.memory_space<semaphore_mem>>) src(%arg9 : memref<40x128xf32, #tpu.memory_space<vmem>>) dst(%dma_wait3A_193 : memref<10240x128xf32, #tpu.memory_space<vmem_shared>>)
    %dma_wait3A_194 = arith.constant 247 : i32
    %dma_wait3A_195 = arith.constant 0 : i32
    %dma_wait3A_196 = tpu.memref_slice %arg7[%dma_wait3A_194, %dma_wait3A_195] : memref<250x40xi32, #tpu.memory_space<vmem>> -> memref<1x40xi32, #tpu.memory_space<vmem>>
    %dma_wait3A_197 = tpu.memref_squeeze %dma_wait3A_196 : memref<1x40xi32, #tpu.memory_space<vmem>> -> memref<40xi32, #tpu.memory_space<vmem>>
    %dma_wait3A_198 = arith.constant 0 : i32
    %dma_wait3A_199 = arith.constant 0 : i32
    %dma_wait3A_200 = tpu.memref_slice %arg21[%dma_wait3A_198, %dma_wait3A_199] : memref<10240x8xf32, #tpu.memory_space<vmem_shared>> -> memref<10240x8xf32, #tpu.memory_space<vmem_shared>>
    tpu.wait_indirect_dma semaphore(%arg19 : memref<!tpu.dma_semaphore, #tpu.memory_space<semaphore_mem>>) src(%arg11 : memref<40x8xf32, #tpu.memory_space<vmem>>) dst(%dma_wait3A_200 : memref<10240x8xf32, #tpu.memory_space<vmem_shared>>)
    %dma_wait3A_201 = arith.constant 248 : i32
    %dma_wait3A_202 = arith.constant 0 : i32
    %dma_wait3A_203 = tpu.memref_slice %arg7[%dma_wait3A_201, %dma_wait3A_202] : memref<250x40xi32, #tpu.memory_space<vmem>> -> memref<1x40xi32, #tpu.memory_space<vmem>>
    %dma_wait3A_204 = tpu.memref_squeeze %dma_wait3A_203 : memref<1x40xi32, #tpu.memory_space<vmem>> -> memref<40xi32, #tpu.memory_space<vmem>>
    %dma_wait3A_205 = arith.constant 0 : i32
    %dma_wait3A_206 = arith.constant 0 : i32
    %dma_wait3A_207 = tpu.memref_slice %arg20[%dma_wait3A_205, %dma_wait3A_206] : memref<10240x128xf32, #tpu.memory_space<vmem_shared>> -> memref<10240x128xf32, #tpu.memory_space<vmem_shared>>
    tpu.wait_indirect_dma semaphore(%arg18 : memref<!tpu.dma_semaphore, #tpu.memory_space<semaphore_mem>>) src(%arg10 : memref<40x128xf32, #tpu.memory_space<vmem>>) dst(%dma_wait3A_207 : memref<10240x128xf32, #tpu.memory_space<vmem_shared>>)
    %dma_wait3A_208 = arith.constant 248 : i32
    %dma_wait3A_209 = arith.constant 0 : i32
    %dma_wait3A_210 = tpu.memref_slice %arg7[%dma_wait3A_208, %dma_wait3A_209] : memref<250x40xi32, #tpu.memory_space<vmem>> -> memref<1x40xi32, #tpu.memory_space<vmem>>
    %dma_wait3A_211 = tpu.memref_squeeze %dma_wait3A_210 : memref<1x40xi32, #tpu.memory_space<vmem>> -> memref<40xi32, #tpu.memory_space<vmem>>
    %dma_wait3A_212 = arith.constant 0 : i32
    %dma_wait3A_213 = arith.constant 0 : i32
    %dma_wait3A_214 = tpu.memref_slice %arg21[%dma_wait3A_212, %dma_wait3A_213] : memref<10240x8xf32, #tpu.memory_space<vmem_shared>> -> memref<10240x8xf32, #tpu.memory_space<vmem_shared>>
    tpu.wait_indirect_dma semaphore(%arg19 : memref<!tpu.dma_semaphore, #tpu.memory_space<semaphore_mem>>) src(%arg11 : memref<40x8xf32, #tpu.memory_space<vmem>>) dst(%dma_wait3A_214 : memref<10240x8xf32, #tpu.memory_space<vmem_shared>>)
    %dma_start3A_215 = arith.constant 249 : i32
    %dma_start3A_216 = arith.constant 0 : i32
    %dma_start3A_217 = tpu.memref_slice %arg6[%dma_start3A_215, %dma_start3A_216] : memref<250x40xi32, #tpu.memory_space<vmem>> -> memref<1x40xi32, #tpu.memory_space<vmem>>
    %dma_start3A_218 = tpu.memref_squeeze %dma_start3A_217 : memref<1x40xi32, #tpu.memory_space<vmem>> -> memref<40xi32, #tpu.memory_space<vmem>>
    %dma_start3A_219 = arith.constant 0 : i32
    %dma_start3A_220 = arith.constant 0 : i32
    %dma_start3A_221 = tpu.memref_slice %arg3[%dma_start3A_219, %dma_start3A_220] : memref<10000x128xf32, #tpu.memory_space<hbm>> -> memref<10000x128xf32, #tpu.memory_space<hbm>>
    tpu.enqueue_indirect_dma source(%dma_start3A_221 : memref<10000x128xf32, #tpu.memory_space<hbm>>) target(%arg8 : memref<40x128xf32, #tpu.memory_space<vmem>>) offsets(%dma_start3A_218 : memref<40xi32, #tpu.memory_space<vmem>>) semaphore(%arg13 : memref<!tpu.dma_semaphore, #tpu.memory_space<semaphore_mem>>)
    %dma_wait3A_222 = arith.constant 249 : i32
    %dma_wait3A_223 = arith.constant 0 : i32
    %dma_wait3A_224 = tpu.memref_slice %arg6[%dma_wait3A_222, %dma_wait3A_223] : memref<250x40xi32, #tpu.memory_space<vmem>> -> memref<1x40xi32, #tpu.memory_space<vmem>>
    %dma_wait3A_225 = tpu.memref_squeeze %dma_wait3A_224 : memref<1x40xi32, #tpu.memory_space<vmem>> -> memref<40xi32, #tpu.memory_space<vmem>>
    %dma_wait3A_226 = arith.constant 0 : i32
    %dma_wait3A_227 = arith.constant 0 : i32
    %dma_wait3A_228 = tpu.memref_slice %arg3[%dma_wait3A_226, %dma_wait3A_227] : memref<10000x128xf32, #tpu.memory_space<hbm>> -> memref<10000x128xf32, #tpu.memory_space<hbm>>
    tpu.wait_indirect_dma semaphore(%arg13 : memref<!tpu.dma_semaphore, #tpu.memory_space<semaphore_mem>>) src(%dma_wait3A_228 : memref<10000x128xf32, #tpu.memory_space<hbm>>) dst(%arg8 : memref<40x128xf32, #tpu.memory_space<vmem>>)
    %dma_start3A_229 = arith.constant 249 : i32
    %dma_start3A_230 = arith.constant 0 : i32
    %dma_start3A_231 = tpu.memref_slice %arg7[%dma_start3A_229, %dma_start3A_230] : memref<250x40xi32, #tpu.memory_space<vmem>> -> memref<1x40xi32, #tpu.memory_space<vmem>>
    %dma_start3A_232 = tpu.memref_squeeze %dma_start3A_231 : memref<1x40xi32, #tpu.memory_space<vmem>> -> memref<40xi32, #tpu.memory_space<vmem>>
    %dma_start3A_233 = arith.constant 0 : i32
    %dma_start3A_234 = arith.constant 0 : i32
    %dma_start3A_235 = tpu.memref_slice %arg20[%dma_start3A_233, %dma_start3A_234] : memref<10240x128xf32, #tpu.memory_space<vmem_shared>> -> memref<10240x128xf32, #tpu.memory_space<vmem_shared>>
    tpu.enqueue_indirect_dma source(%arg8 : memref<40x128xf32, #tpu.memory_space<vmem>>) target(%dma_start3A_235 : memref<10240x128xf32, #tpu.memory_space<vmem_shared>>) offsets(%dma_start3A_232 : memref<40xi32, #tpu.memory_space<vmem>>) semaphore(%arg16 : memref<!tpu.dma_semaphore, #tpu.memory_space<semaphore_mem>>) {add = true}
    %dma_start3A_236 = arith.constant 249 : i32
    %dma_start3A_237 = arith.constant 0 : i32
    %dma_start3A_238 = tpu.memref_slice %arg7[%dma_start3A_236, %dma_start3A_237] : memref<250x40xi32, #tpu.memory_space<vmem>> -> memref<1x40xi32, #tpu.memory_space<vmem>>
    %dma_start3A_239 = tpu.memref_squeeze %dma_start3A_238 : memref<1x40xi32, #tpu.memory_space<vmem>> -> memref<40xi32, #tpu.memory_space<vmem>>
    %dma_start3A_240 = arith.constant 0 : i32
    %dma_start3A_241 = arith.constant 0 : i32
    %dma_start3A_242 = tpu.memref_slice %arg21[%dma_start3A_240, %dma_start3A_241] : memref<10240x8xf32, #tpu.memory_space<vmem_shared>> -> memref<10240x8xf32, #tpu.memory_space<vmem_shared>>
    tpu.enqueue_indirect_dma source(%arg11 : memref<40x8xf32, #tpu.memory_space<vmem>>) target(%dma_start3A_242 : memref<10240x8xf32, #tpu.memory_space<vmem_shared>>) offsets(%dma_start3A_239 : memref<40xi32, #tpu.memory_space<vmem>>) semaphore(%arg19 : memref<!tpu.dma_semaphore, #tpu.memory_space<semaphore_mem>>) {add = true}
    %dma_wait3A_243 = arith.constant 249 : i32
    %dma_wait3A_244 = arith.constant 0 : i32
    %dma_wait3A_245 = tpu.memref_slice %arg7[%dma_wait3A_243, %dma_wait3A_244] : memref<250x40xi32, #tpu.memory_space<vmem>> -> memref<1x40xi32, #tpu.memory_space<vmem>>
    %dma_wait3A_246 = tpu.memref_squeeze %dma_wait3A_245 : memref<1x40xi32, #tpu.memory_space<vmem>> -> memref<40xi32, #tpu.memory_space<vmem>>
    %dma_wait3A_247 = arith.constant 0 : i32
    %dma_wait3A_248 = arith.constant 0 : i32
    %dma_wait3A_249 = tpu.memref_slice %arg20[%dma_wait3A_247, %dma_wait3A_248] : memref<10240x128xf32, #tpu.memory_space<vmem_shared>> -> memref<10240x128xf32, #tpu.memory_space<vmem_shared>>
    tpu.wait_indirect_dma semaphore(%arg16 : memref<!tpu.dma_semaphore, #tpu.memory_space<semaphore_mem>>) src(%arg8 : memref<40x128xf32, #tpu.memory_space<vmem>>) dst(%dma_wait3A_249 : memref<10240x128xf32, #tpu.memory_space<vmem_shared>>)
    %dma_wait3A_250 = arith.constant 249 : i32
    %dma_wait3A_251 = arith.constant 0 : i32
    %dma_wait3A_252 = tpu.memref_slice %arg7[%dma_wait3A_250, %dma_wait3A_251] : memref<250x40xi32, #tpu.memory_space<vmem>> -> memref<1x40xi32, #tpu.memory_space<vmem>>
    %dma_wait3A_253 = tpu.memref_squeeze %dma_wait3A_252 : memref<1x40xi32, #tpu.memory_space<vmem>> -> memref<40xi32, #tpu.memory_space<vmem>>
    %dma_wait3A_254 = arith.constant 0 : i32
    %dma_wait3A_255 = arith.constant 0 : i32
    %dma_wait3A_256 = tpu.memref_slice %arg21[%dma_wait3A_254, %dma_wait3A_255] : memref<10240x8xf32, #tpu.memory_space<vmem_shared>> -> memref<10240x8xf32, #tpu.memory_space<vmem_shared>>
    tpu.wait_indirect_dma semaphore(%arg19 : memref<!tpu.dma_semaphore, #tpu.memory_space<semaphore_mem>>) src(%arg11 : memref<40x8xf32, #tpu.memory_space<vmem>>) dst(%dma_wait3A_256 : memref<10240x8xf32, #tpu.memory_space<vmem_shared>>)
    %barrier3A_257 = arith.constant 0 : index
    tpu.barrier barrier_id(%barrier3A_257)
    %dma_start3A_258 = arith.constant 0 : i32
    %dma_start3A_259 = tpu.memref_slice %arg4[%arg0, %mul3A_2, %dma_start3A_258] : memref<2x10240x128xf32, #tpu.memory_space<hbm>> -> memref<1x640x128xf32, #tpu.memory_space<hbm>>
    %dma_start3A_260 = tpu.memref_squeeze %dma_start3A_259 : memref<1x640x128xf32, #tpu.memory_space<hbm>> -> memref<640x128xf32, #tpu.memory_space<hbm>>
    %dma_start3A_261 = arith.constant 0 : i32
    %dma_start3A_262 = tpu.memref_slice %arg20[%mul3A_2, %dma_start3A_261] : memref<10240x128xf32, #tpu.memory_space<vmem_shared>> -> memref<640x128xf32, #tpu.memory_space<vmem_shared>>
    tpu.enqueue_dma source(%dma_start3A_262 : memref<640x128xf32, #tpu.memory_space<vmem_shared>>) target(%dma_start3A_260 : memref<640x128xf32, #tpu.memory_space<hbm>>) target_semaphore(%arg16 : memref<!tpu.dma_semaphore, #tpu.memory_space<semaphore_mem>>)
    %dma_start3A_263 = arith.constant 0 : i32
    %dma_start3A_264 = tpu.memref_slice %arg5[%arg0, %mul3A_2, %dma_start3A_263] : memref<2x10240x8xf32, #tpu.memory_space<hbm>> -> memref<1x640x8xf32, #tpu.memory_space<hbm>>
    %dma_start3A_265 = tpu.memref_squeeze %dma_start3A_264 : memref<1x640x8xf32, #tpu.memory_space<hbm>> -> memref<640x8xf32, #tpu.memory_space<hbm>>
    %dma_start3A_266 = arith.constant 0 : i32
    %dma_start3A_267 = tpu.memref_slice %arg21[%mul3A_2, %dma_start3A_266] : memref<10240x8xf32, #tpu.memory_space<vmem_shared>> -> memref<640x8xf32, #tpu.memory_space<vmem_shared>>
    tpu.enqueue_dma source(%dma_start3A_267 : memref<640x8xf32, #tpu.memory_space<vmem_shared>>) target(%dma_start3A_265 : memref<640x8xf32, #tpu.memory_space<hbm>>) target_semaphore(%arg17 : memref<!tpu.dma_semaphore, #tpu.memory_space<semaphore_mem>>)
    %dma_wait3A_268 = arith.constant 0 : i32
    %dma_wait3A_269 = tpu.memref_slice %arg4[%arg0, %mul3A_2, %dma_wait3A_268] : memref<2x10240x128xf32, #tpu.memory_space<hbm>> -> memref<1x640x128xf32, #tpu.memory_space<hbm>>
    %dma_wait3A_270 = tpu.memref_squeeze %dma_wait3A_269 : memref<1x640x128xf32, #tpu.memory_space<hbm>> -> memref<640x128xf32, #tpu.memory_space<hbm>>
    %dma_wait3A_271 = arith.constant 0 : i32
    %dma_wait3A_272 = tpu.memref_slice %arg20[%mul3A_2, %dma_wait3A_271] : memref<10240x128xf32, #tpu.memory_space<vmem_shared>> -> memref<640x128xf32, #tpu.memory_space<vmem_shared>>
    tpu.wait_dma2 semaphore(%arg16 : memref<!tpu.dma_semaphore, #tpu.memory_space<semaphore_mem>>) src(%dma_wait3A_272 : memref<640x128xf32, #tpu.memory_space<vmem_shared>>) dst(%dma_wait3A_270 : memref<640x128xf32, #tpu.memory_space<hbm>>)
    %dma_wait3A_273 = arith.constant 0 : i32
    %dma_wait3A_274 = tpu.memref_slice %arg5[%arg0, %mul3A_2, %dma_wait3A_273] : memref<2x10240x8xf32, #tpu.memory_space<hbm>> -> memref<1x640x8xf32, #tpu.memory_space<hbm>>
    %dma_wait3A_275 = tpu.memref_squeeze %dma_wait3A_274 : memref<1x640x8xf32, #tpu.memory_space<hbm>> -> memref<640x8xf32, #tpu.memory_space<hbm>>
    %dma_wait3A_276 = arith.constant 0 : i32
    %dma_wait3A_277 = tpu.memref_slice %arg21[%mul3A_2, %dma_wait3A_276] : memref<10240x8xf32, #tpu.memory_space<vmem_shared>> -> memref<640x8xf32, #tpu.memory_space<vmem_shared>>
    tpu.wait_dma2 semaphore(%arg17 : memref<!tpu.dma_semaphore, #tpu.memory_space<semaphore_mem>>) src(%dma_wait3A_277 : memref<640x8xf32, #tpu.memory_space<vmem_shared>>) dst(%dma_wait3A_275 : memref<640x8xf32, #tpu.memory_space<hbm>>)
    return
  }
}

#map = affine_map<(d0, d1) -> (0, 0, 0)>
#map1 = affine_map<(d0, d1) -> (0, 0)>
module attributes {stable_mosaic.version = 14 : i64} {
  func.func @_sc_aggregate(%arg0: i32, %arg1: i32, %arg2: memref<2x8000x40xi32, #tpu.memory_space<hbm>>, %arg3: memref<10000x128xf32, #tpu.memory_space<hbm>>, %arg4: memref<2x10240x128xf32, #tpu.memory_space<hbm>>, %arg5: memref<2x10240x8xf32, #tpu.memory_space<hbm>>, %arg6: memref<250x40xi32, #tpu.memory_space<vmem>>, %arg7: memref<250x40xi32, #tpu.memory_space<vmem>>, %arg8: memref<40x128xf32, #tpu.memory_space<vmem>>, %arg9: memref<40x128xf32, #tpu.memory_space<vmem>>, %arg10: memref<40x128xf32, #tpu.memory_space<vmem>>, %arg11: memref<40x8xf32, #tpu.memory_space<vmem>>, %arg12: memref<40x8xf32, #tpu.memory_space<vmem>>, %arg13: memref<!tpu.dma_semaphore, #tpu.memory_space<semaphore_mem>>, %arg14: memref<!tpu.dma_semaphore, #tpu.memory_space<semaphore_mem>>, %arg15: memref<!tpu.dma_semaphore, #tpu.memory_space<semaphore_mem>>, %arg16: memref<!tpu.dma_semaphore, #tpu.memory_space<semaphore_mem>>, %arg17: memref<!tpu.dma_semaphore, #tpu.memory_space<semaphore_mem>>, %arg18: memref<!tpu.dma_semaphore, #tpu.memory_space<semaphore_mem>>, %arg19: memref<!tpu.dma_semaphore, #tpu.memory_space<semaphore_mem>>, %arg20: memref<10240x128xf32, #tpu.memory_space<vmem_shared>>, %arg21: memref<10240x8xf32, #tpu.memory_space<vmem_shared>>) attributes {dimension_semantics = [#tpu.dimension_semantics<core_parallel>, #tpu.dimension_semantics<subcore_parallel>], iteration_bounds = array<i64: 2, 16>, scalar_prefetch = 0 : i64, scratch_operands = 16 : i64, tpu.core_type = #tpu.core_type<sc_vector_subcore>, window_params = [{transform_indices = #map}, {transform_indices = #map1}, {transform_indices = #map}, {transform_indices = #map}]} {
    %mul3A = arith.constant 16 : i32
    %mul3A_0 = arith.muli %arg0, %mul3A : i32
    %add3A = arith.addi %mul3A_0, %arg1 : i32
    %mul3A_1 = arith.constant 640 : i32
    %mul3A_2 = arith.muli %arg1, %mul3A_1 : i32
    %mul3A_3 = arith.constant 250 : i32
    %mul3A_4 = arith.muli %add3A, %mul3A_3 : i32
    %dma_start3A = arith.constant 0 : i32
    %dma_start3A_5 = arith.constant 0 : i32
    %dma_start3A_6 = tpu.memref_slice %arg2[%dma_start3A, %mul3A_4, %dma_start3A_5] : memref<2x8000x40xi32, #tpu.memory_space<hbm>> -> memref<1x250x40xi32, #tpu.memory_space<hbm>>
    %dma_start3A_7 = tpu.memref_squeeze %dma_start3A_6 : memref<1x250x40xi32, #tpu.memory_space<hbm>> -> memref<250x40xi32, #tpu.memory_space<hbm>>
    %dma_start3A_8 = arith.constant 0 : i32
    %dma_start3A_9 = tpu.memref_slice %arg2[%dma_start3A, %mul3A_4, %dma_start3A_8] : memref<2x8000x40xi32, #tpu.memory_space<hbm>> -> memref<1x250x40xi32, #tpu.memory_space<hbm>>
    %dma_start3A_10 = tpu.memref_squeeze %dma_start3A_9 : memref<1x250x40xi32, #tpu.memory_space<hbm>> -> memref<250x40xi32, #tpu.memory_space<hbm>>
    tpu.enqueue_dma source(%dma_start3A_10 : memref<250x40xi32, #tpu.memory_space<hbm>>) target(%arg6 : memref<250x40xi32, #tpu.memory_space<vmem>>) target_semaphore(%arg13 : memref<!tpu.dma_semaphore, #tpu.memory_space<semaphore_mem>>)
    %dma_start3A_11 = arith.constant 1 : i32
    %dma_start3A_12 = arith.constant 0 : i32
    %dma_start3A_13 = tpu.memref_slice %arg2[%dma_start3A_11, %mul3A_4, %dma_start3A_12] : memref<2x8000x40xi32, #tpu.memory_space<hbm>> -> memref<1x250x40xi32, #tpu.memory_space<hbm>>
    %dma_start3A_14 = tpu.memref_squeeze %dma_start3A_13 : memref<1x250x40xi32, #tpu.memory_space<hbm>> -> memref<250x40xi32, #tpu.memory_space<hbm>>
    %dma_start3A_15 = arith.constant 0 : i32
    %dma_start3A_16 = tpu.memref_slice %arg2[%dma_start3A_11, %mul3A_4, %dma_start3A_15] : memref<2x8000x40xi32, #tpu.memory_space<hbm>> -> memref<1x250x40xi32, #tpu.memory_space<hbm>>
    %dma_start3A_17 = tpu.memref_squeeze %dma_start3A_16 : memref<1x250x40xi32, #tpu.memory_space<hbm>> -> memref<250x40xi32, #tpu.memory_space<hbm>>
    tpu.enqueue_dma source(%dma_start3A_17 : memref<250x40xi32, #tpu.memory_space<hbm>>) target(%arg7 : memref<250x40xi32, #tpu.memory_space<vmem>>) target_semaphore(%arg14 : memref<!tpu.dma_semaphore, #tpu.memory_space<semaphore_mem>>)
    %scan3A = arith.constant 0 : i32
    %scan3A_18 = arith.constant 40 : i32
    %scan3A_19 = arith.addi %scan3A, %scan3A_18 : i32
    %scan3A_20 = arith.constant 1 : i32
    scf.for %scan3A_278 = %scan3A to %scan3A_19 step %scan3A_20  : i32 {
      %mul3A_279 = arith.constant 1 : i32
      %mul3A_280 = arith.muli %scan3A_278, %mul3A_279 : i32
      %add3A_281 = arith.constant 0 : i32
      %add3A_282 = arith.addi %add3A_281, %mul3A_280 : i32
      %broadcast_in_dim3A = arith.constant 0.000000e+00 : f32
      %broadcast_in_dim3A_283 = vector.broadcast %broadcast_in_dim3A : f32 to vector<16xf32>
      %swap3A = arith.index_cast %add3A_282 : i32 to index
      %swap3A_284 = arith.constant 0 : index
      %swap3A_285 = tpu.vector_load %arg8[%swap3A, %swap3A_284] {strides = array<i32>} : memref<40x128xf32, #tpu.memory_space<vmem>>, vector<1x16xf32>,
      %swap3A_286 = vector.shape_cast %swap3A_285 : vector<1x16xf32> to vector<16xf32>
      %swap3A_287 = vector.shape_cast %broadcast_in_dim3A_283 : vector<16xf32> to vector<1x16xf32>
      tpu.vector_store %arg8[%swap3A, %swap3A_284], %swap3A_287 {strides = array<i32>} : memref<40x128xf32, #tpu.memory_space<vmem>>, vector<1x16xf32>,
      %broadcast_in_dim3A_288 = arith.constant 0.000000e+00 : f32
      %broadcast_in_dim3A_289 = vector.broadcast %broadcast_in_dim3A_288 : f32 to vector<16xf32>
      %swap3A_290 = arith.index_cast %add3A_282 : i32 to index
      %swap3A_291 = arith.constant 16 : index
      %swap3A_292 = tpu.vector_load %arg8[%swap3A_290, %swap3A_291] {strides = array<i32>} : memref<40x128xf32, #tpu.memory_space<vmem>>, vector<1x16xf32>,
      %swap3A_293 = vector.shape_cast %swap3A_292 : vector<1x16xf32> to vector<16xf32>
      %swap3A_294 = vector.shape_cast %broadcast_in_dim3A_289 : vector<16xf32> to vector<1x16xf32>
      tpu.vector_store %arg8[%swap3A_290, %swap3A_291], %swap3A_294 {strides = array<i32>} : memref<40x128xf32, #tpu.memory_space<vmem>>, vector<1x16xf32>,
      %broadcast_in_dim3A_295 = arith.constant 0.000000e+00 : f32
      %broadcast_in_dim3A_296 = vector.broadcast %broadcast_in_dim3A_295 : f32 to vector<16xf32>
      %swap3A_297 = arith.index_cast %add3A_282 : i32 to index
      %swap3A_298 = arith.constant 32 : index
      %swap3A_299 = tpu.vector_load %arg8[%swap3A_297, %swap3A_298] {strides = array<i32>} : memref<40x128xf32, #tpu.memory_space<vmem>>, vector<1x16xf32>,
      %swap3A_300 = vector.shape_cast %swap3A_299 : vector<1x16xf32> to vector<16xf32>
      %swap3A_301 = vector.shape_cast %broadcast_in_dim3A_296 : vector<16xf32> to vector<1x16xf32>
      tpu.vector_store %arg8[%swap3A_297, %swap3A_298], %swap3A_301 {strides = array<i32>} : memref<40x128xf32, #tpu.memory_space<vmem>>, vector<1x16xf32>,
      %broadcast_in_dim3A_302 = arith.constant 0.000000e+00 : f32
      %broadcast_in_dim3A_303 = vector.broadcast %broadcast_in_dim3A_302 : f32 to vector<16xf32>
      %swap3A_304 = arith.index_cast %add3A_282 : i32 to index
      %swap3A_305 = arith.constant 48 : index
      %swap3A_306 = tpu.vector_load %arg8[%swap3A_304, %swap3A_305] {strides = array<i32>} : memref<40x128xf32, #tpu.memory_space<vmem>>, vector<1x16xf32>,
      %swap3A_307 = vector.shape_cast %swap3A_306 : vector<1x16xf32> to vector<16xf32>
      %swap3A_308 = vector.shape_cast %broadcast_in_dim3A_303 : vector<16xf32> to vector<1x16xf32>
      tpu.vector_store %arg8[%swap3A_304, %swap3A_305], %swap3A_308 {strides = array<i32>} : memref<40x128xf32, #tpu.memory_space<vmem>>, vector<1x16xf32>,
      %broadcast_in_dim3A_309 = arith.constant 0.000000e+00 : f32
      %broadcast_in_dim3A_310 = vector.broadcast %broadcast_in_dim3A_309 : f32 to vector<16xf32>
      %swap3A_311 = arith.index_cast %add3A_282 : i32 to index
      %swap3A_312 = arith.constant 64 : index
      %swap3A_313 = tpu.vector_load %arg8[%swap3A_311, %swap3A_312] {strides = array<i32>} : memref<40x128xf32, #tpu.memory_space<vmem>>, vector<1x16xf32>,
      %swap3A_314 = vector.shape_cast %swap3A_313 : vector<1x16xf32> to vector<16xf32>
      %swap3A_315 = vector.shape_cast %broadcast_in_dim3A_310 : vector<16xf32> to vector<1x16xf32>
      tpu.vector_store %arg8[%swap3A_311, %swap3A_312], %swap3A_315 {strides = array<i32>} : memref<40x128xf32, #tpu.memory_space<vmem>>, vector<1x16xf32>,
      %broadcast_in_dim3A_316 = arith.constant 0.000000e+00 : f32
      %broadcast_in_dim3A_317 = vector.broadcast %broadcast_in_dim3A_316 : f32 to vector<16xf32>
      %swap3A_318 = arith.index_cast %add3A_282 : i32 to index
      %swap3A_319 = arith.constant 80 : index
      %swap3A_320 = tpu.vector_load %arg8[%swap3A_318, %swap3A_319] {strides = array<i32>} : memref<40x128xf32, #tpu.memory_space<vmem>>, vector<1x16xf32>,
      %swap3A_321 = vector.shape_cast %swap3A_320 : vector<1x16xf32> to vector<16xf32>
      %swap3A_322 = vector.shape_cast %broadcast_in_dim3A_317 : vector<16xf32> to vector<1x16xf32>
      tpu.vector_store %arg8[%swap3A_318, %swap3A_319], %swap3A_322 {strides = array<i32>} : memref<40x128xf32, #tpu.memory_space<vmem>>, vector<1x16xf32>,
      %broadcast_in_dim3A_323 = arith.constant 0.000000e+00 : f32
      %broadcast_in_dim3A_324 = vector.broadcast %broadcast_in_dim3A_323 : f32 to vector<16xf32>
      %swap3A_325 = arith.index_cast %add3A_282 : i32 to index
      %swap3A_326 = arith.constant 96 : index
      %swap3A_327 = tpu.vector_load %arg8[%swap3A_325, %swap3A_326] {strides = array<i32>} : memref<40x128xf32, #tpu.memory_space<vmem>>, vector<1x16xf32>,
      %swap3A_328 = vector.shape_cast %swap3A_327 : vector<1x16xf32> to vector<16xf32>
      %swap3A_329 = vector.shape_cast %broadcast_in_dim3A_324 : vector<16xf32> to vector<1x16xf32>
      tpu.vector_store %arg8[%swap3A_325, %swap3A_326], %swap3A_329 {strides = array<i32>} : memref<40x128xf32, #tpu.memory_space<vmem>>, vector<1x16xf32>,
      %broadcast_in_dim3A_330 = arith.constant 0.000000e+00 : f32
      %broadcast_in_dim3A_331 = vector.broadcast %broadcast_in_dim3A_330 : f32 to vector<16xf32>
      %swap3A_332 = arith.index_cast %add3A_282 : i32 to index
      %swap3A_333 = arith.constant 112 : index
      %swap3A_334 = tpu.vector_load %arg8[%swap3A_332, %swap3A_333] {strides = array<i32>} : memref<40x128xf32, #tpu.memory_space<vmem>>, vector<1x16xf32>,
      %swap3A_335 = vector.shape_cast %swap3A_334 : vector<1x16xf32> to vector<16xf32>
      %swap3A_336 = vector.shape_cast %broadcast_in_dim3A_331 : vector<16xf32> to vector<1x16xf32>
      tpu.vector_store %arg8[%swap3A_332, %swap3A_333], %swap3A_336 {strides = array<i32>} : memref<40x128xf32, #tpu.memory_space<vmem>>, vector<1x16xf32>,
    }
    %scan3A_21 = arith.constant 40 : i32
    %scan3A_22 = arith.constant 0 : i32
    %scan3A_23 = arith.constant 40 : i32
    %scan3A_24 = arith.addi %scan3A_22, %scan3A_23 : i32
    %scan3A_25 = arith.constant 1 : i32
    scf.for %scan3A_278 = %scan3A_22 to %scan3A_24 step %scan3A_25  : i32 {
      %mul3A_279 = arith.constant 1 : i32
      %mul3A_280 = arith.muli %scan3A_278, %mul3A_279 : i32
      %add3A_281 = arith.constant 0 : i32
      %add3A_282 = arith.addi %add3A_281, %mul3A_280 : i32
      %broadcast_in_dim3A = arith.constant 1.000000e+00 : f32
      %broadcast_in_dim3A_283 = vector.broadcast %broadcast_in_dim3A : f32 to vector<8xf32>
      %swap3A = arith.index_cast %add3A_282 : i32 to index
      %swap3A_284 = arith.constant 0 : index
      %swap3A_285 = tpu.vector_load %arg11[%swap3A, %swap3A_284] {strides = array<i32>} : memref<40x8xf32, #tpu.memory_space<vmem>>, vector<1x8xf32>,
      %swap3A_286 = vector.shape_cast %swap3A_285 : vector<1x8xf32> to vector<8xf32>
      %swap3A_287 = vector.shape_cast %broadcast_in_dim3A_283 : vector<8xf32> to vector<1x8xf32>
      tpu.vector_store %arg11[%swap3A, %swap3A_284], %swap3A_287 {strides = array<i32>} : memref<40x8xf32, #tpu.memory_space<vmem>>, vector<1x8xf32>,
      %broadcast_in_dim3A_288 = arith.constant 0.000000e+00 : f32
      %broadcast_in_dim3A_289 = vector.broadcast %broadcast_in_dim3A_288 : f32 to vector<8xf32>
      %swap3A_290 = arith.index_cast %add3A_282 : i32 to index
      %swap3A_291 = arith.constant 0 : index
      %swap3A_292 = tpu.vector_load %arg12[%swap3A_290, %swap3A_291] {strides = array<i32>} : memref<40x8xf32, #tpu.memory_space<vmem>>, vector<1x8xf32>,
      %swap3A_293 = vector.shape_cast %swap3A_292 : vector<1x8xf32> to vector<8xf32>
      %swap3A_294 = vector.shape_cast %broadcast_in_dim3A_289 : vector<8xf32> to vector<1x8xf32>
      tpu.vector_store %arg12[%swap3A_290, %swap3A_291], %swap3A_294 {strides = array<i32>} : memref<40x8xf32, #tpu.memory_space<vmem>>, vector<1x8xf32>,
    }
    %scan3A_26 = arith.constant 40 : i32
    %mul3A_27 = arith.constant 640 : i32
    %mul3A_28 = arith.muli %arg1, %mul3A_27 : i32
    %add3A_29 = arith.constant 0 : i32
    %add3A_30 = arith.addi %mul3A_28, %add3A_29 : i32
    "tpu.region"() ({
      %run_scoped3A = tpu.sem_alloc : memref<!tpu.dma_semaphore, #tpu.memory_space<semaphore_mem>>
      %dma_start3A_278 = arith.constant 0 : i32
      %dma_start3A_279 = tpu.memref_slice %arg20[%add3A_30, %dma_start3A_278] : memref<10240x128xf32, #tpu.memory_space<vmem_shared>> -> memref<40x128xf32, #tpu.memory_space<vmem_shared>>
      %dma_start3A_280 = arith.constant 0 : i32
      %dma_start3A_281 = tpu.memref_slice %arg20[%add3A_30, %dma_start3A_280] : memref<10240x128xf32, #tpu.memory_space<vmem_shared>> -> memref<40x128xf32, #tpu.memory_space<vmem_shared>>
      tpu.enqueue_dma source(%arg8 : memref<40x128xf32, #tpu.memory_space<vmem>>) target(%dma_start3A_281 : memref<40x128xf32, #tpu.memory_space<vmem_shared>>) target_semaphore(%run_scoped3A : memref<!tpu.dma_semaphore, #tpu.memory_space<semaphore_mem>>)
      %dma_wait3A_282 = arith.constant 0 : i32
      %dma_wait3A_283 = tpu.memref_slice %arg20[%add3A_30, %dma_wait3A_282] : memref<10240x128xf32, #tpu.memory_space<vmem_shared>> -> memref<40x128xf32, #tpu.memory_space<vmem_shared>>
      %dma_wait3A_284 = arith.constant 0 : i32
      %dma_wait3A_285 = tpu.memref_slice %arg20[%add3A_30, %dma_wait3A_284] : memref<10240x128xf32, #tpu.memory_space<vmem_shared>> -> memref<40x128xf32, #tpu.memory_space<vmem_shared>>
      tpu.wait_dma2 semaphore(%run_scoped3A : memref<!tpu.dma_semaphore, #tpu.memory_space<semaphore_mem>>) src(%arg8 : memref<40x128xf32, #tpu.memory_space<vmem>>) dst(%dma_wait3A_285 : memref<40x128xf32, #tpu.memory_space<vmem_shared>>)
      tpu.yield
    }) : () -> ()
    %mul3A_31 = arith.constant 640 : i32
    %mul3A_32 = arith.muli %arg1, %mul3A_31 : i32
    %add3A_33 = arith.constant 0 : i32
    %add3A_34 = arith.addi %mul3A_32, %add3A_33 : i32
    "tpu.region"() ({
      %run_scoped3A = tpu.sem_alloc : memref<!tpu.dma_semaphore, #tpu.memory_space<semaphore_mem>>
      %dma_start3A_278 = arith.constant 0 : i32
      %dma_start3A_279 = tpu.memref_slice %arg21[%add3A_34, %dma_start3A_278] : memref<10240x8xf32, #tpu.memory_space<vmem_shared>> -> memref<40x8xf32, #tpu.memory_space<vmem_shared>>
      %dma_start3A_280 = arith.constant 0 : i32
      %dma_start3A_281 = tpu.memref_slice %arg21[%add3A_34, %dma_start3A_280] : memref<10240x8xf32, #tpu.memory_space<vmem_shared>> -> memref<40x8xf32, #tpu.memory_space<vmem_shared>>
      tpu.enqueue_dma source(%arg12 : memref<40x8xf32, #tpu.memory_space<vmem>>) target(%dma_start3A_281 : memref<40x8xf32, #tpu.memory_space<vmem_shared>>) target_semaphore(%run_scoped3A : memref<!tpu.dma_semaphore, #tpu.memory_space<semaphore_mem>>)
      %dma_wait3A_282 = arith.constant 0 : i32
      %dma_wait3A_283 = tpu.memref_slice %arg21[%add3A_34, %dma_wait3A_282] : memref<10240x8xf32, #tpu.memory_space<vmem_shared>> -> memref<40x8xf32, #tpu.memory_space<vmem_shared>>
      %dma_wait3A_284 = arith.constant 0 : i32
      %dma_wait3A_285 = tpu.memref_slice %arg21[%add3A_34, %dma_wait3A_284] : memref<10240x8xf32, #tpu.memory_space<vmem_shared>> -> memref<40x8xf32, #tpu.memory_space<vmem_shared>>
      tpu.wait_dma2 semaphore(%run_scoped3A : memref<!tpu.dma_semaphore, #tpu.memory_space<semaphore_mem>>) src(%arg12 : memref<40x8xf32, #tpu.memory_space<vmem>>) dst(%dma_wait3A_285 : memref<40x8xf32, #tpu.memory_space<vmem_shared>>)
      tpu.yield
    }) : () -> ()
    %mul3A_35 = arith.constant 640 : i32
    %mul3A_36 = arith.muli %arg1, %mul3A_35 : i32
    %add3A_37 = arith.constant 40 : i32
    %add3A_38 = arith.addi %mul3A_36, %add3A_37 : i32
    "tpu.region"() ({
      %run_scoped3A = tpu.sem_alloc : memref<!tpu.dma_semaphore, #tpu.memory_space<semaphore_mem>>
      %dma_start3A_278 = arith.constant 0 : i32
      %dma_start3A_279 = tpu.memref_slice %arg20[%add3A_38, %dma_start3A_278] : memref<10240x128xf32, #tpu.memory_space<vmem_shared>> -> memref<40x128xf32, #tpu.memory_space<vmem_shared>>
      %dma_start3A_280 = arith.constant 0 : i32
      %dma_start3A_281 = tpu.memref_slice %arg20[%add3A_38, %dma_start3A_280] : memref<10240x128xf32, #tpu.memory_space<vmem_shared>> -> memref<40x128xf32, #tpu.memory_space<vmem_shared>>
      tpu.enqueue_dma source(%arg8 : memref<40x128xf32, #tpu.memory_space<vmem>>) target(%dma_start3A_281 : memref<40x128xf32, #tpu.memory_space<vmem_shared>>) target_semaphore(%run_scoped3A : memref<!tpu.dma_semaphore, #tpu.memory_space<semaphore_mem>>)
      %dma_wait3A_282 = arith.constant 0 : i32
      %dma_wait3A_283 = tpu.memref_slice %arg20[%add3A_38, %dma_wait3A_282] : memref<10240x128xf32, #tpu.memory_space<vmem_shared>> -> memref<40x128xf32, #tpu.memory_space<vmem_shared>>
      %dma_wait3A_284 = arith.constant 0 : i32
      %dma_wait3A_285 = tpu.memref_slice %arg20[%add3A_38, %dma_wait3A_284] : memref<10240x128xf32, #tpu.memory_space<vmem_shared>> -> memref<40x128xf32, #tpu.memory_space<vmem_shared>>
      tpu.wait_dma2 semaphore(%run_scoped3A : memref<!tpu.dma_semaphore, #tpu.memory_space<semaphore_mem>>) src(%arg8 : memref<40x128xf32, #tpu.memory_space<vmem>>) dst(%dma_wait3A_285 : memref<40x128xf32, #tpu.memory_space<vmem_shared>>)
      tpu.yield
    }) : () -> ()
    %mul3A_39 = arith.constant 640 : i32
    %mul3A_40 = arith.muli %arg1, %mul3A_39 : i32
    %add3A_41 = arith.constant 40 : i32
    %add3A_42 = arith.addi %mul3A_40, %add3A_41 : i32
    "tpu.region"() ({
      %run_scoped3A = tpu.sem_alloc : memref<!tpu.dma_semaphore, #tpu.memory_space<semaphore_mem>>
      %dma_start3A_278 = arith.constant 0 : i32
      %dma_start3A_279 = tpu.memref_slice %arg21[%add3A_42, %dma_start3A_278] : memref<10240x8xf32, #tpu.memory_space<vmem_shared>> -> memref<40x8xf32, #tpu.memory_space<vmem_shared>>
      %dma_start3A_280 = arith.constant 0 : i32
      %dma_start3A_281 = tpu.memref_slice %arg21[%add3A_42, %dma_start3A_280] : memref<10240x8xf32, #tpu.memory_space<vmem_shared>> -> memref<40x8xf32, #tpu.memory_space<vmem_shared>>
      tpu.enqueue_dma source(%arg12 : memref<40x8xf32, #tpu.memory_space<vmem>>) target(%dma_start3A_281 : memref<40x8xf32, #tpu.memory_space<vmem_shared>>) target_semaphore(%run_scoped3A : memref<!tpu.dma_semaphore, #tpu.memory_space<semaphore_mem>>)
      %dma_wait3A_282 = arith.constant 0 : i32
      %dma_wait3A_283 = tpu.memref_slice %arg21[%add3A_42, %dma_wait3A_282] : memref<10240x8xf32, #tpu.memory_space<vmem_shared>> -> memref<40x8xf32, #tpu.memory_space<vmem_shared>>
      %dma_wait3A_284 = arith.constant 0 : i32
      %dma_wait3A_285 = tpu.memref_slice %arg21[%add3A_42, %dma_wait3A_284] : memref<10240x8xf32, #tpu.memory_space<vmem_shared>> -> memref<40x8xf32, #tpu.memory_space<vmem_shared>>
      tpu.wait_dma2 semaphore(%run_scoped3A : memref<!tpu.dma_semaphore, #tpu.memory_space<semaphore_mem>>) src(%arg12 : memref<40x8xf32, #tpu.memory_space<vmem>>) dst(%dma_wait3A_285 : memref<40x8xf32, #tpu.memory_space<vmem_shared>>)
      tpu.yield
    }) : () -> ()
    %mul3A_43 = arith.constant 640 : i32
    %mul3A_44 = arith.muli %arg1, %mul3A_43 : i32
    %add3A_45 = arith.constant 80 : i32
    %add3A_46 = arith.addi %mul3A_44, %add3A_45 : i32
    "tpu.region"() ({
      %run_scoped3A = tpu.sem_alloc : memref<!tpu.dma_semaphore, #tpu.memory_space<semaphore_mem>>
      %dma_start3A_278 = arith.constant 0 : i32
      %dma_start3A_279 = tpu.memref_slice %arg20[%add3A_46, %dma_start3A_278] : memref<10240x128xf32, #tpu.memory_space<vmem_shared>> -> memref<40x128xf32, #tpu.memory_space<vmem_shared>>
      %dma_start3A_280 = arith.constant 0 : i32
      %dma_start3A_281 = tpu.memref_slice %arg20[%add3A_46, %dma_start3A_280] : memref<10240x128xf32, #tpu.memory_space<vmem_shared>> -> memref<40x128xf32, #tpu.memory_space<vmem_shared>>
      tpu.enqueue_dma source(%arg8 : memref<40x128xf32, #tpu.memory_space<vmem>>) target(%dma_start3A_281 : memref<40x128xf32, #tpu.memory_space<vmem_shared>>) target_semaphore(%run_scoped3A : memref<!tpu.dma_semaphore, #tpu.memory_space<semaphore_mem>>)
      %dma_wait3A_282 = arith.constant 0 : i32
      %dma_wait3A_283 = tpu.memref_slice %arg20[%add3A_46, %dma_wait3A_282] : memref<10240x128xf32, #tpu.memory_space<vmem_shared>> -> memref<40x128xf32, #tpu.memory_space<vmem_shared>>
      %dma_wait3A_284 = arith.constant 0 : i32
      %dma_wait3A_285 = tpu.memref_slice %arg20[%add3A_46, %dma_wait3A_284] : memref<10240x128xf32, #tpu.memory_space<vmem_shared>> -> memref<40x128xf32, #tpu.memory_space<vmem_shared>>
      tpu.wait_dma2 semaphore(%run_scoped3A : memref<!tpu.dma_semaphore, #tpu.memory_space<semaphore_mem>>) src(%arg8 : memref<40x128xf32, #tpu.memory_space<vmem>>) dst(%dma_wait3A_285 : memref<40x128xf32, #tpu.memory_space<vmem_shared>>)
      tpu.yield
    }) : () -> ()
    %mul3A_47 = arith.constant 640 : i32
    %mul3A_48 = arith.muli %arg1, %mul3A_47 : i32
    %add3A_49 = arith.constant 80 : i32
    %add3A_50 = arith.addi %mul3A_48, %add3A_49 : i32
    "tpu.region"() ({
      %run_scoped3A = tpu.sem_alloc : memref<!tpu.dma_semaphore, #tpu.memory_space<semaphore_mem>>
      %dma_start3A_278 = arith.constant 0 : i32
      %dma_start3A_279 = tpu.memref_slice %arg21[%add3A_50, %dma_start3A_278] : memref<10240x8xf32, #tpu.memory_space<vmem_shared>> -> memref<40x8xf32, #tpu.memory_space<vmem_shared>>
      %dma_start3A_280 = arith.constant 0 : i32
      %dma_start3A_281 = tpu.memref_slice %arg21[%add3A_50, %dma_start3A_280] : memref<10240x8xf32, #tpu.memory_space<vmem_shared>> -> memref<40x8xf32, #tpu.memory_space<vmem_shared>>
      tpu.enqueue_dma source(%arg12 : memref<40x8xf32, #tpu.memory_space<vmem>>) target(%dma_start3A_281 : memref<40x8xf32, #tpu.memory_space<vmem_shared>>) target_semaphore(%run_scoped3A : memref<!tpu.dma_semaphore, #tpu.memory_space<semaphore_mem>>)
      %dma_wait3A_282 = arith.constant 0 : i32
      %dma_wait3A_283 = tpu.memref_slice %arg21[%add3A_50, %dma_wait3A_282] : memref<10240x8xf32, #tpu.memory_space<vmem_shared>> -> memref<40x8xf32, #tpu.memory_space<vmem_shared>>
      %dma_wait3A_284 = arith.constant 0 : i32
      %dma_wait3A_285 = tpu.memref_slice %arg21[%add3A_50, %dma_wait3A_284] : memref<10240x8xf32, #tpu.memory_space<vmem_shared>> -> memref<40x8xf32, #tpu.memory_space<vmem_shared>>
      tpu.wait_dma2 semaphore(%run_scoped3A : memref<!tpu.dma_semaphore, #tpu.memory_space<semaphore_mem>>) src(%arg12 : memref<40x8xf32, #tpu.memory_space<vmem>>) dst(%dma_wait3A_285 : memref<40x8xf32, #tpu.memory_space<vmem_shared>>)
      tpu.yield
    }) : () -> ()
    %mul3A_51 = arith.constant 640 : i32
    %mul3A_52 = arith.muli %arg1, %mul3A_51 : i32
    %add3A_53 = arith.constant 120 : i32
    %add3A_54 = arith.addi %mul3A_52, %add3A_53 : i32
    "tpu.region"() ({
      %run_scoped3A = tpu.sem_alloc : memref<!tpu.dma_semaphore, #tpu.memory_space<semaphore_mem>>
      %dma_start3A_278 = arith.constant 0 : i32
      %dma_start3A_279 = tpu.memref_slice %arg20[%add3A_54, %dma_start3A_278] : memref<10240x128xf32, #tpu.memory_space<vmem_shared>> -> memref<40x128xf32, #tpu.memory_space<vmem_shared>>
      %dma_start3A_280 = arith.constant 0 : i32
      %dma_start3A_281 = tpu.memref_slice %arg20[%add3A_54, %dma_start3A_280] : memref<10240x128xf32, #tpu.memory_space<vmem_shared>> -> memref<40x128xf32, #tpu.memory_space<vmem_shared>>
      tpu.enqueue_dma source(%arg8 : memref<40x128xf32, #tpu.memory_space<vmem>>) target(%dma_start3A_281 : memref<40x128xf32, #tpu.memory_space<vmem_shared>>) target_semaphore(%run_scoped3A : memref<!tpu.dma_semaphore, #tpu.memory_space<semaphore_mem>>)
      %dma_wait3A_282 = arith.constant 0 : i32
      %dma_wait3A_283 = tpu.memref_slice %arg20[%add3A_54, %dma_wait3A_282] : memref<10240x128xf32, #tpu.memory_space<vmem_shared>> -> memref<40x128xf32, #tpu.memory_space<vmem_shared>>
      %dma_wait3A_284 = arith.constant 0 : i32
      %dma_wait3A_285 = tpu.memref_slice %arg20[%add3A_54, %dma_wait3A_284] : memref<10240x128xf32, #tpu.memory_space<vmem_shared>> -> memref<40x128xf32, #tpu.memory_space<vmem_shared>>
      tpu.wait_dma2 semaphore(%run_scoped3A : memref<!tpu.dma_semaphore, #tpu.memory_space<semaphore_mem>>) src(%arg8 : memref<40x128xf32, #tpu.memory_space<vmem>>) dst(%dma_wait3A_285 : memref<40x128xf32, #tpu.memory_space<vmem_shared>>)
      tpu.yield
    }) : () -> ()
    %mul3A_55 = arith.constant 640 : i32
    %mul3A_56 = arith.muli %arg1, %mul3A_55 : i32
    %add3A_57 = arith.constant 120 : i32
    %add3A_58 = arith.addi %mul3A_56, %add3A_57 : i32
    "tpu.region"() ({
      %run_scoped3A = tpu.sem_alloc : memref<!tpu.dma_semaphore, #tpu.memory_space<semaphore_mem>>
      %dma_start3A_278 = arith.constant 0 : i32
      %dma_start3A_279 = tpu.memref_slice %arg21[%add3A_58, %dma_start3A_278] : memref<10240x8xf32, #tpu.memory_space<vmem_shared>> -> memref<40x8xf32, #tpu.memory_space<vmem_shared>>
      %dma_start3A_280 = arith.constant 0 : i32
      %dma_start3A_281 = tpu.memref_slice %arg21[%add3A_58, %dma_start3A_280] : memref<10240x8xf32, #tpu.memory_space<vmem_shared>> -> memref<40x8xf32, #tpu.memory_space<vmem_shared>>
      tpu.enqueue_dma source(%arg12 : memref<40x8xf32, #tpu.memory_space<vmem>>) target(%dma_start3A_281 : memref<40x8xf32, #tpu.memory_space<vmem_shared>>) target_semaphore(%run_scoped3A : memref<!tpu.dma_semaphore, #tpu.memory_space<semaphore_mem>>)
      %dma_wait3A_282 = arith.constant 0 : i32
      %dma_wait3A_283 = tpu.memref_slice %arg21[%add3A_58, %dma_wait3A_282] : memref<10240x8xf32, #tpu.memory_space<vmem_shared>> -> memref<40x8xf32, #tpu.memory_space<vmem_shared>>
      %dma_wait3A_284 = arith.constant 0 : i32
      %dma_wait3A_285 = tpu.memref_slice %arg21[%add3A_58, %dma_wait3A_284] : memref<10240x8xf32, #tpu.memory_space<vmem_shared>> -> memref<40x8xf32, #tpu.memory_space<vmem_shared>>
      tpu.wait_dma2 semaphore(%run_scoped3A : memref<!tpu.dma_semaphore, #tpu.memory_space<semaphore_mem>>) src(%arg12 : memref<40x8xf32, #tpu.memory_space<vmem>>) dst(%dma_wait3A_285 : memref<40x8xf32, #tpu.memory_space<vmem_shared>>)
      tpu.yield
    }) : () -> ()
    %mul3A_59 = arith.constant 640 : i32
    %mul3A_60 = arith.muli %arg1, %mul3A_59 : i32
    %add3A_61 = arith.constant 160 : i32
    %add3A_62 = arith.addi %mul3A_60, %add3A_61 : i32
    "tpu.region"() ({
      %run_scoped3A = tpu.sem_alloc : memref<!tpu.dma_semaphore, #tpu.memory_space<semaphore_mem>>
      %dma_start3A_278 = arith.constant 0 : i32
      %dma_start3A_279 = tpu.memref_slice %arg20[%add3A_62, %dma_start3A_278] : memref<10240x128xf32, #tpu.memory_space<vmem_shared>> -> memref<40x128xf32, #tpu.memory_space<vmem_shared>>
      %dma_start3A_280 = arith.constant 0 : i32
      %dma_start3A_281 = tpu.memref_slice %arg20[%add3A_62, %dma_start3A_280] : memref<10240x128xf32, #tpu.memory_space<vmem_shared>> -> memref<40x128xf32, #tpu.memory_space<vmem_shared>>
      tpu.enqueue_dma source(%arg8 : memref<40x128xf32, #tpu.memory_space<vmem>>) target(%dma_start3A_281 : memref<40x128xf32, #tpu.memory_space<vmem_shared>>) target_semaphore(%run_scoped3A : memref<!tpu.dma_semaphore, #tpu.memory_space<semaphore_mem>>)
      %dma_wait3A_282 = arith.constant 0 : i32
      %dma_wait3A_283 = tpu.memref_slice %arg20[%add3A_62, %dma_wait3A_282] : memref<10240x128xf32, #tpu.memory_space<vmem_shared>> -> memref<40x128xf32, #tpu.memory_space<vmem_shared>>
      %dma_wait3A_284 = arith.constant 0 : i32
      %dma_wait3A_285 = tpu.memref_slice %arg20[%add3A_62, %dma_wait3A_284] : memref<10240x128xf32, #tpu.memory_space<vmem_shared>> -> memref<40x128xf32, #tpu.memory_space<vmem_shared>>
      tpu.wait_dma2 semaphore(%run_scoped3A : memref<!tpu.dma_semaphore, #tpu.memory_space<semaphore_mem>>) src(%arg8 : memref<40x128xf32, #tpu.memory_space<vmem>>) dst(%dma_wait3A_285 : memref<40x128xf32, #tpu.memory_space<vmem_shared>>)
      tpu.yield
    }) : () -> ()
    %mul3A_63 = arith.constant 640 : i32
    %mul3A_64 = arith.muli %arg1, %mul3A_63 : i32
    %add3A_65 = arith.constant 160 : i32
    %add3A_66 = arith.addi %mul3A_64, %add3A_65 : i32
    "tpu.region"() ({
      %run_scoped3A = tpu.sem_alloc : memref<!tpu.dma_semaphore, #tpu.memory_space<semaphore_mem>>
      %dma_start3A_278 = arith.constant 0 : i32
      %dma_start3A_279 = tpu.memref_slice %arg21[%add3A_66, %dma_start3A_278] : memref<10240x8xf32, #tpu.memory_space<vmem_shared>> -> memref<40x8xf32, #tpu.memory_space<vmem_shared>>
      %dma_start3A_280 = arith.constant 0 : i32
      %dma_start3A_281 = tpu.memref_slice %arg21[%add3A_66, %dma_start3A_280] : memref<10240x8xf32, #tpu.memory_space<vmem_shared>> -> memref<40x8xf32, #tpu.memory_space<vmem_shared>>
      tpu.enqueue_dma source(%arg12 : memref<40x8xf32, #tpu.memory_space<vmem>>) target(%dma_start3A_281 : memref<40x8xf32, #tpu.memory_space<vmem_shared>>) target_semaphore(%run_scoped3A : memref<!tpu.dma_semaphore, #tpu.memory_space<semaphore_mem>>)
      %dma_wait3A_282 = arith.constant 0 : i32
      %dma_wait3A_283 = tpu.memref_slice %arg21[%add3A_66, %dma_wait3A_282] : memref<10240x8xf32, #tpu.memory_space<vmem_shared>> -> memref<40x8xf32, #tpu.memory_space<vmem_shared>>
      %dma_wait3A_284 = arith.constant 0 : i32
      %dma_wait3A_285 = tpu.memref_slice %arg21[%add3A_66, %dma_wait3A_284] : memref<10240x8xf32, #tpu.memory_space<vmem_shared>> -> memref<40x8xf32, #tpu.memory_space<vmem_shared>>
      tpu.wait_dma2 semaphore(%run_scoped3A : memref<!tpu.dma_semaphore, #tpu.memory_space<semaphore_mem>>) src(%arg12 : memref<40x8xf32, #tpu.memory_space<vmem>>) dst(%dma_wait3A_285 : memref<40x8xf32, #tpu.memory_space<vmem_shared>>)
      tpu.yield
    }) : () -> ()
    %mul3A_67 = arith.constant 640 : i32
    %mul3A_68 = arith.muli %arg1, %mul3A_67 : i32
    %add3A_69 = arith.constant 200 : i32
    %add3A_70 = arith.addi %mul3A_68, %add3A_69 : i32
    "tpu.region"() ({
      %run_scoped3A = tpu.sem_alloc : memref<!tpu.dma_semaphore, #tpu.memory_space<semaphore_mem>>
      %dma_start3A_278 = arith.constant 0 : i32
      %dma_start3A_279 = tpu.memref_slice %arg20[%add3A_70, %dma_start3A_278] : memref<10240x128xf32, #tpu.memory_space<vmem_shared>> -> memref<40x128xf32, #tpu.memory_space<vmem_shared>>
      %dma_start3A_280 = arith.constant 0 : i32
      %dma_start3A_281 = tpu.memref_slice %arg20[%add3A_70, %dma_start3A_280] : memref<10240x128xf32, #tpu.memory_space<vmem_shared>> -> memref<40x128xf32, #tpu.memory_space<vmem_shared>>
      tpu.enqueue_dma source(%arg8 : memref<40x128xf32, #tpu.memory_space<vmem>>) target(%dma_start3A_281 : memref<40x128xf32, #tpu.memory_space<vmem_shared>>) target_semaphore(%run_scoped3A : memref<!tpu.dma_semaphore, #tpu.memory_space<semaphore_mem>>)
      %dma_wait3A_282 = arith.constant 0 : i32
      %dma_wait3A_283 = tpu.memref_slice %arg20[%add3A_70, %dma_wait3A_282] : memref<10240x128xf32, #tpu.memory_space<vmem_shared>> -> memref<40x128xf32, #tpu.memory_space<vmem_shared>>
      %dma_wait3A_284 = arith.constant 0 : i32
      %dma_wait3A_285 = tpu.memref_slice %arg20[%add3A_70, %dma_wait3A_284] : memref<10240x128xf32, #tpu.memory_space<vmem_shared>> -> memref<40x128xf32, #tpu.memory_space<vmem_shared>>
      tpu.wait_dma2 semaphore(%run_scoped3A : memref<!tpu.dma_semaphore, #tpu.memory_space<semaphore_mem>>) src(%arg8 : memref<40x128xf32, #tpu.memory_space<vmem>>) dst(%dma_wait3A_285 : memref<40x128xf32, #tpu.memory_space<vmem_shared>>)
      tpu.yield
    }) : () -> ()
    %mul3A_71 = arith.constant 640 : i32
    %mul3A_72 = arith.muli %arg1, %mul3A_71 : i32
    %add3A_73 = arith.constant 200 : i32
    %add3A_74 = arith.addi %mul3A_72, %add3A_73 : i32
    "tpu.region"() ({
      %run_scoped3A = tpu.sem_alloc : memref<!tpu.dma_semaphore, #tpu.memory_space<semaphore_mem>>
      %dma_start3A_278 = arith.constant 0 : i32
      %dma_start3A_279 = tpu.memref_slice %arg21[%add3A_74, %dma_start3A_278] : memref<10240x8xf32, #tpu.memory_space<vmem_shared>> -> memref<40x8xf32, #tpu.memory_space<vmem_shared>>
      %dma_start3A_280 = arith.constant 0 : i32
      %dma_start3A_281 = tpu.memref_slice %arg21[%add3A_74, %dma_start3A_280] : memref<10240x8xf32, #tpu.memory_space<vmem_shared>> -> memref<40x8xf32, #tpu.memory_space<vmem_shared>>
      tpu.enqueue_dma source(%arg12 : memref<40x8xf32, #tpu.memory_space<vmem>>) target(%dma_start3A_281 : memref<40x8xf32, #tpu.memory_space<vmem_shared>>) target_semaphore(%run_scoped3A : memref<!tpu.dma_semaphore, #tpu.memory_space<semaphore_mem>>)
      %dma_wait3A_282 = arith.constant 0 : i32
      %dma_wait3A_283 = tpu.memref_slice %arg21[%add3A_74, %dma_wait3A_282] : memref<10240x8xf32, #tpu.memory_space<vmem_shared>> -> memref<40x8xf32, #tpu.memory_space<vmem_shared>>
      %dma_wait3A_284 = arith.constant 0 : i32
      %dma_wait3A_285 = tpu.memref_slice %arg21[%add3A_74, %dma_wait3A_284] : memref<10240x8xf32, #tpu.memory_space<vmem_shared>> -> memref<40x8xf32, #tpu.memory_space<vmem_shared>>
      tpu.wait_dma2 semaphore(%run_scoped3A : memref<!tpu.dma_semaphore, #tpu.memory_space<semaphore_mem>>) src(%arg12 : memref<40x8xf32, #tpu.memory_space<vmem>>) dst(%dma_wait3A_285 : memref<40x8xf32, #tpu.memory_space<vmem_shared>>)
      tpu.yield
    }) : () -> ()
    %mul3A_75 = arith.constant 640 : i32
    %mul3A_76 = arith.muli %arg1, %mul3A_75 : i32
    %add3A_77 = arith.constant 240 : i32
    %add3A_78 = arith.addi %mul3A_76, %add3A_77 : i32
    "tpu.region"() ({
      %run_scoped3A = tpu.sem_alloc : memref<!tpu.dma_semaphore, #tpu.memory_space<semaphore_mem>>
      %dma_start3A_278 = arith.constant 0 : i32
      %dma_start3A_279 = tpu.memref_slice %arg20[%add3A_78, %dma_start3A_278] : memref<10240x128xf32, #tpu.memory_space<vmem_shared>> -> memref<40x128xf32, #tpu.memory_space<vmem_shared>>
      %dma_start3A_280 = arith.constant 0 : i32
      %dma_start3A_281 = tpu.memref_slice %arg20[%add3A_78, %dma_start3A_280] : memref<10240x128xf32, #tpu.memory_space<vmem_shared>> -> memref<40x128xf32, #tpu.memory_space<vmem_shared>>
      tpu.enqueue_dma source(%arg8 : memref<40x128xf32, #tpu.memory_space<vmem>>) target(%dma_start3A_281 : memref<40x128xf32, #tpu.memory_space<vmem_shared>>) target_semaphore(%run_scoped3A : memref<!tpu.dma_semaphore, #tpu.memory_space<semaphore_mem>>)
      %dma_wait3A_282 = arith.constant 0 : i32
      %dma_wait3A_283 = tpu.memref_slice %arg20[%add3A_78, %dma_wait3A_282] : memref<10240x128xf32, #tpu.memory_space<vmem_shared>> -> memref<40x128xf32, #tpu.memory_space<vmem_shared>>
      %dma_wait3A_284 = arith.constant 0 : i32
      %dma_wait3A_285 = tpu.memref_slice %arg20[%add3A_78, %dma_wait3A_284] : memref<10240x128xf32, #tpu.memory_space<vmem_shared>> -> memref<40x128xf32, #tpu.memory_space<vmem_shared>>
      tpu.wait_dma2 semaphore(%run_scoped3A : memref<!tpu.dma_semaphore, #tpu.memory_space<semaphore_mem>>) src(%arg8 : memref<40x128xf32, #tpu.memory_space<vmem>>) dst(%dma_wait3A_285 : memref<40x128xf32, #tpu.memory_space<vmem_shared>>)
      tpu.yield
    }) : () -> ()
    %mul3A_79 = arith.constant 640 : i32
    %mul3A_80 = arith.muli %arg1, %mul3A_79 : i32
    %add3A_81 = arith.constant 240 : i32
    %add3A_82 = arith.addi %mul3A_80, %add3A_81 : i32
    "tpu.region"() ({
      %run_scoped3A = tpu.sem_alloc : memref<!tpu.dma_semaphore, #tpu.memory_space<semaphore_mem>>
      %dma_start3A_278 = arith.constant 0 : i32
      %dma_start3A_279 = tpu.memref_slice %arg21[%add3A_82, %dma_start3A_278] : memref<10240x8xf32, #tpu.memory_space<vmem_shared>> -> memref<40x8xf32, #tpu.memory_space<vmem_shared>>
      %dma_start3A_280 = arith.constant 0 : i32
      %dma_start3A_281 = tpu.memref_slice %arg21[%add3A_82, %dma_start3A_280] : memref<10240x8xf32, #tpu.memory_space<vmem_shared>> -> memref<40x8xf32, #tpu.memory_space<vmem_shared>>
      tpu.enqueue_dma source(%arg12 : memref<40x8xf32, #tpu.memory_space<vmem>>) target(%dma_start3A_281 : memref<40x8xf32, #tpu.memory_space<vmem_shared>>) target_semaphore(%run_scoped3A : memref<!tpu.dma_semaphore, #tpu.memory_space<semaphore_mem>>)
      %dma_wait3A_282 = arith.constant 0 : i32
      %dma_wait3A_283 = tpu.memref_slice %arg21[%add3A_82, %dma_wait3A_282] : memref<10240x8xf32, #tpu.memory_space<vmem_shared>> -> memref<40x8xf32, #tpu.memory_space<vmem_shared>>
      %dma_wait3A_284 = arith.constant 0 : i32
      %dma_wait3A_285 = tpu.memref_slice %arg21[%add3A_82, %dma_wait3A_284] : memref<10240x8xf32, #tpu.memory_space<vmem_shared>> -> memref<40x8xf32, #tpu.memory_space<vmem_shared>>
      tpu.wait_dma2 semaphore(%run_scoped3A : memref<!tpu.dma_semaphore, #tpu.memory_space<semaphore_mem>>) src(%arg12 : memref<40x8xf32, #tpu.memory_space<vmem>>) dst(%dma_wait3A_285 : memref<40x8xf32, #tpu.memory_space<vmem_shared>>)
      tpu.yield
    }) : () -> ()
    %mul3A_83 = arith.constant 640 : i32
    %mul3A_84 = arith.muli %arg1, %mul3A_83 : i32
    %add3A_85 = arith.constant 280 : i32
    %add3A_86 = arith.addi %mul3A_84, %add3A_85 : i32
    "tpu.region"() ({
      %run_scoped3A = tpu.sem_alloc : memref<!tpu.dma_semaphore, #tpu.memory_space<semaphore_mem>>
      %dma_start3A_278 = arith.constant 0 : i32
      %dma_start3A_279 = tpu.memref_slice %arg20[%add3A_86, %dma_start3A_278] : memref<10240x128xf32, #tpu.memory_space<vmem_shared>> -> memref<40x128xf32, #tpu.memory_space<vmem_shared>>
      %dma_start3A_280 = arith.constant 0 : i32
      %dma_start3A_281 = tpu.memref_slice %arg20[%add3A_86, %dma_start3A_280] : memref<10240x128xf32, #tpu.memory_space<vmem_shared>> -> memref<40x128xf32, #tpu.memory_space<vmem_shared>>
      tpu.enqueue_dma source(%arg8 : memref<40x128xf32, #tpu.memory_space<vmem>>) target(%dma_start3A_281 : memref<40x128xf32, #tpu.memory_space<vmem_shared>>) target_semaphore(%run_scoped3A : memref<!tpu.dma_semaphore, #tpu.memory_space<semaphore_mem>>)
      %dma_wait3A_282 = arith.constant 0 : i32
      %dma_wait3A_283 = tpu.memref_slice %arg20[%add3A_86, %dma_wait3A_282] : memref<10240x128xf32, #tpu.memory_space<vmem_shared>> -> memref<40x128xf32, #tpu.memory_space<vmem_shared>>
      %dma_wait3A_284 = arith.constant 0 : i32
      %dma_wait3A_285 = tpu.memref_slice %arg20[%add3A_86, %dma_wait3A_284] : memref<10240x128xf32, #tpu.memory_space<vmem_shared>> -> memref<40x128xf32, #tpu.memory_space<vmem_shared>>
      tpu.wait_dma2 semaphore(%run_scoped3A : memref<!tpu.dma_semaphore, #tpu.memory_space<semaphore_mem>>) src(%arg8 : memref<40x128xf32, #tpu.memory_space<vmem>>) dst(%dma_wait3A_285 : memref<40x128xf32, #tpu.memory_space<vmem_shared>>)
      tpu.yield
    }) : () -> ()
    %mul3A_87 = arith.constant 640 : i32
    %mul3A_88 = arith.muli %arg1, %mul3A_87 : i32
    %add3A_89 = arith.constant 280 : i32
    %add3A_90 = arith.addi %mul3A_88, %add3A_89 : i32
    "tpu.region"() ({
      %run_scoped3A = tpu.sem_alloc : memref<!tpu.dma_semaphore, #tpu.memory_space<semaphore_mem>>
      %dma_start3A_278 = arith.constant 0 : i32
      %dma_start3A_279 = tpu.memref_slice %arg21[%add3A_90, %dma_start3A_278] : memref<10240x8xf32, #tpu.memory_space<vmem_shared>> -> memref<40x8xf32, #tpu.memory_space<vmem_shared>>
      %dma_start3A_280 = arith.constant 0 : i32
      %dma_start3A_281 = tpu.memref_slice %arg21[%add3A_90, %dma_start3A_280] : memref<10240x8xf32, #tpu.memory_space<vmem_shared>> -> memref<40x8xf32, #tpu.memory_space<vmem_shared>>
      tpu.enqueue_dma source(%arg12 : memref<40x8xf32, #tpu.memory_space<vmem>>) target(%dma_start3A_281 : memref<40x8xf32, #tpu.memory_space<vmem_shared>>) target_semaphore(%run_scoped3A : memref<!tpu.dma_semaphore, #tpu.memory_space<semaphore_mem>>)
      %dma_wait3A_282 = arith.constant 0 : i32
      %dma_wait3A_283 = tpu.memref_slice %arg21[%add3A_90, %dma_wait3A_282] : memref<10240x8xf32, #tpu.memory_space<vmem_shared>> -> memref<40x8xf32, #tpu.memory_space<vmem_shared>>
      %dma_wait3A_284 = arith.constant 0 : i32
      %dma_wait3A_285 = tpu.memref_slice %arg21[%add3A_90, %dma_wait3A_284] : memref<10240x8xf32, #tpu.memory_space<vmem_shared>> -> memref<40x8xf32, #tpu.memory_space<vmem_shared>>
      tpu.wait_dma2 semaphore(%run_scoped3A : memref<!tpu.dma_semaphore, #tpu.memory_space<semaphore_mem>>) src(%arg12 : memref<40x8xf32, #tpu.memory_space<vmem>>) dst(%dma_wait3A_285 : memref<40x8xf32, #tpu.memory_space<vmem_shared>>)
      tpu.yield
    }) : () -> ()
    %mul3A_91 = arith.constant 640 : i32
    %mul3A_92 = arith.muli %arg1, %mul3A_91 : i32
    %add3A_93 = arith.constant 320 : i32
    %add3A_94 = arith.addi %mul3A_92, %add3A_93 : i32
    "tpu.region"() ({
      %run_scoped3A = tpu.sem_alloc : memref<!tpu.dma_semaphore, #tpu.memory_space<semaphore_mem>>
      %dma_start3A_278 = arith.constant 0 : i32
      %dma_start3A_279 = tpu.memref_slice %arg20[%add3A_94, %dma_start3A_278] : memref<10240x128xf32, #tpu.memory_space<vmem_shared>> -> memref<40x128xf32, #tpu.memory_space<vmem_shared>>
      %dma_start3A_280 = arith.constant 0 : i32
      %dma_start3A_281 = tpu.memref_slice %arg20[%add3A_94, %dma_start3A_280] : memref<10240x128xf32, #tpu.memory_space<vmem_shared>> -> memref<40x128xf32, #tpu.memory_space<vmem_shared>>
      tpu.enqueue_dma source(%arg8 : memref<40x128xf32, #tpu.memory_space<vmem>>) target(%dma_start3A_281 : memref<40x128xf32, #tpu.memory_space<vmem_shared>>) target_semaphore(%run_scoped3A : memref<!tpu.dma_semaphore, #tpu.memory_space<semaphore_mem>>)
      %dma_wait3A_282 = arith.constant 0 : i32
      %dma_wait3A_283 = tpu.memref_slice %arg20[%add3A_94, %dma_wait3A_282] : memref<10240x128xf32, #tpu.memory_space<vmem_shared>> -> memref<40x128xf32, #tpu.memory_space<vmem_shared>>
      %dma_wait3A_284 = arith.constant 0 : i32
      %dma_wait3A_285 = tpu.memref_slice %arg20[%add3A_94, %dma_wait3A_284] : memref<10240x128xf32, #tpu.memory_space<vmem_shared>> -> memref<40x128xf32, #tpu.memory_space<vmem_shared>>
      tpu.wait_dma2 semaphore(%run_scoped3A : memref<!tpu.dma_semaphore, #tpu.memory_space<semaphore_mem>>) src(%arg8 : memref<40x128xf32, #tpu.memory_space<vmem>>) dst(%dma_wait3A_285 : memref<40x128xf32, #tpu.memory_space<vmem_shared>>)
      tpu.yield
    }) : () -> ()
    %mul3A_95 = arith.constant 640 : i32
    %mul3A_96 = arith.muli %arg1, %mul3A_95 : i32
    %add3A_97 = arith.constant 320 : i32
    %add3A_98 = arith.addi %mul3A_96, %add3A_97 : i32
    "tpu.region"() ({
      %run_scoped3A = tpu.sem_alloc : memref<!tpu.dma_semaphore, #tpu.memory_space<semaphore_mem>>
      %dma_start3A_278 = arith.constant 0 : i32
      %dma_start3A_279 = tpu.memref_slice %arg21[%add3A_98, %dma_start3A_278] : memref<10240x8xf32, #tpu.memory_space<vmem_shared>> -> memref<40x8xf32, #tpu.memory_space<vmem_shared>>
      %dma_start3A_280 = arith.constant 0 : i32
      %dma_start3A_281 = tpu.memref_slice %arg21[%add3A_98, %dma_start3A_280] : memref<10240x8xf32, #tpu.memory_space<vmem_shared>> -> memref<40x8xf32, #tpu.memory_space<vmem_shared>>
      tpu.enqueue_dma source(%arg12 : memref<40x8xf32, #tpu.memory_space<vmem>>) target(%dma_start3A_281 : memref<40x8xf32, #tpu.memory_space<vmem_shared>>) target_semaphore(%run_scoped3A : memref<!tpu.dma_semaphore, #tpu.memory_space<semaphore_mem>>)
      %dma_wait3A_282 = arith.constant 0 : i32
      %dma_wait3A_283 = tpu.memref_slice %arg21[%add3A_98, %dma_wait3A_282] : memref<10240x8xf32, #tpu.memory_space<vmem_shared>> -> memref<40x8xf32, #tpu.memory_space<vmem_shared>>
      %dma_wait3A_284 = arith.constant 0 : i32
      %dma_wait3A_285 = tpu.memref_slice %arg21[%add3A_98, %dma_wait3A_284] : memref<10240x8xf32, #tpu.memory_space<vmem_shared>> -> memref<40x8xf32, #tpu.memory_space<vmem_shared>>
      tpu.wait_dma2 semaphore(%run_scoped3A : memref<!tpu.dma_semaphore, #tpu.memory_space<semaphore_mem>>) src(%arg12 : memref<40x8xf32, #tpu.memory_space<vmem>>) dst(%dma_wait3A_285 : memref<40x8xf32, #tpu.memory_space<vmem_shared>>)
      tpu.yield
    }) : () -> ()
    %mul3A_99 = arith.constant 640 : i32
    %mul3A_100 = arith.muli %arg1, %mul3A_99 : i32
    %add3A_101 = arith.constant 360 : i32
    %add3A_102 = arith.addi %mul3A_100, %add3A_101 : i32
    "tpu.region"() ({
      %run_scoped3A = tpu.sem_alloc : memref<!tpu.dma_semaphore, #tpu.memory_space<semaphore_mem>>
      %dma_start3A_278 = arith.constant 0 : i32
      %dma_start3A_279 = tpu.memref_slice %arg20[%add3A_102, %dma_start3A_278] : memref<10240x128xf32, #tpu.memory_space<vmem_shared>> -> memref<40x128xf32, #tpu.memory_space<vmem_shared>>
      %dma_start3A_280 = arith.constant 0 : i32
      %dma_start3A_281 = tpu.memref_slice %arg20[%add3A_102, %dma_start3A_280] : memref<10240x128xf32, #tpu.memory_space<vmem_shared>> -> memref<40x128xf32, #tpu.memory_space<vmem_shared>>
      tpu.enqueue_dma source(%arg8 : memref<40x128xf32, #tpu.memory_space<vmem>>) target(%dma_start3A_281 : memref<40x128xf32, #tpu.memory_space<vmem_shared>>) target_semaphore(%run_scoped3A : memref<!tpu.dma_semaphore, #tpu.memory_space<semaphore_mem>>)
      %dma_wait3A_282 = arith.constant 0 : i32
      %dma_wait3A_283 = tpu.memref_slice %arg20[%add3A_102, %dma_wait3A_282] : memref<10240x128xf32, #tpu.memory_space<vmem_shared>> -> memref<40x128xf32, #tpu.memory_space<vmem_shared>>
      %dma_wait3A_284 = arith.constant 0 : i32
      %dma_wait3A_285 = tpu.memref_slice %arg20[%add3A_102, %dma_wait3A_284] : memref<10240x128xf32, #tpu.memory_space<vmem_shared>> -> memref<40x128xf32, #tpu.memory_space<vmem_shared>>
      tpu.wait_dma2 semaphore(%run_scoped3A : memref<!tpu.dma_semaphore, #tpu.memory_space<semaphore_mem>>) src(%arg8 : memref<40x128xf32, #tpu.memory_space<vmem>>) dst(%dma_wait3A_285 : memref<40x128xf32, #tpu.memory_space<vmem_shared>>)
      tpu.yield
    }) : () -> ()
    %mul3A_103 = arith.constant 640 : i32
    %mul3A_104 = arith.muli %arg1, %mul3A_103 : i32
    %add3A_105 = arith.constant 360 : i32
    %add3A_106 = arith.addi %mul3A_104, %add3A_105 : i32
    "tpu.region"() ({
      %run_scoped3A = tpu.sem_alloc : memref<!tpu.dma_semaphore, #tpu.memory_space<semaphore_mem>>
      %dma_start3A_278 = arith.constant 0 : i32
      %dma_start3A_279 = tpu.memref_slice %arg21[%add3A_106, %dma_start3A_278] : memref<10240x8xf32, #tpu.memory_space<vmem_shared>> -> memref<40x8xf32, #tpu.memory_space<vmem_shared>>
      %dma_start3A_280 = arith.constant 0 : i32
      %dma_start3A_281 = tpu.memref_slice %arg21[%add3A_106, %dma_start3A_280] : memref<10240x8xf32, #tpu.memory_space<vmem_shared>> -> memref<40x8xf32, #tpu.memory_space<vmem_shared>>
      tpu.enqueue_dma source(%arg12 : memref<40x8xf32, #tpu.memory_space<vmem>>) target(%dma_start3A_281 : memref<40x8xf32, #tpu.memory_space<vmem_shared>>) target_semaphore(%run_scoped3A : memref<!tpu.dma_semaphore, #tpu.memory_space<semaphore_mem>>)
      %dma_wait3A_282 = arith.constant 0 : i32
      %dma_wait3A_283 = tpu.memref_slice %arg21[%add3A_106, %dma_wait3A_282] : memref<10240x8xf32, #tpu.memory_space<vmem_shared>> -> memref<40x8xf32, #tpu.memory_space<vmem_shared>>
      %dma_wait3A_284 = arith.constant 0 : i32
      %dma_wait3A_285 = tpu.memref_slice %arg21[%add3A_106, %dma_wait3A_284] : memref<10240x8xf32, #tpu.memory_space<vmem_shared>> -> memref<40x8xf32, #tpu.memory_space<vmem_shared>>
      tpu.wait_dma2 semaphore(%run_scoped3A : memref<!tpu.dma_semaphore, #tpu.memory_space<semaphore_mem>>) src(%arg12 : memref<40x8xf32, #tpu.memory_space<vmem>>) dst(%dma_wait3A_285 : memref<40x8xf32, #tpu.memory_space<vmem_shared>>)
      tpu.yield
    }) : () -> ()
    %mul3A_107 = arith.constant 640 : i32
    %mul3A_108 = arith.muli %arg1, %mul3A_107 : i32
    %add3A_109 = arith.constant 400 : i32
    %add3A_110 = arith.addi %mul3A_108, %add3A_109 : i32
    "tpu.region"() ({
      %run_scoped3A = tpu.sem_alloc : memref<!tpu.dma_semaphore, #tpu.memory_space<semaphore_mem>>
      %dma_start3A_278 = arith.constant 0 : i32
      %dma_start3A_279 = tpu.memref_slice %arg20[%add3A_110, %dma_start3A_278] : memref<10240x128xf32, #tpu.memory_space<vmem_shared>> -> memref<40x128xf32, #tpu.memory_space<vmem_shared>>
      %dma_start3A_280 = arith.constant 0 : i32
      %dma_start3A_281 = tpu.memref_slice %arg20[%add3A_110, %dma_start3A_280] : memref<10240x128xf32, #tpu.memory_space<vmem_shared>> -> memref<40x128xf32, #tpu.memory_space<vmem_shared>>
      tpu.enqueue_dma source(%arg8 : memref<40x128xf32, #tpu.memory_space<vmem>>) target(%dma_start3A_281 : memref<40x128xf32, #tpu.memory_space<vmem_shared>>) target_semaphore(%run_scoped3A : memref<!tpu.dma_semaphore, #tpu.memory_space<semaphore_mem>>)
      %dma_wait3A_282 = arith.constant 0 : i32
      %dma_wait3A_283 = tpu.memref_slice %arg20[%add3A_110, %dma_wait3A_282] : memref<10240x128xf32, #tpu.memory_space<vmem_shared>> -> memref<40x128xf32, #tpu.memory_space<vmem_shared>>
      %dma_wait3A_284 = arith.constant 0 : i32
      %dma_wait3A_285 = tpu.memref_slice %arg20[%add3A_110, %dma_wait3A_284] : memref<10240x128xf32, #tpu.memory_space<vmem_shared>> -> memref<40x128xf32, #tpu.memory_space<vmem_shared>>
      tpu.wait_dma2 semaphore(%run_scoped3A : memref<!tpu.dma_semaphore, #tpu.memory_space<semaphore_mem>>) src(%arg8 : memref<40x128xf32, #tpu.memory_space<vmem>>) dst(%dma_wait3A_285 : memref<40x128xf32, #tpu.memory_space<vmem_shared>>)
      tpu.yield
    }) : () -> ()
    %mul3A_111 = arith.constant 640 : i32
    %mul3A_112 = arith.muli %arg1, %mul3A_111 : i32
    %add3A_113 = arith.constant 400 : i32
    %add3A_114 = arith.addi %mul3A_112, %add3A_113 : i32
    "tpu.region"() ({
      %run_scoped3A = tpu.sem_alloc : memref<!tpu.dma_semaphore, #tpu.memory_space<semaphore_mem>>
      %dma_start3A_278 = arith.constant 0 : i32
      %dma_start3A_279 = tpu.memref_slice %arg21[%add3A_114, %dma_start3A_278] : memref<10240x8xf32, #tpu.memory_space<vmem_shared>> -> memref<40x8xf32, #tpu.memory_space<vmem_shared>>
      %dma_start3A_280 = arith.constant 0 : i32
      %dma_start3A_281 = tpu.memref_slice %arg21[%add3A_114, %dma_start3A_280] : memref<10240x8xf32, #tpu.memory_space<vmem_shared>> -> memref<40x8xf32, #tpu.memory_space<vmem_shared>>
      tpu.enqueue_dma source(%arg12 : memref<40x8xf32, #tpu.memory_space<vmem>>) target(%dma_start3A_281 : memref<40x8xf32, #tpu.memory_space<vmem_shared>>) target_semaphore(%run_scoped3A : memref<!tpu.dma_semaphore, #tpu.memory_space<semaphore_mem>>)
      %dma_wait3A_282 = arith.constant 0 : i32
      %dma_wait3A_283 = tpu.memref_slice %arg21[%add3A_114, %dma_wait3A_282] : memref<10240x8xf32, #tpu.memory_space<vmem_shared>> -> memref<40x8xf32, #tpu.memory_space<vmem_shared>>
      %dma_wait3A_284 = arith.constant 0 : i32
      %dma_wait3A_285 = tpu.memref_slice %arg21[%add3A_114, %dma_wait3A_284] : memref<10240x8xf32, #tpu.memory_space<vmem_shared>> -> memref<40x8xf32, #tpu.memory_space<vmem_shared>>
      tpu.wait_dma2 semaphore(%run_scoped3A : memref<!tpu.dma_semaphore, #tpu.memory_space<semaphore_mem>>) src(%arg12 : memref<40x8xf32, #tpu.memory_space<vmem>>) dst(%dma_wait3A_285 : memref<40x8xf32, #tpu.memory_space<vmem_shared>>)
      tpu.yield
    }) : () -> ()
    %mul3A_115 = arith.constant 640 : i32
    %mul3A_116 = arith.muli %arg1, %mul3A_115 : i32
    %add3A_117 = arith.constant 440 : i32
    %add3A_118 = arith.addi %mul3A_116, %add3A_117 : i32
    "tpu.region"() ({
      %run_scoped3A = tpu.sem_alloc : memref<!tpu.dma_semaphore, #tpu.memory_space<semaphore_mem>>
      %dma_start3A_278 = arith.constant 0 : i32
      %dma_start3A_279 = tpu.memref_slice %arg20[%add3A_118, %dma_start3A_278] : memref<10240x128xf32, #tpu.memory_space<vmem_shared>> -> memref<40x128xf32, #tpu.memory_space<vmem_shared>>
      %dma_start3A_280 = arith.constant 0 : i32
      %dma_start3A_281 = tpu.memref_slice %arg20[%add3A_118, %dma_start3A_280] : memref<10240x128xf32, #tpu.memory_space<vmem_shared>> -> memref<40x128xf32, #tpu.memory_space<vmem_shared>>
      tpu.enqueue_dma source(%arg8 : memref<40x128xf32, #tpu.memory_space<vmem>>) target(%dma_start3A_281 : memref<40x128xf32, #tpu.memory_space<vmem_shared>>) target_semaphore(%run_scoped3A : memref<!tpu.dma_semaphore, #tpu.memory_space<semaphore_mem>>)
      %dma_wait3A_282 = arith.constant 0 : i32
      %dma_wait3A_283 = tpu.memref_slice %arg20[%add3A_118, %dma_wait3A_282] : memref<10240x128xf32, #tpu.memory_space<vmem_shared>> -> memref<40x128xf32, #tpu.memory_space<vmem_shared>>
      %dma_wait3A_284 = arith.constant 0 : i32
      %dma_wait3A_285 = tpu.memref_slice %arg20[%add3A_118, %dma_wait3A_284] : memref<10240x128xf32, #tpu.memory_space<vmem_shared>> -> memref<40x128xf32, #tpu.memory_space<vmem_shared>>
      tpu.wait_dma2 semaphore(%run_scoped3A : memref<!tpu.dma_semaphore, #tpu.memory_space<semaphore_mem>>) src(%arg8 : memref<40x128xf32, #tpu.memory_space<vmem>>) dst(%dma_wait3A_285 : memref<40x128xf32, #tpu.memory_space<vmem_shared>>)
      tpu.yield
    }) : () -> ()
    %mul3A_119 = arith.constant 640 : i32
    %mul3A_120 = arith.muli %arg1, %mul3A_119 : i32
    %add3A_121 = arith.constant 440 : i32
    %add3A_122 = arith.addi %mul3A_120, %add3A_121 : i32
    "tpu.region"() ({
      %run_scoped3A = tpu.sem_alloc : memref<!tpu.dma_semaphore, #tpu.memory_space<semaphore_mem>>
      %dma_start3A_278 = arith.constant 0 : i32
      %dma_start3A_279 = tpu.memref_slice %arg21[%add3A_122, %dma_start3A_278] : memref<10240x8xf32, #tpu.memory_space<vmem_shared>> -> memref<40x8xf32, #tpu.memory_space<vmem_shared>>
      %dma_start3A_280 = arith.constant 0 : i32
      %dma_start3A_281 = tpu.memref_slice %arg21[%add3A_122, %dma_start3A_280] : memref<10240x8xf32, #tpu.memory_space<vmem_shared>> -> memref<40x8xf32, #tpu.memory_space<vmem_shared>>
      tpu.enqueue_dma source(%arg12 : memref<40x8xf32, #tpu.memory_space<vmem>>) target(%dma_start3A_281 : memref<40x8xf32, #tpu.memory_space<vmem_shared>>) target_semaphore(%run_scoped3A : memref<!tpu.dma_semaphore, #tpu.memory_space<semaphore_mem>>)
      %dma_wait3A_282 = arith.constant 0 : i32
      %dma_wait3A_283 = tpu.memref_slice %arg21[%add3A_122, %dma_wait3A_282] : memref<10240x8xf32, #tpu.memory_space<vmem_shared>> -> memref<40x8xf32, #tpu.memory_space<vmem_shared>>
      %dma_wait3A_284 = arith.constant 0 : i32
      %dma_wait3A_285 = tpu.memref_slice %arg21[%add3A_122, %dma_wait3A_284] : memref<10240x8xf32, #tpu.memory_space<vmem_shared>> -> memref<40x8xf32, #tpu.memory_space<vmem_shared>>
      tpu.wait_dma2 semaphore(%run_scoped3A : memref<!tpu.dma_semaphore, #tpu.memory_space<semaphore_mem>>) src(%arg12 : memref<40x8xf32, #tpu.memory_space<vmem>>) dst(%dma_wait3A_285 : memref<40x8xf32, #tpu.memory_space<vmem_shared>>)
      tpu.yield
    }) : () -> ()
    %mul3A_123 = arith.constant 640 : i32
    %mul3A_124 = arith.muli %arg1, %mul3A_123 : i32
    %add3A_125 = arith.constant 480 : i32
    %add3A_126 = arith.addi %mul3A_124, %add3A_125 : i32
    "tpu.region"() ({
      %run_scoped3A = tpu.sem_alloc : memref<!tpu.dma_semaphore, #tpu.memory_space<semaphore_mem>>
      %dma_start3A_278 = arith.constant 0 : i32
      %dma_start3A_279 = tpu.memref_slice %arg20[%add3A_126, %dma_start3A_278] : memref<10240x128xf32, #tpu.memory_space<vmem_shared>> -> memref<40x128xf32, #tpu.memory_space<vmem_shared>>
      %dma_start3A_280 = arith.constant 0 : i32
      %dma_start3A_281 = tpu.memref_slice %arg20[%add3A_126, %dma_start3A_280] : memref<10240x128xf32, #tpu.memory_space<vmem_shared>> -> memref<40x128xf32, #tpu.memory_space<vmem_shared>>
      tpu.enqueue_dma source(%arg8 : memref<40x128xf32, #tpu.memory_space<vmem>>) target(%dma_start3A_281 : memref<40x128xf32, #tpu.memory_space<vmem_shared>>) target_semaphore(%run_scoped3A : memref<!tpu.dma_semaphore, #tpu.memory_space<semaphore_mem>>)
      %dma_wait3A_282 = arith.constant 0 : i32
      %dma_wait3A_283 = tpu.memref_slice %arg20[%add3A_126, %dma_wait3A_282] : memref<10240x128xf32, #tpu.memory_space<vmem_shared>> -> memref<40x128xf32, #tpu.memory_space<vmem_shared>>
      %dma_wait3A_284 = arith.constant 0 : i32
      %dma_wait3A_285 = tpu.memref_slice %arg20[%add3A_126, %dma_wait3A_284] : memref<10240x128xf32, #tpu.memory_space<vmem_shared>> -> memref<40x128xf32, #tpu.memory_space<vmem_shared>>
      tpu.wait_dma2 semaphore(%run_scoped3A : memref<!tpu.dma_semaphore, #tpu.memory_space<semaphore_mem>>) src(%arg8 : memref<40x128xf32, #tpu.memory_space<vmem>>) dst(%dma_wait3A_285 : memref<40x128xf32, #tpu.memory_space<vmem_shared>>)
      tpu.yield
    }) : () -> ()
    %mul3A_127 = arith.constant 640 : i32
    %mul3A_128 = arith.muli %arg1, %mul3A_127 : i32
    %add3A_129 = arith.constant 480 : i32
    %add3A_130 = arith.addi %mul3A_128, %add3A_129 : i32
    "tpu.region"() ({
      %run_scoped3A = tpu.sem_alloc : memref<!tpu.dma_semaphore, #tpu.memory_space<semaphore_mem>>
      %dma_start3A_278 = arith.constant 0 : i32
      %dma_start3A_279 = tpu.memref_slice %arg21[%add3A_130, %dma_start3A_278] : memref<10240x8xf32, #tpu.memory_space<vmem_shared>> -> memref<40x8xf32, #tpu.memory_space<vmem_shared>>
      %dma_start3A_280 = arith.constant 0 : i32
      %dma_start3A_281 = tpu.memref_slice %arg21[%add3A_130, %dma_start3A_280] : memref<10240x8xf32, #tpu.memory_space<vmem_shared>> -> memref<40x8xf32, #tpu.memory_space<vmem_shared>>
      tpu.enqueue_dma source(%arg12 : memref<40x8xf32, #tpu.memory_space<vmem>>) target(%dma_start3A_281 : memref<40x8xf32, #tpu.memory_space<vmem_shared>>) target_semaphore(%run_scoped3A : memref<!tpu.dma_semaphore, #tpu.memory_space<semaphore_mem>>)
      %dma_wait3A_282 = arith.constant 0 : i32
      %dma_wait3A_283 = tpu.memref_slice %arg21[%add3A_130, %dma_wait3A_282] : memref<10240x8xf32, #tpu.memory_space<vmem_shared>> -> memref<40x8xf32, #tpu.memory_space<vmem_shared>>
      %dma_wait3A_284 = arith.constant 0 : i32
      %dma_wait3A_285 = tpu.memref_slice %arg21[%add3A_130, %dma_wait3A_284] : memref<10240x8xf32, #tpu.memory_space<vmem_shared>> -> memref<40x8xf32, #tpu.memory_space<vmem_shared>>
      tpu.wait_dma2 semaphore(%run_scoped3A : memref<!tpu.dma_semaphore, #tpu.memory_space<semaphore_mem>>) src(%arg12 : memref<40x8xf32, #tpu.memory_space<vmem>>) dst(%dma_wait3A_285 : memref<40x8xf32, #tpu.memory_space<vmem_shared>>)
      tpu.yield
    }) : () -> ()
    %mul3A_131 = arith.constant 640 : i32
    %mul3A_132 = arith.muli %arg1, %mul3A_131 : i32
    %add3A_133 = arith.constant 520 : i32
    %add3A_134 = arith.addi %mul3A_132, %add3A_133 : i32
    "tpu.region"() ({
      %run_scoped3A = tpu.sem_alloc : memref<!tpu.dma_semaphore, #tpu.memory_space<semaphore_mem>>
      %dma_start3A_278 = arith.constant 0 : i32
      %dma_start3A_279 = tpu.memref_slice %arg20[%add3A_134, %dma_start3A_278] : memref<10240x128xf32, #tpu.memory_space<vmem_shared>> -> memref<40x128xf32, #tpu.memory_space<vmem_shared>>
      %dma_start3A_280 = arith.constant 0 : i32
      %dma_start3A_281 = tpu.memref_slice %arg20[%add3A_134, %dma_start3A_280] : memref<10240x128xf32, #tpu.memory_space<vmem_shared>> -> memref<40x128xf32, #tpu.memory_space<vmem_shared>>
      tpu.enqueue_dma source(%arg8 : memref<40x128xf32, #tpu.memory_space<vmem>>) target(%dma_start3A_281 : memref<40x128xf32, #tpu.memory_space<vmem_shared>>) target_semaphore(%run_scoped3A : memref<!tpu.dma_semaphore, #tpu.memory_space<semaphore_mem>>)
      %dma_wait3A_282 = arith.constant 0 : i32
      %dma_wait3A_283 = tpu.memref_slice %arg20[%add3A_134, %dma_wait3A_282] : memref<10240x128xf32, #tpu.memory_space<vmem_shared>> -> memref<40x128xf32, #tpu.memory_space<vmem_shared>>
      %dma_wait3A_284 = arith.constant 0 : i32
      %dma_wait3A_285 = tpu.memref_slice %arg20[%add3A_134, %dma_wait3A_284] : memref<10240x128xf32, #tpu.memory_space<vmem_shared>> -> memref<40x128xf32, #tpu.memory_space<vmem_shared>>
      tpu.wait_dma2 semaphore(%run_scoped3A : memref<!tpu.dma_semaphore, #tpu.memory_space<semaphore_mem>>) src(%arg8 : memref<40x128xf32, #tpu.memory_space<vmem>>) dst(%dma_wait3A_285 : memref<40x128xf32, #tpu.memory_space<vmem_shared>>)
      tpu.yield
    }) : () -> ()
    %mul3A_135 = arith.constant 640 : i32
    %mul3A_136 = arith.muli %arg1, %mul3A_135 : i32
    %add3A_137 = arith.constant 520 : i32
    %add3A_138 = arith.addi %mul3A_136, %add3A_137 : i32
    "tpu.region"() ({
      %run_scoped3A = tpu.sem_alloc : memref<!tpu.dma_semaphore, #tpu.memory_space<semaphore_mem>>
      %dma_start3A_278 = arith.constant 0 : i32
      %dma_start3A_279 = tpu.memref_slice %arg21[%add3A_138, %dma_start3A_278] : memref<10240x8xf32, #tpu.memory_space<vmem_shared>> -> memref<40x8xf32, #tpu.memory_space<vmem_shared>>
      %dma_start3A_280 = arith.constant 0 : i32
      %dma_start3A_281 = tpu.memref_slice %arg21[%add3A_138, %dma_start3A_280] : memref<10240x8xf32, #tpu.memory_space<vmem_shared>> -> memref<40x8xf32, #tpu.memory_space<vmem_shared>>
      tpu.enqueue_dma source(%arg12 : memref<40x8xf32, #tpu.memory_space<vmem>>) target(%dma_start3A_281 : memref<40x8xf32, #tpu.memory_space<vmem_shared>>) target_semaphore(%run_scoped3A : memref<!tpu.dma_semaphore, #tpu.memory_space<semaphore_mem>>)
      %dma_wait3A_282 = arith.constant 0 : i32
      %dma_wait3A_283 = tpu.memref_slice %arg21[%add3A_138, %dma_wait3A_282] : memref<10240x8xf32, #tpu.memory_space<vmem_shared>> -> memref<40x8xf32, #tpu.memory_space<vmem_shared>>
      %dma_wait3A_284 = arith.constant 0 : i32
      %dma_wait3A_285 = tpu.memref_slice %arg21[%add3A_138, %dma_wait3A_284] : memref<10240x8xf32, #tpu.memory_space<vmem_shared>> -> memref<40x8xf32, #tpu.memory_space<vmem_shared>>
      tpu.wait_dma2 semaphore(%run_scoped3A : memref<!tpu.dma_semaphore, #tpu.memory_space<semaphore_mem>>) src(%arg12 : memref<40x8xf32, #tpu.memory_space<vmem>>) dst(%dma_wait3A_285 : memref<40x8xf32, #tpu.memory_space<vmem_shared>>)
      tpu.yield
    }) : () -> ()
    %mul3A_139 = arith.constant 640 : i32
    %mul3A_140 = arith.muli %arg1, %mul3A_139 : i32
    %add3A_141 = arith.constant 560 : i32
    %add3A_142 = arith.addi %mul3A_140, %add3A_141 : i32
    "tpu.region"() ({
      %run_scoped3A = tpu.sem_alloc : memref<!tpu.dma_semaphore, #tpu.memory_space<semaphore_mem>>
      %dma_start3A_278 = arith.constant 0 : i32
      %dma_start3A_279 = tpu.memref_slice %arg20[%add3A_142, %dma_start3A_278] : memref<10240x128xf32, #tpu.memory_space<vmem_shared>> -> memref<40x128xf32, #tpu.memory_space<vmem_shared>>
      %dma_start3A_280 = arith.constant 0 : i32
      %dma_start3A_281 = tpu.memref_slice %arg20[%add3A_142, %dma_start3A_280] : memref<10240x128xf32, #tpu.memory_space<vmem_shared>> -> memref<40x128xf32, #tpu.memory_space<vmem_shared>>
      tpu.enqueue_dma source(%arg8 : memref<40x128xf32, #tpu.memory_space<vmem>>) target(%dma_start3A_281 : memref<40x128xf32, #tpu.memory_space<vmem_shared>>) target_semaphore(%run_scoped3A : memref<!tpu.dma_semaphore, #tpu.memory_space<semaphore_mem>>)
      %dma_wait3A_282 = arith.constant 0 : i32
      %dma_wait3A_283 = tpu.memref_slice %arg20[%add3A_142, %dma_wait3A_282] : memref<10240x128xf32, #tpu.memory_space<vmem_shared>> -> memref<40x128xf32, #tpu.memory_space<vmem_shared>>
      %dma_wait3A_284 = arith.constant 0 : i32
      %dma_wait3A_285 = tpu.memref_slice %arg20[%add3A_142, %dma_wait3A_284] : memref<10240x128xf32, #tpu.memory_space<vmem_shared>> -> memref<40x128xf32, #tpu.memory_space<vmem_shared>>
      tpu.wait_dma2 semaphore(%run_scoped3A : memref<!tpu.dma_semaphore, #tpu.memory_space<semaphore_mem>>) src(%arg8 : memref<40x128xf32, #tpu.memory_space<vmem>>) dst(%dma_wait3A_285 : memref<40x128xf32, #tpu.memory_space<vmem_shared>>)
      tpu.yield
    }) : () -> ()
    %mul3A_143 = arith.constant 640 : i32
    %mul3A_144 = arith.muli %arg1, %mul3A_143 : i32
    %add3A_145 = arith.constant 560 : i32
    %add3A_146 = arith.addi %mul3A_144, %add3A_145 : i32
    "tpu.region"() ({
      %run_scoped3A = tpu.sem_alloc : memref<!tpu.dma_semaphore, #tpu.memory_space<semaphore_mem>>
      %dma_start3A_278 = arith.constant 0 : i32
      %dma_start3A_279 = tpu.memref_slice %arg21[%add3A_146, %dma_start3A_278] : memref<10240x8xf32, #tpu.memory_space<vmem_shared>> -> memref<40x8xf32, #tpu.memory_space<vmem_shared>>
      %dma_start3A_280 = arith.constant 0 : i32
      %dma_start3A_281 = tpu.memref_slice %arg21[%add3A_146, %dma_start3A_280] : memref<10240x8xf32, #tpu.memory_space<vmem_shared>> -> memref<40x8xf32, #tpu.memory_space<vmem_shared>>
      tpu.enqueue_dma source(%arg12 : memref<40x8xf32, #tpu.memory_space<vmem>>) target(%dma_start3A_281 : memref<40x8xf32, #tpu.memory_space<vmem_shared>>) target_semaphore(%run_scoped3A : memref<!tpu.dma_semaphore, #tpu.memory_space<semaphore_mem>>)
      %dma_wait3A_282 = arith.constant 0 : i32
      %dma_wait3A_283 = tpu.memref_slice %arg21[%add3A_146, %dma_wait3A_282] : memref<10240x8xf32, #tpu.memory_space<vmem_shared>> -> memref<40x8xf32, #tpu.memory_space<vmem_shared>>
      %dma_wait3A_284 = arith.constant 0 : i32
      %dma_wait3A_285 = tpu.memref_slice %arg21[%add3A_146, %dma_wait3A_284] : memref<10240x8xf32, #tpu.memory_space<vmem_shared>> -> memref<40x8xf32, #tpu.memory_space<vmem_shared>>
      tpu.wait_dma2 semaphore(%run_scoped3A : memref<!tpu.dma_semaphore, #tpu.memory_space<semaphore_mem>>) src(%arg12 : memref<40x8xf32, #tpu.memory_space<vmem>>) dst(%dma_wait3A_285 : memref<40x8xf32, #tpu.memory_space<vmem_shared>>)
      tpu.yield
    }) : () -> ()
    %mul3A_147 = arith.constant 640 : i32
    %mul3A_148 = arith.muli %arg1, %mul3A_147 : i32
    %add3A_149 = arith.constant 600 : i32
    %add3A_150 = arith.addi %mul3A_148, %add3A_149 : i32
    "tpu.region"() ({
      %run_scoped3A = tpu.sem_alloc : memref<!tpu.dma_semaphore, #tpu.memory_space<semaphore_mem>>
      %dma_start3A_278 = arith.constant 0 : i32
      %dma_start3A_279 = tpu.memref_slice %arg20[%add3A_150, %dma_start3A_278] : memref<10240x128xf32, #tpu.memory_space<vmem_shared>> -> memref<40x128xf32, #tpu.memory_space<vmem_shared>>
      %dma_start3A_280 = arith.constant 0 : i32
      %dma_start3A_281 = tpu.memref_slice %arg20[%add3A_150, %dma_start3A_280] : memref<10240x128xf32, #tpu.memory_space<vmem_shared>> -> memref<40x128xf32, #tpu.memory_space<vmem_shared>>
      tpu.enqueue_dma source(%arg8 : memref<40x128xf32, #tpu.memory_space<vmem>>) target(%dma_start3A_281 : memref<40x128xf32, #tpu.memory_space<vmem_shared>>) target_semaphore(%run_scoped3A : memref<!tpu.dma_semaphore, #tpu.memory_space<semaphore_mem>>)
      %dma_wait3A_282 = arith.constant 0 : i32
      %dma_wait3A_283 = tpu.memref_slice %arg20[%add3A_150, %dma_wait3A_282] : memref<10240x128xf32, #tpu.memory_space<vmem_shared>> -> memref<40x128xf32, #tpu.memory_space<vmem_shared>>
      %dma_wait3A_284 = arith.constant 0 : i32
      %dma_wait3A_285 = tpu.memref_slice %arg20[%add3A_150, %dma_wait3A_284] : memref<10240x128xf32, #tpu.memory_space<vmem_shared>> -> memref<40x128xf32, #tpu.memory_space<vmem_shared>>
      tpu.wait_dma2 semaphore(%run_scoped3A : memref<!tpu.dma_semaphore, #tpu.memory_space<semaphore_mem>>) src(%arg8 : memref<40x128xf32, #tpu.memory_space<vmem>>) dst(%dma_wait3A_285 : memref<40x128xf32, #tpu.memory_space<vmem_shared>>)
      tpu.yield
    }) : () -> ()
    %mul3A_151 = arith.constant 640 : i32
    %mul3A_152 = arith.muli %arg1, %mul3A_151 : i32
    %add3A_153 = arith.constant 600 : i32
    %add3A_154 = arith.addi %mul3A_152, %add3A_153 : i32
    "tpu.region"() ({
      %run_scoped3A = tpu.sem_alloc : memref<!tpu.dma_semaphore, #tpu.memory_space<semaphore_mem>>
      %dma_start3A_278 = arith.constant 0 : i32
      %dma_start3A_279 = tpu.memref_slice %arg21[%add3A_154, %dma_start3A_278] : memref<10240x8xf32, #tpu.memory_space<vmem_shared>> -> memref<40x8xf32, #tpu.memory_space<vmem_shared>>
      %dma_start3A_280 = arith.constant 0 : i32
      %dma_start3A_281 = tpu.memref_slice %arg21[%add3A_154, %dma_start3A_280] : memref<10240x8xf32, #tpu.memory_space<vmem_shared>> -> memref<40x8xf32, #tpu.memory_space<vmem_shared>>
      tpu.enqueue_dma source(%arg12 : memref<40x8xf32, #tpu.memory_space<vmem>>) target(%dma_start3A_281 : memref<40x8xf32, #tpu.memory_space<vmem_shared>>) target_semaphore(%run_scoped3A : memref<!tpu.dma_semaphore, #tpu.memory_space<semaphore_mem>>)
      %dma_wait3A_282 = arith.constant 0 : i32
      %dma_wait3A_283 = tpu.memref_slice %arg21[%add3A_154, %dma_wait3A_282] : memref<10240x8xf32, #tpu.memory_space<vmem_shared>> -> memref<40x8xf32, #tpu.memory_space<vmem_shared>>
      %dma_wait3A_284 = arith.constant 0 : i32
      %dma_wait3A_285 = tpu.memref_slice %arg21[%add3A_154, %dma_wait3A_284] : memref<10240x8xf32, #tpu.memory_space<vmem_shared>> -> memref<40x8xf32, #tpu.memory_space<vmem_shared>>
      tpu.wait_dma2 semaphore(%run_scoped3A : memref<!tpu.dma_semaphore, #tpu.memory_space<semaphore_mem>>) src(%arg12 : memref<40x8xf32, #tpu.memory_space<vmem>>) dst(%dma_wait3A_285 : memref<40x8xf32, #tpu.memory_space<vmem_shared>>)
      tpu.yield
    }) : () -> ()
    %dma_wait3A = arith.constant 0 : i32
    %dma_wait3A_155 = arith.constant 0 : i32
    %dma_wait3A_156 = tpu.memref_slice %arg2[%dma_wait3A, %mul3A_4, %dma_wait3A_155] : memref<2x8000x40xi32, #tpu.memory_space<hbm>> -> memref<1x250x40xi32, #tpu.memory_space<hbm>>
    %dma_wait3A_157 = tpu.memref_squeeze %dma_wait3A_156 : memref<1x250x40xi32, #tpu.memory_space<hbm>> -> memref<250x40xi32, #tpu.memory_space<hbm>>
    %dma_wait3A_158 = arith.constant 0 : i32
    %dma_wait3A_159 = tpu.memref_slice %arg2[%dma_wait3A, %mul3A_4, %dma_wait3A_158] : memref<2x8000x40xi32, #tpu.memory_space<hbm>> -> memref<1x250x40xi32, #tpu.memory_space<hbm>>
    %dma_wait3A_160 = tpu.memref_squeeze %dma_wait3A_159 : memref<1x250x40xi32, #tpu.memory_space<hbm>> -> memref<250x40xi32, #tpu.memory_space<hbm>>
    tpu.wait_dma2 semaphore(%arg13 : memref<!tpu.dma_semaphore, #tpu.memory_space<semaphore_mem>>) src(%dma_wait3A_160 : memref<250x40xi32, #tpu.memory_space<hbm>>) dst(%arg6 : memref<250x40xi32, #tpu.memory_space<vmem>>)
    %dma_wait3A_161 = arith.constant 1 : i32
    %dma_wait3A_162 = arith.constant 0 : i32
    %dma_wait3A_163 = tpu.memref_slice %arg2[%dma_wait3A_161, %mul3A_4, %dma_wait3A_162] : memref<2x8000x40xi32, #tpu.memory_space<hbm>> -> memref<1x250x40xi32, #tpu.memory_space<hbm>>
    %dma_wait3A_164 = tpu.memref_squeeze %dma_wait3A_163 : memref<1x250x40xi32, #tpu.memory_space<hbm>> -> memref<250x40xi32, #tpu.memory_space<hbm>>
    %dma_wait3A_165 = arith.constant 0 : i32
    %dma_wait3A_166 = tpu.memref_slice %arg2[%dma_wait3A_161, %mul3A_4, %dma_wait3A_165] : memref<2x8000x40xi32, #tpu.memory_space<hbm>> -> memref<1x250x40xi32, #tpu.memory_space<hbm>>
    %dma_wait3A_167 = tpu.memref_squeeze %dma_wait3A_166 : memref<1x250x40xi32, #tpu.memory_space<hbm>> -> memref<250x40xi32, #tpu.memory_space<hbm>>
    tpu.wait_dma2 semaphore(%arg14 : memref<!tpu.dma_semaphore, #tpu.memory_space<semaphore_mem>>) src(%dma_wait3A_167 : memref<250x40xi32, #tpu.memory_space<hbm>>) dst(%arg7 : memref<250x40xi32, #tpu.memory_space<vmem>>)
    %barrier3A = arith.constant 0 : index
    tpu.barrier barrier_id(%barrier3A)
    %scan3A_168 = arith.constant 0 : i32
    %scan3A_169 = arith.constant 83 : i32
    %scan3A_170 = arith.addi %scan3A_168, %scan3A_169 : i32
    %scan3A_171 = arith.constant 1 : i32
    scf.for %scan3A_278 = %scan3A_168 to %scan3A_170 step %scan3A_171  : i32 {
      %mul3A_279 = arith.constant 1 : i32
      %mul3A_280 = arith.muli %scan3A_278, %mul3A_279 : i32
      %add3A_281 = arith.constant 0 : i32
      %add3A_282 = arith.addi %add3A_281, %mul3A_280 : i32
      %mul3A_283 = arith.constant 3 : i32
      %mul3A_284 = arith.muli %mul3A_283, %add3A_282 : i32
      %gt3A = arith.constant 0 : i32
      %gt3A_285 = arith.cmpi sgt, %add3A_282, %gt3A : i32
      %convert_element_type3A = arith.extui %gt3A_285 : i1 to i32
      %cond3A = arith.constant 0 : i32
      %cond3A_286 = arith.cmpi ne, %convert_element_type3A, %cond3A : i32
      scf.if %cond3A_286 {
        %add3A_387 = arith.constant 0 : i32
        %add3A_388 = arith.addi %mul3A_284, %add3A_387 : i32
        %sub3A = arith.constant 3 : i32
        %sub3A_389 = arith.subi %add3A_388, %sub3A : i32
        %dma_wait3A_390 = arith.constant 0 : i32
        %dma_wait3A_391 = tpu.memref_slice %arg7[%sub3A_389, %dma_wait3A_390] : memref<250x40xi32, #tpu.memory_space<vmem>> -> memref<1x40xi32, #tpu.memory_space<vmem>>
        %dma_wait3A_392 = tpu.memref_squeeze %dma_wait3A_391 : memref<1x40xi32, #tpu.memory_space<vmem>> -> memref<40xi32, #tpu.memory_space<vmem>>
        %dma_wait3A_393 = arith.constant 0 : i32
        %dma_wait3A_394 = arith.constant 0 : i32
        %dma_wait3A_395 = tpu.memref_slice %arg20[%dma_wait3A_393, %dma_wait3A_394] : memref<10240x128xf32, #tpu.memory_space<vmem_shared>> -> memref<10240x128xf32, #tpu.memory_space<vmem_shared>>
        tpu.wait_indirect_dma semaphore(%arg16 : memref<!tpu.dma_semaphore, #tpu.memory_space<semaphore_mem>>) src(%arg8 : memref<40x128xf32, #tpu.memory_space<vmem>>) dst(%dma_wait3A_395 : memref<10240x128xf32, #tpu.memory_space<vmem_shared>>)
        %dma_wait3A_396 = arith.constant 0 : i32
        %dma_wait3A_397 = tpu.memref_slice %arg7[%sub3A_389, %dma_wait3A_396] : memref<250x40xi32, #tpu.memory_space<vmem>> -> memref<1x40xi32, #tpu.memory_space<vmem>>
        %dma_wait3A_398 = tpu.memref_squeeze %dma_wait3A_397 : memref<1x40xi32, #tpu.memory_space<vmem>> -> memref<40xi32, #tpu.memory_space<vmem>>
        %dma_wait3A_399 = arith.constant 0 : i32
        %dma_wait3A_400 = arith.constant 0 : i32
        %dma_wait3A_401 = tpu.memref_slice %arg21[%dma_wait3A_399, %dma_wait3A_400] : memref<10240x8xf32, #tpu.memory_space<vmem_shared>> -> memref<10240x8xf32, #tpu.memory_space<vmem_shared>>
        tpu.wait_indirect_dma semaphore(%arg19 : memref<!tpu.dma_semaphore, #tpu.memory_space<semaphore_mem>>) src(%arg11 : memref<40x8xf32, #tpu.memory_space<vmem>>) dst(%dma_wait3A_401 : memref<10240x8xf32, #tpu.memory_space<vmem_shared>>)
      } else {
      }
      %add3A_287 = arith.constant 0 : i32
      %add3A_288 = arith.addi %mul3A_284, %add3A_287 : i32
      %dma_start3A_289 = arith.constant 0 : i32
      %dma_start3A_290 = tpu.memref_slice %arg6[%add3A_288, %dma_start3A_289] : memref<250x40xi32, #tpu.memory_space<vmem>> -> memref<1x40xi32, #tpu.memory_space<vmem>>
      %dma_start3A_291 = tpu.memref_squeeze %dma_start3A_290 : memref<1x40xi32, #tpu.memory_space<vmem>> -> memref<40xi32, #tpu.memory_space<vmem>>
      %dma_start3A_292 = arith.constant 0 : i32
      %dma_start3A_293 = arith.constant 0 : i32
      %dma_start3A_294 = tpu.memref_slice %arg3[%dma_start3A_292, %dma_start3A_293] : memref<10000x128xf32, #tpu.memory_space<hbm>> -> memref<10000x128xf32, #tpu.memory_space<hbm>>
      tpu.enqueue_indirect_dma source(%dma_start3A_294 : memref<10000x128xf32, #tpu.memory_space<hbm>>) target(%arg8 : memref<40x128xf32, #tpu.memory_space<vmem>>) offsets(%dma_start3A_291 : memref<40xi32, #tpu.memory_space<vmem>>) semaphore(%arg13 : memref<!tpu.dma_semaphore, #tpu.memory_space<semaphore_mem>>)
      %gt3A_295 = arith.constant 0 : i32
      %gt3A_296 = arith.cmpi sgt, %add3A_282, %gt3A_295 : i32
      %convert_element_type3A_297 = arith.extui %gt3A_296 : i1 to i32
      %cond3A_298 = arith.constant 0 : i32
      %cond3A_299 = arith.cmpi ne, %convert_element_type3A_297, %cond3A_298 : i32
      scf.if %cond3A_299 {
        %add3A_387 = arith.constant 1 : i32
        %add3A_388 = arith.addi %mul3A_284, %add3A_387 : i32
        %sub3A = arith.constant 3 : i32
        %sub3A_389 = arith.subi %add3A_388, %sub3A : i32
        %dma_wait3A_390 = arith.constant 0 : i32
        %dma_wait3A_391 = tpu.memref_slice %arg7[%sub3A_389, %dma_wait3A_390] : memref<250x40xi32, #tpu.memory_space<vmem>> -> memref<1x40xi32, #tpu.memory_space<vmem>>
        %dma_wait3A_392 = tpu.memref_squeeze %dma_wait3A_391 : memref<1x40xi32, #tpu.memory_space<vmem>> -> memref<40xi32, #tpu.memory_space<vmem>>
        %dma_wait3A_393 = arith.constant 0 : i32
        %dma_wait3A_394 = arith.constant 0 : i32
        %dma_wait3A_395 = tpu.memref_slice %arg20[%dma_wait3A_393, %dma_wait3A_394] : memref<10240x128xf32, #tpu.memory_space<vmem_shared>> -> memref<10240x128xf32, #tpu.memory_space<vmem_shared>>
        tpu.wait_indirect_dma semaphore(%arg17 : memref<!tpu.dma_semaphore, #tpu.memory_space<semaphore_mem>>) src(%arg9 : memref<40x128xf32, #tpu.memory_space<vmem>>) dst(%dma_wait3A_395 : memref<10240x128xf32, #tpu.memory_space<vmem_shared>>)
        %dma_wait3A_396 = arith.constant 0 : i32
        %dma_wait3A_397 = tpu.memref_slice %arg7[%sub3A_389, %dma_wait3A_396] : memref<250x40xi32, #tpu.memory_space<vmem>> -> memref<1x40xi32, #tpu.memory_space<vmem>>
        %dma_wait3A_398 = tpu.memref_squeeze %dma_wait3A_397 : memref<1x40xi32, #tpu.memory_space<vmem>> -> memref<40xi32, #tpu.memory_space<vmem>>
        %dma_wait3A_399 = arith.constant 0 : i32
        %dma_wait3A_400 = arith.constant 0 : i32
        %dma_wait3A_401 = tpu.memref_slice %arg21[%dma_wait3A_399, %dma_wait3A_400] : memref<10240x8xf32, #tpu.memory_space<vmem_shared>> -> memref<10240x8xf32, #tpu.memory_space<vmem_shared>>
        tpu.wait_indirect_dma semaphore(%arg19 : memref<!tpu.dma_semaphore, #tpu.memory_space<semaphore_mem>>) src(%arg11 : memref<40x8xf32, #tpu.memory_space<vmem>>) dst(%dma_wait3A_401 : memref<10240x8xf32, #tpu.memory_space<vmem_shared>>)
      } else {
      }
      %add3A_300 = arith.constant 1 : i32
      %add3A_301 = arith.addi %mul3A_284, %add3A_300 : i32
      %dma_start3A_302 = arith.constant 0 : i32
      %dma_start3A_303 = tpu.memref_slice %arg6[%add3A_301, %dma_start3A_302] : memref<250x40xi32, #tpu.memory_space<vmem>> -> memref<1x40xi32, #tpu.memory_space<vmem>>
      %dma_start3A_304 = tpu.memref_squeeze %dma_start3A_303 : memref<1x40xi32, #tpu.memory_space<vmem>> -> memref<40xi32, #tpu.memory_space<vmem>>
      %dma_start3A_305 = arith.constant 0 : i32
      %dma_start3A_306 = arith.constant 0 : i32
      %dma_start3A_307 = tpu.memref_slice %arg3[%dma_start3A_305, %dma_start3A_306] : memref<10000x128xf32, #tpu.memory_space<hbm>> -> memref<10000x128xf32, #tpu.memory_space<hbm>>
      tpu.enqueue_indirect_dma source(%dma_start3A_307 : memref<10000x128xf32, #tpu.memory_space<hbm>>) target(%arg9 : memref<40x128xf32, #tpu.memory_space<vmem>>) offsets(%dma_start3A_304 : memref<40xi32, #tpu.memory_space<vmem>>) semaphore(%arg14 : memref<!tpu.dma_semaphore, #tpu.memory_space<semaphore_mem>>)
      %gt3A_308 = arith.constant 0 : i32
      %gt3A_309 = arith.cmpi sgt, %add3A_282, %gt3A_308 : i32
      %convert_element_type3A_310 = arith.extui %gt3A_309 : i1 to i32
      %cond3A_311 = arith.constant 0 : i32
      %cond3A_312 = arith.cmpi ne, %convert_element_type3A_310, %cond3A_311 : i32
      scf.if %cond3A_312 {
        %add3A_387 = arith.constant 2 : i32
        %add3A_388 = arith.addi %mul3A_284, %add3A_387 : i32
        %sub3A = arith.constant 3 : i32
        %sub3A_389 = arith.subi %add3A_388, %sub3A : i32
        %dma_wait3A_390 = arith.constant 0 : i32
        %dma_wait3A_391 = tpu.memref_slice %arg7[%sub3A_389, %dma_wait3A_390] : memref<250x40xi32, #tpu.memory_space<vmem>> -> memref<1x40xi32, #tpu.memory_space<vmem>>
        %dma_wait3A_392 = tpu.memref_squeeze %dma_wait3A_391 : memref<1x40xi32, #tpu.memory_space<vmem>> -> memref<40xi32, #tpu.memory_space<vmem>>
        %dma_wait3A_393 = arith.constant 0 : i32
        %dma_wait3A_394 = arith.constant 0 : i32
        %dma_wait3A_395 = tpu.memref_slice %arg20[%dma_wait3A_393, %dma_wait3A_394] : memref<10240x128xf32, #tpu.memory_space<vmem_shared>> -> memref<10240x128xf32, #tpu.memory_space<vmem_shared>>
        tpu.wait_indirect_dma semaphore(%arg18 : memref<!tpu.dma_semaphore, #tpu.memory_space<semaphore_mem>>) src(%arg10 : memref<40x128xf32, #tpu.memory_space<vmem>>) dst(%dma_wait3A_395 : memref<10240x128xf32, #tpu.memory_space<vmem_shared>>)
        %dma_wait3A_396 = arith.constant 0 : i32
        %dma_wait3A_397 = tpu.memref_slice %arg7[%sub3A_389, %dma_wait3A_396] : memref<250x40xi32, #tpu.memory_space<vmem>> -> memref<1x40xi32, #tpu.memory_space<vmem>>
        %dma_wait3A_398 = tpu.memref_squeeze %dma_wait3A_397 : memref<1x40xi32, #tpu.memory_space<vmem>> -> memref<40xi32, #tpu.memory_space<vmem>>
        %dma_wait3A_399 = arith.constant 0 : i32
        %dma_wait3A_400 = arith.constant 0 : i32
        %dma_wait3A_401 = tpu.memref_slice %arg21[%dma_wait3A_399, %dma_wait3A_400] : memref<10240x8xf32, #tpu.memory_space<vmem_shared>> -> memref<10240x8xf32, #tpu.memory_space<vmem_shared>>
        tpu.wait_indirect_dma semaphore(%arg19 : memref<!tpu.dma_semaphore, #tpu.memory_space<semaphore_mem>>) src(%arg11 : memref<40x8xf32, #tpu.memory_space<vmem>>) dst(%dma_wait3A_401 : memref<10240x8xf32, #tpu.memory_space<vmem_shared>>)
      } else {
      }
      %add3A_313 = arith.constant 2 : i32
      %add3A_314 = arith.addi %mul3A_284, %add3A_313 : i32
      %dma_start3A_315 = arith.constant 0 : i32
      %dma_start3A_316 = tpu.memref_slice %arg6[%add3A_314, %dma_start3A_315] : memref<250x40xi32, #tpu.memory_space<vmem>> -> memref<1x40xi32, #tpu.memory_space<vmem>>
      %dma_start3A_317 = tpu.memref_squeeze %dma_start3A_316 : memref<1x40xi32, #tpu.memory_space<vmem>> -> memref<40xi32, #tpu.memory_space<vmem>>
      %dma_start3A_318 = arith.constant 0 : i32
      %dma_start3A_319 = arith.constant 0 : i32
      %dma_start3A_320 = tpu.memref_slice %arg3[%dma_start3A_318, %dma_start3A_319] : memref<10000x128xf32, #tpu.memory_space<hbm>> -> memref<10000x128xf32, #tpu.memory_space<hbm>>
      tpu.enqueue_indirect_dma source(%dma_start3A_320 : memref<10000x128xf32, #tpu.memory_space<hbm>>) target(%arg10 : memref<40x128xf32, #tpu.memory_space<vmem>>) offsets(%dma_start3A_317 : memref<40xi32, #tpu.memory_space<vmem>>) semaphore(%arg15 : memref<!tpu.dma_semaphore, #tpu.memory_space<semaphore_mem>>)
      %add3A_321 = arith.constant 0 : i32
      %add3A_322 = arith.addi %mul3A_284, %add3A_321 : i32
      %dma_wait3A_323 = arith.constant 0 : i32
      %dma_wait3A_324 = tpu.memref_slice %arg6[%add3A_322, %dma_wait3A_323] : memref<250x40xi32, #tpu.memory_space<vmem>> -> memref<1x40xi32, #tpu.memory_space<vmem>>
      %dma_wait3A_325 = tpu.memref_squeeze %dma_wait3A_324 : memref<1x40xi32, #tpu.memory_space<vmem>> -> memref<40xi32, #tpu.memory_space<vmem>>
      %dma_wait3A_326 = arith.constant 0 : i32
      %dma_wait3A_327 = arith.constant 0 : i32
      %dma_wait3A_328 = tpu.memref_slice %arg3[%dma_wait3A_326, %dma_wait3A_327] : memref<10000x128xf32, #tpu.memory_space<hbm>> -> memref<10000x128xf32, #tpu.memory_space<hbm>>
      tpu.wait_indirect_dma semaphore(%arg13 : memref<!tpu.dma_semaphore, #tpu.memory_space<semaphore_mem>>) src(%dma_wait3A_328 : memref<10000x128xf32, #tpu.memory_space<hbm>>) dst(%arg8 : memref<40x128xf32, #tpu.memory_space<vmem>>)
      %add3A_329 = arith.constant 0 : i32
      %add3A_330 = arith.addi %mul3A_284, %add3A_329 : i32
      %dma_start3A_331 = arith.constant 0 : i32
      %dma_start3A_332 = tpu.memref_slice %arg7[%add3A_330, %dma_start3A_331] : memref<250x40xi32, #tpu.memory_space<vmem>> -> memref<1x40xi32, #tpu.memory_space<vmem>>
      %dma_start3A_333 = tpu.memref_squeeze %dma_start3A_332 : memref<1x40xi32, #tpu.memory_space<vmem>> -> memref<40xi32, #tpu.memory_space<vmem>>
      %dma_start3A_334 = arith.constant 0 : i32
      %dma_start3A_335 = arith.constant 0 : i32
      %dma_start3A_336 = tpu.memref_slice %arg20[%dma_start3A_334, %dma_start3A_335] : memref<10240x128xf32, #tpu.memory_space<vmem_shared>> -> memref<10240x128xf32, #tpu.memory_space<vmem_shared>>
      tpu.enqueue_indirect_dma source(%arg8 : memref<40x128xf32, #tpu.memory_space<vmem>>) target(%dma_start3A_336 : memref<10240x128xf32, #tpu.memory_space<vmem_shared>>) offsets(%dma_start3A_333 : memref<40xi32, #tpu.memory_space<vmem>>) semaphore(%arg16 : memref<!tpu.dma_semaphore, #tpu.memory_space<semaphore_mem>>) {add = true}
      %dma_start3A_337 = arith.constant 0 : i32
      %dma_start3A_338 = tpu.memref_slice %arg7[%add3A_330, %dma_start3A_337] : memref<250x40xi32, #tpu.memory_space<vmem>> -> memref<1x40xi32, #tpu.memory_space<vmem>>
      %dma_start3A_339 = tpu.memref_squeeze %dma_start3A_338 : memref<1x40xi32, #tpu.memory_space<vmem>> -> memref<40xi32, #tpu.memory_space<vmem>>
      %dma_start3A_340 = arith.constant 0 : i32
      %dma_start3A_341 = arith.constant 0 : i32
      %dma_start3A_342 = tpu.memref_slice %arg21[%dma_start3A_340, %dma_start3A_341] : memref<10240x8xf32, #tpu.memory_space<vmem_shared>> -> memref<10240x8xf32, #tpu.memory_space<vmem_shared>>
      tpu.enqueue_indirect_dma source(%arg11 : memref<40x8xf32, #tpu.memory_space<vmem>>) target(%dma_start3A_342 : memref<10240x8xf32, #tpu.memory_space<vmem_shared>>) offsets(%dma_start3A_339 : memref<40xi32, #tpu.memory_space<vmem>>) semaphore(%arg19 : memref<!tpu.dma_semaphore, #tpu.memory_space<semaphore_mem>>) {add = true}
      %add3A_343 = arith.constant 1 : i32
      %add3A_344 = arith.addi %mul3A_284, %add3A_343 : i32
      %dma_wait3A_345 = arith.constant 0 : i32
      %dma_wait3A_346 = tpu.memref_slice %arg6[%add3A_344, %dma_wait3A_345] : memref<250x40xi32, #tpu.memory_space<vmem>> -> memref<1x40xi32, #tpu.memory_space<vmem>>
      %dma_wait3A_347 = tpu.memref_squeeze %dma_wait3A_346 : memref<1x40xi32, #tpu.memory_space<vmem>> -> memref<40xi32, #tpu.memory_space<vmem>>
      %dma_wait3A_348 = arith.constant 0 : i32
      %dma_wait3A_349 = arith.constant 0 : i32
      %dma_wait3A_350 = tpu.memref_slice %arg3[%dma_wait3A_348, %dma_wait3A_349] : memref<10000x128xf32, #tpu.memory_space<hbm>> -> memref<10000x128xf32, #tpu.memory_space<hbm>>
      tpu.wait_indirect_dma semaphore(%arg14 : memref<!tpu.dma_semaphore, #tpu.memory_space<semaphore_mem>>) src(%dma_wait3A_350 : memref<10000x128xf32, #tpu.memory_space<hbm>>) dst(%arg9 : memref<40x128xf32, #tpu.memory_space<vmem>>)
      %add3A_351 = arith.constant 1 : i32
      %add3A_352 = arith.addi %mul3A_284, %add3A_351 : i32
      %dma_start3A_353 = arith.constant 0 : i32
      %dma_start3A_354 = tpu.memref_slice %arg7[%add3A_352, %dma_start3A_353] : memref<250x40xi32, #tpu.memory_space<vmem>> -> memref<1x40xi32, #tpu.memory_space<vmem>>
      %dma_start3A_355 = tpu.memref_squeeze %dma_start3A_354 : memref<1x40xi32, #tpu.memory_space<vmem>> -> memref<40xi32, #tpu.memory_space<vmem>>
      %dma_start3A_356 = arith.constant 0 : i32
      %dma_start3A_357 = arith.constant 0 : i32
      %dma_start3A_358 = tpu.memref_slice %arg20[%dma_start3A_356, %dma_start3A_357] : memref<10240x128xf32, #tpu.memory_space<vmem_shared>> -> memref<10240x128xf32, #tpu.memory_space<vmem_shared>>
      tpu.enqueue_indirect_dma source(%arg9 : memref<40x128xf32, #tpu.memory_space<vmem>>) target(%dma_start3A_358 : memref<10240x128xf32, #tpu.memory_space<vmem_shared>>) offsets(%dma_start3A_355 : memref<40xi32, #tpu.memory_space<vmem>>) semaphore(%arg17 : memref<!tpu.dma_semaphore, #tpu.memory_space<semaphore_mem>>) {add = true}
      %dma_start3A_359 = arith.constant 0 : i32
      %dma_start3A_360 = tpu.memref_slice %arg7[%add3A_352, %dma_start3A_359] : memref<250x40xi32, #tpu.memory_space<vmem>> -> memref<1x40xi32, #tpu.memory_space<vmem>>
      %dma_start3A_361 = tpu.memref_squeeze %dma_start3A_360 : memref<1x40xi32, #tpu.memory_space<vmem>> -> memref<40xi32, #tpu.memory_space<vmem>>
      %dma_start3A_362 = arith.constant 0 : i32
      %dma_start3A_363 = arith.constant 0 : i32
      %dma_start3A_364 = tpu.memref_slice %arg21[%dma_start3A_362, %dma_start3A_363] : memref<10240x8xf32, #tpu.memory_space<vmem_shared>> -> memref<10240x8xf32, #tpu.memory_space<vmem_shared>>
      tpu.enqueue_indirect_dma source(%arg11 : memref<40x8xf32, #tpu.memory_space<vmem>>) target(%dma_start3A_364 : memref<10240x8xf32, #tpu.memory_space<vmem_shared>>) offsets(%dma_start3A_361 : memref<40xi32, #tpu.memory_space<vmem>>) semaphore(%arg19 : memref<!tpu.dma_semaphore, #tpu.memory_space<semaphore_mem>>) {add = true}
      %add3A_365 = arith.constant 2 : i32
      %add3A_366 = arith.addi %mul3A_284, %add3A_365 : i32
      %dma_wait3A_367 = arith.constant 0 : i32
      %dma_wait3A_368 = tpu.memref_slice %arg6[%add3A_366, %dma_wait3A_367] : memref<250x40xi32, #tpu.memory_space<vmem>> -> memref<1x40xi32, #tpu.memory_space<vmem>>
      %dma_wait3A_369 = tpu.memref_squeeze %dma_wait3A_368 : memref<1x40xi32, #tpu.memory_space<vmem>> -> memref<40xi32, #tpu.memory_space<vmem>>
      %dma_wait3A_370 = arith.constant 0 : i32
      %dma_wait3A_371 = arith.constant 0 : i32
      %dma_wait3A_372 = tpu.memref_slice %arg3[%dma_wait3A_370, %dma_wait3A_371] : memref<10000x128xf32, #tpu.memory_space<hbm>> -> memref<10000x128xf32, #tpu.memory_space<hbm>>
      tpu.wait_indirect_dma semaphore(%arg15 : memref<!tpu.dma_semaphore, #tpu.memory_space<semaphore_mem>>) src(%dma_wait3A_372 : memref<10000x128xf32, #tpu.memory_space<hbm>>) dst(%arg10 : memref<40x128xf32, #tpu.memory_space<vmem>>)
      %add3A_373 = arith.constant 2 : i32
      %add3A_374 = arith.addi %mul3A_284, %add3A_373 : i32
      %dma_start3A_375 = arith.constant 0 : i32
      %dma_start3A_376 = tpu.memref_slice %arg7[%add3A_374, %dma_start3A_375] : memref<250x40xi32, #tpu.memory_space<vmem>> -> memref<1x40xi32, #tpu.memory_space<vmem>>
      %dma_start3A_377 = tpu.memref_squeeze %dma_start3A_376 : memref<1x40xi32, #tpu.memory_space<vmem>> -> memref<40xi32, #tpu.memory_space<vmem>>
      %dma_start3A_378 = arith.constant 0 : i32
      %dma_start3A_379 = arith.constant 0 : i32
      %dma_start3A_380 = tpu.memref_slice %arg20[%dma_start3A_378, %dma_start3A_379] : memref<10240x128xf32, #tpu.memory_space<vmem_shared>> -> memref<10240x128xf32, #tpu.memory_space<vmem_shared>>
      tpu.enqueue_indirect_dma source(%arg10 : memref<40x128xf32, #tpu.memory_space<vmem>>) target(%dma_start3A_380 : memref<10240x128xf32, #tpu.memory_space<vmem_shared>>) offsets(%dma_start3A_377 : memref<40xi32, #tpu.memory_space<vmem>>) semaphore(%arg18 : memref<!tpu.dma_semaphore, #tpu.memory_space<semaphore_mem>>) {add = true}
      %dma_start3A_381 = arith.constant 0 : i32
      %dma_start3A_382 = tpu.memref_slice %arg7[%add3A_374, %dma_start3A_381] : memref<250x40xi32, #tpu.memory_space<vmem>> -> memref<1x40xi32, #tpu.memory_space<vmem>>
      %dma_start3A_383 = tpu.memref_squeeze %dma_start3A_382 : memref<1x40xi32, #tpu.memory_space<vmem>> -> memref<40xi32, #tpu.memory_space<vmem>>
      %dma_start3A_384 = arith.constant 0 : i32
      %dma_start3A_385 = arith.constant 0 : i32
      %dma_start3A_386 = tpu.memref_slice %arg21[%dma_start3A_384, %dma_start3A_385] : memref<10240x8xf32, #tpu.memory_space<vmem_shared>> -> memref<10240x8xf32, #tpu.memory_space<vmem_shared>>
      tpu.enqueue_indirect_dma source(%arg11 : memref<40x8xf32, #tpu.memory_space<vmem>>) target(%dma_start3A_386 : memref<10240x8xf32, #tpu.memory_space<vmem_shared>>) offsets(%dma_start3A_383 : memref<40xi32, #tpu.memory_space<vmem>>) semaphore(%arg19 : memref<!tpu.dma_semaphore, #tpu.memory_space<semaphore_mem>>) {add = true}
    }
    %scan3A_172 = arith.constant 83 : i32
    %dma_wait3A_173 = arith.constant 246 : i32
    %dma_wait3A_174 = arith.constant 0 : i32
    %dma_wait3A_175 = tpu.memref_slice %arg7[%dma_wait3A_173, %dma_wait3A_174] : memref<250x40xi32, #tpu.memory_space<vmem>> -> memref<1x40xi32, #tpu.memory_space<vmem>>
    %dma_wait3A_176 = tpu.memref_squeeze %dma_wait3A_175 : memref<1x40xi32, #tpu.memory_space<vmem>> -> memref<40xi32, #tpu.memory_space<vmem>>
    %dma_wait3A_177 = arith.constant 0 : i32
    %dma_wait3A_178 = arith.constant 0 : i32
    %dma_wait3A_179 = tpu.memref_slice %arg20[%dma_wait3A_177, %dma_wait3A_178] : memref<10240x128xf32, #tpu.memory_space<vmem_shared>> -> memref<10240x128xf32, #tpu.memory_space<vmem_shared>>
    tpu.wait_indirect_dma semaphore(%arg16 : memref<!tpu.dma_semaphore, #tpu.memory_space<semaphore_mem>>) src(%arg8 : memref<40x128xf32, #tpu.memory_space<vmem>>) dst(%dma_wait3A_179 : memref<10240x128xf32, #tpu.memory_space<vmem_shared>>)
    %dma_wait3A_180 = arith.constant 246 : i32
    %dma_wait3A_181 = arith.constant 0 : i32
    %dma_wait3A_182 = tpu.memref_slice %arg7[%dma_wait3A_180, %dma_wait3A_181] : memref<250x40xi32, #tpu.memory_space<vmem>> -> memref<1x40xi32, #tpu.memory_space<vmem>>
    %dma_wait3A_183 = tpu.memref_squeeze %dma_wait3A_182 : memref<1x40xi32, #tpu.memory_space<vmem>> -> memref<40xi32, #tpu.memory_space<vmem>>
    %dma_wait3A_184 = arith.constant 0 : i32
    %dma_wait3A_185 = arith.constant 0 : i32
    %dma_wait3A_186 = tpu.memref_slice %arg21[%dma_wait3A_184, %dma_wait3A_185] : memref<10240x8xf32, #tpu.memory_space<vmem_shared>> -> memref<10240x8xf32, #tpu.memory_space<vmem_shared>>
    tpu.wait_indirect_dma semaphore(%arg19 : memref<!tpu.dma_semaphore, #tpu.memory_space<semaphore_mem>>) src(%arg11 : memref<40x8xf32, #tpu.memory_space<vmem>>) dst(%dma_wait3A_186 : memref<10240x8xf32, #tpu.memory_space<vmem_shared>>)
    %dma_wait3A_187 = arith.constant 247 : i32
    %dma_wait3A_188 = arith.constant 0 : i32
    %dma_wait3A_189 = tpu.memref_slice %arg7[%dma_wait3A_187, %dma_wait3A_188] : memref<250x40xi32, #tpu.memory_space<vmem>> -> memref<1x40xi32, #tpu.memory_space<vmem>>
    %dma_wait3A_190 = tpu.memref_squeeze %dma_wait3A_189 : memref<1x40xi32, #tpu.memory_space<vmem>> -> memref<40xi32, #tpu.memory_space<vmem>>
    %dma_wait3A_191 = arith.constant 0 : i32
    %dma_wait3A_192 = arith.constant 0 : i32
    %dma_wait3A_193 = tpu.memref_slice %arg20[%dma_wait3A_191, %dma_wait3A_192] : memref<10240x128xf32, #tpu.memory_space<vmem_shared>> -> memref<10240x128xf32, #tpu.memory_space<vmem_shared>>
    tpu.wait_indirect_dma semaphore(%arg17 : memref<!tpu.dma_semaphore, #tpu.memory_space<semaphore_mem>>) src(%arg9 : memref<40x128xf32, #tpu.memory_space<vmem>>) dst(%dma_wait3A_193 : memref<10240x128xf32, #tpu.memory_space<vmem_shared>>)
    %dma_wait3A_194 = arith.constant 247 : i32
    %dma_wait3A_195 = arith.constant 0 : i32
    %dma_wait3A_196 = tpu.memref_slice %arg7[%dma_wait3A_194, %dma_wait3A_195] : memref<250x40xi32, #tpu.memory_space<vmem>> -> memref<1x40xi32, #tpu.memory_space<vmem>>
    %dma_wait3A_197 = tpu.memref_squeeze %dma_wait3A_196 : memref<1x40xi32, #tpu.memory_space<vmem>> -> memref<40xi32, #tpu.memory_space<vmem>>
    %dma_wait3A_198 = arith.constant 0 : i32
    %dma_wait3A_199 = arith.constant 0 : i32
    %dma_wait3A_200 = tpu.memref_slice %arg21[%dma_wait3A_198, %dma_wait3A_199] : memref<10240x8xf32, #tpu.memory_space<vmem_shared>> -> memref<10240x8xf32, #tpu.memory_space<vmem_shared>>
    tpu.wait_indirect_dma semaphore(%arg19 : memref<!tpu.dma_semaphore, #tpu.memory_space<semaphore_mem>>) src(%arg11 : memref<40x8xf32, #tpu.memory_space<vmem>>) dst(%dma_wait3A_200 : memref<10240x8xf32, #tpu.memory_space<vmem_shared>>)
    %dma_wait3A_201 = arith.constant 248 : i32
    %dma_wait3A_202 = arith.constant 0 : i32
    %dma_wait3A_203 = tpu.memref_slice %arg7[%dma_wait3A_201, %dma_wait3A_202] : memref<250x40xi32, #tpu.memory_space<vmem>> -> memref<1x40xi32, #tpu.memory_space<vmem>>
    %dma_wait3A_204 = tpu.memref_squeeze %dma_wait3A_203 : memref<1x40xi32, #tpu.memory_space<vmem>> -> memref<40xi32, #tpu.memory_space<vmem>>
    %dma_wait3A_205 = arith.constant 0 : i32
    %dma_wait3A_206 = arith.constant 0 : i32
    %dma_wait3A_207 = tpu.memref_slice %arg20[%dma_wait3A_205, %dma_wait3A_206] : memref<10240x128xf32, #tpu.memory_space<vmem_shared>> -> memref<10240x128xf32, #tpu.memory_space<vmem_shared>>
    tpu.wait_indirect_dma semaphore(%arg18 : memref<!tpu.dma_semaphore, #tpu.memory_space<semaphore_mem>>) src(%arg10 : memref<40x128xf32, #tpu.memory_space<vmem>>) dst(%dma_wait3A_207 : memref<10240x128xf32, #tpu.memory_space<vmem_shared>>)
    %dma_wait3A_208 = arith.constant 248 : i32
    %dma_wait3A_209 = arith.constant 0 : i32
    %dma_wait3A_210 = tpu.memref_slice %arg7[%dma_wait3A_208, %dma_wait3A_209] : memref<250x40xi32, #tpu.memory_space<vmem>> -> memref<1x40xi32, #tpu.memory_space<vmem>>
    %dma_wait3A_211 = tpu.memref_squeeze %dma_wait3A_210 : memref<1x40xi32, #tpu.memory_space<vmem>> -> memref<40xi32, #tpu.memory_space<vmem>>
    %dma_wait3A_212 = arith.constant 0 : i32
    %dma_wait3A_213 = arith.constant 0 : i32
    %dma_wait3A_214 = tpu.memref_slice %arg21[%dma_wait3A_212, %dma_wait3A_213] : memref<10240x8xf32, #tpu.memory_space<vmem_shared>> -> memref<10240x8xf32, #tpu.memory_space<vmem_shared>>
    tpu.wait_indirect_dma semaphore(%arg19 : memref<!tpu.dma_semaphore, #tpu.memory_space<semaphore_mem>>) src(%arg11 : memref<40x8xf32, #tpu.memory_space<vmem>>) dst(%dma_wait3A_214 : memref<10240x8xf32, #tpu.memory_space<vmem_shared>>)
    %dma_start3A_215 = arith.constant 249 : i32
    %dma_start3A_216 = arith.constant 0 : i32
    %dma_start3A_217 = tpu.memref_slice %arg6[%dma_start3A_215, %dma_start3A_216] : memref<250x40xi32, #tpu.memory_space<vmem>> -> memref<1x40xi32, #tpu.memory_space<vmem>>
    %dma_start3A_218 = tpu.memref_squeeze %dma_start3A_217 : memref<1x40xi32, #tpu.memory_space<vmem>> -> memref<40xi32, #tpu.memory_space<vmem>>
    %dma_start3A_219 = arith.constant 0 : i32
    %dma_start3A_220 = arith.constant 0 : i32
    %dma_start3A_221 = tpu.memref_slice %arg3[%dma_start3A_219, %dma_start3A_220] : memref<10000x128xf32, #tpu.memory_space<hbm>> -> memref<10000x128xf32, #tpu.memory_space<hbm>>
    tpu.enqueue_indirect_dma source(%dma_start3A_221 : memref<10000x128xf32, #tpu.memory_space<hbm>>) target(%arg8 : memref<40x128xf32, #tpu.memory_space<vmem>>) offsets(%dma_start3A_218 : memref<40xi32, #tpu.memory_space<vmem>>) semaphore(%arg13 : memref<!tpu.dma_semaphore, #tpu.memory_space<semaphore_mem>>)
    %dma_wait3A_222 = arith.constant 249 : i32
    %dma_wait3A_223 = arith.constant 0 : i32
    %dma_wait3A_224 = tpu.memref_slice %arg6[%dma_wait3A_222, %dma_wait3A_223] : memref<250x40xi32, #tpu.memory_space<vmem>> -> memref<1x40xi32, #tpu.memory_space<vmem>>
    %dma_wait3A_225 = tpu.memref_squeeze %dma_wait3A_224 : memref<1x40xi32, #tpu.memory_space<vmem>> -> memref<40xi32, #tpu.memory_space<vmem>>
    %dma_wait3A_226 = arith.constant 0 : i32
    %dma_wait3A_227 = arith.constant 0 : i32
    %dma_wait3A_228 = tpu.memref_slice %arg3[%dma_wait3A_226, %dma_wait3A_227] : memref<10000x128xf32, #tpu.memory_space<hbm>> -> memref<10000x128xf32, #tpu.memory_space<hbm>>
    tpu.wait_indirect_dma semaphore(%arg13 : memref<!tpu.dma_semaphore, #tpu.memory_space<semaphore_mem>>) src(%dma_wait3A_228 : memref<10000x128xf32, #tpu.memory_space<hbm>>) dst(%arg8 : memref<40x128xf32, #tpu.memory_space<vmem>>)
    %dma_start3A_229 = arith.constant 249 : i32
    %dma_start3A_230 = arith.constant 0 : i32
    %dma_start3A_231 = tpu.memref_slice %arg7[%dma_start3A_229, %dma_start3A_230] : memref<250x40xi32, #tpu.memory_space<vmem>> -> memref<1x40xi32, #tpu.memory_space<vmem>>
    %dma_start3A_232 = tpu.memref_squeeze %dma_start3A_231 : memref<1x40xi32, #tpu.memory_space<vmem>> -> memref<40xi32, #tpu.memory_space<vmem>>
    %dma_start3A_233 = arith.constant 0 : i32
    %dma_start3A_234 = arith.constant 0 : i32
    %dma_start3A_235 = tpu.memref_slice %arg20[%dma_start3A_233, %dma_start3A_234] : memref<10240x128xf32, #tpu.memory_space<vmem_shared>> -> memref<10240x128xf32, #tpu.memory_space<vmem_shared>>
    tpu.enqueue_indirect_dma source(%arg8 : memref<40x128xf32, #tpu.memory_space<vmem>>) target(%dma_start3A_235 : memref<10240x128xf32, #tpu.memory_space<vmem_shared>>) offsets(%dma_start3A_232 : memref<40xi32, #tpu.memory_space<vmem>>) semaphore(%arg16 : memref<!tpu.dma_semaphore, #tpu.memory_space<semaphore_mem>>) {add = true}
    %dma_start3A_236 = arith.constant 249 : i32
    %dma_start3A_237 = arith.constant 0 : i32
    %dma_start3A_238 = tpu.memref_slice %arg7[%dma_start3A_236, %dma_start3A_237] : memref<250x40xi32, #tpu.memory_space<vmem>> -> memref<1x40xi32, #tpu.memory_space<vmem>>
    %dma_start3A_239 = tpu.memref_squeeze %dma_start3A_238 : memref<1x40xi32, #tpu.memory_space<vmem>> -> memref<40xi32, #tpu.memory_space<vmem>>
    %dma_start3A_240 = arith.constant 0 : i32
    %dma_start3A_241 = arith.constant 0 : i32
    %dma_start3A_242 = tpu.memref_slice %arg21[%dma_start3A_240, %dma_start3A_241] : memref<10240x8xf32, #tpu.memory_space<vmem_shared>> -> memref<10240x8xf32, #tpu.memory_space<vmem_shared>>
    tpu.enqueue_indirect_dma source(%arg11 : memref<40x8xf32, #tpu.memory_space<vmem>>) target(%dma_start3A_242 : memref<10240x8xf32, #tpu.memory_space<vmem_shared>>) offsets(%dma_start3A_239 : memref<40xi32, #tpu.memory_space<vmem>>) semaphore(%arg19 : memref<!tpu.dma_semaphore, #tpu.memory_space<semaphore_mem>>) {add = true}
    %dma_wait3A_243 = arith.constant 249 : i32
    %dma_wait3A_244 = arith.constant 0 : i32
    %dma_wait3A_245 = tpu.memref_slice %arg7[%dma_wait3A_243, %dma_wait3A_244] : memref<250x40xi32, #tpu.memory_space<vmem>> -> memref<1x40xi32, #tpu.memory_space<vmem>>
    %dma_wait3A_246 = tpu.memref_squeeze %dma_wait3A_245 : memref<1x40xi32, #tpu.memory_space<vmem>> -> memref<40xi32, #tpu.memory_space<vmem>>
    %dma_wait3A_247 = arith.constant 0 : i32
    %dma_wait3A_248 = arith.constant 0 : i32
    %dma_wait3A_249 = tpu.memref_slice %arg20[%dma_wait3A_247, %dma_wait3A_248] : memref<10240x128xf32, #tpu.memory_space<vmem_shared>> -> memref<10240x128xf32, #tpu.memory_space<vmem_shared>>
    tpu.wait_indirect_dma semaphore(%arg16 : memref<!tpu.dma_semaphore, #tpu.memory_space<semaphore_mem>>) src(%arg8 : memref<40x128xf32, #tpu.memory_space<vmem>>) dst(%dma_wait3A_249 : memref<10240x128xf32, #tpu.memory_space<vmem_shared>>)
    %dma_wait3A_250 = arith.constant 249 : i32
    %dma_wait3A_251 = arith.constant 0 : i32
    %dma_wait3A_252 = tpu.memref_slice %arg7[%dma_wait3A_250, %dma_wait3A_251] : memref<250x40xi32, #tpu.memory_space<vmem>> -> memref<1x40xi32, #tpu.memory_space<vmem>>
    %dma_wait3A_253 = tpu.memref_squeeze %dma_wait3A_252 : memref<1x40xi32, #tpu.memory_space<vmem>> -> memref<40xi32, #tpu.memory_space<vmem>>
    %dma_wait3A_254 = arith.constant 0 : i32
    %dma_wait3A_255 = arith.constant 0 : i32
    %dma_wait3A_256 = tpu.memref_slice %arg21[%dma_wait3A_254, %dma_wait3A_255] : memref<10240x8xf32, #tpu.memory_space<vmem_shared>> -> memref<10240x8xf32, #tpu.memory_space<vmem_shared>>
    tpu.wait_indirect_dma semaphore(%arg19 : memref<!tpu.dma_semaphore, #tpu.memory_space<semaphore_mem>>) src(%arg11 : memref<40x8xf32, #tpu.memory_space<vmem>>) dst(%dma_wait3A_256 : memref<10240x8xf32, #tpu.memory_space<vmem_shared>>)
    %barrier3A_257 = arith.constant 0 : index
    tpu.barrier barrier_id(%barrier3A_257)
    %dma_start3A_258 = arith.constant 0 : i32
    %dma_start3A_259 = tpu.memref_slice %arg4[%arg0, %mul3A_2, %dma_start3A_258] : memref<2x10240x128xf32, #tpu.memory_space<hbm>> -> memref<1x640x128xf32, #tpu.memory_space<hbm>>
    %dma_start3A_260 = tpu.memref_squeeze %dma_start3A_259 : memref<1x640x128xf32, #tpu.memory_space<hbm>> -> memref<640x128xf32, #tpu.memory_space<hbm>>
    %dma_start3A_261 = arith.constant 0 : i32
    %dma_start3A_262 = tpu.memref_slice %arg20[%mul3A_2, %dma_start3A_261] : memref<10240x128xf32, #tpu.memory_space<vmem_shared>> -> memref<640x128xf32, #tpu.memory_space<vmem_shared>>
    tpu.enqueue_dma source(%dma_start3A_262 : memref<640x128xf32, #tpu.memory_space<vmem_shared>>) target(%dma_start3A_260 : memref<640x128xf32, #tpu.memory_space<hbm>>) target_semaphore(%arg16 : memref<!tpu.dma_semaphore, #tpu.memory_space<semaphore_mem>>)
    %dma_start3A_263 = arith.constant 0 : i32
    %dma_start3A_264 = tpu.memref_slice %arg5[%arg0, %mul3A_2, %dma_start3A_263] : memref<2x10240x8xf32, #tpu.memory_space<hbm>> -> memref<1x640x8xf32, #tpu.memory_space<hbm>>
    %dma_start3A_265 = tpu.memref_squeeze %dma_start3A_264 : memref<1x640x8xf32, #tpu.memory_space<hbm>> -> memref<640x8xf32, #tpu.memory_space<hbm>>
    %dma_start3A_266 = arith.constant 0 : i32
    %dma_start3A_267 = tpu.memref_slice %arg21[%mul3A_2, %dma_start3A_266] : memref<10240x8xf32, #tpu.memory_space<vmem_shared>> -> memref<640x8xf32, #tpu.memory_space<vmem_shared>>
    tpu.enqueue_dma source(%dma_start3A_267 : memref<640x8xf32, #tpu.memory_space<vmem_shared>>) target(%dma_start3A_265 : memref<640x8xf32, #tpu.memory_space<hbm>>) target_semaphore(%arg17 : memref<!tpu.dma_semaphore, #tpu.memory_space<semaphore_mem>>)
    %dma_wait3A_268 = arith.constant 0 : i32
    %dma_wait3A_269 = tpu.memref_slice %arg4[%arg0, %mul3A_2, %dma_wait3A_268] : memref<2x10240x128xf32, #tpu.memory_space<hbm>> -> memref<1x640x128xf32, #tpu.memory_space<hbm>>
    %dma_wait3A_270 = tpu.memref_squeeze %dma_wait3A_269 : memref<1x640x128xf32, #tpu.memory_space<hbm>> -> memref<640x128xf32, #tpu.memory_space<hbm>>
    %dma_wait3A_271 = arith.constant 0 : i32
    %dma_wait3A_272 = tpu.memref_slice %arg20[%mul3A_2, %dma_wait3A_271] : memref<10240x128xf32, #tpu.memory_space<vmem_shared>> -> memref<640x128xf32, #tpu.memory_space<vmem_shared>>
    tpu.wait_dma2 semaphore(%arg16 : memref<!tpu.dma_semaphore, #tpu.memory_space<semaphore_mem>>) src(%dma_wait3A_272 : memref<640x128xf32, #tpu.memory_space<vmem_shared>>) dst(%dma_wait3A_270 : memref<640x128xf32, #tpu.memory_space<hbm>>)
    %dma_wait3A_273 = arith.constant 0 : i32
    %dma_wait3A_274 = tpu.memref_slice %arg5[%arg0, %mul3A_2, %dma_wait3A_273] : memref<2x10240x8xf32, #tpu.memory_space<hbm>> -> memref<1x640x8xf32, #tpu.memory_space<hbm>>
    %dma_wait3A_275 = tpu.memref_squeeze %dma_wait3A_274 : memref<1x640x8xf32, #tpu.memory_space<hbm>> -> memref<640x8xf32, #tpu.memory_space<hbm>>
    %dma_wait3A_276 = arith.constant 0 : i32
    %dma_wait3A_277 = tpu.memref_slice %arg21[%mul3A_2, %dma_wait3A_276] : memref<10240x8xf32, #tpu.memory_space<vmem_shared>> -> memref<640x8xf32, #tpu.memory_space<vmem_shared>>
    tpu.wait_dma2 semaphore(%arg17 : memref<!tpu.dma_semaphore, #tpu.memory_space<semaphore_mem>>) src(%dma_wait3A_277 : memref<640x8xf32, #tpu.memory_space<vmem_shared>>) dst(%dma_wait3A_275 : memref<640x8xf32, #tpu.memory_space<hbm>>)
    return
  }
}

module attributes {stable_mosaic.version = 14 : i64} {
  func.func @_tc_layer1_body(%arg0: i32, %arg1: memref<2x2000x128xf32, #tpu.memory_space<vmem>>, %arg2: memref<2x2000x8xf32, #tpu.memory_space<vmem>>, %arg3: memref<2000x128xf32, #tpu.memory_space<vmem>>, %arg4: memref<128x128xf32, #tpu.memory_space<vmem>>, %arg5: memref<1x128xf32, #tpu.memory_space<vmem>>, %arg6: memref<2000x128xf32, #tpu.memory_space<vmem>>) attributes {dimension_semantics = [#tpu.dimension_semantics<arbitrary>], iteration_bounds = array<i64: 5>, scalar_prefetch = 0 : i64, scratch_operands = 0 : i64, tpu.core_type = #tpu.core_type<tc>, window_params = [{transform_indices = @transform_0, window_bounds = array<i64: 2, 2000, 128>}, {transform_indices = @transform_1, window_bounds = array<i64: 2, 2000, 8>}, {transform_indices = @transform_2, window_bounds = array<i64: 2000, 128>}, {pipeline_mode = #tpu.pipeline_mode<synchronous>, transform_indices = @transform_3, window_bounds = array<i64: 128, 128>}, {pipeline_mode = #tpu.pipeline_mode<synchronous>, transform_indices = @transform_4, window_bounds = array<i64: 1, 128>}, {transform_indices = @transform_5, window_bounds = array<i64: 2000, 128>}]} {
    %get3A = arith.constant 0 : index
    %get3A_0 = arith.constant 0 : index
    %get3A_1 = arith.constant 0 : index
    %get3A_2 = vector.load %arg1[%get3A, %get3A_0, %get3A_1] : memref<2x2000x128xf32, #tpu.memory_space<vmem>>, vector<1x2000x128xf32>
    %get3A_3 = vector.shape_cast %get3A_2 : vector<1x2000x128xf32> to vector<2000x128xf32>
    %get3A_4 = arith.constant 1 : index
    %get3A_5 = arith.constant 0 : index
    %get3A_6 = arith.constant 0 : index
    %get3A_7 = vector.load %arg1[%get3A_4, %get3A_5, %get3A_6] : memref<2x2000x128xf32, #tpu.memory_space<vmem>>, vector<1x2000x128xf32>
    %get3A_8 = vector.shape_cast %get3A_7 : vector<1x2000x128xf32> to vector<2000x128xf32>
    %add3A = arith.addf %get3A_3, %get3A_8 : vector<2000x128xf32>
    %get3A_9 = arith.constant 0 : index
    %get3A_10 = arith.constant 0 : index
    %get3A_11 = arith.constant 0 : index
    %get3A_12 = vector.load %arg2[%get3A_9, %get3A_10, %get3A_11] : memref<2x2000x8xf32, #tpu.memory_space<vmem>>, vector<1x2000x8xf32>
    %get3A_13 = vector.shape_cast %get3A_12 : vector<1x2000x8xf32> to vector<2000x8xf32>
    %reduce_sum3A = arith.constant dense<0.000000e+00> : vector<2000xf32>
    %reduce_sum3A_14 = vector.multi_reduction <add>, %get3A_13, %reduce_sum3A [1] : vector<2000x8xf32> to vector<2000xf32>
    %broadcast_in_dim3A = vector.shape_cast %reduce_sum3A_14 : vector<2000xf32> to vector<2000x1xf32>
    %get3A_15 = arith.constant 1 : index
    %get3A_16 = arith.constant 0 : index
    %get3A_17 = arith.constant 0 : index
    %get3A_18 = vector.load %arg2[%get3A_15, %get3A_16, %get3A_17] : memref<2x2000x8xf32, #tpu.memory_space<vmem>>, vector<1x2000x8xf32>
    %get3A_19 = vector.shape_cast %get3A_18 : vector<1x2000x8xf32> to vector<2000x8xf32>
    %reduce_sum3A_20 = arith.constant dense<0.000000e+00> : vector<2000xf32>
    %reduce_sum3A_21 = vector.multi_reduction <add>, %get3A_19, %reduce_sum3A_20 [1] : vector<2000x8xf32> to vector<2000xf32>
    %broadcast_in_dim3A_22 = vector.shape_cast %reduce_sum3A_21 : vector<2000xf32> to vector<2000x1xf32>
    %add3A_23 = arith.addf %broadcast_in_dim3A, %broadcast_in_dim3A_22 : vector<2000x1xf32>
    %mul3A = arith.constant 1.250000e-01 : f32
    %mul3A_24 = vector.broadcast %mul3A : f32 to vector<2000x1xf32>
    %mul3A_25 = arith.mulf %add3A_23, %mul3A_24 : vector<2000x1xf32>
    %get3A_26 = arith.constant 0 : index
    %get3A_27 = arith.constant 0 : index
    %get3A_28 = vector.load %arg3[%get3A_26, %get3A_27] : memref<2000x128xf32, #tpu.memory_space<vmem>>, vector<2000x128xf32>
    %add3A_29 = arith.addf %add3A, %get3A_28 : vector<2000x128xf32>
    %add3A_30 = arith.constant 1.000000e+00 : f32
    %add3A_31 = vector.broadcast %add3A_30 : f32 to vector<2000x1xf32>
    %add3A_32 = arith.addf %mul3A_25, %add3A_31 : vector<2000x1xf32>
    %div3A = vector.broadcast %add3A_32 : vector<2000x1xf32> to vector<2000x128xf32>
    %div3A_33 = arith.divf %add3A_29, %div3A : vector<2000x128xf32>
    %get3A_34 = arith.constant 0 : index
    %get3A_35 = arith.constant 0 : index
    %get3A_36 = vector.load %arg4[%get3A_34, %get3A_35] : memref<128x128xf32, #tpu.memory_space<vmem>>, vector<128x128xf32>
    %dot_general3A = arith.constant dense<0.000000e+00> : vector<2000x128xf32>
    %dot_general3A_37 = tpu.matmul %div3A_33, %get3A_36, %dot_general3A {dimension_numbers = #tpu.dot_dimension_numbers<[1], [0], [0], [1], [0, 0, 1, 1], [], []>, transpose_lhs_hint = false} : vector<2000x128xf32>, vector<128x128xf32>, vector<2000x128xf32> -> vector<2000x128xf32>
    %get3A_38 = arith.constant 0 : index
    %get3A_39 = arith.constant 0 : index
    %get3A_40 = vector.load %arg5[%get3A_38, %get3A_39] : memref<1x128xf32, #tpu.memory_space<vmem>>, vector<1x128xf32>
    %add3A_41 = vector.broadcast %get3A_40 : vector<1x128xf32> to vector<2000x128xf32>
    %add3A_42 = arith.addf %dot_general3A_37, %add3A_41 : vector<2000x128xf32>
    %max3A = arith.constant 0.000000e+00 : f32
    %max3A_43 = vector.broadcast %max3A : f32 to vector<2000x128xf32>
    %max3A_44 = arith.maximumf %add3A_42, %max3A_43 : vector<2000x128xf32>
    %mul3A_45 = arith.mulf %max3A_44, %max3A_44 : vector<2000x128xf32>
    %reduce_sum3A_46 = arith.constant dense<0.000000e+00> : vector<2000xf32>
    %reduce_sum3A_47 = vector.multi_reduction <add>, %mul3A_45, %reduce_sum3A_46 [1] : vector<2000x128xf32> to vector<2000xf32>
    %broadcast_in_dim3A_48 = vector.shape_cast %reduce_sum3A_47 : vector<2000xf32> to vector<2000x1xf32>
    %sqrt3A = math.sqrt %broadcast_in_dim3A_48 : vector<2000x1xf32>
    %max3A_49 = arith.constant 9.99999996E-13 : f32
    %max3A_50 = vector.broadcast %max3A_49 : f32 to vector<2000x1xf32>
    %max3A_51 = arith.maximumf %sqrt3A, %max3A_50 : vector<2000x1xf32>
    %div3A_52 = vector.broadcast %max3A_51 : vector<2000x1xf32> to vector<2000x128xf32>
    %div3A_53 = arith.divf %max3A_44, %div3A_52 : vector<2000x128xf32>
    %swap3A = arith.constant 0 : index
    %swap3A_54 = arith.constant 0 : index
    %swap3A_55 = vector.load %arg6[%swap3A, %swap3A_54] : memref<2000x128xf32, #tpu.memory_space<vmem>>, vector<2000x128xf32>
    tpu.vector_store %arg6[%swap3A, %swap3A_54], %div3A_53 {strides = array<i32>} : memref<2000x128xf32, #tpu.memory_space<vmem>>, vector<2000x128xf32>,
    return
  }
  func.func @transform_0(%arg0: i32) -> (i32, i32, i32) {
    %c0_i32 = arith.constant 0 : i32
    %c0_i32_0 = arith.constant 0 : i32
    %c0_i32_1 = arith.constant 0 : i32
    return %c0_i32, %arg0, %c0_i32_0 : i32, i32, i32
  }
  func.func @transform_1(%arg0: i32) -> (i32, i32, i32) {
    %c0_i32 = arith.constant 0 : i32
    %c0_i32_0 = arith.constant 0 : i32
    %c0_i32_1 = arith.constant 0 : i32
    return %c0_i32, %arg0, %c0_i32_0 : i32, i32, i32
  }
  func.func @transform_2(%arg0: i32) -> (i32, i32) {
    %c0_i32 = arith.constant 0 : i32
    %c0_i32_0 = arith.constant 0 : i32
    return %arg0, %c0_i32 : i32, i32
  }
  func.func @transform_3(%arg0: i32) -> (i32, i32) {
    %c0_i32 = arith.constant 0 : i32
    %c0_i32_0 = arith.constant 0 : i32
    %c0_i32_1 = arith.constant 0 : i32
    return %c0_i32, %c0_i32_0 : i32, i32
  }
  func.func @transform_4(%arg0: i32) -> (i32, i32) {
    %c0_i32 = arith.constant 0 : i32
    %c0_i32_0 = arith.constant 0 : i32
    %c0_i32_1 = arith.constant 0 : i32
    return %c0_i32, %c0_i32_0 : i32, i32
  }
  func.func @transform_5(%arg0: i32) -> (i32, i32) {
    %c0_i32 = arith.constant 0 : i32
    %c0_i32_0 = arith.constant 0 : i32
    return %arg0, %c0_i32 : i32, i32
  }
}

module attributes {stable_mosaic.version = 14 : i64} {
  func.func @_tc_layer2_body(%arg0: i32, %arg1: memref<2x2000x128xf32, #tpu.memory_space<vmem>>, %arg2: memref<2x2000x8xf32, #tpu.memory_space<vmem>>, %arg3: memref<2000x128xf32, #tpu.memory_space<vmem>>, %arg4: memref<128x128xf32, #tpu.memory_space<vmem>>, %arg5: memref<1x128xf32, #tpu.memory_space<vmem>>, %arg6: memref<128x128xf32, #tpu.memory_space<vmem>>, %arg7: memref<1x128xf32, #tpu.memory_space<vmem>>, %arg8: memref<1x128xf32, #tpu.memory_space<vmem>>, %arg9: memref<2000x128xf32, #tpu.memory_space<vmem>>) attributes {dimension_semantics = [#tpu.dimension_semantics<arbitrary>], iteration_bounds = array<i64: 5>, scalar_prefetch = 0 : i64, scratch_operands = 0 : i64, tpu.core_type = #tpu.core_type<tc>, window_params = [{transform_indices = @transform_0, window_bounds = array<i64: 2, 2000, 128>}, {transform_indices = @transform_1, window_bounds = array<i64: 2, 2000, 8>}, {transform_indices = @transform_2, window_bounds = array<i64: 2000, 128>}, {pipeline_mode = #tpu.pipeline_mode<synchronous>, transform_indices = @transform_3, window_bounds = array<i64: 128, 128>}, {pipeline_mode = #tpu.pipeline_mode<synchronous>, transform_indices = @transform_4, window_bounds = array<i64: 1, 128>}, {pipeline_mode = #tpu.pipeline_mode<synchronous>, transform_indices = @transform_5, window_bounds = array<i64: 128, 128>}, {pipeline_mode = #tpu.pipeline_mode<synchronous>, transform_indices = @transform_6, window_bounds = array<i64: 1, 128>}, {pipeline_mode = #tpu.pipeline_mode<synchronous>, transform_indices = @transform_7, window_bounds = array<i64: 1, 128>}, {transform_indices = @transform_8, window_bounds = array<i64: 2000, 128>}]} {
    %get3A = arith.constant 0 : index
    %get3A_0 = arith.constant 0 : index
    %get3A_1 = arith.constant 0 : index
    %get3A_2 = vector.load %arg1[%get3A, %get3A_0, %get3A_1] : memref<2x2000x128xf32, #tpu.memory_space<vmem>>, vector<1x2000x128xf32>
    %get3A_3 = vector.shape_cast %get3A_2 : vector<1x2000x128xf32> to vector<2000x128xf32>
    %get3A_4 = arith.constant 1 : index
    %get3A_5 = arith.constant 0 : index
    %get3A_6 = arith.constant 0 : index
    %get3A_7 = vector.load %arg1[%get3A_4, %get3A_5, %get3A_6] : memref<2x2000x128xf32, #tpu.memory_space<vmem>>, vector<1x2000x128xf32>
    %get3A_8 = vector.shape_cast %get3A_7 : vector<1x2000x128xf32> to vector<2000x128xf32>
    %add3A = arith.addf %get3A_3, %get3A_8 : vector<2000x128xf32>
    %get3A_9 = arith.constant 0 : index
    %get3A_10 = arith.constant 0 : index
    %get3A_11 = arith.constant 0 : index
    %get3A_12 = vector.load %arg2[%get3A_9, %get3A_10, %get3A_11] : memref<2x2000x8xf32, #tpu.memory_space<vmem>>, vector<1x2000x8xf32>
    %get3A_13 = vector.shape_cast %get3A_12 : vector<1x2000x8xf32> to vector<2000x8xf32>
    %reduce_sum3A = arith.constant dense<0.000000e+00> : vector<2000xf32>
    %reduce_sum3A_14 = vector.multi_reduction <add>, %get3A_13, %reduce_sum3A [1] : vector<2000x8xf32> to vector<2000xf32>
    %broadcast_in_dim3A = vector.shape_cast %reduce_sum3A_14 : vector<2000xf32> to vector<2000x1xf32>
    %get3A_15 = arith.constant 1 : index
    %get3A_16 = arith.constant 0 : index
    %get3A_17 = arith.constant 0 : index
    %get3A_18 = vector.load %arg2[%get3A_15, %get3A_16, %get3A_17] : memref<2x2000x8xf32, #tpu.memory_space<vmem>>, vector<1x2000x8xf32>
    %get3A_19 = vector.shape_cast %get3A_18 : vector<1x2000x8xf32> to vector<2000x8xf32>
    %reduce_sum3A_20 = arith.constant dense<0.000000e+00> : vector<2000xf32>
    %reduce_sum3A_21 = vector.multi_reduction <add>, %get3A_19, %reduce_sum3A_20 [1] : vector<2000x8xf32> to vector<2000xf32>
    %broadcast_in_dim3A_22 = vector.shape_cast %reduce_sum3A_21 : vector<2000xf32> to vector<2000x1xf32>
    %add3A_23 = arith.addf %broadcast_in_dim3A, %broadcast_in_dim3A_22 : vector<2000x1xf32>
    %mul3A = arith.constant 1.250000e-01 : f32
    %mul3A_24 = vector.broadcast %mul3A : f32 to vector<2000x1xf32>
    %mul3A_25 = arith.mulf %add3A_23, %mul3A_24 : vector<2000x1xf32>
    %get3A_26 = arith.constant 0 : index
    %get3A_27 = arith.constant 0 : index
    %get3A_28 = vector.load %arg3[%get3A_26, %get3A_27] : memref<2000x128xf32, #tpu.memory_space<vmem>>, vector<2000x128xf32>
    %add3A_29 = arith.addf %add3A, %get3A_28 : vector<2000x128xf32>
    %add3A_30 = arith.constant 1.000000e+00 : f32
    %add3A_31 = vector.broadcast %add3A_30 : f32 to vector<2000x1xf32>
    %add3A_32 = arith.addf %mul3A_25, %add3A_31 : vector<2000x1xf32>
    %div3A = vector.broadcast %add3A_32 : vector<2000x1xf32> to vector<2000x128xf32>
    %div3A_33 = arith.divf %add3A_29, %div3A : vector<2000x128xf32>
    %get3A_34 = arith.constant 0 : index
    %get3A_35 = arith.constant 0 : index
    %get3A_36 = vector.load %arg4[%get3A_34, %get3A_35] : memref<128x128xf32, #tpu.memory_space<vmem>>, vector<128x128xf32>
    %dot_general3A = arith.constant dense<0.000000e+00> : vector<2000x128xf32>
    %dot_general3A_37 = tpu.matmul %div3A_33, %get3A_36, %dot_general3A {dimension_numbers = #tpu.dot_dimension_numbers<[1], [0], [0], [1], [0, 0, 1, 1], [], []>, transpose_lhs_hint = false} : vector<2000x128xf32>, vector<128x128xf32>, vector<2000x128xf32> -> vector<2000x128xf32>
    %get3A_38 = arith.constant 0 : index
    %get3A_39 = arith.constant 0 : index
    %get3A_40 = vector.load %arg5[%get3A_38, %get3A_39] : memref<1x128xf32, #tpu.memory_space<vmem>>, vector<1x128xf32>
    %add3A_41 = vector.broadcast %get3A_40 : vector<1x128xf32> to vector<2000x128xf32>
    %add3A_42 = arith.addf %dot_general3A_37, %add3A_41 : vector<2000x128xf32>
    %max3A = arith.constant 0.000000e+00 : f32
    %max3A_43 = vector.broadcast %max3A : f32 to vector<2000x128xf32>
    %max3A_44 = arith.maximumf %add3A_42, %max3A_43 : vector<2000x128xf32>
    %get3A_45 = arith.constant 0 : index
    %get3A_46 = arith.constant 0 : index
    %get3A_47 = vector.load %arg6[%get3A_45, %get3A_46] : memref<128x128xf32, #tpu.memory_space<vmem>>, vector<128x128xf32>
    %dot_general3A_48 = arith.constant dense<0.000000e+00> : vector<2000x128xf32>
    %dot_general3A_49 = tpu.matmul %max3A_44, %get3A_47, %dot_general3A_48 {dimension_numbers = #tpu.dot_dimension_numbers<[1], [0], [0], [1], [0, 0, 1, 1], [], []>, transpose_lhs_hint = false} : vector<2000x128xf32>, vector<128x128xf32>, vector<2000x128xf32> -> vector<2000x128xf32>
    %get3A_50 = arith.constant 0 : index
    %get3A_51 = arith.constant 0 : index
    %get3A_52 = vector.load %arg7[%get3A_50, %get3A_51] : memref<1x128xf32, #tpu.memory_space<vmem>>, vector<1x128xf32>
    %add3A_53 = vector.broadcast %get3A_52 : vector<1x128xf32> to vector<2000x128xf32>
    %add3A_54 = arith.addf %dot_general3A_49, %add3A_53 : vector<2000x128xf32>
    %gt3A = arith.constant 0.000000e+00 : f32
    %gt3A_55 = vector.broadcast %gt3A : f32 to vector<2000x128xf32>
    %gt3A_56 = arith.cmpf ogt, %add3A_54, %gt3A_55 : vector<2000x128xf32>
    %get3A_57 = arith.constant 0 : index
    %get3A_58 = arith.constant 0 : index
    %get3A_59 = vector.load %arg8[%get3A_57, %get3A_58] : memref<1x128xf32, #tpu.memory_space<vmem>>, vector<1x128xf32>
    %mul3A_60 = vector.broadcast %get3A_59 : vector<1x128xf32> to vector<2000x128xf32>
    %mul3A_61 = arith.mulf %mul3A_60, %add3A_54 : vector<2000x128xf32>
    %select_n3A = arith.select %gt3A_56, %add3A_54, %mul3A_61 : vector<2000x128xi1>, vector<2000x128xf32>
    %mul3A_62 = arith.mulf %select_n3A, %select_n3A : vector<2000x128xf32>
    %reduce_sum3A_63 = arith.constant dense<0.000000e+00> : vector<2000xf32>
    %reduce_sum3A_64 = vector.multi_reduction <add>, %mul3A_62, %reduce_sum3A_63 [1] : vector<2000x128xf32> to vector<2000xf32>
    %broadcast_in_dim3A_65 = vector.shape_cast %reduce_sum3A_64 : vector<2000xf32> to vector<2000x1xf32>
    %sqrt3A = math.sqrt %broadcast_in_dim3A_65 : vector<2000x1xf32>
    %max3A_66 = arith.constant 9.99999996E-13 : f32
    %max3A_67 = vector.broadcast %max3A_66 : f32 to vector<2000x1xf32>
    %max3A_68 = arith.maximumf %sqrt3A, %max3A_67 : vector<2000x1xf32>
    %div3A_69 = vector.broadcast %max3A_68 : vector<2000x1xf32> to vector<2000x128xf32>
    %div3A_70 = arith.divf %select_n3A, %div3A_69 : vector<2000x128xf32>
    %swap3A = arith.constant 0 : index
    %swap3A_71 = arith.constant 0 : index
    %swap3A_72 = vector.load %arg9[%swap3A, %swap3A_71] : memref<2000x128xf32, #tpu.memory_space<vmem>>, vector<2000x128xf32>
    tpu.vector_store %arg9[%swap3A, %swap3A_71], %div3A_70 {strides = array<i32>} : memref<2000x128xf32, #tpu.memory_space<vmem>>, vector<2000x128xf32>,
    return
  }
  func.func @transform_0(%arg0: i32) -> (i32, i32, i32) {
    %c0_i32 = arith.constant 0 : i32
    %c0_i32_0 = arith.constant 0 : i32
    %c0_i32_1 = arith.constant 0 : i32
    return %c0_i32, %arg0, %c0_i32_0 : i32, i32, i32
  }
  func.func @transform_1(%arg0: i32) -> (i32, i32, i32) {
    %c0_i32 = arith.constant 0 : i32
    %c0_i32_0 = arith.constant 0 : i32
    %c0_i32_1 = arith.constant 0 : i32
    return %c0_i32, %arg0, %c0_i32_0 : i32, i32, i32
  }
  func.func @transform_2(%arg0: i32) -> (i32, i32) {
    %c0_i32 = arith.constant 0 : i32
    %c0_i32_0 = arith.constant 0 : i32
    return %arg0, %c0_i32 : i32, i32
  }
  func.func @transform_3(%arg0: i32) -> (i32, i32) {
    %c0_i32 = arith.constant 0 : i32
    %c0_i32_0 = arith.constant 0 : i32
    %c0_i32_1 = arith.constant 0 : i32
    return %c0_i32, %c0_i32_0 : i32, i32
  }
  func.func @transform_4(%arg0: i32) -> (i32, i32) {
    %c0_i32 = arith.constant 0 : i32
    %c0_i32_0 = arith.constant 0 : i32
    %c0_i32_1 = arith.constant 0 : i32
    return %c0_i32, %c0_i32_0 : i32, i32
  }
  func.func @transform_5(%arg0: i32) -> (i32, i32) {
    %c0_i32 = arith.constant 0 : i32
    %c0_i32_0 = arith.constant 0 : i32
    %c0_i32_1 = arith.constant 0 : i32
    return %c0_i32, %c0_i32_0 : i32, i32
  }
  func.func @transform_6(%arg0: i32) -> (i32, i32) {
    %c0_i32 = arith.constant 0 : i32
    %c0_i32_0 = arith.constant 0 : i32
    %c0_i32_1 = arith.constant 0 : i32
    return %c0_i32, %c0_i32_0 : i32, i32
  }
  func.func @transform_7(%arg0: i32) -> (i32, i32) {
    %c0_i32 = arith.constant 0 : i32
    %c0_i32_0 = arith.constant 0 : i32
    %c0_i32_1 = arith.constant 0 : i32
    return %c0_i32, %c0_i32_0 : i32, i32
  }
  func.func @transform_8(%arg0: i32) -> (i32, i32) {
    %c0_i32 = arith.constant 0 : i32
    %c0_i32_0 = arith.constant 0 : i32
    return %arg0, %c0_i32 : i32, i32
  }
}

</mosaic_0001>

<sc_bundles>
// kernel: kernel.6.cloned.1.call-start
scs
__scs_entry_jumppad:
0x0: {  	(pc) =	sbr.rel $0x88, $3  }
0x1: {  	(tag) =	ssettag $0x0;
	lr =	simm.s32 $0x1  }
0x2: {  	[smem:$0x3F97] =	sst lr;
	_ =	strace $0xD0000000  }
0x3: {  	_ = 	snop  }
0x4: {  	_ = 	snop  }
0x5: {  	_ = 	snop  }
0x6: {  	_ = 	snop  }
0x7: {  	_ = 	snop  }
__scs_overlays_trampoline_lowered:
0x8: {  	[smem:$0x3FA6] =	sst s0  }
0x9: {  	[smem:$0x3FA7] =	sst s1  }
0xa: {  	[smem:$0x3FA8] =	sst s2  }
0xb: {  	[smem:$0x3FA9] =	sst s3  }
0xc: {  	[smem:$0x3FAA] =	sst s4  }
0xd: {  	[smem:$0x3FAB] =	sst s5  }
0xe: {  	[smem:$0x3FAC] =	sst s6  }
0xf: {  	[smem:$0x3FAD] =	sst s7  }
0x10: {  	[smem:$0x3FAE] =	sst s8  }
0x11: {  	[smem:$0x3FAF] =	sst s9;
	s0 =	simm.s32 @!p0 $0x0  }
0x12: {  	s1 =	sld [smem:$0x3F95];
	s0 =	simm.s32 @p0 $0x1  }
0x13: {  	[smem:$0x3FB0] =	sst s0;
	s0 =	simm.s32 @!p1 $0x0  }
0x14: {  	s2 =	sld [smem:$0x3F94];
	s0 =	simm.s32 @p1 $0x1  }
0x15: {  	[smem:$0x3FB1] =	sst s0;
	s0 =	simm.s32 @!p2 $0x0  }
0x16: {  	s3 =	sld [smem:$0x3FDB];
	s0 =	simm.s32 @p2 $0x1  }
0x17: {  	s4 =	simm.s32 $0x1BF5;
	[smem:$0x3FB3] =	sst s0  }
0x18: {  	s0 =	sld [smem:$0x3F96];
	_ =	swait.ge [sflag:s4], $0x0  }
0x19: {  	s7 =	sld [smem:$0x3F97]  }
0x1a: {  	s8 =	sadd.s32 $0xFFFFE003, lr  }
0x1b: {  	s9 =	sadd.s32 $0xFFFFFEF7, lr;
	s5 =	simm.s32 $0xFFFFFFFF;
	p2 =	slt.u32 s8, $0xFFFFF086  }
0x1c: {  	p1 =	slt.u32 s9, $0xF7A;
	s5 =	simm.s32 @!p2 $0x0  }
0x1d: {  	s5 =	simm.s32 @p1 $0x1;
	p0 =	seq.s32 s7, s2  }
0x1e: {  	s7 =	smul.u32 @!p0 $0xF7A, s2;
	p2 =	seq.s32 @!p0 s5, $0x0  }
0x1f: {  	s9 =	smul.u32 $0xF7A, s1;
	s8 =	simm.s32 @!p0 $0x1BF5;
	p2 =	por !p2, p0  }
0x20: {  	[sflag:s8] =	ssyncset.s32 @!p0 $0xFFFFF086;
	s6 =	sadd.s32 @!p0 s3, s7;
	s7 =	simm.s32 @!p0 $0x108  }
0x21: {  	s3 =	sadd.s32 s3, s9;
	s6 =	sadd.s32 @!p0 $0x88, s6;
	s7 =	simm.s32 @p2 $0x1082  }
0x22: {  	[simem:s7], [sflag:s8] =	dma.local @!p0 [hbm:s6], $0xF7A  }
0x23: {  	s9 =	sor.u32 $0xD0000000, s2;
	s6 =	simm.s32 $0x108;
	_ =	swait.ge @!p0 [sflag:s8], $0x0  }
0x24: {  	s3 =	sadd.s32 $0x88, s3;
	s6 =	simm.s32 @!p1 $0x1082;
	[sflag:s4] =	ssyncset.s32 $0xFFFFF086  }
0x25: {  	[simem:s6], [sflag:s4] =	dma.local [hbm:s3], $0xF7A  }
0x26: {  	[smem:$0x3F97] =	sst s1;
	(tag) =	ssettag s2;
	_ =	strace s9  }
0x27: {  	s1 =	sld [smem:$0x3FA7]  }
0x28: {  	s2 =	sld [smem:$0x3FA8]  }
0x29: {  	s4 =	sld [smem:$0x3FAA]  }
0x2a: {  	p0 =	seq.s32 s5, $0x0;
	s5 =	sld [smem:$0x3FAB]  }
0x2b: {  	s6 =	sld [smem:$0x3FAC]  }
0x2c: {  	s7 =	sld [smem:$0x3FAD]  }
0x2d: {  	s3 =	simm.s32 $0x108;
	s8 =	sld [smem:$0x3FAE]  }
0x2e: {  	s3 =	simm.s32 @!p0 $0x1082;
	s9 =	sld [smem:$0x3FAF]  }
0x2f: {  	lr =	sadd.s32 s0, s3;
	s0 =	sld [smem:$0x3FA6]  }
0x30: {  	s3 =	sld [smem:$0x3FA9]  }
0x31: {  	[smem:$0x3FB2] =	sst s10  }
0x32: {  	s10 =	sld [smem:$0x3FB0];
	_ =	sdelay $0x3  }
0x33: {  	p0 =	seq.s32 s10, $0x1;
	s10 =	sld [smem:$0x3FB2];
	_ =	sdelay $0x3  }
0x34: {  	[smem:$0x3FB2] =	sst s10  }
0x35: {  	s10 =	sld [smem:$0x3FB1];
	_ =	sdelay $0x3  }
0x36: {  	p1 =	seq.s32 s10, $0x1;
	s10 =	sld [smem:$0x3FB2];
	_ =	sdelay $0x3  }
0x37: {  	[smem:$0x3FB2] =	sst s10  }
0x38: {  	s10 =	sld [smem:$0x3FB3]  }
0x39: {  	_ = 	snop;
	(pc) =	sbr.ind lr, $3  }
0x3a: {  	_ = 	snop  }
0x3b: {  	_ = 	snop  }
0x3c: {  	p2 =	seq.s32 s10, $0x1;
	s10 =	sld [smem:$0x3FB2]  }
0x3d: {  	_ =	shalt  }
0x3e: {  	_ =	shalt  }
0x3f: {  	_ =	shalt  }
0x40: {  	_ =	shalt  }
0x41: {  	_ =	shalt  }
0x42: {  	_ =	shalt  }
0x43: {  	_ =	shalt  }
0x44: {  	_ =	shalt  }
0x45: {  	_ =	shalt  }
0x46: {  	_ =	shalt  }
0x47: {  	_ =	shalt  }
0x48: {  	_ =	shalt  }
0x49: {  	_ =	shalt  }
0x4a: {  	_ =	shalt  }
0x4b: {  	_ =	shalt  }
0x4c: {  	_ =	shalt  }
0x4d: {  	_ =	shalt  }
0x4e: {  	_ =	shalt  }
0x4f: {  	_ =	shalt  }
0x50: {  	_ =	shalt  }
0x51: {  	_ =	shalt  }
0x52: {  	_ =	shalt  }
0x53: {  	_ =	shalt  }
0x54: {  	_ =	shalt  }
0x55: {  	_ =	shalt  }
0x56: {  	_ =	shalt  }
0x57: {  	_ =	shalt  }
0x58: {  	_ =	shalt  }
0x59: {  	_ =	shalt  }
0x5a: {  	_ =	shalt  }
0x5b: {  	_ =	shalt  }
0x5c: {  	_ =	shalt  }
0x5d: {  	_ =	shalt  }
0x5e: {  	_ =	shalt  }
0x5f: {  	_ =	shalt  }
0x60: {  	_ =	shalt  }
0x61: {  	_ =	shalt  }
0x62: {  	_ =	shalt  }
0x63: {  	_ =	shalt  }
0x64: {  	_ =	shalt  }
0x65: {  	_ =	shalt  }
0x66: {  	_ =	shalt  }
0x67: {  	_ =	shalt  }
0x68: {  	_ =	shalt  }
0x69: {  	_ =	shalt  }
0x6a: {  	_ =	shalt  }
0x6b: {  	_ =	shalt  }
0x6c: {  	_ =	shalt  }
0x6d: {  	_ =	shalt  }
0x6e: {  	_ =	shalt  }
0x6f: {  	_ =	shalt  }
0x70: {  	_ =	shalt  }
0x71: {  	_ =	shalt  }
0x72: {  	_ =	shalt  }
0x73: {  	_ =	shalt  }
0x74: {  	_ =	shalt  }
0x75: {  	_ =	shalt  }
0x76: {  	_ =	shalt  }
0x77: {  	_ =	shalt  }
0x78: {  	_ =	shalt  }
0x79: {  	_ =	shalt  }
0x7a: {  	_ =	shalt  }
0x7b: {  	_ =	shalt  }
0x7c: {  	_ =	shalt  }
0x7d: {  	_ =	shalt  }
0x7e: {  	_ =	shalt  }
0x7f: {  	_ =	shalt  }
0x80: {  	_ =	shalt  }
0x81: {  	_ =	shalt  }
0x82: {  	_ =	shalt  }
0x83: {  	_ =	shalt  }
0x84: {  	_ =	shalt  }
0x85: {  	_ =	shalt  }
0x86: {  	_ =	shalt  }
0x87: {  	_ =	shalt  }
.Lfunc_end0:
.L_simem_size_0:
called_computation_lowered:
.L_overlay_start_0:
0x88: {  	s2 =	sld [smem:$0x3FD9]  }
0x89: {  	s3 =	sld [smem:$0x3FFE];
	_ =	sdelay $0x1  }
0x8a: {  	s1 =	srdreg.scid  }
0x8b: {  	s0 =	sand.u32 $0x1, s1  }
0x8c: {  	s17 =	sshll.u32 s0, $0xA;
	s2 =	sadd.s32 s3, s2  }
0x8d: {  	s2 =	sadd.s32 s2, s17  }
0x8e: {  	[smem:$0x3FBE] =	sst s2  }
0x8f: {  	_ = 	snop  }
0x90: {  	s2 =	sld [smem:$0x3FC9]  }
0x91: {  	s18 =	sld [smem:$0x3FD0];
	(tm) =	ssettm $0x1  }
0x92: {  	s4 =	sld [smem:$0x3FFB];
	_ =	sdelay $0x3  }
0x93: {  	_ =	strace s4  }
0x94: {  	s4 =	sld [smem:$0x3FFC];
	_ =	sdelay $0x3  }
0x95: {  	_ =	strace s4  }
0x96: {  	s4 =	sld [smem:$0x3FFD];
	_ =	sdelay $0x3  }
0x97: {  	_ =	strace s4  }
0x98: {  	_ =	strace $0x8FFFFFFF  }
0x99: {  	s19 =	sld [smem:$0x3FDB];
	_ =	sdelay $0x1  }
0x9a: {  	s5 =	simm.s32 $_scs_section_size  }
0x9b: {  	s6 =	simm.s32 $_size__tile_overlayer_lowered;
	s7 =	simm.s32 $_tile_overlayer_lowered  }
0x9c: {  	s22 =	simm.s32 $0x1BFF;
	s21 =	sshll.u32 s7, $0x1;
	s4 =	sadd.s32 s5, s19  }
0x9d: {  	s8 =	simm.s32 $0x0;
	s20 =	sshll.u32 s6, $0x1;
	s6 =	sadd.s32 s21, s4  }
0x9e: {  	[timem:s8], [sflag:s22] =	dma.local [hbm:s6], s20  }
0x9f: {  	_ =	swait.ge [sflag:s22], s20  }
0xa0: {  	s5 =	ssub.s32 $0x0, s20;
	[sflag:s22] =	ssyncset.done $0x0  }
0xa1: {  	[sflag:s22] =	ssyncadd.s32 s5;
	_ =	sdelay $0x1  }
0xa2: {  	s23 =	simm.s32 $0x1B8B  }
0xa3: {  	_ =	swait.ge [sflag:s23], $0x1  }
0xa4: {  	[sflag:s23] =	ssyncset.done $0x0  }
0xa5: {  	s25 =	simm.s32 $0x1B8E;
	s24 =	sld [smem:$0x3FFE];
	[sflag:s23] =	ssyncadd.s32 $0xFFFFFFFF  }
0xa6: {  	s26 =	simm.s32 $execute0_lowered;
	[smem:$0x3FD2] =	sst s25  }
0xa7: {  	s6 =	sshll.u32 s26, $0x1;
	_ =	strace $0x80000046;
	[dreg:$0x1] =	wrdreg $0xFFFFFFFF  }
0xa8: {  	s28 =	simm.s32 $_size_execute0_lowered;
	s4 =	sadd.s32 s4, s6;
	[dreg:$0x0] =	wrdreg $0x0  }
0xa9: {  	s6 =	sshll.u32 s28, $0x1;
	[dreg:$0x2] =	wrdreg s4  }
0xaa: {  	[dreg:$0x3] =	wrdreg s6  }
0xab: {  	[dreg:$0x4] =	wrdreg $0xC0  }
0xac: {  	_ =	task [dreg:s8], $0x5FFFF  }
0xad: {  	[dreg:$0x1] =	wrdreg $0xFFFFFFFF  }
0xae: {  	[dreg:$0x0] =	wrdreg $0x60  }
0xaf: {  	[dreg:$0x2] =	wrdreg s18  }
0xb0: {  	[dreg:$0x3] =	wrdreg s2  }
0xb1: {  	[dreg:$0x4] =	wrdreg s24  }
0xb2: {  	[dreg:$0x5] =	wrdreg $0x8CA00  }
0xb3: {  	[dreg:$0x6] =	wrdreg $0x1CCA00  }
0xb4: {  	[dreg:$0x7] =	wrdreg $0x9  }
0xb5: {  	_ =	task.clear_ibuf [dreg:s8], $0x8FFFF;
	_ =	strace $0x90000046  }
0xb6: {  	s29 =	simm.s32 $0x9;
	_ =	strace $0x80000048  }
0xb7: {  	_ =	swait.ge [sflag:s29], $0x1  }
0xb8: {  	[sflag:s29] =	ssyncadd.s32 $0xFFFFFFFF  }
0xb9: {  	_ =	strace $0x90000048  }
0xba: {  	_ =	sfence  }
0xbb: {  	s30 =	sld [smem:$0x0];
	_ =	sdelay $0x2  }
0xbc: {  	s31 =	sshll.u32 s1, $0xD;
	s1 =	sshrl.u32 s1, $0x2  }
0xbd: {  	s3 =	sand.u32 $0x4000, s31;
	s1 =	sadd.s32 s1, s30  }
0xbe: {  	s0 =	sor.u32 s3, s0;
	s1 =	sshll.u32 s1, $0x11  }
0xbf: {  	s0 =	sor.u32 s1, s0  }
0xc0: {  	s0 =	sadd.s32 $0x8F2B, s0  }
0xc1: {  	[sflag:s0] =	ssyncadd.remote.s32 $0x1  }
0xc2: {  	_ =	sfence.sel $0xFFFF  }
0xc3: {  	[dreg:$0x0] =	wrdreg $0xFFFFFFFF;
	(pc) =	sbr.abs _section_cstart, $3  }
0xc4: {  	[dreg:$0x1] =	wrdreg $0xFFFFFFFF  }
0xc5: {  	_ =	task.clear_ibuf [dreg:s8], $0x2FFFF;
	_ =	strace $0x9FFFFFFF  }
0xc6: {  	(tm) =	ssettm $0x7FFFFFFF  }
0xc7: {  	_ =	shalt  }
tec
execute0_lowered:
.L_overlay_start_1:
0x0: {  	(tag) =	ssettag $0x1  }
0x1: {  	s7 =	rddreg [dreg:$0x0]  }
0x2: {  	s1 =	rddreg [dreg:$0x1]  }
0x3: {  	s2 =	rddreg [dreg:$0x2]  }
0x4: {  	s0 =	srdreg.scid;
	s3 =	rddreg [dreg:$0x3]  }
0x5: {  	s13 =	stileid.u32;
	s4 =	rddreg [dreg:$0x4]  }
0x6: {  	s6 =	simm.s32 $0x0;
	s28 =	simm.s32 $0x2738;
	s8 =	smul.u32 $0x14000, s13  }
0x7: {  	s29 =	simm.s32 $0x3;
	s5 =	sand.u32 $0x1, s0;
	s9 =	smul.u32 $0x1400, s13  }
0x8: {  	s30 =	simm.s32 $0x2760;
	s31 =	simm.s32 $0x4;
	s0 =	smul.u32 $0x140000, s5  }
0x9: {  	[smem:$0x7FF] =	sst s6;
	s19 =	smul.u32 $0x14000, s5;
	s10 =	sshll.u32 s5, $0x4  }
0xa: {  	_ =	strace $0x80000047;
	s5 =	ssub.s32 $0x2, s5;
	s10 =	sor.u32 s13, s10  }
0xb: {  	s12 =	sshrl.u32 s5, $0x1;
	s0 =	sadd.s32 s8, s0;
	s10 =	smul.u32 $0x2710, s10  }
0xc: {  	s6 =	sadd.s32 s9, s19;
	s5 =	ssub.s32 s5, s12;
	s0 =	sshrl.u32 s0, $0x3  }
0xd: {  	s11 =	sshrl.u32 s6, $0x3;
	s6 =	smul.u32 $0x280, s13;
	s10 =	sshrl.u32 s10, $0x3  }
0xe: {  	s0 =	sadd.s32 s0, s2;
	s2 =	sadd.s32 s11, s2;
	s12 =	sadd.s32 s7, s10  }
0xf: {  	s7 =	sadd.s32 s8, s3;
	s8 =	sadd.s32 s9, s4;
	s20 =	sor.u32 $0x28, s6  }
0x10: {  	s22 =	sor.u32 $0x50, s6;
	s25 =	sor.u32 $0x78, s6;
	s11 =	sadd.s32 $0xA0, s6  }
0x11: {  	s14 =	sadd.s32 $0xC8, s6;
	s17 =	sadd.s32 $0xF0, s6;
	s0 =	sadd.s32 $0x8000, s0  }
0x12: {  	s21 =	sshll.u32 s20, $0x7;
	s9 =	sshll.u32 s20, $0x3;
	s23 =	sshll.u32 s22, $0x7  }
0x13: {  	s24 =	sshll.u32 s22, $0x3;
	s26 =	sshll.u32 s25, $0x7;
	s13 =	sshll.u32 s11, $0x7  }
0x14: {  	s15 =	sshll.u32 s14, $0x7;
	s16 =	sshll.u32 s14, $0x3;
	s18 =	sshll.u32 s17, $0x7  }
0x15: {  	s20 =	sadd.s32 $0x118, s6;
	s22 =	sadd.s32 $0x140, s6;
	s14 =	sadd.s32 $0x1B8, s6  }
0x16: {  	[smem:$0x7FC] =	sst s0;
	s0 =	simm.s32 $0x5;
	s10 =	sadd.s32 s21, s3  }
0x17: {  	s9 =	sadd.s32 s9, s4;
	s21 =	sshll.u32 s20, $0x7;
	[dreg:$0x6] =	wrdreg s10  }
0x18: {  	[dreg:$0x7] =	wrdreg s9;
	s9 =	sadd.s32 s23, s3;
	s10 =	sshll.u32 s25, $0x3  }
0x19: {  	s23 =	sshll.u32 s22, $0x7;
	[dreg:$0x8] =	wrdreg s9;
	s9 =	sadd.s32 s24, s4  }
0x1a: {  	s25 =	sadd.s32 $0x168, s6;
	s10 =	sadd.s32 s10, s4;
	[dreg:$0x9] =	wrdreg s9  }
0x1b: {  	s24 =	sshll.u32 s22, $0x3;
	s9 =	sadd.s32 s26, s3;
	[dreg:$0xb] =	wrdreg s10  }
0x1c: {  	s22 =	sadd.s32 $0x230, s6;
	s10 =	sadd.s32 s13, s3;
	[dreg:$0xa] =	wrdreg s9  }
0x1d: {  	s26 =	sshll.u32 s25, $0x7;
	s9 =	sshll.u32 s11, $0x3;
	[dreg:$0xc] =	wrdreg s10  }
0x1e: {  	s10 =	sshll.u32 s17, $0x3;
	s11 =	sadd.s32 $0x190, s6;
	s9 =	sadd.s32 s9, s4  }
0x1f: {  	s17 =	sadd.s32 $0x1E0, s6;
	s19 =	sadd.s32 s10, s4;
	[dreg:$0xd] =	wrdreg s9  }
0x20: {  	s10 =	sadd.s32 s21, s3;
	s13 =	sshll.u32 s11, $0x7;
	[dreg:$0x11] =	wrdreg s19  }
0x21: {  	s9 =	sadd.s32 s15, s3;
	[dreg:$0x12] =	wrdreg s10;
	s10 =	sshll.u32 s25, $0x3  }
0x22: {  	s15 =	sshll.u32 s14, $0x7;
	[dreg:$0xe] =	wrdreg s9;
	s9 =	sadd.s32 s16, s4  }
0x23: {  	s10 =	sadd.s32 s10, s4;
	s16 =	sshll.u32 s14, $0x3;
	[dreg:$0xf] =	wrdreg s9  }
0x24: {  	s9 =	sadd.s32 s18, s3;
	[dreg:$0x17] =	wrdreg s10;
	s10 =	sadd.s32 s13, s3  }
0x25: {  	s18 =	sshll.u32 s17, $0x7;
	s13 =	smov.u32 s12;
	[dreg:$0x10] =	wrdreg s9  }
0x26: {  	s9 =	sshll.u32 s20, $0x3;
	[dreg:$0x18] =	wrdreg s10;
	s10 =	sshll.u32 s17, $0x3  }
0x27: {  	s20 =	sadd.s32 $0x208, s6;
	s6 =	sadd.s32 $0x258, s6;
	s17 =	simm.s32 $0x2710  }
0x28: {  	s9 =	sadd.s32 s9, s4;
	s19 =	sadd.s32 s10, s4;
	s21 =	sshll.u32 s20, $0x7  }
0x29: {  	s25 =	sshll.u32 s6, $0x7;
	s6 =	sshll.u32 s6, $0x3;
	[dreg:$0x13] =	wrdreg s9  }
0x2a: {  	s9 =	sadd.s32 s23, s3;
	[dreg:$0x1d] =	wrdreg s19;
	s10 =	sadd.s32 s21, s3  }
0x2b: {  	s23 =	sshll.u32 s22, $0x7;
	s6 =	sadd.s32 s6, s4;
	[dreg:$0x14] =	wrdreg s9  }
0x2c: {  	s19 =	simm.s32 $0x8;
	s21 =	simm.s32 $0x1;
	[dreg:$0x1e] =	wrdreg s10  }
0x2d: {  	s9 =	sadd.s32 s24, s4;
	s24 =	sshll.u32 s22, $0x3;
	[smem:$0x7FB] =	sst s6  }
0x2e: {  	s22 =	simm.s32 $0x2;
	[dreg:$0x15] =	wrdreg s9;
	s9 =	sadd.s32 s26, s3  }
0x2f: {  	s26 =	sadd.s32 $0x3000, s2;
	[dreg:$0x16] =	wrdreg s9;
	s9 =	sshll.u32 s11, $0x3  }
0x30: {  	s10 =	simm.s32 $0x0;
	[smem:$0x7FD] =	sst s26;
	s9 =	sadd.s32 s9, s4  }
0x31: {  	s2 =	simm.s32 $0x7;
	[dreg:$0x19] =	wrdreg s9;
	s9 =	sadd.s32 s15, s3  }
0x32: {  	s26 =	simm.s32 $0x8A20;
	[dreg:$0x1a] =	wrdreg s9;
	s9 =	sadd.s32 s16, s4  }
0x33: {  	s15 =	smax.u32 s5, $0x1;
	[dreg:$0x1b] =	wrdreg s9;
	s9 =	sadd.s32 s18, s3  }
0x34: {  	s5 =	simm.s32 $0x6;
	[dreg:$0x1c] =	wrdreg s9;
	s9 =	sshll.u32 s20, $0x3  }
0x35: {  	s16 =	sadd.s32 $0x9C40, s12;
	s18 =	simm.s32 $0x4E20;
	s9 =	sadd.s32 s9, s4  }
0x36: {  	s20 =	simm.s32 $0x8B60;
	[dreg:$0x1f] =	wrdreg s9;
	s9 =	sadd.s32 s23, s3  }
0x37: {  	s23 =	simm.s32 $0x28;
	[smem:$0x7F8] =	sst s9;
	s9 =	sadd.s32 s24, s4  }
0x38: {  	s24 =	simm.s32 $0x6220;
	[smem:$0x7F9] =	sst s9;
	s9 =	sadd.s32 s25, s3  }
0x39: {  	v0 =	vimm.f32 $0.0e+00;
	v1 =	vimm.f32 $1.000000000e+00;
	s25 =	simm.s32 $0x7620;
	[smem:$0x7FA] =	sst s9;
	s9 =	simm.s32 $0x4DF8  }
.LBB2_1:
0x3a: {  	s6 =	simm.s32 $0x0  }
0x3b: {  	[tilespmem:s6], [sflag:$0x1] =	stream.linear.gather [hbm4b:s13+s6], $0x2710, $0x38;
	[tilespmem:$0x1E0A0] =	vst v63  }
0x3c: {  	s11 =	simm.s32 $0x0;
	s12 =	simm.s32 $0x200  }
0x3d: {  	[tilespmem:s17], [sflag:$0x2] =	stream.linear.gather [hbm4b:s16+s6], $0x2710, $0x38;
	[tilespmem:$0x1E0A0] =	vst v63  }
.LBB2_2:
0x3e: {  	p0 =	sne.s32 s12, $0x4E00;
	[tilespmem:s11+$0x4E90] =	vst v0  }
0x3f: {  	[tilespmem:s11+$0x4E20] =	vst v0  }
0x40: {  	[tilespmem:s11+$0x4E30] =	vst v0  }
.Ltmp0:
0x41: {  	[tilespmem:s11+$0x4E40] =	vst v0;
	(pc) =	sbr.rel @p0 .LBB2_2-.Ltmp0, $4  }
0x42: {  	[tilespmem:s11+$0x4E50] =	vst v0  }
0x43: {  	[tilespmem:s11+$0x4E60] =	vst v0  }
0x44: {  	[tilespmem:s11+$0x4E70] =	vst v0  }
0x45: {  	[tilespmem:s11+$0x4E80] =	vst v0;
	s11 =	sshra.s32 s12, $0x2;
	s12 =	sadd.s32 $0x200, s12  }
0x46: {  	[tilespmem:s11+$0x4E90] =	vst v0  }
0x47: {  	[tilespmem:s11+$0x4E20] =	vst v0  }
0x48: {  	[tilespmem:s11+$0x4E30] =	vst v0  }
0x49: {  	[tilespmem:s11+$0x4E40] =	vst v0  }
0x4a: {  	[tilespmem:s11+$0x4E50] =	vst v0  }
0x4b: {  	[tilespmem:s11+$0x4E60] =	vst v0  }
0x4c: {  	[tilespmem:s11+$0x4E70] =	vst v0  }
0x4d: {  	[tilespmem:s11+$0x4E80] =	vst v0;
	s11 =	simm.s32 $0x20;
	s12 =	simm.s32 $0x0  }
.LBB2_4:
0x4e: {  	p0 =	sne.s32 s11, $0x4E0;
	[tilespmem:s12+$0x8A20] =	vst.msk $0xff, v1;
	s6 =	smov.u32 s11;
	s11 =	sadd.s32 $0x20, s11  }
.Ltmp1:
0x4f: {  	[tilespmem:s12+$0x8B60] =	vst.msk $0xff, v0;
	(pc) =	sbr.rel @p0 .LBB2_4-.Ltmp1, $2  }
0x50: {  	_ =	sdelay $0x2  }
0x51: {  	s12 =	sshra.s32 s6, $0x2  }
0x52: {  	[tilespmem:s12+$0x8A20] =	vst.msk $0xff, v1  }
0x53: {  	[tilespmem:s12+$0x8B60] =	vst.msk $0xff, v0  }
0x54: {  	[spmem:s7] =	stream.linear.scatter [tilespmem:s18], [sflag:$0x8], $0x1400, $0x38;
	[tilespmem:$0x1E0A0] =	vst v63  }
0x55: {  	_ =	swait.ge [sflag:s19], $0x1400  }
0x56: {  	[sflag:s19] =	ssyncset.done $0x0  }
0x57: {  	[sflag:s19] =	ssyncadd.s32 $0xFFFFEC00  }
0x58: {  	[spmem:s8] =	stream.linear.scatter [tilespmem:s20], [sflag:$0x8], $0x140, $0x38;
	[tilespmem:$0x1E0A0] =	vst v63  }
0x59: {  	_ =	swait.ge [sflag:s19], $0x140  }
0x5a: {  	[sflag:s19] =	ssyncset.done $0x0  }
0x5b: {  	s6 =	rddreg [dreg:$0x6];
	[sflag:s19] =	ssyncadd.s32 $0xFFFFFEC0  }
0x5c: {  	[spmem:s6] =	stream.linear.scatter [tilespmem:s18], [sflag:$0x8], $0x1400, $0x38;
	[tilespmem:$0x1E0A0] =	vst v63  }
0x5d: {  	_ =	swait.ge [sflag:s19], $0x1400  }
0x5e: {  	[sflag:s19] =	ssyncset.done $0x0  }
0x5f: {  	s11 =	rddreg [dreg:$0x7];
	[sflag:s19] =	ssyncadd.s32 $0xFFFFEC00  }
0x60: {  	[spmem:s11] =	stream.linear.scatter [tilespmem:s20], [sflag:$0x8], $0x140, $0x38;
	[tilespmem:$0x1E0A0] =	vst v63  }
0x61: {  	_ =	swait.ge [sflag:s19], $0x140  }
0x62: {  	[sflag:s19] =	ssyncset.done $0x0  }
0x63: {  	s12 =	rddreg [dreg:$0x8];
	[sflag:s19] =	ssyncadd.s32 $0xFFFFFEC0  }
0x64: {  	[spmem:s12] =	stream.linear.scatter [tilespmem:s18], [sflag:$0x8], $0x1400, $0x38;
	[tilespmem:$0x1E0A0] =	vst v63  }
0x65: {  	_ =	swait.ge [sflag:s19], $0x1400  }
0x66: {  	[sflag:s19] =	ssyncset.done $0x0  }
0x67: {  	s14 =	rddreg [dreg:$0x9];
	[sflag:s19] =	ssyncadd.s32 $0xFFFFEC00  }
0x68: {  	[spmem:s14] =	stream.linear.scatter [tilespmem:s20], [sflag:$0x8], $0x140, $0x38;
	[tilespmem:$0x1E0A0] =	vst v63  }
0x69: {  	_ =	swait.ge [sflag:s19], $0x140  }
0x6a: {  	[sflag:s19] =	ssyncset.done $0x0  }
0x6b: {  	s11 =	rddreg [dreg:$0xa];
	[sflag:s19] =	ssyncadd.s32 $0xFFFFFEC0  }
0x6c: {  	[spmem:s11] =	stream.linear.scatter [tilespmem:s18], [sflag:$0x8], $0x1400, $0x38;
	[tilespmem:$0x1E0A0] =	vst v63  }
0x6d: {  	_ =	swait.ge [sflag:s19], $0x1400  }
0x6e: {  	[sflag:s19] =	ssyncset.done $0x0  }
0x6f: {  	s12 =	rddreg [dreg:$0xb];
	[sflag:s19] =	ssyncadd.s32 $0xFFFFEC00  }
0x70: {  	[spmem:s12] =	stream.linear.scatter [tilespmem:s20], [sflag:$0x8], $0x140, $0x38;
	[tilespmem:$0x1E0A0] =	vst v63  }
0x71: {  	_ =	swait.ge [sflag:s19], $0x140  }
0x72: {  	[sflag:s19] =	ssyncset.done $0x0  }
0x73: {  	s14 =	rddreg [dreg:$0xc];
	[sflag:s19] =	ssyncadd.s32 $0xFFFFFEC0  }
0x74: {  	[spmem:s14] =	stream.linear.scatter [tilespmem:s18], [sflag:$0x8], $0x1400, $0x38;
	[tilespmem:$0x1E0A0] =	vst v63  }
0x75: {  	_ =	swait.ge [sflag:s19], $0x1400  }
0x76: {  	[sflag:s19] =	ssyncset.done $0x0  }
0x77: {  	s11 =	rddreg [dreg:$0xd];
	[sflag:s19] =	ssyncadd.s32 $0xFFFFEC00  }
0x78: {  	[spmem:s11] =	stream.linear.scatter [tilespmem:s20], [sflag:$0x8], $0x140, $0x38;
	[tilespmem:$0x1E0A0] =	vst v63  }
0x79: {  	_ =	swait.ge [sflag:s19], $0x140  }
0x7a: {  	[sflag:s19] =	ssyncset.done $0x0  }
0x7b: {  	s12 =	rddreg [dreg:$0xe];
	[sflag:s19] =	ssyncadd.s32 $0xFFFFFEC0  }
0x7c: {  	[spmem:s12] =	stream.linear.scatter [tilespmem:s18], [sflag:$0x8], $0x1400, $0x38;
	[tilespmem:$0x1E0A0] =	vst v63  }
0x7d: {  	_ =	swait.ge [sflag:s19], $0x1400  }
0x7e: {  	[sflag:s19] =	ssyncset.done $0x0  }
0x7f: {  	s14 =	rddreg [dreg:$0xf];
	[sflag:s19] =	ssyncadd.s32 $0xFFFFEC00  }
0x80: {  	[spmem:s14] =	stream.linear.scatter [tilespmem:s20], [sflag:$0x8], $0x140, $0x38;
	[tilespmem:$0x1E0A0] =	vst v63  }
0x81: {  	_ =	swait.ge [sflag:s19], $0x140  }
0x82: {  	[sflag:s19] =	ssyncset.done $0x0  }
0x83: {  	s11 =	rddreg [dreg:$0x10];
	[sflag:s19] =	ssyncadd.s32 $0xFFFFFEC0  }
0x84: {  	[spmem:s11] =	stream.linear.scatter [tilespmem:s18], [sflag:$0x8], $0x1400, $0x38;
	[tilespmem:$0x1E0A0] =	vst v63  }
0x85: {  	_ =	swait.ge [sflag:s19], $0x1400  }
0x86: {  	[sflag:s19] =	ssyncset.done $0x0  }
0x87: {  	s12 =	rddreg [dreg:$0x11];
	[sflag:s19] =	ssyncadd.s32 $0xFFFFEC00  }
0x88: {  	[spmem:s12] =	stream.linear.scatter [tilespmem:s20], [sflag:$0x8], $0x140, $0x38;
	[tilespmem:$0x1E0A0] =	vst v63  }
0x89: {  	_ =	swait.ge [sflag:s19], $0x140  }
0x8a: {  	[sflag:s19] =	ssyncset.done $0x0  }
0x8b: {  	s14 =	rddreg [dreg:$0x12];
	[sflag:s19] =	ssyncadd.s32 $0xFFFFFEC0  }
0x8c: {  	[spmem:s14] =	stream.linear.scatter [tilespmem:s18], [sflag:$0x8], $0x1400, $0x38;
	[tilespmem:$0x1E0A0] =	vst v63  }
0x8d: {  	_ =	swait.ge [sflag:s19], $0x1400  }
0x8e: {  	[sflag:s19] =	ssyncset.done $0x0  }
0x8f: {  	s11 =	rddreg [dreg:$0x13];
	[sflag:s19] =	ssyncadd.s32 $0xFFFFEC00  }
0x90: {  	[spmem:s11] =	stream.linear.scatter [tilespmem:s20], [sflag:$0x8], $0x140, $0x38;
	[tilespmem:$0x1E0A0] =	vst v63  }
0x91: {  	_ =	swait.ge [sflag:s19], $0x140  }
0x92: {  	[sflag:s19] =	ssyncset.done $0x0  }
0x93: {  	s12 =	rddreg [dreg:$0x14];
	[sflag:s19] =	ssyncadd.s32 $0xFFFFFEC0  }
0x94: {  	[spmem:s12] =	stream.linear.scatter [tilespmem:s18], [sflag:$0x8], $0x1400, $0x38;
	[tilespmem:$0x1E0A0] =	vst v63  }
0x95: {  	_ =	swait.ge [sflag:s19], $0x1400  }
0x96: {  	[sflag:s19] =	ssyncset.done $0x0  }
0x97: {  	s14 =	rddreg [dreg:$0x15];
	[sflag:s19] =	ssyncadd.s32 $0xFFFFEC00  }
0x98: {  	[spmem:s14] =	stream.linear.scatter [tilespmem:s20], [sflag:$0x8], $0x140, $0x38;
	[tilespmem:$0x1E0A0] =	vst v63  }
0x99: {  	_ =	swait.ge [sflag:s19], $0x140  }
0x9a: {  	[sflag:s19] =	ssyncset.done $0x0  }
0x9b: {  	s11 =	rddreg [dreg:$0x16];
	[sflag:s19] =	ssyncadd.s32 $0xFFFFFEC0  }
0x9c: {  	[spmem:s11] =	stream.linear.scatter [tilespmem:s18], [sflag:$0x8], $0x1400, $0x38;
	[tilespmem:$0x1E0A0] =	vst v63  }
0x9d: {  	_ =	swait.ge [sflag:s19], $0x1400  }
0x9e: {  	[sflag:s19] =	ssyncset.done $0x0  }
0x9f: {  	s12 =	rddreg [dreg:$0x17];
	[sflag:s19] =	ssyncadd.s32 $0xFFFFEC00  }
0xa0: {  	[spmem:s12] =	stream.linear.scatter [tilespmem:s20], [sflag:$0x8], $0x140, $0x38;
	[tilespmem:$0x1E0A0] =	vst v63  }
0xa1: {  	_ =	swait.ge [sflag:s19], $0x140  }
0xa2: {  	[sflag:s19] =	ssyncset.done $0x0  }
0xa3: {  	s14 =	rddreg [dreg:$0x18];
	[sflag:s19] =	ssyncadd.s32 $0xFFFFFEC0  }
0xa4: {  	[spmem:s14] =	stream.linear.scatter [tilespmem:s18], [sflag:$0x8], $0x1400, $0x38;
	[tilespmem:$0x1E0A0] =	vst v63  }
0xa5: {  	_ =	swait.ge [sflag:s19], $0x1400  }
0xa6: {  	[sflag:s19] =	ssyncset.done $0x0  }
0xa7: {  	s11 =	rddreg [dreg:$0x19];
	[sflag:s19] =	ssyncadd.s32 $0xFFFFEC00  }
0xa8: {  	[spmem:s11] =	stream.linear.scatter [tilespmem:s20], [sflag:$0x8], $0x140, $0x38;
	[tilespmem:$0x1E0A0] =	vst v63  }
0xa9: {  	_ =	swait.ge [sflag:s19], $0x140  }
0xaa: {  	[sflag:s19] =	ssyncset.done $0x0  }
0xab: {  	s12 =	rddreg [dreg:$0x1a];
	[sflag:s19] =	ssyncadd.s32 $0xFFFFFEC0  }
0xac: {  	[spmem:s12] =	stream.linear.scatter [tilespmem:s18], [sflag:$0x8], $0x1400, $0x38;
	[tilespmem:$0x1E0A0] =	vst v63  }
0xad: {  	_ =	swait.ge [sflag:s19], $0x1400  }
0xae: {  	[sflag:s19] =	ssyncset.done $0x0  }
0xaf: {  	s14 =	rddreg [dreg:$0x1b];
	[sflag:s19] =	ssyncadd.s32 $0xFFFFEC00  }
0xb0: {  	[spmem:s14] =	stream.linear.scatter [tilespmem:s20], [sflag:$0x8], $0x140, $0x38;
	[tilespmem:$0x1E0A0] =	vst v63  }
0xb1: {  	_ =	swait.ge [sflag:s19], $0x140  }
0xb2: {  	[sflag:s19] =	ssyncset.done $0x0  }
0xb3: {  	s11 =	rddreg [dreg:$0x1c];
	[sflag:s19] =	ssyncadd.s32 $0xFFFFFEC0  }
0xb4: {  	[spmem:s11] =	stream.linear.scatter [tilespmem:s18], [sflag:$0x8], $0x1400, $0x38;
	[tilespmem:$0x1E0A0] =	vst v63  }
0xb5: {  	_ =	swait.ge [sflag:s19], $0x1400  }
0xb6: {  	[sflag:s19] =	ssyncset.done $0x0  }
0xb7: {  	s12 =	rddreg [dreg:$0x1d];
	[sflag:s19] =	ssyncadd.s32 $0xFFFFEC00  }
0xb8: {  	[spmem:s12] =	stream.linear.scatter [tilespmem:s20], [sflag:$0x8], $0x140, $0x38;
	[tilespmem:$0x1E0A0] =	vst v63  }
0xb9: {  	_ =	swait.ge [sflag:s19], $0x140  }
0xba: {  	[sflag:s19] =	ssyncset.done $0x0  }
0xbb: {  	s14 =	rddreg [dreg:$0x1e];
	[sflag:s19] =	ssyncadd.s32 $0xFFFFFEC0  }
0xbc: {  	[spmem:s14] =	stream.linear.scatter [tilespmem:s18], [sflag:$0x8], $0x1400, $0x38;
	[tilespmem:$0x1E0A0] =	vst v63  }
0xbd: {  	_ =	swait.ge [sflag:s19], $0x1400  }
0xbe: {  	[sflag:s19] =	ssyncset.done $0x0  }
0xbf: {  	s11 =	rddreg [dreg:$0x1f];
	[sflag:s19] =	ssyncadd.s32 $0xFFFFEC00  }
0xc0: {  	[spmem:s11] =	stream.linear.scatter [tilespmem:s20], [sflag:$0x8], $0x140, $0x38;
	[tilespmem:$0x1E0A0] =	vst v63  }
0xc1: {  	_ =	swait.ge [sflag:s19], $0x140  }
0xc2: {  	s12 =	sld [smem:$0x7F8]  }
0xc3: {  	[sflag:s19] =	ssyncset.done $0x0  }
0xc4: {  	[sflag:s19] =	ssyncadd.s32 $0xFFFFFEC0  }
0xc5: {  	[spmem:s12] =	stream.linear.scatter [tilespmem:s18], [sflag:$0x8], $0x1400, $0x38;
	[tilespmem:$0x1E0A0] =	vst v63  }
0xc6: {  	_ =	swait.ge [sflag:s19], $0x1400  }
0xc7: {  	s14 =	sld [smem:$0x7F9]  }
0xc8: {  	[sflag:s19] =	ssyncset.done $0x0  }
0xc9: {  	[sflag:s19] =	ssyncadd.s32 $0xFFFFEC00  }
0xca: {  	[spmem:s14] =	stream.linear.scatter [tilespmem:s20], [sflag:$0x8], $0x140, $0x38;
	[tilespmem:$0x1E0A0] =	vst v63  }
0xcb: {  	_ =	swait.ge [sflag:s19], $0x140  }
0xcc: {  	s11 =	sld [smem:$0x7FA]  }
0xcd: {  	[sflag:s19] =	ssyncset.done $0x0  }
0xce: {  	[sflag:s19] =	ssyncadd.s32 $0xFFFFFEC0  }
0xcf: {  	[spmem:s11] =	stream.linear.scatter [tilespmem:s18], [sflag:$0x8], $0x1400, $0x38;
	[tilespmem:$0x1E0A0] =	vst v63  }
0xd0: {  	_ =	swait.ge [sflag:s19], $0x1400  }
0xd1: {  	s12 =	sld [smem:$0x7FB]  }
0xd2: {  	[sflag:s19] =	ssyncset.done $0x0  }
0xd3: {  	[sflag:s19] =	ssyncadd.s32 $0xFFFFEC00  }
0xd4: {  	[spmem:s12] =	stream.linear.scatter [tilespmem:s20], [sflag:$0x8], $0x140, $0x38;
	[tilespmem:$0x1E0A0] =	vst v63  }
0xd5: {  	_ =	swait.ge [sflag:s19], $0x140  }
0xd6: {  	[sflag:s19] =	ssyncset.done $0x0  }
0xd7: {  	[sflag:s19] =	ssyncadd.s32 $0xFFFFFEC0  }
0xd8: {  	_ =	swait.ge [sflag:s21], $0x2710  }
0xd9: {  	[sflag:s21] =	ssyncset.done $0x0  }
0xda: {  	[sflag:s21] =	ssyncadd.s32 $0xFFFFD8F0  }
0xdb: {  	_ =	swait.ge [sflag:s22], $0x2710  }
0xdc: {  	[sflag:s22] =	ssyncset.done $0x0  }
0xdd: {  	[sflag:s22] =	ssyncadd.s32 $0xFFFFD8F0  }
0xde: {  	s14 =	simm.s32 $0x0;
	[bflag:$0x0] =	sbarrier.arrive $0xFFFF  }
0xdf: {  	[tilespmem:s18], [sflag:$0x1] =	stream.indirect.gather [hbm4b:s1+s23], $0x80, s14, s23, $0xb8;
	[tilespmem:$0x1E0A0] =	vst v63  }
0xe0: {  	_ = 	snop  }
0xe1: {  	[tilespmem:s24], [sflag:$0x2] =	stream.indirect.gather [hbm4b:s1+s23], $0x80, s23, s23, $0xb8;
	[tilespmem:$0x1E0A0] =	vst v63  }
0xe2: {  	s11 =	simm.s32 $0x50  }
0xe3: {  	[tilespmem:s25], [sflag:$0x3] =	stream.indirect.gather [hbm4b:s1+s23], $0x80, s11, s23, $0xb8;
	[tilespmem:$0x1E0A0] =	vst v63  }
0xe4: {  	_ =	swait.ge [sflag:s21], $0x1400  }
0xe5: {  	[sflag:s21] =	ssyncset.done $0x0  }
0xe6: {  	[sflag:s21] =	ssyncadd.s32 $0xFFFFEC00  }
0xe7: {  	[spmem:s3] =	stream.indirect.scatter.add.f32 [tilespmem:s18], [sflag:$0x4], $0x80, s17, s23, $0xb8;
	[tilespmem:$0x1E0A0] =	vst v63  }
0xe8: {  	_ = 	snop  }
0xe9: {  	[spmem:s4] =	stream.indirect.scatter.add.f32 [tilespmem:s26], [sflag:$0x7], $0x8, s17, s23, $0xb8;
	[tilespmem:$0x1E0A0] =	vst v63  }
0xea: {  	_ =	swait.ge [sflag:s22], $0x1400  }
0xeb: {  	[sflag:s22] =	ssyncset.done $0x0  }
0xec: {  	[sflag:s22] =	ssyncadd.s32 $0xFFFFEC00  }
0xed: {  	[spmem:s3] =	stream.indirect.scatter.add.f32 [tilespmem:s24], [sflag:$0x5], $0x80, s28, s23, $0xb8;
	[tilespmem:$0x1E0A0] =	vst v63  }
0xee: {  	_ = 	snop  }
0xef: {  	[spmem:s4] =	stream.indirect.scatter.add.f32 [tilespmem:s26], [sflag:$0x7], $0x8, s28, s23, $0xb8;
	[tilespmem:$0x1E0A0] =	vst v63  }
0xf0: {  	_ =	swait.ge [sflag:s29], $0x1400  }
0xf1: {  	[sflag:s29] =	ssyncset.done $0x0  }
0xf2: {  	[sflag:s29] =	ssyncadd.s32 $0xFFFFEC00  }
0xf3: {  	[spmem:s3] =	stream.indirect.scatter.add.f32 [tilespmem:s25], [sflag:$0x6], $0x80, s30, s23, $0xb8;
	[tilespmem:$0x1E0A0] =	vst v63  }
0xf4: {  	_ = 	snop  }
0xf5: {  	[spmem:s4] =	stream.indirect.scatter.add.f32 [tilespmem:s26], [sflag:$0x7], $0x8, s30, s23, $0xb8;
	[tilespmem:$0x1E0A0] =	vst v63  }
0xf6: {  	_ =	swait.ge [sflag:s31], $0x1400  }
0xf7: {  	[sflag:s31] =	ssyncset.done $0x0  }
0xf8: {  	[sflag:s31] =	ssyncadd.s32 $0xFFFFEC00  }
0xf9: {  	_ =	swait.ge [sflag:s2], $0x140  }
0xfa: {  	[sflag:s2] =	ssyncset.done $0x0  }
0xfb: {  	s12 =	simm.s32 $0x78;
	[sflag:s2] =	ssyncadd.s32 $0xFFFFFEC0  }
0xfc: {  	[tilespmem:s18], [sflag:$0x1] =	stream.indirect.gather [hbm4b:s1+s23], $0x80, s12, s23, $0xb8;
	[tilespmem:$0x1E0A0] =	vst v63  }
0xfd: {  	_ =	swait.ge [sflag:s0], $0x1400  }
0xfe: {  	[sflag:s0] =	ssyncset.done $0x0  }
0xff: {  	[sflag:s0] =	ssyncadd.s32 $0xFFFFEC00  }
0x100: {  	_ =	swait.ge [sflag:s2], $0x140  }
0x101: {  	[sflag:s2] =	ssyncset.done $0x0  }
0x102: {  	s14 =	simm.s32 $0xA0;
	[sflag:s2] =	ssyncadd.s32 $0xFFFFFEC0  }
0x103: {  	[tilespmem:s24], [sflag:$0x2] =	stream.indirect.gather [hbm4b:s1+s23], $0x80, s14, s23, $0xb8;
	[tilespmem:$0x1E0A0] =	vst v63  }
0x104: {  	_ =	swait.ge [sflag:s5], $0x1400  }
0x105: {  	[sflag:s5] =	ssyncset.done $0x0  }
0x106: {  	[sflag:s5] =	ssyncadd.s32 $0xFFFFEC00  }
0x107: {  	_ =	swait.ge [sflag:s2], $0x140  }
0x108: {  	[sflag:s2] =	ssyncset.done $0x0  }
0x109: {  	s11 =	simm.s32 $0xC8;
	[sflag:s2] =	ssyncadd.s32 $0xFFFFFEC0  }
0x10a: {  	[tilespmem:s25], [sflag:$0x3] =	stream.indirect.gather [hbm4b:s1+s23], $0x80, s11, s23, $0xb8;
	[tilespmem:$0x1E0A0] =	vst v63  }
0x10b: {  	_ =	swait.ge [sflag:s21], $0x1400  }
0x10c: {  	[sflag:s21] =	ssyncset.done $0x0  }
0x10d: {  	s12 =	simm.s32 $0x2788;
	[sflag:s21] =	ssyncadd.s32 $0xFFFFEC00  }
0x10e: {  	[spmem:s3] =	stream.indirect.scatter.add.f32 [tilespmem:s18], [sflag:$0x4], $0x80, s12, s23, $0xb8;
	[tilespmem:$0x1E0A0] =	vst v63  }
0x10f: {  	_ = 	snop  }
0x110: {  	[spmem:s4] =	stream.indirect.scatter.add.f32 [tilespmem:s26], [sflag:$0x7], $0x8, s12, s23, $0xb8;
	[tilespmem:$0x1E0A0] =	vst v63  }
0x111: {  	_ =	swait.ge [sflag:s22], $0x1400  }
0x112: {  	[sflag:s22] =	ssyncset.done $0x0  }
0x113: {  	s14 =	simm.s32 $0x27B0;
	[sflag:s22] =	ssyncadd.s32 $0xFFFFEC00  }
0x114: {  	[spmem:s3] =	stream.indirect.scatter.add.f32 [tilespmem:s24], [sflag:$0x5], $0x80, s14, s23, $0xb8;
	[tilespmem:$0x1E0A0] =	vst v63  }
0x115: {  	_ = 	snop  }
0x116: {  	[spmem:s4] =	stream.indirect.scatter.add.f32 [tilespmem:s26], [sflag:$0x7], $0x8, s14, s23, $0xb8;
	[tilespmem:$0x1E0A0] =	vst v63  }
0x117: {  	_ =	swait.ge [sflag:s29], $0x1400  }
0x118: {  	[sflag:s29] =	ssyncset.done $0x0  }
0x119: {  	s11 =	simm.s32 $0x1E0;
	s12 =	simm.s32 $0x27D8;
	[sflag:s29] =	ssyncadd.s32 $0xFFFFEC00  }
0x11a: {  	[spmem:s3] =	stream.indirect.scatter.add.f32 [tilespmem:s25], [sflag:$0x6], $0x80, s12, s23, $0xb8;
	[tilespmem:$0x1E0A0] =	vst v63  }
.LBB2_6:
0x11b: {  	[spmem:s4] =	stream.indirect.scatter.add.f32 [tilespmem:s26], [sflag:$0x7], $0x8, s12, s23, $0xb8;
	[tilespmem:$0x1E0A0] =	vst v63  }
0x11c: {  	s6 =	smov.u32 s11  }
0x11d: {  	p0 =	sne.s32 s11, $0x97E0;
	s11 =	sadd.s32 $0x1E0, s11;
	_ =	swait.ge [sflag:s31], $0x1400  }
0x11e: {  	[sflag:s31] =	ssyncset.done $0x0  }
0x11f: {  	[sflag:s31] =	ssyncadd.s32 $0xFFFFEC00  }
0x120: {  	_ =	swait.ge [sflag:s2], $0x140  }
0x121: {  	s12 =	sshra.s32 s6, $0x2;
	[sflag:s2] =	ssyncset.done $0x0  }
0x122: {  	s6 =	sadd.s32 $0x78, s12;
	[sflag:s2] =	ssyncadd.s32 $0xFFFFFEC0  }
0x123: {  	[tilespmem:s18], [sflag:$0x1] =	stream.indirect.gather [hbm4b:s1+s23], $0x80, s6, s23, $0xb8;
	[tilespmem:$0x1E0A0] =	vst v63  }
0x124: {  	_ =	swait.ge [sflag:s0], $0x1400  }
0x125: {  	[sflag:s0] =	ssyncset.done $0x0  }
0x126: {  	[sflag:s0] =	ssyncadd.s32 $0xFFFFEC00  }
0x127: {  	_ =	swait.ge [sflag:s2], $0x140  }
0x128: {  	[sflag:s2] =	ssyncset.done $0x0  }
0x129: {  	s6 =	sadd.s32 $0xA0, s12;
	[sflag:s2] =	ssyncadd.s32 $0xFFFFFEC0  }
0x12a: {  	[tilespmem:s24], [sflag:$0x2] =	stream.indirect.gather [hbm4b:s1+s23], $0x80, s6, s23, $0xb8;
	[tilespmem:$0x1E0A0] =	vst v63  }
0x12b: {  	_ =	swait.ge [sflag:s5], $0x1400  }
0x12c: {  	[sflag:s5] =	ssyncset.done $0x0  }
0x12d: {  	[sflag:s5] =	ssyncadd.s32 $0xFFFFEC00  }
0x12e: {  	_ =	swait.ge [sflag:s2], $0x140  }
0x12f: {  	[sflag:s2] =	ssyncset.done $0x0  }
0x130: {  	s6 =	sadd.s32 $0xC8, s12;
	[sflag:s2] =	ssyncadd.s32 $0xFFFFFEC0  }
0x131: {  	[tilespmem:s25], [sflag:$0x3] =	stream.indirect.gather [hbm4b:s1+s23], $0x80, s6, s23, $0xb8;
	[tilespmem:$0x1E0A0] =	vst v63  }
0x132: {  	_ =	swait.ge [sflag:s21], $0x1400  }
0x133: {  	[sflag:s21] =	ssyncset.done $0x0  }
0x134: {  	s6 =	sadd.s32 $0x2788, s12;
	[sflag:s21] =	ssyncadd.s32 $0xFFFFEC00  }
0x135: {  	[spmem:s3] =	stream.indirect.scatter.add.f32 [tilespmem:s18], [sflag:$0x4], $0x80, s6, s23, $0xb8;
	[tilespmem:$0x1E0A0] =	vst v63  }
0x136: {  	_ = 	snop  }
0x137: {  	[spmem:s4] =	stream.indirect.scatter.add.f32 [tilespmem:s26], [sflag:$0x7], $0x8, s6, s23, $0xb8;
	[tilespmem:$0x1E0A0] =	vst v63  }
0x138: {  	_ =	swait.ge [sflag:s22], $0x1400  }
0x139: {  	[sflag:s22] =	ssyncset.done $0x0  }
0x13a: {  	s6 =	sadd.s32 $0x27B0, s12;
	[sflag:s22] =	ssyncadd.s32 $0xFFFFEC00  }
0x13b: {  	[spmem:s3] =	stream.indirect.scatter.add.f32 [tilespmem:s24], [sflag:$0x5], $0x80, s6, s23, $0xb8;
	[tilespmem:$0x1E0A0] =	vst v63  }
0x13c: {  	_ = 	snop  }
0x13d: {  	[spmem:s4] =	stream.indirect.scatter.add.f32 [tilespmem:s26], [sflag:$0x7], $0x8, s6, s23, $0xb8;
	[tilespmem:$0x1E0A0] =	vst v63  }
.Ltmp2:
0x13e: {  	_ = 	snop;
	(pc) =	sbr.rel @p0 .LBB2_6-.Ltmp2, $4  }
0x13f: {  	_ =	swait.ge [sflag:s29], $0x1400  }
0x140: {  	[sflag:s29] =	ssyncset.done $0x0  }
0x141: {  	s12 =	sadd.s32 $0x27D8, s12;
	[sflag:s29] =	ssyncadd.s32 $0xFFFFEC00  }
0x142: {  	[spmem:s3] =	stream.indirect.scatter.add.f32 [tilespmem:s25], [sflag:$0x6], $0x80, s12, s23, $0xb8;
	[tilespmem:$0x1E0A0] =	vst v63  }
0x143: {  	[spmem:s4] =	stream.indirect.scatter.add.f32 [tilespmem:s26], [sflag:$0x7], $0x8, s12, s23, $0xb8;
	[tilespmem:$0x1E0A0] =	vst v63  }
0x144: {  	_ =	swait.ge [sflag:s31], $0x1400  }
0x145: {  	[sflag:s31] =	ssyncset.done $0x0  }
0x146: {  	[sflag:s31] =	ssyncadd.s32 $0xFFFFEC00  }
0x147: {  	_ =	swait.ge [sflag:s2], $0x140  }
0x148: {  	[sflag:s2] =	ssyncset.done $0x0  }
0x149: {  	[sflag:s2] =	ssyncadd.s32 $0xFFFFFEC0  }
0x14a: {  	_ =	swait.ge [sflag:s0], $0x1400  }
0x14b: {  	[sflag:s0] =	ssyncset.done $0x0  }
0x14c: {  	[sflag:s0] =	ssyncadd.s32 $0xFFFFEC00  }
0x14d: {  	_ =	swait.ge [sflag:s2], $0x140  }
0x14e: {  	[sflag:s2] =	ssyncset.done $0x0  }
0x14f: {  	[sflag:s2] =	ssyncadd.s32 $0xFFFFFEC0  }
0x150: {  	_ =	swait.ge [sflag:s5], $0x1400  }
0x151: {  	[sflag:s5] =	ssyncset.done $0x0  }
0x152: {  	[sflag:s5] =	ssyncadd.s32 $0xFFFFEC00  }
0x153: {  	_ =	swait.ge [sflag:s2], $0x140  }
0x154: {  	[sflag:s2] =	ssyncset.done $0x0  }
0x155: {  	s6 =	simm.s32 $0x26E8;
	[sflag:s2] =	ssyncadd.s32 $0xFFFFFEC0  }
0x156: {  	[tilespmem:s18], [sflag:$0x1] =	stream.indirect.gather [hbm4b:s1+s23], $0x80, s6, s23, $0xb8;
	[tilespmem:$0x1E0A0] =	vst v63  }
0x157: {  	_ =	swait.ge [sflag:s21], $0x1400  }
0x158: {  	[sflag:s21] =	ssyncset.done $0x0  }
0x159: {  	[sflag:s21] =	ssyncadd.s32 $0xFFFFEC00  }
0x15a: {  	[spmem:s3] =	stream.indirect.scatter.add.f32 [tilespmem:s18], [sflag:$0x4], $0x80, s9, s23, $0xb8;
	[tilespmem:$0x1E0A0] =	vst v63  }
0x15b: {  	_ = 	snop  }
0x15c: {  	[spmem:s4] =	stream.indirect.scatter.add.f32 [tilespmem:s26], [sflag:$0x7], $0x8, s9, s23, $0xb8;
	[tilespmem:$0x1E0A0] =	vst v63  }
0x15d: {  	_ =	swait.ge [sflag:s31], $0x1400  }
0x15e: {  	[sflag:s31] =	ssyncset.done $0x0  }
0x15f: {  	[sflag:s31] =	ssyncadd.s32 $0xFFFFEC00  }
0x160: {  	_ =	swait.ge [sflag:s2], $0x140  }
0x161: {  	[sflag:s2] =	ssyncset.done $0x0  }
0x162: {  	[sflag:s2] =	ssyncadd.s32 $0xFFFFFEC0  }
0x163: {  	[bflag:$0x0] =	sbarrier.arrive $0xFFFF  }
0x164: {  	s12 =	stileid.u32;
	s14 =	sld [smem:$0x7FC]  }
0x165: {  	s6 =	sshll.u32 s12, $0x6  }
0x166: {  	s12 =	sshrl.u32 s7, $0x3;
	s11 =	sor.u32 $0x1C04, s6  }
0x167: {  	[hbm:s14], [sflag:s11] =	dma.local [spmem:s12], $0x2800  }
0x168: {  	s12 =	sld [smem:$0x7FD];
	_ =	sdelay $0x1  }
0x169: {  	s10 =	sadd.s32 $0x1, s10;
	s6 =	sor.u32 $0x1C05, s6;
	s14 =	sshrl.u32 s8, $0x3  }
0x16a: {  	[hbm:s12], [sflag:s6] =	dma.local [spmem:s14], $0x280  }
0x16b: {  	p0 =	sne.s32 s10, s15;
	_ =	swait.ge [sflag:s31], $0x2800  }
.Ltmp3:
0x16c: {  	[sflag:s31] =	ssyncset.done $0x0;
	(pc) =	sbr.rel @p0 .LBB2_1-.Ltmp3, $4  }
0x16d: {  	[sflag:s31] =	ssyncadd.s32 $0xFFFFD800  }
0x16e: {  	_ =	swait.ge [sflag:s0], $0x280  }
0x16f: {  	[sflag:s0] =	ssyncset.done $0x0  }
0x170: {  	[sflag:s0] =	ssyncadd.s32 $0xFFFFFD80  }
0x171: {  	_ =	sfence.sel $0x180000  }
0x172: {  	[bflag:$0x0] =	sbarrier.arrive $0xFFFF  }
0x173: {  	_ =	strace $0x90000047  }
0x174: {  	s0 =	stileid.u32;
	[bflag:$0x2] =	sbarrier.arrive $0xFFFF  }
0x175: {  	p0 =	sne.s32 s0, $0x0;
	s0 =	rddreg [dreg:$0x5]  }
0x176: {  	s0 =	sadd.s32 @!p0 $0x100000, s0  }
0x177: {  	[sflag:s0] =	ssyncadd.tile.s32 @!p0 $0x1;
	_ =	shalt  }
.Lfunc_end2:
_tile_overlayer_lowered:
.L_overlay_start_2:
0x178: {  	(tag) =	ssettag $0x2  }
0x179: {  	s0 =	rddreg [dreg:$0x0];
	s2 =	stileid.u32  }
0x17a: {  	s1 =	rddreg [dreg:$0x1];
	p0 =	sne.s32 s2, $0x0  }
0x17b: {  	s3 =	rddreg [dreg:$0x2];
	[bflag:$0x3] =	sbarrier.arrive $0xFFFF;
	s2 =	simm.s32 @!p0 $0x1C08  }
0x17c: {  	[timem:s3], [sflag:s2] =	dma.local @!p0 [hbm:s0], s1  }
0x17d: {  	s0 =	simm.s32 @!p0 $0x8  }
0x17e: {  	_ =	swait.ge @!p0 [sflag:s0], s1  }
0x17f: {  	s1 =	ssub.s32 @!p0 $0x0, s1;
	[sflag:s0] =	ssyncset.done @!p0 $0x0  }
0x180: {  	[sflag:s0] =	ssyncadd.s32 @!p0 s1  }
0x181: {  	[bflag:$0x3] =	sbarrier.arrive $0xFFFF  }
0x182: {  	_ =	shalt  }

// kernel: kernel.9.cloned.1.call-start
scs
__scs_entry_jumppad:
0x0: {  	(pc) =	sbr.rel $0x88, $3  }
0x1: {  	(tag) =	ssettag $0x0;
	lr =	simm.s32 $0x1  }
0x2: {  	[smem:$0x3F97] =	sst lr;
	_ =	strace $0xD0000000  }
0x3: {  	_ = 	snop  }
0x4: {  	_ = 	snop  }
0x5: {  	_ = 	snop  }
0x6: {  	_ = 	snop  }
0x7: {  	_ = 	snop  }
__scs_overlays_trampoline_lowered:
0x8: {  	[smem:$0x3FA6] =	sst s0  }
0x9: {  	[smem:$0x3FA7] =	sst s1  }
0xa: {  	[smem:$0x3FA8] =	sst s2  }
0xb: {  	[smem:$0x3FA9] =	sst s3  }
0xc: {  	[smem:$0x3FAA] =	sst s4  }
0xd: {  	[smem:$0x3FAB] =	sst s5  }
0xe: {  	[smem:$0x3FAC] =	sst s6  }
0xf: {  	[smem:$0x3FAD] =	sst s7  }
0x10: {  	[smem:$0x3FAE] =	sst s8  }
0x11: {  	[smem:$0x3FAF] =	sst s9;
	s0 =	simm.s32 @!p0 $0x0  }
0x12: {  	s1 =	sld [smem:$0x3F95];
	s0 =	simm.s32 @p0 $0x1  }
0x13: {  	[smem:$0x3FB0] =	sst s0;
	s0 =	simm.s32 @!p1 $0x0  }
0x14: {  	s2 =	sld [smem:$0x3F94];
	s0 =	simm.s32 @p1 $0x1  }
0x15: {  	[smem:$0x3FB1] =	sst s0;
	s0 =	simm.s32 @!p2 $0x0  }
0x16: {  	s3 =	sld [smem:$0x3FDB];
	s0 =	simm.s32 @p2 $0x1  }
0x17: {  	s4 =	simm.s32 $0x1BF5;
	[smem:$0x3FB3] =	sst s0  }
0x18: {  	s0 =	sld [smem:$0x3F96];
	_ =	swait.ge [sflag:s4], $0x0  }
0x19: {  	s7 =	sld [smem:$0x3F97]  }
0x1a: {  	s8 =	sadd.s32 $0xFFFFE003, lr  }
0x1b: {  	s9 =	sadd.s32 $0xFFFFFEF7, lr;
	s5 =	simm.s32 $0xFFFFFFFF;
	p2 =	slt.u32 s8, $0xFFFFF086  }
0x1c: {  	p1 =	slt.u32 s9, $0xF7A;
	s5 =	simm.s32 @!p2 $0x0  }
0x1d: {  	s5 =	simm.s32 @p1 $0x1;
	p0 =	seq.s32 s7, s2  }
0x1e: {  	s7 =	smul.u32 @!p0 $0xF7A, s2;
	p2 =	seq.s32 @!p0 s5, $0x0  }
0x1f: {  	s9 =	smul.u32 $0xF7A, s1;
	s8 =	simm.s32 @!p0 $0x1BF5;
	p2 =	por !p2, p0  }
0x20: {  	[sflag:s8] =	ssyncset.s32 @!p0 $0xFFFFF086;
	s6 =	sadd.s32 @!p0 s3, s7;
	s7 =	simm.s32 @!p0 $0x108  }
0x21: {  	s3 =	sadd.s32 s3, s9;
	s6 =	sadd.s32 @!p0 $0x88, s6;
	s7 =	simm.s32 @p2 $0x1082  }
0x22: {  	[simem:s7], [sflag:s8] =	dma.local @!p0 [hbm:s6], $0xF7A  }
0x23: {  	s9 =	sor.u32 $0xD0000000, s2;
	s6 =	simm.s32 $0x108;
	_ =	swait.ge @!p0 [sflag:s8], $0x0  }
0x24: {  	s3 =	sadd.s32 $0x88, s3;
	s6 =	simm.s32 @!p1 $0x1082;
	[sflag:s4] =	ssyncset.s32 $0xFFFFF086  }
0x25: {  	[simem:s6], [sflag:s4] =	dma.local [hbm:s3], $0xF7A  }
0x26: {  	[smem:$0x3F97] =	sst s1;
	(tag) =	ssettag s2;
	_ =	strace s9  }
0x27: {  	s1 =	sld [smem:$0x3FA7]  }
0x28: {  	s2 =	sld [smem:$0x3FA8]  }
0x29: {  	s4 =	sld [smem:$0x3FAA]  }
0x2a: {  	p0 =	seq.s32 s5, $0x0;
	s5 =	sld [smem:$0x3FAB]  }
0x2b: {  	s6 =	sld [smem:$0x3FAC]  }
0x2c: {  	s7 =	sld [smem:$0x3FAD]  }
0x2d: {  	s3 =	simm.s32 $0x108;
	s8 =	sld [smem:$0x3FAE]  }
0x2e: {  	s3 =	simm.s32 @!p0 $0x1082;
	s9 =	sld [smem:$0x3FAF]  }
0x2f: {  	lr =	sadd.s32 s0, s3;
	s0 =	sld [smem:$0x3FA6]  }
0x30: {  	s3 =	sld [smem:$0x3FA9]  }
0x31: {  	[smem:$0x3FB2] =	sst s10  }
0x32: {  	s10 =	sld [smem:$0x3FB0];
	_ =	sdelay $0x3  }
0x33: {  	p0 =	seq.s32 s10, $0x1;
	s10 =	sld [smem:$0x3FB2];
	_ =	sdelay $0x3  }
0x34: {  	[smem:$0x3FB2] =	sst s10  }
0x35: {  	s10 =	sld [smem:$0x3FB1];
	_ =	sdelay $0x3  }
0x36: {  	p1 =	seq.s32 s10, $0x1;
	s10 =	sld [smem:$0x3FB2];
	_ =	sdelay $0x3  }
0x37: {  	[smem:$0x3FB2] =	sst s10  }
0x38: {  	s10 =	sld [smem:$0x3FB3]  }
0x39: {  	_ = 	snop;
	(pc) =	sbr.ind lr, $3  }
0x3a: {  	_ = 	snop  }
0x3b: {  	_ = 	snop  }
0x3c: {  	p2 =	seq.s32 s10, $0x1;
	s10 =	sld [smem:$0x3FB2]  }
0x3d: {  	_ =	shalt  }
0x3e: {  	_ =	shalt  }
0x3f: {  	_ =	shalt  }
0x40: {  	_ =	shalt  }
0x41: {  	_ =	shalt  }
0x42: {  	_ =	shalt  }
0x43: {  	_ =	shalt  }
0x44: {  	_ =	shalt  }
0x45: {  	_ =	shalt  }
0x46: {  	_ =	shalt  }
0x47: {  	_ =	shalt  }
0x48: {  	_ =	shalt  }
0x49: {  	_ =	shalt  }
0x4a: {  	_ =	shalt  }
0x4b: {  	_ =	shalt  }
0x4c: {  	_ =	shalt  }
0x4d: {  	_ =	shalt  }
0x4e: {  	_ =	shalt  }
0x4f: {  	_ =	shalt  }
0x50: {  	_ =	shalt  }
0x51: {  	_ =	shalt  }
0x52: {  	_ =	shalt  }
0x53: {  	_ =	shalt  }
0x54: {  	_ =	shalt  }
0x55: {  	_ =	shalt  }
0x56: {  	_ =	shalt  }
0x57: {  	_ =	shalt  }
0x58: {  	_ =	shalt  }
0x59: {  	_ =	shalt  }
0x5a: {  	_ =	shalt  }
0x5b: {  	_ =	shalt  }
0x5c: {  	_ =	shalt  }
0x5d: {  	_ =	shalt  }
0x5e: {  	_ =	shalt  }
0x5f: {  	_ =	shalt  }
0x60: {  	_ =	shalt  }
0x61: {  	_ =	shalt  }
0x62: {  	_ =	shalt  }
0x63: {  	_ =	shalt  }
0x64: {  	_ =	shalt  }
0x65: {  	_ =	shalt  }
0x66: {  	_ =	shalt  }
0x67: {  	_ =	shalt  }
0x68: {  	_ =	shalt  }
0x69: {  	_ =	shalt  }
0x6a: {  	_ =	shalt  }
0x6b: {  	_ =	shalt  }
0x6c: {  	_ =	shalt  }
0x6d: {  	_ =	shalt  }
0x6e: {  	_ =	shalt  }
0x6f: {  	_ =	shalt  }
0x70: {  	_ =	shalt  }
0x71: {  	_ =	shalt  }
0x72: {  	_ =	shalt  }
0x73: {  	_ =	shalt  }
0x74: {  	_ =	shalt  }
0x75: {  	_ =	shalt  }
0x76: {  	_ =	shalt  }
0x77: {  	_ =	shalt  }
0x78: {  	_ =	shalt  }
0x79: {  	_ =	shalt  }
0x7a: {  	_ =	shalt  }
0x7b: {  	_ =	shalt  }
0x7c: {  	_ =	shalt  }
0x7d: {  	_ =	shalt  }
0x7e: {  	_ =	shalt  }
0x7f: {  	_ =	shalt  }
0x80: {  	_ =	shalt  }
0x81: {  	_ =	shalt  }
0x82: {  	_ =	shalt  }
0x83: {  	_ =	shalt  }
0x84: {  	_ =	shalt  }
0x85: {  	_ =	shalt  }
0x86: {  	_ =	shalt  }
0x87: {  	_ =	shalt  }
.Lfunc_end0:
.L_simem_size_0:
called_computation.1_lowered:
.L_overlay_start_0:
0x88: {  	s2 =	sld [smem:$0x3FD9]  }
0x89: {  	s3 =	sld [smem:$0x3FFE];
	_ =	sdelay $0x1  }
0x8a: {  	s1 =	srdreg.scid  }
0x8b: {  	s0 =	sand.u32 $0x1, s1  }
0x8c: {  	s17 =	sshll.u32 s0, $0xA;
	s2 =	sadd.s32 s3, s2  }
0x8d: {  	s2 =	sadd.s32 s2, s17  }
0x8e: {  	[smem:$0x3FBE] =	sst s2  }
0x8f: {  	_ = 	snop  }
0x90: {  	s2 =	sld [smem:$0x3FD0];
	(tm) =	ssettm $0x1  }
0x91: {  	s18 =	sld [smem:$0x3FFB];
	_ =	sdelay $0x3  }
0x92: {  	_ =	strace s18  }
0x93: {  	s3 =	sld [smem:$0x3FFC];
	_ =	sdelay $0x3  }
0x94: {  	_ =	strace s3  }
0x95: {  	s3 =	sld [smem:$0x3FFD];
	_ =	sdelay $0x3  }
0x96: {  	_ =	strace s3  }
0x97: {  	_ =	strace $0x8FFFFFFF  }
0x98: {  	s19 =	sld [smem:$0x3FDB];
	_ =	sdelay $0x1  }
0x99: {  	s4 =	simm.s32 $_scs_section_size  }
0x9a: {  	s5 =	simm.s32 $_size__tile_overlayer_lowered;
	s6 =	simm.s32 $_tile_overlayer_lowered  }
0x9b: {  	s22 =	simm.s32 $0x1BFF;
	s21 =	sshll.u32 s6, $0x1;
	s3 =	sadd.s32 s4, s19  }
0x9c: {  	s7 =	simm.s32 $0x0;
	s20 =	sshll.u32 s5, $0x1;
	s5 =	sadd.s32 s21, s3  }
0x9d: {  	[timem:s7], [sflag:s22] =	dma.local [hbm:s5], s20  }
0x9e: {  	_ =	swait.ge [sflag:s22], s20  }
0x9f: {  	s4 =	ssub.s32 $0x0, s20;
	[sflag:s22] =	ssyncset.done $0x0  }
0xa0: {  	[sflag:s22] =	ssyncadd.s32 s4;
	_ =	sdelay $0x1  }
0xa1: {  	s23 =	simm.s32 $0x1B8B  }
0xa2: {  	_ =	swait.ge [sflag:s23], $0x1  }
0xa3: {  	[sflag:s23] =	ssyncset.done $0x0  }
0xa4: {  	s25 =	simm.s32 $0x1B8E;
	s24 =	sld [smem:$0x3FFE];
	[sflag:s23] =	ssyncadd.s32 $0xFFFFFFFF  }
0xa5: {  	s26 =	simm.s32 $execute0_lowered;
	[smem:$0x3FD2] =	sst s25  }
0xa6: {  	s5 =	sshll.u32 s26, $0x1;
	_ =	strace $0x80000049;
	[dreg:$0x1] =	wrdreg $0xFFFFFFFF  }
0xa7: {  	s28 =	simm.s32 $_size_execute0_lowered;
	s3 =	sadd.s32 s3, s5;
	[dreg:$0x0] =	wrdreg $0x0  }
0xa8: {  	s5 =	sshll.u32 s28, $0x1;
	[dreg:$0x2] =	wrdreg s3  }
0xa9: {  	[dreg:$0x3] =	wrdreg s5  }
0xaa: {  	[dreg:$0x4] =	wrdreg $0xC0  }
0xab: {  	_ =	task [dreg:s7], $0x5FFFF  }
0xac: {  	[dreg:$0x1] =	wrdreg $0xFFFFFFFF  }
0xad: {  	[dreg:$0x0] =	wrdreg $0x60  }
0xae: {  	[dreg:$0x2] =	wrdreg s24  }
0xaf: {  	[dreg:$0x3] =	wrdreg s2  }
0xb0: {  	[dreg:$0x4] =	wrdreg $0x8CA00  }
0xb1: {  	[dreg:$0x5] =	wrdreg $0x1CCA00  }
0xb2: {  	[dreg:$0x6] =	wrdreg $0x9  }
0xb3: {  	_ =	task.clear_ibuf [dreg:s7], $0x7FFFF;
	_ =	strace $0x90000049  }
0xb4: {  	s29 =	simm.s32 $0x9;
	_ =	strace $0x8000004B  }
0xb5: {  	_ =	swait.ge [sflag:s29], $0x1  }
0xb6: {  	[sflag:s29] =	ssyncadd.s32 $0xFFFFFFFF  }
0xb7: {  	_ =	strace $0x9000004B  }
0xb8: {  	_ =	sfence  }
0xb9: {  	s30 =	sld [smem:$0x0];
	_ =	sdelay $0x2  }
0xba: {  	s31 =	sshll.u32 s1, $0xD;
	s1 =	sshrl.u32 s1, $0x2  }
0xbb: {  	s3 =	sand.u32 $0x4000, s31;
	s1 =	sadd.s32 s1, s30  }
0xbc: {  	s0 =	sor.u32 s3, s0;
	s1 =	sshll.u32 s1, $0x11  }
0xbd: {  	s0 =	sor.u32 s1, s0  }
0xbe: {  	s0 =	sadd.s32 $0x8F2B, s0  }
0xbf: {  	[sflag:s0] =	ssyncadd.remote.s32 $0x1  }
0xc0: {  	_ =	sfence.sel $0xFFFF  }
0xc1: {  	[dreg:$0x0] =	wrdreg $0xFFFFFFFF;
	(pc) =	sbr.abs _section_cstart, $3  }
0xc2: {  	[dreg:$0x1] =	wrdreg $0xFFFFFFFF  }
0xc3: {  	_ =	task.clear_ibuf [dreg:s7], $0x2FFFF;
	_ =	strace $0x9FFFFFFF  }
0xc4: {  	(tm) =	ssettm $0x7FFFFFFF  }
0xc5: {  	_ =	shalt  }
tec
execute0_lowered:
.L_overlay_start_1:
0x0: {  	(tag) =	ssettag $0x1  }
0x1: {  	s5 =	rddreg [dreg:$0x0]  }
0x2: {  	s0 =	srdreg.scid;
	s2 =	rddreg [dreg:$0x1]  }
0x3: {  	s12 =	stileid.u32;
	s3 =	rddreg [dreg:$0x2]  }
0x4: {  	s4 =	rddreg [dreg:$0x3];
	s8 =	simm.s32 $0x0;
	s28 =	simm.s32 $0x2738  }
0x5: {  	s29 =	simm.s32 $0x3;
	s30 =	simm.s32 $0x2760;
	s7 =	smul.u32 $0x14000, s12  }
0x6: {  	s31 =	simm.s32 $0x4;
	s1 =	sand.u32 $0x1, s0;
	s9 =	smul.u32 $0x1400, s12  }
0x7: {  	[smem:$0x7FF] =	sst s8;
	s0 =	sshll.u32 s1, $0x4;
	s6 =	smul.u32 $0x140000, s1  }
0x8: {  	s11 =	smul.u32 $0x14000, s1;
	_ =	strace $0x8000004A;
	s0 =	sor.u32 s12, s0  }
0x9: {  	s15 =	ssub.s32 $0x2, s1;
	s8 =	sadd.s32 s7, s3;
	s0 =	smul.u32 $0x2710, s0  }
0xa: {  	s6 =	sadd.s32 s7, s6;
	s14 =	sadd.s32 s9, s11;
	s11 =	sshrl.u32 s15, $0x1  }
0xb: {  	s9 =	sadd.s32 s9, s4;
	s13 =	sshrl.u32 s6, $0x3;
	s16 =	sshrl.u32 s14, $0x3  }
0xc: {  	s6 =	smul.u32 $0x280, s12;
	s0 =	sshrl.u32 s0, $0x3;
	s1 =	sadd.s32 s16, s5  }
0xd: {  	s10 =	sadd.s32 s0, s5;
	s0 =	sadd.s32 s13, s5;
	s5 =	ssub.s32 s15, s11  }
0xe: {  	s19 =	sor.u32 $0x28, s6;
	s21 =	sor.u32 $0x50, s6;
	s23 =	sor.u32 $0x78, s6  }
0xf: {  	s26 =	sadd.s32 $0xA0, s6;
	s13 =	sadd.s32 $0xC8, s6;
	s15 =	sadd.s32 $0xF0, s6  }
0x10: {  	s17 =	sadd.s32 $0x58000, s10;
	s18 =	sadd.s32 $0x61C40, s10;
	s20 =	sshll.u32 s19, $0x7  }
0x11: {  	s7 =	sshll.u32 s19, $0x3;
	s22 =	sshll.u32 s21, $0x7;
	s24 =	sshll.u32 s23, $0x7  }
0x12: {  	s25 =	sshll.u32 s23, $0x3;
	s11 =	sshll.u32 s26, $0x7;
	s14 =	sshll.u32 s13, $0x7  }
0x13: {  	s16 =	sshll.u32 s15, $0x7;
	s23 =	sadd.s32 $0x168, s6;
	[dreg:$0x5] =	wrdreg s17  }
0x14: {  	[dreg:$0x6] =	wrdreg s18;
	s10 =	sadd.s32 s20, s3;
	s7 =	sadd.s32 s7, s4  }
0x15: {  	s17 =	sshll.u32 s15, $0x3;
	s18 =	sadd.s32 $0x118, s6;
	[dreg:$0x7] =	wrdreg s10  }
0x16: {  	s15 =	sadd.s32 $0x1E0, s6;
	[dreg:$0x8] =	wrdreg s7;
	s7 =	sshll.u32 s21, $0x3  }
0x17: {  	s10 =	sadd.s32 s22, s3;
	s19 =	sshll.u32 s18, $0x7;
	s21 =	sadd.s32 $0x140, s6  }
0x18: {  	[dreg:$0x9] =	wrdreg s10;
	s7 =	sadd.s32 s7, s4;
	s10 =	sshll.u32 s26, $0x3  }
0x19: {  	s22 =	sshll.u32 s21, $0x7;
	[dreg:$0xa] =	wrdreg s7;
	s7 =	sadd.s32 s24, s3  }
0x1a: {  	s26 =	sadd.s32 $0x190, s6;
	s12 =	sadd.s32 s10, s4;
	[dreg:$0xb] =	wrdreg s7  }
0x1b: {  	s10 =	sadd.s32 s14, s3;
	s24 =	sshll.u32 s23, $0x7;
	[dreg:$0xe] =	wrdreg s12  }
0x1c: {  	s7 =	sadd.s32 s25, s4;
	[dreg:$0xf] =	wrdreg s10;
	s10 =	sshll.u32 s18, $0x3  }
0x1d: {  	s25 =	sshll.u32 s23, $0x3;
	[dreg:$0xc] =	wrdreg s7;
	s7 =	sadd.s32 s11, s3  }
0x1e: {  	s18 =	sadd.s32 $0x208, s6;
	s20 =	sadd.s32 s10, s4;
	[dreg:$0xd] =	wrdreg s7  }
0x1f: {  	s10 =	sadd.s32 s22, s3;
	s11 =	sshll.u32 s26, $0x7;
	[dreg:$0x14] =	wrdreg s20  }
0x20: {  	s7 =	sshll.u32 s13, $0x3;
	[dreg:$0x15] =	wrdreg s10;
	s10 =	sshll.u32 s26, $0x3  }
0x21: {  	s13 =	sadd.s32 $0x1B8, s6;
	s20 =	sadd.s32 $0x230, s6;
	s6 =	sadd.s32 $0x258, s6  }
0x22: {  	s7 =	sadd.s32 s7, s4;
	s12 =	sadd.s32 s10, s4;
	s14 =	sshll.u32 s13, $0x7  }
0x23: {  	s22 =	sshll.u32 s20, $0x7;
	[dreg:$0x10] =	wrdreg s7;
	s7 =	sadd.s32 s16, s3  }
0x24: {  	[dreg:$0x1a] =	wrdreg s12;
	s10 =	sadd.s32 s14, s3;
	s16 =	sshll.u32 s15, $0x7  }
0x25: {  	s23 =	sadd.s32 s22, s3;
	s14 =	sadd.s32 $0x8000, s0;
	[dreg:$0x11] =	wrdreg s7  }
0x26: {  	s22 =	simm.s32 $0x2;
	s0 =	simm.s32 $0x5;
	[dreg:$0x1b] =	wrdreg s10  }
0x27: {  	s7 =	sadd.s32 s17, s4;
	s17 =	sshll.u32 s15, $0x3;
	[smem:$0x7FB] =	sst s23  }
0x28: {  	s15 =	sadd.s32 $0x3000, s1;
	[dreg:$0x12] =	wrdreg s7;
	s7 =	sadd.s32 s19, s3  }
0x29: {  	s23 =	simm.s32 $0x28;
	[dreg:$0x13] =	wrdreg s7;
	s7 =	sshll.u32 s21, $0x3  }
0x2a: {  	s1 =	simm.s32 $0x7;
	s19 =	sshll.u32 s18, $0x7;
	s7 =	sadd.s32 s7, s4  }
0x2b: {  	s21 =	sshll.u32 s18, $0x3;
	s18 =	simm.s32 $0x4E20;
	[dreg:$0x16] =	wrdreg s7  }
0x2c: {  	s7 =	sadd.s32 s24, s3;
	s24 =	sshll.u32 s20, $0x3;
	s20 =	simm.s32 $0x8B60  }
0x2d: {  	[dreg:$0x17] =	wrdreg s7;
	s7 =	sadd.s32 s25, s4;
	s25 =	sshll.u32 s6, $0x7  }
0x2e: {  	s6 =	sshll.u32 s6, $0x3;
	[dreg:$0x18] =	wrdreg s7;
	s7 =	sadd.s32 s11, s3  }
0x2f: {  	s26 =	sadd.s32 s25, s3;
	s25 =	simm.s32 $0x7620;
	[dreg:$0x19] =	wrdreg s7  }
0x30: {  	s7 =	sshll.u32 s13, $0x3;
	[smem:$0x7FD] =	sst s26;
	s13 =	sadd.s32 s6, s4  }
0x31: {  	s26 =	simm.s32 $0x8A20;
	s6 =	simm.s32 $0x4DF8;
	s7 =	sadd.s32 s7, s4  }
0x32: {  	[dreg:$0x1c] =	wrdreg s7;
	s7 =	sadd.s32 s16, s3;
	s16 =	smax.u32 s5, $0x1  }
0x33: {  	s5 =	simm.s32 $0x6;
	[dreg:$0x1d] =	wrdreg s7;
	s7 =	sadd.s32 s17, s4  }
0x34: {  	s17 =	simm.s32 $0x2710;
	[dreg:$0x1e] =	wrdreg s7;
	s7 =	sadd.s32 s19, s3  }
0x35: {  	s19 =	simm.s32 $0x8;
	[dreg:$0x1f] =	wrdreg s7;
	s7 =	sadd.s32 s21, s4  }
0x36: {  	s21 =	simm.s32 $0x1;
	[smem:$0x7FA] =	sst s7;
	s7 =	sadd.s32 s24, s4  }
0x37: {  	v0 =	vimm.f32 $0.0e+00;
	v1 =	vimm.f32 $1.000000000e+00;
	s24 =	simm.s32 $0x6220;
	[smem:$0x7FC] =	sst s7;
	s7 =	simm.s32 $0x0  }
.LBB2_1:
0x38: {  	s10 =	simm.s32 $0x0;
	s11 =	rddreg [dreg:$0x5]  }
0x39: {  	[tilespmem:s10], [sflag:$0x1] =	stream.linear.gather [hbm4b:s11+s10], $0x2710, $0x38;
	[tilespmem:$0x1E0A0] =	vst v63  }
0x3a: {  	s12 =	rddreg [dreg:$0x6]  }
0x3b: {  	[tilespmem:s17], [sflag:$0x2] =	stream.linear.gather [hbm4b:s12+s10], $0x2710, $0x38;
	[tilespmem:$0x1E0A0] =	vst v63  }
0x3c: {  	s11 =	simm.s32 $0x200;
	s10 =	simm.s32 $0x0  }
.LBB2_2:
0x3d: {  	p0 =	sne.s32 s11, $0x4E00;
	[tilespmem:s10+$0x4E90] =	vst v0  }
0x3e: {  	[tilespmem:s10+$0x4E20] =	vst v0  }
0x3f: {  	[tilespmem:s10+$0x4E30] =	vst v0  }
.Ltmp0:
0x40: {  	[tilespmem:s10+$0x4E40] =	vst v0;
	(pc) =	sbr.rel @p0 .LBB2_2-.Ltmp0, $4  }
0x41: {  	[tilespmem:s10+$0x4E50] =	vst v0  }
0x42: {  	[tilespmem:s10+$0x4E60] =	vst v0  }
0x43: {  	[tilespmem:s10+$0x4E70] =	vst v0  }
0x44: {  	[tilespmem:s10+$0x4E80] =	vst v0;
	s10 =	sshra.s32 s11, $0x2;
	s11 =	sadd.s32 $0x200, s11  }
0x45: {  	[tilespmem:s10+$0x4E90] =	vst v0  }
0x46: {  	[tilespmem:s10+$0x4E20] =	vst v0  }
0x47: {  	[tilespmem:s10+$0x4E30] =	vst v0  }
0x48: {  	[tilespmem:s10+$0x4E40] =	vst v0  }
0x49: {  	[tilespmem:s10+$0x4E50] =	vst v0  }
0x4a: {  	[tilespmem:s10+$0x4E60] =	vst v0  }
0x4b: {  	[tilespmem:s10+$0x4E70] =	vst v0  }
0x4c: {  	[tilespmem:s10+$0x4E80] =	vst v0;
	s10 =	simm.s32 $0x20;
	s11 =	simm.s32 $0x0  }
.LBB2_4:
0x4d: {  	p0 =	sne.s32 s10, $0x4E0;
	[tilespmem:s11+$0x8A20] =	vst.msk $0xff, v1;
	s12 =	smov.u32 s10;
	s10 =	sadd.s32 $0x20, s10  }
.Ltmp1:
0x4e: {  	[tilespmem:s11+$0x8B60] =	vst.msk $0xff, v0;
	(pc) =	sbr.rel @p0 .LBB2_4-.Ltmp1, $2  }
0x4f: {  	_ =	sdelay $0x2  }
0x50: {  	s11 =	sshra.s32 s12, $0x2  }
0x51: {  	[tilespmem:s11+$0x8A20] =	vst.msk $0xff, v1  }
0x52: {  	[tilespmem:s11+$0x8B60] =	vst.msk $0xff, v0  }
0x53: {  	[spmem:s8] =	stream.linear.scatter [tilespmem:s18], [sflag:$0x8], $0x1400, $0x38;
	[tilespmem:$0x1E0A0] =	vst v63  }
0x54: {  	_ =	swait.ge [sflag:s19], $0x1400  }
0x55: {  	[sflag:s19] =	ssyncset.done $0x0  }
0x56: {  	[sflag:s19] =	ssyncadd.s32 $0xFFFFEC00  }
0x57: {  	[spmem:s9] =	stream.linear.scatter [tilespmem:s20], [sflag:$0x8], $0x140, $0x38;
	[tilespmem:$0x1E0A0] =	vst v63  }
0x58: {  	_ =	swait.ge [sflag:s19], $0x140  }
0x59: {  	[sflag:s19] =	ssyncset.done $0x0  }
0x5a: {  	s10 =	rddreg [dreg:$0x7];
	[sflag:s19] =	ssyncadd.s32 $0xFFFFFEC0  }
0x5b: {  	[spmem:s10] =	stream.linear.scatter [tilespmem:s18], [sflag:$0x8], $0x1400, $0x38;
	[tilespmem:$0x1E0A0] =	vst v63  }
0x5c: {  	_ =	swait.ge [sflag:s19], $0x1400  }
0x5d: {  	[sflag:s19] =	ssyncset.done $0x0  }
0x5e: {  	s12 =	rddreg [dreg:$0x8];
	[sflag:s19] =	ssyncadd.s32 $0xFFFFEC00  }
0x5f: {  	[spmem:s12] =	stream.linear.scatter [tilespmem:s20], [sflag:$0x8], $0x140, $0x38;
	[tilespmem:$0x1E0A0] =	vst v63  }
0x60: {  	_ =	swait.ge [sflag:s19], $0x140  }
0x61: {  	[sflag:s19] =	ssyncset.done $0x0  }
0x62: {  	s11 =	rddreg [dreg:$0x9];
	[sflag:s19] =	ssyncadd.s32 $0xFFFFFEC0  }
0x63: {  	[spmem:s11] =	stream.linear.scatter [tilespmem:s18], [sflag:$0x8], $0x1400, $0x38;
	[tilespmem:$0x1E0A0] =	vst v63  }
0x64: {  	_ =	swait.ge [sflag:s19], $0x1400  }
0x65: {  	[sflag:s19] =	ssyncset.done $0x0  }
0x66: {  	s12 =	rddreg [dreg:$0xa];
	[sflag:s19] =	ssyncadd.s32 $0xFFFFEC00  }
0x67: {  	[spmem:s12] =	stream.linear.scatter [tilespmem:s20], [sflag:$0x8], $0x140, $0x38;
	[tilespmem:$0x1E0A0] =	vst v63  }
0x68: {  	_ =	swait.ge [sflag:s19], $0x140  }
0x69: {  	[sflag:s19] =	ssyncset.done $0x0  }
0x6a: {  	s11 =	rddreg [dreg:$0xb];
	[sflag:s19] =	ssyncadd.s32 $0xFFFFFEC0  }
0x6b: {  	[spmem:s11] =	stream.linear.scatter [tilespmem:s18], [sflag:$0x8], $0x1400, $0x38;
	[tilespmem:$0x1E0A0] =	vst v63  }
0x6c: {  	_ =	swait.ge [sflag:s19], $0x1400  }
0x6d: {  	[sflag:s19] =	ssyncset.done $0x0  }
0x6e: {  	s12 =	rddreg [dreg:$0xc];
	[sflag:s19] =	ssyncadd.s32 $0xFFFFEC00  }
0x6f: {  	[spmem:s12] =	stream.linear.scatter [tilespmem:s20], [sflag:$0x8], $0x140, $0x38;
	[tilespmem:$0x1E0A0] =	vst v63  }
0x70: {  	_ =	swait.ge [sflag:s19], $0x140  }
0x71: {  	[sflag:s19] =	ssyncset.done $0x0  }
0x72: {  	s11 =	rddreg [dreg:$0xd];
	[sflag:s19] =	ssyncadd.s32 $0xFFFFFEC0  }
0x73: {  	[spmem:s11] =	stream.linear.scatter [tilespmem:s18], [sflag:$0x8], $0x1400, $0x38;
	[tilespmem:$0x1E0A0] =	vst v63  }
0x74: {  	_ =	swait.ge [sflag:s19], $0x1400  }
0x75: {  	[sflag:s19] =	ssyncset.done $0x0  }
0x76: {  	s12 =	rddreg [dreg:$0xe];
	[sflag:s19] =	ssyncadd.s32 $0xFFFFEC00  }
0x77: {  	[spmem:s12] =	stream.linear.scatter [tilespmem:s20], [sflag:$0x8], $0x140, $0x38;
	[tilespmem:$0x1E0A0] =	vst v63  }
0x78: {  	_ =	swait.ge [sflag:s19], $0x140  }
0x79: {  	[sflag:s19] =	ssyncset.done $0x0  }
0x7a: {  	s11 =	rddreg [dreg:$0xf];
	[sflag:s19] =	ssyncadd.s32 $0xFFFFFEC0  }
0x7b: {  	[spmem:s11] =	stream.linear.scatter [tilespmem:s18], [sflag:$0x8], $0x1400, $0x38;
	[tilespmem:$0x1E0A0] =	vst v63  }
0x7c: {  	_ =	swait.ge [sflag:s19], $0x1400  }
0x7d: {  	[sflag:s19] =	ssyncset.done $0x0  }
0x7e: {  	s12 =	rddreg [dreg:$0x10];
	[sflag:s19] =	ssyncadd.s32 $0xFFFFEC00  }
0x7f: {  	[spmem:s12] =	stream.linear.scatter [tilespmem:s20], [sflag:$0x8], $0x140, $0x38;
	[tilespmem:$0x1E0A0] =	vst v63  }
0x80: {  	_ =	swait.ge [sflag:s19], $0x140  }
0x81: {  	[sflag:s19] =	ssyncset.done $0x0  }
0x82: {  	s11 =	rddreg [dreg:$0x11];
	[sflag:s19] =	ssyncadd.s32 $0xFFFFFEC0  }
0x83: {  	[spmem:s11] =	stream.linear.scatter [tilespmem:s18], [sflag:$0x8], $0x1400, $0x38;
	[tilespmem:$0x1E0A0] =	vst v63  }
0x84: {  	_ =	swait.ge [sflag:s19], $0x1400  }
0x85: {  	[sflag:s19] =	ssyncset.done $0x0  }
0x86: {  	s12 =	rddreg [dreg:$0x12];
	[sflag:s19] =	ssyncadd.s32 $0xFFFFEC00  }
0x87: {  	[spmem:s12] =	stream.linear.scatter [tilespmem:s20], [sflag:$0x8], $0x140, $0x38;
	[tilespmem:$0x1E0A0] =	vst v63  }
0x88: {  	_ =	swait.ge [sflag:s19], $0x140  }
0x89: {  	[sflag:s19] =	ssyncset.done $0x0  }
0x8a: {  	s11 =	rddreg [dreg:$0x13];
	[sflag:s19] =	ssyncadd.s32 $0xFFFFFEC0  }
0x8b: {  	[spmem:s11] =	stream.linear.scatter [tilespmem:s18], [sflag:$0x8], $0x1400, $0x38;
	[tilespmem:$0x1E0A0] =	vst v63  }
0x8c: {  	_ =	swait.ge [sflag:s19], $0x1400  }
0x8d: {  	[sflag:s19] =	ssyncset.done $0x0  }
0x8e: {  	s12 =	rddreg [dreg:$0x14];
	[sflag:s19] =	ssyncadd.s32 $0xFFFFEC00  }
0x8f: {  	[spmem:s12] =	stream.linear.scatter [tilespmem:s20], [sflag:$0x8], $0x140, $0x38;
	[tilespmem:$0x1E0A0] =	vst v63  }
0x90: {  	_ =	swait.ge [sflag:s19], $0x140  }
0x91: {  	[sflag:s19] =	ssyncset.done $0x0  }
0x92: {  	s11 =	rddreg [dreg:$0x15];
	[sflag:s19] =	ssyncadd.s32 $0xFFFFFEC0  }
0x93: {  	[spmem:s11] =	stream.linear.scatter [tilespmem:s18], [sflag:$0x8], $0x1400, $0x38;
	[tilespmem:$0x1E0A0] =	vst v63  }
0x94: {  	_ =	swait.ge [sflag:s19], $0x1400  }
0x95: {  	[sflag:s19] =	ssyncset.done $0x0  }
0x96: {  	s12 =	rddreg [dreg:$0x16];
	[sflag:s19] =	ssyncadd.s32 $0xFFFFEC00  }
0x97: {  	[spmem:s12] =	stream.linear.scatter [tilespmem:s20], [sflag:$0x8], $0x140, $0x38;
	[tilespmem:$0x1E0A0] =	vst v63  }
0x98: {  	_ =	swait.ge [sflag:s19], $0x140  }
0x99: {  	[sflag:s19] =	ssyncset.done $0x0  }
0x9a: {  	s11 =	rddreg [dreg:$0x17];
	[sflag:s19] =	ssyncadd.s32 $0xFFFFFEC0  }
0x9b: {  	[spmem:s11] =	stream.linear.scatter [tilespmem:s18], [sflag:$0x8], $0x1400, $0x38;
	[tilespmem:$0x1E0A0] =	vst v63  }
0x9c: {  	_ =	swait.ge [sflag:s19], $0x1400  }
0x9d: {  	[sflag:s19] =	ssyncset.done $0x0  }
0x9e: {  	s12 =	rddreg [dreg:$0x18];
	[sflag:s19] =	ssyncadd.s32 $0xFFFFEC00  }
0x9f: {  	[spmem:s12] =	stream.linear.scatter [tilespmem:s20], [sflag:$0x8], $0x140, $0x38;
	[tilespmem:$0x1E0A0] =	vst v63  }
0xa0: {  	_ =	swait.ge [sflag:s19], $0x140  }
0xa1: {  	[sflag:s19] =	ssyncset.done $0x0  }
0xa2: {  	s11 =	rddreg [dreg:$0x19];
	[sflag:s19] =	ssyncadd.s32 $0xFFFFFEC0  }
0xa3: {  	[spmem:s11] =	stream.linear.scatter [tilespmem:s18], [sflag:$0x8], $0x1400, $0x38;
	[tilespmem:$0x1E0A0] =	vst v63  }
0xa4: {  	_ =	swait.ge [sflag:s19], $0x1400  }
0xa5: {  	[sflag:s19] =	ssyncset.done $0x0  }
0xa6: {  	s12 =	rddreg [dreg:$0x1a];
	[sflag:s19] =	ssyncadd.s32 $0xFFFFEC00  }
0xa7: {  	[spmem:s12] =	stream.linear.scatter [tilespmem:s20], [sflag:$0x8], $0x140, $0x38;
	[tilespmem:$0x1E0A0] =	vst v63  }
0xa8: {  	_ =	swait.ge [sflag:s19], $0x140  }
0xa9: {  	[sflag:s19] =	ssyncset.done $0x0  }
0xaa: {  	s11 =	rddreg [dreg:$0x1b];
	[sflag:s19] =	ssyncadd.s32 $0xFFFFFEC0  }
0xab: {  	[spmem:s11] =	stream.linear.scatter [tilespmem:s18], [sflag:$0x8], $0x1400, $0x38;
	[tilespmem:$0x1E0A0] =	vst v63  }
0xac: {  	_ =	swait.ge [sflag:s19], $0x1400  }
0xad: {  	[sflag:s19] =	ssyncset.done $0x0  }
0xae: {  	s12 =	rddreg [dreg:$0x1c];
	[sflag:s19] =	ssyncadd.s32 $0xFFFFEC00  }
0xaf: {  	[spmem:s12] =	stream.linear.scatter [tilespmem:s20], [sflag:$0x8], $0x140, $0x38;
	[tilespmem:$0x1E0A0] =	vst v63  }
0xb0: {  	_ =	swait.ge [sflag:s19], $0x140  }
0xb1: {  	[sflag:s19] =	ssyncset.done $0x0  }
0xb2: {  	s11 =	rddreg [dreg:$0x1d];
	[sflag:s19] =	ssyncadd.s32 $0xFFFFFEC0  }
0xb3: {  	[spmem:s11] =	stream.linear.scatter [tilespmem:s18], [sflag:$0x8], $0x1400, $0x38;
	[tilespmem:$0x1E0A0] =	vst v63  }
0xb4: {  	_ =	swait.ge [sflag:s19], $0x1400  }
0xb5: {  	[sflag:s19] =	ssyncset.done $0x0  }
0xb6: {  	s12 =	rddreg [dreg:$0x1e];
	[sflag:s19] =	ssyncadd.s32 $0xFFFFEC00  }
0xb7: {  	[spmem:s12] =	stream.linear.scatter [tilespmem:s20], [sflag:$0x8], $0x140, $0x38;
	[tilespmem:$0x1E0A0] =	vst v63  }
0xb8: {  	_ =	swait.ge [sflag:s19], $0x140  }
0xb9: {  	[sflag:s19] =	ssyncset.done $0x0  }
0xba: {  	s11 =	rddreg [dreg:$0x1f];
	[sflag:s19] =	ssyncadd.s32 $0xFFFFFEC0  }
0xbb: {  	[spmem:s11] =	stream.linear.scatter [tilespmem:s18], [sflag:$0x8], $0x1400, $0x38;
	[tilespmem:$0x1E0A0] =	vst v63  }
0xbc: {  	_ =	swait.ge [sflag:s19], $0x1400  }
0xbd: {  	s12 =	sld [smem:$0x7FA]  }
0xbe: {  	[sflag:s19] =	ssyncset.done $0x0  }
0xbf: {  	[sflag:s19] =	ssyncadd.s32 $0xFFFFEC00  }
0xc0: {  	[spmem:s12] =	stream.linear.scatter [tilespmem:s20], [sflag:$0x8], $0x140, $0x38;
	[tilespmem:$0x1E0A0] =	vst v63  }
0xc1: {  	_ =	swait.ge [sflag:s19], $0x140  }
0xc2: {  	s11 =	sld [smem:$0x7FB]  }
0xc3: {  	[sflag:s19] =	ssyncset.done $0x0  }
0xc4: {  	[sflag:s19] =	ssyncadd.s32 $0xFFFFFEC0  }
0xc5: {  	[spmem:s11] =	stream.linear.scatter [tilespmem:s18], [sflag:$0x8], $0x1400, $0x38;
	[tilespmem:$0x1E0A0] =	vst v63  }
0xc6: {  	_ =	swait.ge [sflag:s19], $0x1400  }
0xc7: {  	s12 =	sld [smem:$0x7FC]  }
0xc8: {  	[sflag:s19] =	ssyncset.done $0x0  }
0xc9: {  	[sflag:s19] =	ssyncadd.s32 $0xFFFFEC00  }
0xca: {  	[spmem:s12] =	stream.linear.scatter [tilespmem:s20], [sflag:$0x8], $0x140, $0x38;
	[tilespmem:$0x1E0A0] =	vst v63  }
0xcb: {  	_ =	swait.ge [sflag:s19], $0x140  }
0xcc: {  	s11 =	sld [smem:$0x7FD]  }
0xcd: {  	[sflag:s19] =	ssyncset.done $0x0  }
0xce: {  	[sflag:s19] =	ssyncadd.s32 $0xFFFFFEC0  }
0xcf: {  	[spmem:s11] =	stream.linear.scatter [tilespmem:s18], [sflag:$0x8], $0x1400, $0x38;
	[tilespmem:$0x1E0A0] =	vst v63  }
0xd0: {  	_ =	swait.ge [sflag:s19], $0x1400  }
0xd1: {  	[sflag:s19] =	ssyncset.done $0x0  }
0xd2: {  	[sflag:s19] =	ssyncadd.s32 $0xFFFFEC00  }
0xd3: {  	[spmem:s13] =	stream.linear.scatter [tilespmem:s20], [sflag:$0x8], $0x140, $0x38;
	[tilespmem:$0x1E0A0] =	vst v63  }
0xd4: {  	_ =	swait.ge [sflag:s19], $0x140  }
0xd5: {  	[sflag:s19] =	ssyncset.done $0x0  }
0xd6: {  	[sflag:s19] =	ssyncadd.s32 $0xFFFFFEC0  }
0xd7: {  	_ =	swait.ge [sflag:s21], $0x2710  }
0xd8: {  	[sflag:s21] =	ssyncset.done $0x0  }
0xd9: {  	[sflag:s21] =	ssyncadd.s32 $0xFFFFD8F0  }
0xda: {  	_ =	swait.ge [sflag:s22], $0x2710  }
0xdb: {  	[sflag:s22] =	ssyncset.done $0x0  }
0xdc: {  	[sflag:s22] =	ssyncadd.s32 $0xFFFFD8F0  }
0xdd: {  	s12 =	simm.s32 $0x0;
	[bflag:$0x0] =	sbarrier.arrive $0xFFFF  }
0xde: {  	[tilespmem:s18], [sflag:$0x1] =	stream.indirect.gather [hbm4b:s2+s23], $0x80, s12, s23, $0xb8;
	[tilespmem:$0x1E0A0] =	vst v63  }
0xdf: {  	_ = 	snop  }
0xe0: {  	[tilespmem:s24], [sflag:$0x2] =	stream.indirect.gather [hbm4b:s2+s23], $0x80, s23, s23, $0xb8;
	[tilespmem:$0x1E0A0] =	vst v63  }
0xe1: {  	s11 =	simm.s32 $0x50  }
0xe2: {  	[tilespmem:s25], [sflag:$0x3] =	stream.indirect.gather [hbm4b:s2+s23], $0x80, s11, s23, $0xb8;
	[tilespmem:$0x1E0A0] =	vst v63  }
0xe3: {  	_ =	swait.ge [sflag:s21], $0x1400  }
0xe4: {  	[sflag:s21] =	ssyncset.done $0x0  }
0xe5: {  	[sflag:s21] =	ssyncadd.s32 $0xFFFFEC00  }
0xe6: {  	[spmem:s3] =	stream.indirect.scatter.add.f32 [tilespmem:s18], [sflag:$0x4], $0x80, s17, s23, $0xb8;
	[tilespmem:$0x1E0A0] =	vst v63  }
0xe7: {  	_ = 	snop  }
0xe8: {  	[spmem:s4] =	stream.indirect.scatter.add.f32 [tilespmem:s26], [sflag:$0x7], $0x8, s17, s23, $0xb8;
	[tilespmem:$0x1E0A0] =	vst v63  }
0xe9: {  	_ =	swait.ge [sflag:s22], $0x1400  }
0xea: {  	[sflag:s22] =	ssyncset.done $0x0  }
0xeb: {  	[sflag:s22] =	ssyncadd.s32 $0xFFFFEC00  }
0xec: {  	[spmem:s3] =	stream.indirect.scatter.add.f32 [tilespmem:s24], [sflag:$0x5], $0x80, s28, s23, $0xb8;
	[tilespmem:$0x1E0A0] =	vst v63  }
0xed: {  	_ = 	snop  }
0xee: {  	[spmem:s4] =	stream.indirect.scatter.add.f32 [tilespmem:s26], [sflag:$0x7], $0x8, s28, s23, $0xb8;
	[tilespmem:$0x1E0A0] =	vst v63  }
0xef: {  	_ =	swait.ge [sflag:s29], $0x1400  }
0xf0: {  	[sflag:s29] =	ssyncset.done $0x0  }
0xf1: {  	[sflag:s29] =	ssyncadd.s32 $0xFFFFEC00  }
0xf2: {  	[spmem:s3] =	stream.indirect.scatter.add.f32 [tilespmem:s25], [sflag:$0x6], $0x80, s30, s23, $0xb8;
	[tilespmem:$0x1E0A0] =	vst v63  }
0xf3: {  	_ = 	snop  }
0xf4: {  	[spmem:s4] =	stream.indirect.scatter.add.f32 [tilespmem:s26], [sflag:$0x7], $0x8, s30, s23, $0xb8;
	[tilespmem:$0x1E0A0] =	vst v63  }
0xf5: {  	_ =	swait.ge [sflag:s31], $0x1400  }
0xf6: {  	[sflag:s31] =	ssyncset.done $0x0  }
0xf7: {  	[sflag:s31] =	ssyncadd.s32 $0xFFFFEC00  }
0xf8: {  	_ =	swait.ge [sflag:s1], $0x140  }
0xf9: {  	[sflag:s1] =	ssyncset.done $0x0  }
0xfa: {  	s12 =	simm.s32 $0x78;
	[sflag:s1] =	ssyncadd.s32 $0xFFFFFEC0  }
0xfb: {  	[tilespmem:s18], [sflag:$0x1] =	stream.indirect.gather [hbm4b:s2+s23], $0x80, s12, s23, $0xb8;
	[tilespmem:$0x1E0A0] =	vst v63  }
0xfc: {  	_ =	swait.ge [sflag:s0], $0x1400  }
0xfd: {  	[sflag:s0] =	ssyncset.done $0x0  }
0xfe: {  	[sflag:s0] =	ssyncadd.s32 $0xFFFFEC00  }
0xff: {  	_ =	swait.ge [sflag:s1], $0x140  }
0x100: {  	[sflag:s1] =	ssyncset.done $0x0  }
0x101: {  	s11 =	simm.s32 $0xA0;
	[sflag:s1] =	ssyncadd.s32 $0xFFFFFEC0  }
0x102: {  	[tilespmem:s24], [sflag:$0x2] =	stream.indirect.gather [hbm4b:s2+s23], $0x80, s11, s23, $0xb8;
	[tilespmem:$0x1E0A0] =	vst v63  }
0x103: {  	_ =	swait.ge [sflag:s5], $0x1400  }
0x104: {  	[sflag:s5] =	ssyncset.done $0x0  }
0x105: {  	[sflag:s5] =	ssyncadd.s32 $0xFFFFEC00  }
0x106: {  	_ =	swait.ge [sflag:s1], $0x140  }
0x107: {  	[sflag:s1] =	ssyncset.done $0x0  }
0x108: {  	s12 =	simm.s32 $0xC8;
	[sflag:s1] =	ssyncadd.s32 $0xFFFFFEC0  }
0x109: {  	[tilespmem:s25], [sflag:$0x3] =	stream.indirect.gather [hbm4b:s2+s23], $0x80, s12, s23, $0xb8;
	[tilespmem:$0x1E0A0] =	vst v63  }
0x10a: {  	_ =	swait.ge [sflag:s21], $0x1400  }
0x10b: {  	[sflag:s21] =	ssyncset.done $0x0  }
0x10c: {  	s11 =	simm.s32 $0x2788;
	[sflag:s21] =	ssyncadd.s32 $0xFFFFEC00  }
0x10d: {  	[spmem:s3] =	stream.indirect.scatter.add.f32 [tilespmem:s18], [sflag:$0x4], $0x80, s11, s23, $0xb8;
	[tilespmem:$0x1E0A0] =	vst v63  }
0x10e: {  	_ = 	snop  }
0x10f: {  	[spmem:s4] =	stream.indirect.scatter.add.f32 [tilespmem:s26], [sflag:$0x7], $0x8, s11, s23, $0xb8;
	[tilespmem:$0x1E0A0] =	vst v63  }
0x110: {  	_ =	swait.ge [sflag:s22], $0x1400  }
0x111: {  	[sflag:s22] =	ssyncset.done $0x0  }
0x112: {  	s12 =	simm.s32 $0x27B0;
	[sflag:s22] =	ssyncadd.s32 $0xFFFFEC00  }
0x113: {  	[spmem:s3] =	stream.indirect.scatter.add.f32 [tilespmem:s24], [sflag:$0x5], $0x80, s12, s23, $0xb8;
	[tilespmem:$0x1E0A0] =	vst v63  }
0x114: {  	_ = 	snop  }
0x115: {  	[spmem:s4] =	stream.indirect.scatter.add.f32 [tilespmem:s26], [sflag:$0x7], $0x8, s12, s23, $0xb8;
	[tilespmem:$0x1E0A0] =	vst v63  }
0x116: {  	_ =	swait.ge [sflag:s29], $0x1400  }
0x117: {  	[sflag:s29] =	ssyncset.done $0x0  }
0x118: {  	s10 =	simm.s32 $0x1E0;
	s11 =	simm.s32 $0x27D8;
	[sflag:s29] =	ssyncadd.s32 $0xFFFFEC00  }
0x119: {  	[spmem:s3] =	stream.indirect.scatter.add.f32 [tilespmem:s25], [sflag:$0x6], $0x80, s11, s23, $0xb8;
	[tilespmem:$0x1E0A0] =	vst v63  }
.LBB2_6:
0x11a: {  	[spmem:s4] =	stream.indirect.scatter.add.f32 [tilespmem:s26], [sflag:$0x7], $0x8, s11, s23, $0xb8;
	[tilespmem:$0x1E0A0] =	vst v63  }
0x11b: {  	s11 =	smov.u32 s10  }
0x11c: {  	p0 =	sne.s32 s10, $0x97E0;
	s10 =	sadd.s32 $0x1E0, s10;
	_ =	swait.ge [sflag:s31], $0x1400  }
0x11d: {  	[sflag:s31] =	ssyncset.done $0x0  }
0x11e: {  	[sflag:s31] =	ssyncadd.s32 $0xFFFFEC00  }
0x11f: {  	_ =	swait.ge [sflag:s1], $0x140  }
0x120: {  	s11 =	sshra.s32 s11, $0x2;
	[sflag:s1] =	ssyncset.done $0x0  }
0x121: {  	s12 =	sadd.s32 $0x78, s11;
	[sflag:s1] =	ssyncadd.s32 $0xFFFFFEC0  }
0x122: {  	[tilespmem:s18], [sflag:$0x1] =	stream.indirect.gather [hbm4b:s2+s23], $0x80, s12, s23, $0xb8;
	[tilespmem:$0x1E0A0] =	vst v63  }
0x123: {  	_ =	swait.ge [sflag:s0], $0x1400  }
0x124: {  	[sflag:s0] =	ssyncset.done $0x0  }
0x125: {  	[sflag:s0] =	ssyncadd.s32 $0xFFFFEC00  }
0x126: {  	_ =	swait.ge [sflag:s1], $0x140  }
0x127: {  	[sflag:s1] =	ssyncset.done $0x0  }
0x128: {  	s12 =	sadd.s32 $0xA0, s11;
	[sflag:s1] =	ssyncadd.s32 $0xFFFFFEC0  }
0x129: {  	[tilespmem:s24], [sflag:$0x2] =	stream.indirect.gather [hbm4b:s2+s23], $0x80, s12, s23, $0xb8;
	[tilespmem:$0x1E0A0] =	vst v63  }
0x12a: {  	_ =	swait.ge [sflag:s5], $0x1400  }
0x12b: {  	[sflag:s5] =	ssyncset.done $0x0  }
0x12c: {  	[sflag:s5] =	ssyncadd.s32 $0xFFFFEC00  }
0x12d: {  	_ =	swait.ge [sflag:s1], $0x140  }
0x12e: {  	[sflag:s1] =	ssyncset.done $0x0  }
0x12f: {  	s12 =	sadd.s32 $0xC8, s11;
	[sflag:s1] =	ssyncadd.s32 $0xFFFFFEC0  }
0x130: {  	[tilespmem:s25], [sflag:$0x3] =	stream.indirect.gather [hbm4b:s2+s23], $0x80, s12, s23, $0xb8;
	[tilespmem:$0x1E0A0] =	vst v63  }
0x131: {  	_ =	swait.ge [sflag:s21], $0x1400  }
0x132: {  	[sflag:s21] =	ssyncset.done $0x0  }
0x133: {  	s12 =	sadd.s32 $0x2788, s11;
	[sflag:s21] =	ssyncadd.s32 $0xFFFFEC00  }
0x134: {  	[spmem:s3] =	stream.indirect.scatter.add.f32 [tilespmem:s18], [sflag:$0x4], $0x80, s12, s23, $0xb8;
	[tilespmem:$0x1E0A0] =	vst v63  }
0x135: {  	_ = 	snop  }
0x136: {  	[spmem:s4] =	stream.indirect.scatter.add.f32 [tilespmem:s26], [sflag:$0x7], $0x8, s12, s23, $0xb8;
	[tilespmem:$0x1E0A0] =	vst v63  }
0x137: {  	_ =	swait.ge [sflag:s22], $0x1400  }
0x138: {  	[sflag:s22] =	ssyncset.done $0x0  }
0x139: {  	s12 =	sadd.s32 $0x27B0, s11;
	[sflag:s22] =	ssyncadd.s32 $0xFFFFEC00  }
0x13a: {  	[spmem:s3] =	stream.indirect.scatter.add.f32 [tilespmem:s24], [sflag:$0x5], $0x80, s12, s23, $0xb8;
	[tilespmem:$0x1E0A0] =	vst v63  }
0x13b: {  	_ = 	snop  }
0x13c: {  	[spmem:s4] =	stream.indirect.scatter.add.f32 [tilespmem:s26], [sflag:$0x7], $0x8, s12, s23, $0xb8;
	[tilespmem:$0x1E0A0] =	vst v63  }
.Ltmp2:
0x13d: {  	_ = 	snop;
	(pc) =	sbr.rel @p0 .LBB2_6-.Ltmp2, $4  }
0x13e: {  	_ =	swait.ge [sflag:s29], $0x1400  }
0x13f: {  	[sflag:s29] =	ssyncset.done $0x0  }
0x140: {  	s11 =	sadd.s32 $0x27D8, s11;
	[sflag:s29] =	ssyncadd.s32 $0xFFFFEC00  }
0x141: {  	[spmem:s3] =	stream.indirect.scatter.add.f32 [tilespmem:s25], [sflag:$0x6], $0x80, s11, s23, $0xb8;
	[tilespmem:$0x1E0A0] =	vst v63  }
0x142: {  	[spmem:s4] =	stream.indirect.scatter.add.f32 [tilespmem:s26], [sflag:$0x7], $0x8, s11, s23, $0xb8;
	[tilespmem:$0x1E0A0] =	vst v63  }
0x143: {  	_ =	swait.ge [sflag:s31], $0x1400  }
0x144: {  	[sflag:s31] =	ssyncset.done $0x0  }
0x145: {  	[sflag:s31] =	ssyncadd.s32 $0xFFFFEC00  }
0x146: {  	_ =	swait.ge [sflag:s1], $0x140  }
0x147: {  	[sflag:s1] =	ssyncset.done $0x0  }
0x148: {  	[sflag:s1] =	ssyncadd.s32 $0xFFFFFEC0  }
0x149: {  	_ =	swait.ge [sflag:s0], $0x1400  }
0x14a: {  	[sflag:s0] =	ssyncset.done $0x0  }
0x14b: {  	[sflag:s0] =	ssyncadd.s32 $0xFFFFEC00  }
0x14c: {  	_ =	swait.ge [sflag:s1], $0x140  }
0x14d: {  	[sflag:s1] =	ssyncset.done $0x0  }
0x14e: {  	[sflag:s1] =	ssyncadd.s32 $0xFFFFFEC0  }
0x14f: {  	_ =	swait.ge [sflag:s5], $0x1400  }
0x150: {  	[sflag:s5] =	ssyncset.done $0x0  }
0x151: {  	[sflag:s5] =	ssyncadd.s32 $0xFFFFEC00  }
0x152: {  	_ =	swait.ge [sflag:s1], $0x140  }
0x153: {  	[sflag:s1] =	ssyncset.done $0x0  }
0x154: {  	s10 =	simm.s32 $0x26E8;
	[sflag:s1] =	ssyncadd.s32 $0xFFFFFEC0  }
0x155: {  	[tilespmem:s18], [sflag:$0x1] =	stream.indirect.gather [hbm4b:s2+s23], $0x80, s10, s23, $0xb8;
	[tilespmem:$0x1E0A0] =	vst v63  }
0x156: {  	_ =	swait.ge [sflag:s21], $0x1400  }
0x157: {  	[sflag:s21] =	ssyncset.done $0x0  }
0x158: {  	[sflag:s21] =	ssyncadd.s32 $0xFFFFEC00  }
0x159: {  	[spmem:s3] =	stream.indirect.scatter.add.f32 [tilespmem:s18], [sflag:$0x4], $0x80, s6, s23, $0xb8;
	[tilespmem:$0x1E0A0] =	vst v63  }
0x15a: {  	_ = 	snop  }
0x15b: {  	[spmem:s4] =	stream.indirect.scatter.add.f32 [tilespmem:s26], [sflag:$0x7], $0x8, s6, s23, $0xb8;
	[tilespmem:$0x1E0A0] =	vst v63  }
0x15c: {  	_ =	swait.ge [sflag:s31], $0x1400  }
0x15d: {  	[sflag:s31] =	ssyncset.done $0x0  }
0x15e: {  	[sflag:s31] =	ssyncadd.s32 $0xFFFFEC00  }
0x15f: {  	_ =	swait.ge [sflag:s1], $0x140  }
0x160: {  	s11 =	stileid.u32;
	[sflag:s1] =	ssyncset.done $0x0  }
0x161: {  	s10 =	sshll.u32 s11, $0x6;
	[sflag:s1] =	ssyncadd.s32 $0xFFFFFEC0  }
0x162: {  	s12 =	sshrl.u32 s8, $0x3;
	s11 =	sor.u32 $0x1C04, s10;
	[bflag:$0x0] =	sbarrier.arrive $0xFFFF  }
0x163: {  	[hbm:s14], [sflag:s11] =	dma.local [spmem:s12], $0x2800  }
0x164: {  	s7 =	sadd.s32 $0x1, s7;
	s10 =	sor.u32 $0x1C05, s10;
	s12 =	sshrl.u32 s9, $0x3  }
0x165: {  	[hbm:s15], [sflag:s10] =	dma.local [spmem:s12], $0x280  }
0x166: {  	p0 =	sne.s32 s7, s16;
	_ =	swait.ge [sflag:s31], $0x2800  }
.Ltmp3:
0x167: {  	[sflag:s31] =	ssyncset.done $0x0;
	(pc) =	sbr.rel @p0 .LBB2_1-.Ltmp3, $4  }
0x168: {  	[sflag:s31] =	ssyncadd.s32 $0xFFFFD800  }
0x169: {  	_ =	swait.ge [sflag:s0], $0x280  }
0x16a: {  	[sflag:s0] =	ssyncset.done $0x0  }
0x16b: {  	[sflag:s0] =	ssyncadd.s32 $0xFFFFFD80  }
0x16c: {  	_ =	sfence.sel $0x180000  }
0x16d: {  	[bflag:$0x0] =	sbarrier.arrive $0xFFFF  }
0x16e: {  	_ =	strace $0x9000004A  }
0x16f: {  	s0 =	stileid.u32;
	[bflag:$0x2] =	sbarrier.arrive $0xFFFF  }
0x170: {  	p0 =	sne.s32 s0, $0x0;
	s0 =	rddreg [dreg:$0x4]  }
0x171: {  	s0 =	sadd.s32 @!p0 $0x100000, s0  }
0x172: {  	[sflag:s0] =	ssyncadd.tile.s32 @!p0 $0x1;
	_ =	shalt  }
.Lfunc_end2:
_tile_overlayer_lowered:
.L_overlay_start_2:
0x173: {  	(tag) =	ssettag $0x2  }
0x174: {  	s0 =	rddreg [dreg:$0x0];
	s2 =	stileid.u32  }
0x175: {  	s1 =	rddreg [dreg:$0x1];
	p0 =	sne.s32 s2, $0x0  }
0x176: {  	s3 =	rddreg [dreg:$0x2];
	[bflag:$0x3] =	sbarrier.arrive $0xFFFF;
	s2 =	simm.s32 @!p0 $0x1C08  }
0x177: {  	[timem:s3], [sflag:s2] =	dma.local @!p0 [hbm:s0], s1  }
0x178: {  	s0 =	simm.s32 @!p0 $0x8  }
0x179: {  	_ =	swait.ge @!p0 [sflag:s0], s1  }
0x17a: {  	s1 =	ssub.s32 @!p0 $0x0, s1;
	[sflag:s0] =	ssyncset.done @!p0 $0x0  }
0x17b: {  	[sflag:s0] =	ssyncadd.s32 @!p0 s1  }
0x17c: {  	[bflag:$0x3] =	sbarrier.arrive $0xFFFF  }
0x17d: {  	_ =	shalt  }

</sc_bundles>
